<compile_context>
chip_gen: v7x
topology: tpu7x:2x2x1
jax: 0.10.2.dev20260603
libtpu: 0.0.44.dev20260713+nightly
codegen_flags: <defaults>
</compile_context>

<pallas_src>
import functools

import jax
import jax.numpy as jnp
from jax import lax
from jax.experimental import pallas as pl
from jax.experimental.pallas import tpu as pltpu
from jax.experimental.pallas import tpu_sc as plsc

N_NODES = 10000
N_EDGES = 160000
FEAT = 256
HALF = 128
OUT_F = 256

NPAD = 10112
CPT = NPAD // 16
EB = 64
RPT = 160
CH = 16
NCH = RPT // CH
EPAD = 16 * RPT * EB


_sc_mesh = plsc.VectorSubcoreMesh(core_axis_name="c", subcore_axis_name="s")


@functools.partial(
    pl.kernel,
    out_type=[
        jax.ShapeDtypeStruct((2, NPAD, HALF), jnp.float32),
        jax.ShapeDtypeStruct((2, NPAD), jnp.float32),
    ],
    mesh=_sc_mesh,
    scratch_types=[
        pltpu.VMEM((2 * CH, EB), jnp.int32),
        pltpu.VMEM((2 * CH, EB), jnp.int32),
        pltpu.VMEM((EB, HALF), jnp.float32),
        pltpu.VMEM((EB, HALF), jnp.float32),
        pltpu.VMEM((EB, HALF), jnp.float32),
        pltpu.VMEM((EB,), jnp.float32),
        pltpu.VMEM((640,), jnp.float32),
        pltpu.VMEM_SHARED((NPAD, HALF), jnp.float32),
        pltpu.VMEM_SHARED((NPAD,), jnp.float32),
        pltpu.SemaphoreType.DMA,
        pltpu.SemaphoreType.DMA,
        pltpu.SemaphoreType.DMA,
        pltpu.SemaphoreType.DMA,
        pltpu.SemaphoreType.DMA,
        pltpu.SemaphoreType.DMA,
        pltpu.SemaphoreType.DMA,
        pltpu.SemaphoreType.DMA,
        pltpu.SemaphoreType.DMA,
        pltpu.SemaphoreType.DMA,
        pltpu.SemaphoreType.DMA,
    ],
)
def _sc_aggregate(x2_hbm, src2d_hbm, dst2d_hbm, agg_hbm, deg_hbm,
                  sring, dring, rows_a, rows_b, rows_c,
                  ones, z1d, aggsp, degsp,
                  ssem0, ssem1, dsem0, dsem1,
                  gsem_a, gsem_b, gsem_c, asem_a, asem_b, asem_c, degsem):
    c = lax.axis_index("c")
    s = lax.axis_index("s")

    def _zrow(r, carry):
        for j in range(HALF // 16):
            rows_a[r, pl.ds(j * 16, 16)] = jnp.zeros((16,), jnp.float32)
        return carry
    lax.fori_loop(0, EB, _zrow, 0)

    def _zflat(k, carry):
        z1d[pl.ds(k * 16, 16)] = jnp.zeros((16,), jnp.float32)
        return carry
    lax.fori_loop(0, 640 // 16, _zflat, 0)

    for j in range(EB // 16):
        ones[pl.ds(j * 16, 16)] = jnp.ones((16,), jnp.float32)

    row0 = s * RPT

    def _idx_start(k):
        h = (k % 2) * CH
        ssem = ssem0 if k % 2 == 0 else ssem1
        dsem = dsem0 if k % 2 == 0 else dsem1
        pltpu.async_copy(src2d_hbm.at[pl.ds(row0 + k * CH, CH)],
                         sring.at[pl.ds(h, CH)], ssem)
        pltpu.async_copy(dst2d_hbm.at[pl.ds(row0 + k * CH, CH)],
                         dring.at[pl.ds(h, CH)], dsem)

    def _idx_wait(k):
        h = (k % 2) * CH
        ssem = ssem0 if k % 2 == 0 else ssem1
        dsem = dsem0 if k % 2 == 0 else dsem1
        pltpu.make_async_copy(src2d_hbm.at[pl.ds(row0 + k * CH, CH)],
                              sring.at[pl.ds(h, CH)], ssem).wait()
        pltpu.make_async_copy(dst2d_hbm.at[pl.ds(row0 + k * CH, CH)],
                              dring.at[pl.ds(h, CH)], dsem).wait()

    def _addc(k):
        h = (k % 2) * CH

        def body(r, carry):
            for j in range(EB // 16):
                sl = pl.ds(j * 16, 16)
                sring[h + r, sl] = sring[h + r, sl] + c
            return carry
        lax.fori_loop(0, CH, body, 0)

    bufs = (rows_a, rows_b, rows_c)
    gsems = (gsem_a, gsem_b, gsem_c)
    asems = (asem_a, asem_b, asem_c)

    def _ring(bb):
        return lax.rem(bb, 2 * CH)

    def _g_start(bb, i):
        pltpu.async_copy(x2_hbm.at[sring.at[_ring(bb)]], bufs[i], gsems[i])

    def _g_wait(bb, i):
        pltpu.make_async_copy(x2_hbm.at[sring.at[_ring(bb)]],
                              bufs[i], gsems[i]).wait()

    def _s_start(bb, i):
        r = _ring(bb)
        pltpu.async_copy(bufs[i], aggsp.at[dring.at[r]], asems[i], add=True)
        do_deg = (c == 0) == (bb // CH < NCH // 2)

        @pl.when(do_deg)
        def _():
            pltpu.async_copy(ones, degsp.at[dring.at[r]], degsem, add=True)

    def _s_wait(bb, i):
        pltpu.make_async_copy(bufs[i], aggsp.at[dring.at[_ring(bb)]],
                              asems[i]).wait()

    def _deg_drain(n):
        for _ in range(n):
            pltpu.make_async_copy(ones, degsp.at[dring.at[0]], degsem).wait()

    _WAITS = {4: 1, 9: 2, 15: 3, 20: 4, 25: 5, 31: 6, 36: 7, 41: 8, 47: 9}
    _ISSUES = {6: 2, 11: 3, 16: 4, 22: 5, 27: 6, 32: 7, 38: 8, 43: 9}

    _idx_start(0)
    _idx_start(1)

    def _zsp(i, carry):
        pltpu.sync_copy(rows_a, aggsp.at[pl.ds(s * CPT + i * EB, EB)])
        return carry
    nfull = CPT // EB
    lax.fori_loop(0, nfull, _zsp, 0)
    rem = CPT - nfull * EB
    pltpu.sync_copy(rows_a.at[pl.ds(0, rem)],
                    aggsp.at[pl.ds(s * CPT + nfull * EB, rem)])

    @pl.when(s < 15)
    def _():
        pltpu.sync_copy(z1d, degsp.at[pl.ds(s * 640, 640)])

    @pl.when(s == 15)
    def _():
        pltpu.sync_copy(z1d.at[pl.ds(0, 512)], degsp.at[pl.ds(9600, 512)])

    _idx_wait(0)
    _addc(0)
    _g_start(0, 0)
    _g_start(1, 1)
    _g_start(2, 2)
    plsc.subcore_barrier()

    def _triple(t, carry):
        for tt in sorted(set(_WAITS) | set(_ISSUES)):
            @pl.when(t == tt)
            def _(tt=tt):
                if tt in _ISSUES:
                    j = _ISSUES[tt]
                    @pl.when((c == 0) == (j - 2 < NCH // 2))
                    def _():
                        _deg_drain(CH)
                    _idx_start(j)
                if tt in _WAITS:
                    j = _WAITS[tt]
                    _idx_wait(j)
                    _addc(j)

        rr = 3 * t
        _g_wait(rr, 0)
        _s_start(rr, 0)
        _g_wait(rr + 1, 1)
        _s_start(rr + 1, 1)
        _s_wait(rr, 0)
        _g_start(rr + 3, 0)
        _g_wait(rr + 2, 2)
        _s_start(rr + 2, 2)
        _s_wait(rr + 1, 1)
        _g_start(rr + 4, 1)
        _s_wait(rr + 2, 2)
        _g_start(rr + 5, 2)
        return carry

    lax.fori_loop(0, (RPT - 4) // 3, _triple, 0)

    _g_wait(RPT - 4, 0)
    _s_start(RPT - 4, 0)
    _g_wait(RPT - 3, 1)
    _s_start(RPT - 3, 1)
    _s_wait(RPT - 4, 0)
    _g_start(RPT - 1, 0)
    _g_wait(RPT - 2, 2)
    _s_start(RPT - 2, 2)
    _s_wait(RPT - 3, 1)
    _s_wait(RPT - 2, 2)
    _g_wait(RPT - 1, 0)
    _s_start(RPT - 1, 0)
    _s_wait(RPT - 1, 0)

    @pl.when(c == 1)
    def _():
        _deg_drain(2 * CH)

    plsc.subcore_barrier()

    pltpu.sync_copy(aggsp.at[pl.ds(s * CPT, CPT)],
                    agg_hbm.at[c, pl.ds(s * CPT, CPT)])

    @pl.when(s < 15)
    def _():
        pltpu.sync_copy(degsp.at[pl.ds(s * 640, 640)],
                        deg_hbm.at[c, pl.ds(s * 640, 640)])

    @pl.when(s == 15)
    def _():
        pltpu.sync_copy(degsp.at[pl.ds(9600, 512)],
                        deg_hbm.at[c, pl.ds(9600, 512)])


BN = 1000


def _tc_body(x_ref, a0_ref, a1_ref, deg_ref, wt_ref, b_ref, o_ref):
    xb = x_ref[...]
    a0 = a0_ref[0]
    a1 = a1_ref[0]
    deg = deg_ref[...]
    norm = jnp.where(deg > 0, 1.0 / deg, 0.0)
    wt = wt_ref[...]
    y = jnp.dot(xb, wt[:FEAT], preferred_element_type=jnp.float32)
    y = y + jnp.dot(a0 * norm, wt[FEAT:FEAT + HALF],
                    preferred_element_type=jnp.float32)
    y = y + jnp.dot(a1 * norm, wt[FEAT + HALF:],
                    preferred_element_type=jnp.float32)
    y = y + b_ref[...]
    mean = jnp.mean(y, axis=1, keepdims=True)
    yc = y - mean
    var = jnp.mean(yc * yc, axis=1, keepdims=True)
    o_ref[...] = yc * lax.rsqrt(var + 1e-5)


def _tc_linear_ln(x, agg2, deg2, wt, b2):
    grid = (N_NODES // BN,)
    return pl.pallas_call(
        _tc_body,
        grid=grid,
        in_specs=[
            pl.BlockSpec((BN, FEAT), lambda i: (i, 0)),
            pl.BlockSpec((1, BN, HALF), lambda i: (0, i, 0)),
            pl.BlockSpec((1, BN, HALF), lambda i: (1, i, 0)),
            pl.BlockSpec((BN, 1), lambda i: (i, 0)),
            pl.BlockSpec((2 * FEAT, OUT_F), lambda i: (0, 0)),
            pl.BlockSpec((1, OUT_F), lambda i: (0, 0)),
        ],
        out_specs=pl.BlockSpec((BN, OUT_F), lambda i: (i, 0)),
        out_shape=jax.ShapeDtypeStruct((N_NODES, OUT_F), jnp.float32),
    )(x, agg2, agg2, deg2, wt, b2)


def kernel(x, edge_index, W, b):
    src = edge_index[0].astype(jnp.int32)
    dst = edge_index[1].astype(jnp.int32)
    npad_e = EPAD - N_EDGES
    pad_src2 = (jnp.arange(npad_e, dtype=jnp.int32) % N_NODES) * 2
    pad_dst = N_NODES + (jnp.arange(npad_e, dtype=jnp.int32) % (NPAD - N_NODES))
    src2d = jnp.concatenate([src * 2, pad_src2]).reshape(EPAD // EB, EB)
    dst2d = jnp.concatenate([dst, pad_dst]).reshape(EPAD // EB, EB)
    x2 = x.reshape(2 * N_NODES, HALF)
    agg2, degp = _sc_aggregate(x2, src2d, dst2d)
    wt = W.T
    b2 = b.reshape(1, OUT_F)
    deg2 = (degp[0] + degp[1]).reshape(NPAD, 1)
    return _tc_linear_ln(x, agg2, deg2, wt, b2)

# --- scband reference (transcript-rebuilt; emitter-appended) ---
"""Pipeline reference for scband-istsagelayer-27307402068410 (READ-ONLY COPY).

The authoritative reference and input builder live on the scoring server;
editing this copy changes nothing except your own understanding.
"""

import jax, jax.numpy as jnp
import numpy as np

N = 10000
E = 160000
D = 256
OUT = 256


def setup_inputs(seed: int = 0) -> dict:
    key = jax.random.key(seed)
    k1, k2, k3, k4 = jax.random.split(key, 4)
    x = jax.random.normal(k1, (N, D), dtype=jnp.float32)
    edge_index = jax.random.randint(k2, (2, E), 0, N, dtype=jnp.int64)
    stdv = 1.0 / np.sqrt(2 * D)
    W = jax.random.uniform(k3, (OUT, 2 * D), minval=-stdv, maxval=stdv, dtype=jnp.float32)
    b = jax.random.uniform(k4, (OUT,), minval=-stdv, maxval=stdv, dtype=jnp.float32)
    return {"x": x, "edge_index": edge_index, "W": W, "b": b}


def reference(x, edge_index, W, b):
    src = edge_index[0]
    dst = edge_index[1]
    # in-degree norm: 1/in_deg with inf -> 0
    deg = jnp.zeros((N,), jnp.float32).at[dst].add(1.0)
    norm = jnp.where(deg > 0, 1.0 / deg, 0.0)
    # copy_src + sum aggregation (scatter-add of source features onto dst)
    agg = jnp.zeros((N, D), jnp.float32).at[dst].add(jnp.take(x, src, axis=0))
    ah = agg * norm[:, None]
    h = jnp.concatenate([x, ah], axis=1)
    # dropout p=0.0 -> identity
    y = h @ W.T + b
    # LayerNorm without affine params
    mean = jnp.mean(y, axis=-1, keepdims=True)
    var = jnp.var(y, axis=-1, keepdims=True)
    y = (y - mean) / jnp.sqrt(var + 1e-5)
    # activation is None -> identity
    return y

if __name__ == "__main__":
    import jax
    _d = setup_inputs()
    print(jax.jit(kernel)(*tuple(_d.values())))

</pallas_src>

<mosaic_0001>
#map = affine_map<(d0, d1) -> (0, 0)>
#map1 = affine_map<(d0, d1) -> (0, 0, 0)>
module attributes {stable_mosaic.version = 14 : i64} {
  func.func @_sc_aggregate(%arg0: i32, %arg1: i32, %arg2: memref<20000x128xf32, #tpu.memory_space<hbm>>, %arg3: memref<2560x64xi32, #tpu.memory_space<hbm>>, %arg4: memref<2560x64xi32, #tpu.memory_space<hbm>>, %arg5: memref<2x10112x128xf32, #tpu.memory_space<hbm>>, %arg6: memref<2x10112xf32, #tpu.memory_space<hbm>>, %arg7: memref<32x64xi32, #tpu.memory_space<vmem>>, %arg8: memref<32x64xi32, #tpu.memory_space<vmem>>, %arg9: memref<64x128xf32, #tpu.memory_space<vmem>>, %arg10: memref<64x128xf32, #tpu.memory_space<vmem>>, %arg11: memref<64x128xf32, #tpu.memory_space<vmem>>, %arg12: memref<64xf32, #tpu.memory_space<vmem>>, %arg13: memref<640xf32, #tpu.memory_space<vmem>>, %arg14: memref<10112x128xf32, #tpu.memory_space<vmem_shared>>, %arg15: memref<10112xf32, #tpu.memory_space<vmem_shared>>, %arg16: memref<!tpu.dma_semaphore, #tpu.memory_space<semaphore_mem>>, %arg17: memref<!tpu.dma_semaphore, #tpu.memory_space<semaphore_mem>>, %arg18: memref<!tpu.dma_semaphore, #tpu.memory_space<semaphore_mem>>, %arg19: memref<!tpu.dma_semaphore, #tpu.memory_space<semaphore_mem>>, %arg20: memref<!tpu.dma_semaphore, #tpu.memory_space<semaphore_mem>>, %arg21: memref<!tpu.dma_semaphore, #tpu.memory_space<semaphore_mem>>, %arg22: memref<!tpu.dma_semaphore, #tpu.memory_space<semaphore_mem>>, %arg23: memref<!tpu.dma_semaphore, #tpu.memory_space<semaphore_mem>>, %arg24: memref<!tpu.dma_semaphore, #tpu.memory_space<semaphore_mem>>, %arg25: memref<!tpu.dma_semaphore, #tpu.memory_space<semaphore_mem>>, %arg26: memref<!tpu.dma_semaphore, #tpu.memory_space<semaphore_mem>>) attributes {dimension_semantics = [#tpu.dimension_semantics<core_parallel>, #tpu.dimension_semantics<subcore_parallel>], iteration_bounds = array<i64: 2, 16>, scalar_prefetch = 0 : i64, scratch_operands = 20 : i64, tpu.core_type = #tpu.core_type<sc_vector_subcore>, window_params = [{transform_indices = #map}, {transform_indices = #map}, {transform_indices = #map}, {transform_indices = #map1}, {transform_indices = #map}]} {
    %scan3A = arith.constant 0 : i32
    %scan3A_0 = arith.constant 0 : i32
    %scan3A_1 = arith.constant 64 : i32
    %scan3A_2 = arith.addi %scan3A_0, %scan3A_1 : i32
    %scan3A_3 = arith.constant 1 : i32
    scf.for %scan3A_330 = %scan3A_0 to %scan3A_2 step %scan3A_3  : i32 {
      %broadcast_in_dim3A_331 = arith.constant 0.000000e+00 : f32
      %broadcast_in_dim3A_332 = vector.broadcast %broadcast_in_dim3A_331 : f32 to vector<16xf32>
      %swap3A_333 = arith.index_cast %scan3A_330 : i32 to index
      %swap3A_334 = arith.constant 0 : index
      %swap3A_335 = tpu.vector_load %arg9[%swap3A_333, %swap3A_334] {strides = array<i32>} : memref<64x128xf32, #tpu.memory_space<vmem>>, vector<1x16xf32>,
      %swap3A_336 = vector.shape_cast %swap3A_335 : vector<1x16xf32> to vector<16xf32>
      %swap3A_337 = vector.shape_cast %broadcast_in_dim3A_332 : vector<16xf32> to vector<1x16xf32>
      tpu.vector_store %arg9[%swap3A_333, %swap3A_334], %swap3A_337 {strides = array<i32>} : memref<64x128xf32, #tpu.memory_space<vmem>>, vector<1x16xf32>,
      %broadcast_in_dim3A_338 = arith.constant 0.000000e+00 : f32
      %broadcast_in_dim3A_339 = vector.broadcast %broadcast_in_dim3A_338 : f32 to vector<16xf32>
      %swap3A_340 = arith.index_cast %scan3A_330 : i32 to index
      %swap3A_341 = arith.constant 16 : index
      %swap3A_342 = tpu.vector_load %arg9[%swap3A_340, %swap3A_341] {strides = array<i32>} : memref<64x128xf32, #tpu.memory_space<vmem>>, vector<1x16xf32>,
      %swap3A_343 = vector.shape_cast %swap3A_342 : vector<1x16xf32> to vector<16xf32>
      %swap3A_344 = vector.shape_cast %broadcast_in_dim3A_339 : vector<16xf32> to vector<1x16xf32>
      tpu.vector_store %arg9[%swap3A_340, %swap3A_341], %swap3A_344 {strides = array<i32>} : memref<64x128xf32, #tpu.memory_space<vmem>>, vector<1x16xf32>,
      %broadcast_in_dim3A_345 = arith.constant 0.000000e+00 : f32
      %broadcast_in_dim3A_346 = vector.broadcast %broadcast_in_dim3A_345 : f32 to vector<16xf32>
      %swap3A_347 = arith.index_cast %scan3A_330 : i32 to index
      %swap3A_348 = arith.constant 32 : index
      %swap3A_349 = tpu.vector_load %arg9[%swap3A_347, %swap3A_348] {strides = array<i32>} : memref<64x128xf32, #tpu.memory_space<vmem>>, vector<1x16xf32>,
      %swap3A_350 = vector.shape_cast %swap3A_349 : vector<1x16xf32> to vector<16xf32>
      %swap3A_351 = vector.shape_cast %broadcast_in_dim3A_346 : vector<16xf32> to vector<1x16xf32>
      tpu.vector_store %arg9[%swap3A_347, %swap3A_348], %swap3A_351 {strides = array<i32>} : memref<64x128xf32, #tpu.memory_space<vmem>>, vector<1x16xf32>,
      %broadcast_in_dim3A_352 = arith.constant 0.000000e+00 : f32
      %broadcast_in_dim3A_353 = vector.broadcast %broadcast_in_dim3A_352 : f32 to vector<16xf32>
      %swap3A_354 = arith.index_cast %scan3A_330 : i32 to index
      %swap3A_355 = arith.constant 48 : index
      %swap3A_356 = tpu.vector_load %arg9[%swap3A_354, %swap3A_355] {strides = array<i32>} : memref<64x128xf32, #tpu.memory_space<vmem>>, vector<1x16xf32>,
      %swap3A_357 = vector.shape_cast %swap3A_356 : vector<1x16xf32> to vector<16xf32>
      %swap3A_358 = vector.shape_cast %broadcast_in_dim3A_353 : vector<16xf32> to vector<1x16xf32>
      tpu.vector_store %arg9[%swap3A_354, %swap3A_355], %swap3A_358 {strides = array<i32>} : memref<64x128xf32, #tpu.memory_space<vmem>>, vector<1x16xf32>,
      %broadcast_in_dim3A_359 = arith.constant 0.000000e+00 : f32
      %broadcast_in_dim3A_360 = vector.broadcast %broadcast_in_dim3A_359 : f32 to vector<16xf32>
      %swap3A_361 = arith.index_cast %scan3A_330 : i32 to index
      %swap3A_362 = arith.constant 64 : index
      %swap3A_363 = tpu.vector_load %arg9[%swap3A_361, %swap3A_362] {strides = array<i32>} : memref<64x128xf32, #tpu.memory_space<vmem>>, vector<1x16xf32>,
      %swap3A_364 = vector.shape_cast %swap3A_363 : vector<1x16xf32> to vector<16xf32>
      %swap3A_365 = vector.shape_cast %broadcast_in_dim3A_360 : vector<16xf32> to vector<1x16xf32>
      tpu.vector_store %arg9[%swap3A_361, %swap3A_362], %swap3A_365 {strides = array<i32>} : memref<64x128xf32, #tpu.memory_space<vmem>>, vector<1x16xf32>,
      %broadcast_in_dim3A_366 = arith.constant 0.000000e+00 : f32
      %broadcast_in_dim3A_367 = vector.broadcast %broadcast_in_dim3A_366 : f32 to vector<16xf32>
      %swap3A_368 = arith.index_cast %scan3A_330 : i32 to index
      %swap3A_369 = arith.constant 80 : index
      %swap3A_370 = tpu.vector_load %arg9[%swap3A_368, %swap3A_369] {strides = array<i32>} : memref<64x128xf32, #tpu.memory_space<vmem>>, vector<1x16xf32>,
      %swap3A_371 = vector.shape_cast %swap3A_370 : vector<1x16xf32> to vector<16xf32>
      %swap3A_372 = vector.shape_cast %broadcast_in_dim3A_367 : vector<16xf32> to vector<1x16xf32>
      tpu.vector_store %arg9[%swap3A_368, %swap3A_369], %swap3A_372 {strides = array<i32>} : memref<64x128xf32, #tpu.memory_space<vmem>>, vector<1x16xf32>,
      %broadcast_in_dim3A_373 = arith.constant 0.000000e+00 : f32
      %broadcast_in_dim3A_374 = vector.broadcast %broadcast_in_dim3A_373 : f32 to vector<16xf32>
      %swap3A_375 = arith.index_cast %scan3A_330 : i32 to index
      %swap3A_376 = arith.constant 96 : index
      %swap3A_377 = tpu.vector_load %arg9[%swap3A_375, %swap3A_376] {strides = array<i32>} : memref<64x128xf32, #tpu.memory_space<vmem>>, vector<1x16xf32>,
      %swap3A_378 = vector.shape_cast %swap3A_377 : vector<1x16xf32> to vector<16xf32>
      %swap3A_379 = vector.shape_cast %broadcast_in_dim3A_374 : vector<16xf32> to vector<1x16xf32>
      tpu.vector_store %arg9[%swap3A_375, %swap3A_376], %swap3A_379 {strides = array<i32>} : memref<64x128xf32, #tpu.memory_space<vmem>>, vector<1x16xf32>,
      %broadcast_in_dim3A_380 = arith.constant 0.000000e+00 : f32
      %broadcast_in_dim3A_381 = vector.broadcast %broadcast_in_dim3A_380 : f32 to vector<16xf32>
      %swap3A_382 = arith.index_cast %scan3A_330 : i32 to index
      %swap3A_383 = arith.constant 112 : index
      %swap3A_384 = tpu.vector_load %arg9[%swap3A_382, %swap3A_383] {strides = array<i32>} : memref<64x128xf32, #tpu.memory_space<vmem>>, vector<1x16xf32>,
      %swap3A_385 = vector.shape_cast %swap3A_384 : vector<1x16xf32> to vector<16xf32>
      %swap3A_386 = vector.shape_cast %broadcast_in_dim3A_381 : vector<16xf32> to vector<1x16xf32>
      tpu.vector_store %arg9[%swap3A_382, %swap3A_383], %swap3A_386 {strides = array<i32>} : memref<64x128xf32, #tpu.memory_space<vmem>>, vector<1x16xf32>,
    }
    %scan3A_4 = arith.constant 64 : i32
    %scan3A_5 = arith.constant 0 : i32
    %scan3A_6 = arith.constant 0 : i32
    %scan3A_7 = arith.constant 40 : i32
    %scan3A_8 = arith.addi %scan3A_6, %scan3A_7 : i32
    %scan3A_9 = arith.constant 1 : i32
    scf.for %scan3A_330 = %scan3A_6 to %scan3A_8 step %scan3A_9  : i32 {
      %broadcast_in_dim3A_331 = arith.constant 0.000000e+00 : f32
      %broadcast_in_dim3A_332 = vector.broadcast %broadcast_in_dim3A_331 : f32 to vector<16xf32>
      %mul3A_333 = arith.constant 16 : i32
      %mul3A_334 = arith.muli %scan3A_330, %mul3A_333 : i32
      %swap3A_335 = arith.index_cast %mul3A_334 : i32 to index
      %swap3A_336 = tpu.vector_load %arg13[%swap3A_335] {strides = array<i32>} : memref<640xf32, #tpu.memory_space<vmem>>, vector<16xf32>,
      %swap3A_337 = vector.shape_cast %swap3A_336 : vector<16xf32> to vector<16xf32>
      %swap3A_338 = vector.shape_cast %broadcast_in_dim3A_332 : vector<16xf32> to vector<16xf32>
      tpu.vector_store %arg13[%swap3A_335], %swap3A_338 {strides = array<i32>} : memref<640xf32, #tpu.memory_space<vmem>>, vector<16xf32>,
    }
    %scan3A_10 = arith.constant 40 : i32
    %broadcast_in_dim3A = arith.constant 1.000000e+00 : f32
    %broadcast_in_dim3A_11 = vector.broadcast %broadcast_in_dim3A : f32 to vector<16xf32>
    %swap3A = arith.constant 0 : index
    %swap3A_12 = tpu.vector_load %arg12[%swap3A] {strides = array<i32>} : memref<64xf32, #tpu.memory_space<vmem>>, vector<16xf32>,
    %swap3A_13 = vector.shape_cast %swap3A_12 : vector<16xf32> to vector<16xf32>
    %swap3A_14 = vector.shape_cast %broadcast_in_dim3A_11 : vector<16xf32> to vector<16xf32>
    tpu.vector_store %arg12[%swap3A], %swap3A_14 {strides = array<i32>} : memref<64xf32, #tpu.memory_space<vmem>>, vector<16xf32>,
    %broadcast_in_dim3A_15 = arith.constant 1.000000e+00 : f32
    %broadcast_in_dim3A_16 = vector.broadcast %broadcast_in_dim3A_15 : f32 to vector<16xf32>
    %swap3A_17 = arith.constant 16 : index
    %swap3A_18 = tpu.vector_load %arg12[%swap3A_17] {strides = array<i32>} : memref<64xf32, #tpu.memory_space<vmem>>, vector<16xf32>,
    %swap3A_19 = vector.shape_cast %swap3A_18 : vector<16xf32> to vector<16xf32>
    %swap3A_20 = vector.shape_cast %broadcast_in_dim3A_16 : vector<16xf32> to vector<16xf32>
    tpu.vector_store %arg12[%swap3A_17], %swap3A_20 {strides = array<i32>} : memref<64xf32, #tpu.memory_space<vmem>>, vector<16xf32>,
    %broadcast_in_dim3A_21 = arith.constant 1.000000e+00 : f32
    %broadcast_in_dim3A_22 = vector.broadcast %broadcast_in_dim3A_21 : f32 to vector<16xf32>
    %swap3A_23 = arith.constant 32 : index
    %swap3A_24 = tpu.vector_load %arg12[%swap3A_23] {strides = array<i32>} : memref<64xf32, #tpu.memory_space<vmem>>, vector<16xf32>,
    %swap3A_25 = vector.shape_cast %swap3A_24 : vector<16xf32> to vector<16xf32>
    %swap3A_26 = vector.shape_cast %broadcast_in_dim3A_22 : vector<16xf32> to vector<16xf32>
    tpu.vector_store %arg12[%swap3A_23], %swap3A_26 {strides = array<i32>} : memref<64xf32, #tpu.memory_space<vmem>>, vector<16xf32>,
    %broadcast_in_dim3A_27 = arith.constant 1.000000e+00 : f32
    %broadcast_in_dim3A_28 = vector.broadcast %broadcast_in_dim3A_27 : f32 to vector<16xf32>
    %swap3A_29 = arith.constant 48 : index
    %swap3A_30 = tpu.vector_load %arg12[%swap3A_29] {strides = array<i32>} : memref<64xf32, #tpu.memory_space<vmem>>, vector<16xf32>,
    %swap3A_31 = vector.shape_cast %swap3A_30 : vector<16xf32> to vector<16xf32>
    %swap3A_32 = vector.shape_cast %broadcast_in_dim3A_28 : vector<16xf32> to vector<16xf32>
    tpu.vector_store %arg12[%swap3A_29], %swap3A_32 {strides = array<i32>} : memref<64xf32, #tpu.memory_space<vmem>>, vector<16xf32>,
    %mul3A = arith.constant 160 : i32
    %mul3A_33 = arith.muli %arg1, %mul3A : i32
    %add3A = arith.constant 0 : i32
    %add3A_34 = arith.addi %mul3A_33, %add3A : i32
    %dma_start3A = arith.constant 0 : i32
    %dma_start3A_35 = arith.constant 0 : i32
    %dma_start3A_36 = tpu.memref_slice %arg7[%dma_start3A, %dma_start3A_35] : memref<32x64xi32, #tpu.memory_space<vmem>> -> memref<16x64xi32, #tpu.memory_space<vmem>>
    %dma_start3A_37 = arith.constant 0 : i32
    %dma_start3A_38 = tpu.memref_slice %arg3[%add3A_34, %dma_start3A_37] : memref<2560x64xi32, #tpu.memory_space<hbm>> -> memref<16x64xi32, #tpu.memory_space<hbm>>
    %dma_start3A_39 = arith.constant 0 : i32
    %dma_start3A_40 = arith.constant 0 : i32
    %dma_start3A_41 = tpu.memref_slice %arg7[%dma_start3A_39, %dma_start3A_40] : memref<32x64xi32, #tpu.memory_space<vmem>> -> memref<16x64xi32, #tpu.memory_space<vmem>>
    %dma_start3A_42 = arith.constant 0 : i32
    %dma_start3A_43 = tpu.memref_slice %arg3[%add3A_34, %dma_start3A_42] : memref<2560x64xi32, #tpu.memory_space<hbm>> -> memref<16x64xi32, #tpu.memory_space<hbm>>
    tpu.enqueue_dma source(%dma_start3A_43 : memref<16x64xi32, #tpu.memory_space<hbm>>) target(%dma_start3A_41 : memref<16x64xi32, #tpu.memory_space<vmem>>) target_semaphore(%arg16 : memref<!tpu.dma_semaphore, #tpu.memory_space<semaphore_mem>>)
    %add3A_44 = arith.constant 0 : i32
    %add3A_45 = arith.addi %mul3A_33, %add3A_44 : i32
    %dma_start3A_46 = arith.constant 0 : i32
    %dma_start3A_47 = arith.constant 0 : i32
    %dma_start3A_48 = tpu.memref_slice %arg8[%dma_start3A_46, %dma_start3A_47] : memref<32x64xi32, #tpu.memory_space<vmem>> -> memref<16x64xi32, #tpu.memory_space<vmem>>
    %dma_start3A_49 = arith.constant 0 : i32
    %dma_start3A_50 = tpu.memref_slice %arg4[%add3A_45, %dma_start3A_49] : memref<2560x64xi32, #tpu.memory_space<hbm>> -> memref<16x64xi32, #tpu.memory_space<hbm>>
    %dma_start3A_51 = arith.constant 0 : i32
    %dma_start3A_52 = arith.constant 0 : i32
    %dma_start3A_53 = tpu.memref_slice %arg8[%dma_start3A_51, %dma_start3A_52] : memref<32x64xi32, #tpu.memory_space<vmem>> -> memref<16x64xi32, #tpu.memory_space<vmem>>
    %dma_start3A_54 = arith.constant 0 : i32
    %dma_start3A_55 = tpu.memref_slice %arg4[%add3A_45, %dma_start3A_54] : memref<2560x64xi32, #tpu.memory_space<hbm>> -> memref<16x64xi32, #tpu.memory_space<hbm>>
    tpu.enqueue_dma source(%dma_start3A_55 : memref<16x64xi32, #tpu.memory_space<hbm>>) target(%dma_start3A_53 : memref<16x64xi32, #tpu.memory_space<vmem>>) target_semaphore(%arg18 : memref<!tpu.dma_semaphore, #tpu.memory_space<semaphore_mem>>)
    %add3A_56 = arith.constant 16 : i32
    %add3A_57 = arith.addi %mul3A_33, %add3A_56 : i32
    %dma_start3A_58 = arith.constant 16 : i32
    %dma_start3A_59 = arith.constant 0 : i32
    %dma_start3A_60 = tpu.memref_slice %arg7[%dma_start3A_58, %dma_start3A_59] : memref<32x64xi32, #tpu.memory_space<vmem>> -> memref<16x64xi32, #tpu.memory_space<vmem>>
    %dma_start3A_61 = arith.constant 0 : i32
    %dma_start3A_62 = tpu.memref_slice %arg3[%add3A_57, %dma_start3A_61] : memref<2560x64xi32, #tpu.memory_space<hbm>> -> memref<16x64xi32, #tpu.memory_space<hbm>>
    %dma_start3A_63 = arith.constant 16 : i32
    %dma_start3A_64 = arith.constant 0 : i32
    %dma_start3A_65 = tpu.memref_slice %arg7[%dma_start3A_63, %dma_start3A_64] : memref<32x64xi32, #tpu.memory_space<vmem>> -> memref<16x64xi32, #tpu.memory_space<vmem>>
    %dma_start3A_66 = arith.constant 0 : i32
    %dma_start3A_67 = tpu.memref_slice %arg3[%add3A_57, %dma_start3A_66] : memref<2560x64xi32, #tpu.memory_space<hbm>> -> memref<16x64xi32, #tpu.memory_space<hbm>>
    tpu.enqueue_dma source(%dma_start3A_67 : memref<16x64xi32, #tpu.memory_space<hbm>>) target(%dma_start3A_65 : memref<16x64xi32, #tpu.memory_space<vmem>>) target_semaphore(%arg17 : memref<!tpu.dma_semaphore, #tpu.memory_space<semaphore_mem>>)
    %add3A_68 = arith.constant 16 : i32
    %add3A_69 = arith.addi %mul3A_33, %add3A_68 : i32
    %dma_start3A_70 = arith.constant 16 : i32
    %dma_start3A_71 = arith.constant 0 : i32
    %dma_start3A_72 = tpu.memref_slice %arg8[%dma_start3A_70, %dma_start3A_71] : memref<32x64xi32, #tpu.memory_space<vmem>> -> memref<16x64xi32, #tpu.memory_space<vmem>>
    %dma_start3A_73 = arith.constant 0 : i32
    %dma_start3A_74 = tpu.memref_slice %arg4[%add3A_69, %dma_start3A_73] : memref<2560x64xi32, #tpu.memory_space<hbm>> -> memref<16x64xi32, #tpu.memory_space<hbm>>
    %dma_start3A_75 = arith.constant 16 : i32
    %dma_start3A_76 = arith.constant 0 : i32
    %dma_start3A_77 = tpu.memref_slice %arg8[%dma_start3A_75, %dma_start3A_76] : memref<32x64xi32, #tpu.memory_space<vmem>> -> memref<16x64xi32, #tpu.memory_space<vmem>>
    %dma_start3A_78 = arith.constant 0 : i32
    %dma_start3A_79 = tpu.memref_slice %arg4[%add3A_69, %dma_start3A_78] : memref<2560x64xi32, #tpu.memory_space<hbm>> -> memref<16x64xi32, #tpu.memory_space<hbm>>
    tpu.enqueue_dma source(%dma_start3A_79 : memref<16x64xi32, #tpu.memory_space<hbm>>) target(%dma_start3A_77 : memref<16x64xi32, #tpu.memory_space<vmem>>) target_semaphore(%arg19 : memref<!tpu.dma_semaphore, #tpu.memory_space<semaphore_mem>>)
    %scan3A_80 = arith.constant 0 : i32
    %scan3A_81 = arith.constant 0 : i32
    %scan3A_82 = arith.constant 9 : i32
    %scan3A_83 = arith.addi %scan3A_81, %scan3A_82 : i32
    %scan3A_84 = arith.constant 1 : i32
    scf.for %scan3A_330 = %scan3A_81 to %scan3A_83 step %scan3A_84  : i32 {
      %mul3A_331 = arith.constant 632 : i32
      %mul3A_332 = arith.muli %arg1, %mul3A_331 : i32
      %mul3A_333 = arith.constant 64 : i32
      %mul3A_334 = arith.muli %scan3A_330, %mul3A_333 : i32
      %add3A_335 = arith.addi %mul3A_332, %mul3A_334 : i32
      "tpu.region"() ({
        %run_scoped3A = tpu.sem_alloc : memref<!tpu.dma_semaphore, #tpu.memory_space<semaphore_mem>>
        %dma_start3A_336 = arith.constant 0 : i32
        %dma_start3A_337 = tpu.memref_slice %arg14[%add3A_335, %dma_start3A_336] : memref<10112x128xf32, #tpu.memory_space<vmem_shared>> -> memref<64x128xf32, #tpu.memory_space<vmem_shared>>
        %dma_start3A_338 = arith.constant 0 : i32
        %dma_start3A_339 = tpu.memref_slice %arg14[%add3A_335, %dma_start3A_338] : memref<10112x128xf32, #tpu.memory_space<vmem_shared>> -> memref<64x128xf32, #tpu.memory_space<vmem_shared>>
        tpu.enqueue_dma source(%arg9 : memref<64x128xf32, #tpu.memory_space<vmem>>) target(%dma_start3A_339 : memref<64x128xf32, #tpu.memory_space<vmem_shared>>) target_semaphore(%run_scoped3A : memref<!tpu.dma_semaphore, #tpu.memory_space<semaphore_mem>>)
        %dma_wait3A_340 = arith.constant 0 : i32
        %dma_wait3A_341 = tpu.memref_slice %arg14[%add3A_335, %dma_wait3A_340] : memref<10112x128xf32, #tpu.memory_space<vmem_shared>> -> memref<64x128xf32, #tpu.memory_space<vmem_shared>>
        %dma_wait3A_342 = arith.constant 0 : i32
        %dma_wait3A_343 = tpu.memref_slice %arg14[%add3A_335, %dma_wait3A_342] : memref<10112x128xf32, #tpu.memory_space<vmem_shared>> -> memref<64x128xf32, #tpu.memory_space<vmem_shared>>
        tpu.wait_dma2 semaphore(%run_scoped3A : memref<!tpu.dma_semaphore, #tpu.memory_space<semaphore_mem>>) src(%arg9 : memref<64x128xf32, #tpu.memory_space<vmem>>) dst(%dma_wait3A_343 : memref<64x128xf32, #tpu.memory_space<vmem_shared>>)
        tpu.yield
      }) : () -> ()
    }
    %scan3A_85 = arith.constant 9 : i32
    %mul3A_86 = arith.constant 632 : i32
    %mul3A_87 = arith.muli %arg1, %mul3A_86 : i32
    %add3A_88 = arith.constant 576 : i32
    %add3A_89 = arith.addi %mul3A_87, %add3A_88 : i32
    "tpu.region"() ({
      %run_scoped3A = tpu.sem_alloc : memref<!tpu.dma_semaphore, #tpu.memory_space<semaphore_mem>>
      %dma_start3A_330 = arith.constant 0 : i32
      %dma_start3A_331 = arith.constant 0 : i32
      %dma_start3A_332 = tpu.memref_slice %arg9[%dma_start3A_330, %dma_start3A_331] : memref<64x128xf32, #tpu.memory_space<vmem>> -> memref<56x128xf32, #tpu.memory_space<vmem>>
      %dma_start3A_333 = arith.constant 0 : i32
      %dma_start3A_334 = tpu.memref_slice %arg14[%add3A_89, %dma_start3A_333] : memref<10112x128xf32, #tpu.memory_space<vmem_shared>> -> memref<56x128xf32, #tpu.memory_space<vmem_shared>>
      %dma_start3A_335 = arith.constant 0 : i32
      %dma_start3A_336 = tpu.memref_slice %arg14[%add3A_89, %dma_start3A_335] : memref<10112x128xf32, #tpu.memory_space<vmem_shared>> -> memref<56x128xf32, #tpu.memory_space<vmem_shared>>
      %dma_start3A_337 = arith.constant 0 : i32
      %dma_start3A_338 = arith.constant 0 : i32
      %dma_start3A_339 = tpu.memref_slice %arg9[%dma_start3A_337, %dma_start3A_338] : memref<64x128xf32, #tpu.memory_space<vmem>> -> memref<56x128xf32, #tpu.memory_space<vmem>>
      tpu.enqueue_dma source(%dma_start3A_339 : memref<56x128xf32, #tpu.memory_space<vmem>>) target(%dma_start3A_336 : memref<56x128xf32, #tpu.memory_space<vmem_shared>>) target_semaphore(%run_scoped3A : memref<!tpu.dma_semaphore, #tpu.memory_space<semaphore_mem>>)
      %dma_wait3A_340 = arith.constant 0 : i32
      %dma_wait3A_341 = arith.constant 0 : i32
      %dma_wait3A_342 = tpu.memref_slice %arg9[%dma_wait3A_340, %dma_wait3A_341] : memref<64x128xf32, #tpu.memory_space<vmem>> -> memref<56x128xf32, #tpu.memory_space<vmem>>
      %dma_wait3A_343 = arith.constant 0 : i32
      %dma_wait3A_344 = tpu.memref_slice %arg14[%add3A_89, %dma_wait3A_343] : memref<10112x128xf32, #tpu.memory_space<vmem_shared>> -> memref<56x128xf32, #tpu.memory_space<vmem_shared>>
      %dma_wait3A_345 = arith.constant 0 : i32
      %dma_wait3A_346 = tpu.memref_slice %arg14[%add3A_89, %dma_wait3A_345] : memref<10112x128xf32, #tpu.memory_space<vmem_shared>> -> memref<56x128xf32, #tpu.memory_space<vmem_shared>>
      %dma_wait3A_347 = arith.constant 0 : i32
      %dma_wait3A_348 = arith.constant 0 : i32
      %dma_wait3A_349 = tpu.memref_slice %arg9[%dma_wait3A_347, %dma_wait3A_348] : memref<64x128xf32, #tpu.memory_space<vmem>> -> memref<56x128xf32, #tpu.memory_space<vmem>>
      tpu.wait_dma2 semaphore(%run_scoped3A : memref<!tpu.dma_semaphore, #tpu.memory_space<semaphore_mem>>) src(%dma_wait3A_349 : memref<56x128xf32, #tpu.memory_space<vmem>>) dst(%dma_wait3A_346 : memref<56x128xf32, #tpu.memory_space<vmem_shared>>)
      tpu.yield
    }) : () -> ()
    %lt3A = arith.constant 15 : i32
    %lt3A_90 = arith.cmpi slt, %arg1, %lt3A : i32
    %convert_element_type3A = arith.extui %lt3A_90 : i1 to i32
    %cond3A = arith.constant 0 : i32
    %cond3A_91 = arith.cmpi ne, %convert_element_type3A, %cond3A : i32
    scf.if %cond3A_91 {
      %mul3A_330 = arith.constant 640 : i32
      %mul3A_331 = arith.muli %arg1, %mul3A_330 : i32
      "tpu.region"() ({
        %run_scoped3A = tpu.sem_alloc : memref<!tpu.dma_semaphore, #tpu.memory_space<semaphore_mem>>
        %dma_start3A_332 = tpu.memref_slice %arg15[%mul3A_331] : memref<10112xf32, #tpu.memory_space<vmem_shared>> -> memref<640xf32, #tpu.memory_space<vmem_shared>>
        %dma_start3A_333 = tpu.memref_slice %arg15[%mul3A_331] : memref<10112xf32, #tpu.memory_space<vmem_shared>> -> memref<640xf32, #tpu.memory_space<vmem_shared>>
        tpu.enqueue_dma source(%arg13 : memref<640xf32, #tpu.memory_space<vmem>>) target(%dma_start3A_333 : memref<640xf32, #tpu.memory_space<vmem_shared>>) target_semaphore(%run_scoped3A : memref<!tpu.dma_semaphore, #tpu.memory_space<semaphore_mem>>)
        %dma_wait3A_334 = tpu.memref_slice %arg15[%mul3A_331] : memref<10112xf32, #tpu.memory_space<vmem_shared>> -> memref<640xf32, #tpu.memory_space<vmem_shared>>
        %dma_wait3A_335 = tpu.memref_slice %arg15[%mul3A_331] : memref<10112xf32, #tpu.memory_space<vmem_shared>> -> memref<640xf32, #tpu.memory_space<vmem_shared>>
        tpu.wait_dma2 semaphore(%run_scoped3A : memref<!tpu.dma_semaphore, #tpu.memory_space<semaphore_mem>>) src(%arg13 : memref<640xf32, #tpu.memory_space<vmem>>) dst(%dma_wait3A_335 : memref<640xf32, #tpu.memory_space<vmem_shared>>)
        tpu.yield
      }) : () -> ()
    } else {
    }
    %eq3A = arith.constant 15 : i32
    %eq3A_92 = arith.cmpi eq, %arg1, %eq3A : i32
    %convert_element_type3A_93 = arith.extui %eq3A_92 : i1 to i32
    %cond3A_94 = arith.constant 0 : i32
    %cond3A_95 = arith.cmpi ne, %convert_element_type3A_93, %cond3A_94 : i32
    scf.if %cond3A_95 {
      "tpu.region"() ({
        %run_scoped3A = tpu.sem_alloc : memref<!tpu.dma_semaphore, #tpu.memory_space<semaphore_mem>>
        %dma_start3A_330 = arith.constant 0 : i32
        %dma_start3A_331 = tpu.memref_slice %arg13[%dma_start3A_330] : memref<640xf32, #tpu.memory_space<vmem>> -> memref<512xf32, #tpu.memory_space<vmem>>
        %dma_start3A_332 = arith.constant 9600 : i32
        %dma_start3A_333 = tpu.memref_slice %arg15[%dma_start3A_332] : memref<10112xf32, #tpu.memory_space<vmem_shared>> -> memref<512xf32, #tpu.memory_space<vmem_shared>>
        %dma_start3A_334 = arith.constant 9600 : i32
        %dma_start3A_335 = tpu.memref_slice %arg15[%dma_start3A_334] : memref<10112xf32, #tpu.memory_space<vmem_shared>> -> memref<512xf32, #tpu.memory_space<vmem_shared>>
        %dma_start3A_336 = arith.constant 0 : i32
        %dma_start3A_337 = tpu.memref_slice %arg13[%dma_start3A_336] : memref<640xf32, #tpu.memory_space<vmem>> -> memref<512xf32, #tpu.memory_space<vmem>>
        tpu.enqueue_dma source(%dma_start3A_337 : memref<512xf32, #tpu.memory_space<vmem>>) target(%dma_start3A_335 : memref<512xf32, #tpu.memory_space<vmem_shared>>) target_semaphore(%run_scoped3A : memref<!tpu.dma_semaphore, #tpu.memory_space<semaphore_mem>>)
        %dma_wait3A_338 = arith.constant 0 : i32
        %dma_wait3A_339 = tpu.memref_slice %arg13[%dma_wait3A_338] : memref<640xf32, #tpu.memory_space<vmem>> -> memref<512xf32, #tpu.memory_space<vmem>>
        %dma_wait3A_340 = arith.constant 9600 : i32
        %dma_wait3A_341 = tpu.memref_slice %arg15[%dma_wait3A_340] : memref<10112xf32, #tpu.memory_space<vmem_shared>> -> memref<512xf32, #tpu.memory_space<vmem_shared>>
        %dma_wait3A_342 = arith.constant 9600 : i32
        %dma_wait3A_343 = tpu.memref_slice %arg15[%dma_wait3A_342] : memref<10112xf32, #tpu.memory_space<vmem_shared>> -> memref<512xf32, #tpu.memory_space<vmem_shared>>
        %dma_wait3A_344 = arith.constant 0 : i32
        %dma_wait3A_345 = tpu.memref_slice %arg13[%dma_wait3A_344] : memref<640xf32, #tpu.memory_space<vmem>> -> memref<512xf32, #tpu.memory_space<vmem>>
        tpu.wait_dma2 semaphore(%run_scoped3A : memref<!tpu.dma_semaphore, #tpu.memory_space<semaphore_mem>>) src(%dma_wait3A_345 : memref<512xf32, #tpu.memory_space<vmem>>) dst(%dma_wait3A_343 : memref<512xf32, #tpu.memory_space<vmem_shared>>)
        tpu.yield
      }) : () -> ()
    } else {
    }
    %add3A_96 = arith.constant 0 : i32
    %add3A_97 = arith.addi %mul3A_33, %add3A_96 : i32
    %dma_wait3A = arith.constant 0 : i32
    %dma_wait3A_98 = arith.constant 0 : i32
    %dma_wait3A_99 = tpu.memref_slice %arg7[%dma_wait3A, %dma_wait3A_98] : memref<32x64xi32, #tpu.memory_space<vmem>> -> memref<16x64xi32, #tpu.memory_space<vmem>>
    %dma_wait3A_100 = arith.constant 0 : i32
    %dma_wait3A_101 = tpu.memref_slice %arg3[%add3A_97, %dma_wait3A_100] : memref<2560x64xi32, #tpu.memory_space<hbm>> -> memref<16x64xi32, #tpu.memory_space<hbm>>
    %dma_wait3A_102 = arith.constant 0 : i32
    %dma_wait3A_103 = arith.constant 0 : i32
    %dma_wait3A_104 = tpu.memref_slice %arg7[%dma_wait3A_102, %dma_wait3A_103] : memref<32x64xi32, #tpu.memory_space<vmem>> -> memref<16x64xi32, #tpu.memory_space<vmem>>
    %dma_wait3A_105 = arith.constant 0 : i32
    %dma_wait3A_106 = tpu.memref_slice %arg3[%add3A_97, %dma_wait3A_105] : memref<2560x64xi32, #tpu.memory_space<hbm>> -> memref<16x64xi32, #tpu.memory_space<hbm>>
    tpu.wait_dma2 semaphore(%arg16 : memref<!tpu.dma_semaphore, #tpu.memory_space<semaphore_mem>>) src(%dma_wait3A_106 : memref<16x64xi32, #tpu.memory_space<hbm>>) dst(%dma_wait3A_104 : memref<16x64xi32, #tpu.memory_space<vmem>>)
    %add3A_107 = arith.constant 0 : i32
    %add3A_108 = arith.addi %mul3A_33, %add3A_107 : i32
    %dma_wait3A_109 = arith.constant 0 : i32
    %dma_wait3A_110 = arith.constant 0 : i32
    %dma_wait3A_111 = tpu.memref_slice %arg8[%dma_wait3A_109, %dma_wait3A_110] : memref<32x64xi32, #tpu.memory_space<vmem>> -> memref<16x64xi32, #tpu.memory_space<vmem>>
    %dma_wait3A_112 = arith.constant 0 : i32
    %dma_wait3A_113 = tpu.memref_slice %arg4[%add3A_108, %dma_wait3A_112] : memref<2560x64xi32, #tpu.memory_space<hbm>> -> memref<16x64xi32, #tpu.memory_space<hbm>>
    %dma_wait3A_114 = arith.constant 0 : i32
    %dma_wait3A_115 = arith.constant 0 : i32
    %dma_wait3A_116 = tpu.memref_slice %arg8[%dma_wait3A_114, %dma_wait3A_115] : memref<32x64xi32, #tpu.memory_space<vmem>> -> memref<16x64xi32, #tpu.memory_space<vmem>>
    %dma_wait3A_117 = arith.constant 0 : i32
    %dma_wait3A_118 = tpu.memref_slice %arg4[%add3A_108, %dma_wait3A_117] : memref<2560x64xi32, #tpu.memory_space<hbm>> -> memref<16x64xi32, #tpu.memory_space<hbm>>
    tpu.wait_dma2 semaphore(%arg18 : memref<!tpu.dma_semaphore, #tpu.memory_space<semaphore_mem>>) src(%dma_wait3A_118 : memref<16x64xi32, #tpu.memory_space<hbm>>) dst(%dma_wait3A_116 : memref<16x64xi32, #tpu.memory_space<vmem>>)
    %scan3A_119 = arith.constant 0 : i32
    %scan3A_120 = arith.constant 0 : i32
    %scan3A_121 = arith.constant 16 : i32
    %scan3A_122 = arith.addi %scan3A_120, %scan3A_121 : i32
    %scan3A_123 = arith.constant 1 : i32
    scf.for %scan3A_330 = %scan3A_120 to %scan3A_122 step %scan3A_123  : i32 {
      %add3A_331 = arith.constant 0 : i32
      %add3A_332 = arith.addi %add3A_331, %scan3A_330 : i32
      %get3A = arith.index_cast %add3A_332 : i32 to index
      %get3A_333 = arith.constant 0 : index
      %get3A_334 = tpu.vector_load %arg7[%get3A, %get3A_333] {strides = array<i32>} : memref<32x64xi32, #tpu.memory_space<vmem>>, vector<1x16xi32>,
      %get3A_335 = vector.shape_cast %get3A_334 : vector<1x16xi32> to vector<16xi32>
      %add3A_336 = vector.broadcast %arg0 : i32 to vector<16xi32>
      %add3A_337 = arith.addi %get3A_335, %add3A_336 : vector<16xi32>
      %add3A_338 = arith.constant 0 : i32
      %add3A_339 = arith.addi %add3A_338, %scan3A_330 : i32
      %swap3A_340 = arith.index_cast %add3A_339 : i32 to index
      %swap3A_341 = arith.constant 0 : index
      %swap3A_342 = tpu.vector_load %arg7[%swap3A_340, %swap3A_341] {strides = array<i32>} : memref<32x64xi32, #tpu.memory_space<vmem>>, vector<1x16xi32>,
      %swap3A_343 = vector.shape_cast %swap3A_342 : vector<1x16xi32> to vector<16xi32>
      %swap3A_344 = vector.shape_cast %add3A_337 : vector<16xi32> to vector<1x16xi32>
      tpu.vector_store %arg7[%swap3A_340, %swap3A_341], %swap3A_344 {strides = array<i32>} : memref<32x64xi32, #tpu.memory_space<vmem>>, vector<1x16xi32>,
      %add3A_345 = arith.constant 0 : i32
      %add3A_346 = arith.addi %add3A_345, %scan3A_330 : i32
      %get3A_347 = arith.index_cast %add3A_346 : i32 to index
      %get3A_348 = arith.constant 16 : index
      %get3A_349 = tpu.vector_load %arg7[%get3A_347, %get3A_348] {strides = array<i32>} : memref<32x64xi32, #tpu.memory_space<vmem>>, vector<1x16xi32>,
      %get3A_350 = vector.shape_cast %get3A_349 : vector<1x16xi32> to vector<16xi32>
      %add3A_351 = vector.broadcast %arg0 : i32 to vector<16xi32>
      %add3A_352 = arith.addi %get3A_350, %add3A_351 : vector<16xi32>
      %add3A_353 = arith.constant 0 : i32
      %add3A_354 = arith.addi %add3A_353, %scan3A_330 : i32
      %swap3A_355 = arith.index_cast %add3A_354 : i32 to index
      %swap3A_356 = arith.constant 16 : index
      %swap3A_357 = tpu.vector_load %arg7[%swap3A_355, %swap3A_356] {strides = array<i32>} : memref<32x64xi32, #tpu.memory_space<vmem>>, vector<1x16xi32>,
      %swap3A_358 = vector.shape_cast %swap3A_357 : vector<1x16xi32> to vector<16xi32>
      %swap3A_359 = vector.shape_cast %add3A_352 : vector<16xi32> to vector<1x16xi32>
      tpu.vector_store %arg7[%swap3A_355, %swap3A_356], %swap3A_359 {strides = array<i32>} : memref<32x64xi32, #tpu.memory_space<vmem>>, vector<1x16xi32>,
      %add3A_360 = arith.constant 0 : i32
      %add3A_361 = arith.addi %add3A_360, %scan3A_330 : i32
      %get3A_362 = arith.index_cast %add3A_361 : i32 to index
      %get3A_363 = arith.constant 32 : index
      %get3A_364 = tpu.vector_load %arg7[%get3A_362, %get3A_363] {strides = array<i32>} : memref<32x64xi32, #tpu.memory_space<vmem>>, vector<1x16xi32>,
      %get3A_365 = vector.shape_cast %get3A_364 : vector<1x16xi32> to vector<16xi32>
      %add3A_366 = vector.broadcast %arg0 : i32 to vector<16xi32>
      %add3A_367 = arith.addi %get3A_365, %add3A_366 : vector<16xi32>
      %add3A_368 = arith.constant 0 : i32
      %add3A_369 = arith.addi %add3A_368, %scan3A_330 : i32
      %swap3A_370 = arith.index_cast %add3A_369 : i32 to index
      %swap3A_371 = arith.constant 32 : index
      %swap3A_372 = tpu.vector_load %arg7[%swap3A_370, %swap3A_371] {strides = array<i32>} : memref<32x64xi32, #tpu.memory_space<vmem>>, vector<1x16xi32>,
      %swap3A_373 = vector.shape_cast %swap3A_372 : vector<1x16xi32> to vector<16xi32>
      %swap3A_374 = vector.shape_cast %add3A_367 : vector<16xi32> to vector<1x16xi32>
      tpu.vector_store %arg7[%swap3A_370, %swap3A_371], %swap3A_374 {strides = array<i32>} : memref<32x64xi32, #tpu.memory_space<vmem>>, vector<1x16xi32>,
      %add3A_375 = arith.constant 0 : i32
      %add3A_376 = arith.addi %add3A_375, %scan3A_330 : i32
      %get3A_377 = arith.index_cast %add3A_376 : i32 to index
      %get3A_378 = arith.constant 48 : index
      %get3A_379 = tpu.vector_load %arg7[%get3A_377, %get3A_378] {strides = array<i32>} : memref<32x64xi32, #tpu.memory_space<vmem>>, vector<1x16xi32>,
      %get3A_380 = vector.shape_cast %get3A_379 : vector<1x16xi32> to vector<16xi32>
      %add3A_381 = vector.broadcast %arg0 : i32 to vector<16xi32>
      %add3A_382 = arith.addi %get3A_380, %add3A_381 : vector<16xi32>
      %add3A_383 = arith.constant 0 : i32
      %add3A_384 = arith.addi %add3A_383, %scan3A_330 : i32
      %swap3A_385 = arith.index_cast %add3A_384 : i32 to index
      %swap3A_386 = arith.constant 48 : index
      %swap3A_387 = tpu.vector_load %arg7[%swap3A_385, %swap3A_386] {strides = array<i32>} : memref<32x64xi32, #tpu.memory_space<vmem>>, vector<1x16xi32>,
      %swap3A_388 = vector.shape_cast %swap3A_387 : vector<1x16xi32> to vector<16xi32>
      %swap3A_389 = vector.shape_cast %add3A_382 : vector<16xi32> to vector<1x16xi32>
      tpu.vector_store %arg7[%swap3A_385, %swap3A_386], %swap3A_389 {strides = array<i32>} : memref<32x64xi32, #tpu.memory_space<vmem>>, vector<1x16xi32>,
    }
    %scan3A_124 = arith.constant 16 : i32
    %rem3A = arith.constant 0 : i32
    %rem3A_125 = arith.constant 32 : i32
    %rem3A_126 = arith.remsi %rem3A, %rem3A_125 : i32
    %dma_start3A_127 = arith.constant 0 : i32
    %dma_start3A_128 = tpu.memref_slice %arg7[%rem3A_126, %dma_start3A_127] : memref<32x64xi32, #tpu.memory_space<vmem>> -> memref<1x64xi32, #tpu.memory_space<vmem>>
    %dma_start3A_129 = tpu.memref_squeeze %dma_start3A_128 : memref<1x64xi32, #tpu.memory_space<vmem>> -> memref<64xi32, #tpu.memory_space<vmem>>
    %dma_start3A_130 = arith.constant 0 : i32
    %dma_start3A_131 = arith.constant 0 : i32
    %dma_start3A_132 = tpu.memref_slice %arg2[%dma_start3A_130, %dma_start3A_131] : memref<20000x128xf32, #tpu.memory_space<hbm>> -> memref<20000x128xf32, #tpu.memory_space<hbm>>
    tpu.enqueue_indirect_dma source(%dma_start3A_132 : memref<20000x128xf32, #tpu.memory_space<hbm>>) target(%arg9 : memref<64x128xf32, #tpu.memory_space<vmem>>) offsets(%dma_start3A_129 : memref<64xi32, #tpu.memory_space<vmem>>) semaphore(%arg20 : memref<!tpu.dma_semaphore, #tpu.memory_space<semaphore_mem>>)
    %rem3A_133 = arith.constant 1 : i32
    %rem3A_134 = arith.constant 32 : i32
    %rem3A_135 = arith.remsi %rem3A_133, %rem3A_134 : i32
    %dma_start3A_136 = arith.constant 0 : i32
    %dma_start3A_137 = tpu.memref_slice %arg7[%rem3A_135, %dma_start3A_136] : memref<32x64xi32, #tpu.memory_space<vmem>> -> memref<1x64xi32, #tpu.memory_space<vmem>>
    %dma_start3A_138 = tpu.memref_squeeze %dma_start3A_137 : memref<1x64xi32, #tpu.memory_space<vmem>> -> memref<64xi32, #tpu.memory_space<vmem>>
    %dma_start3A_139 = arith.constant 0 : i32
    %dma_start3A_140 = arith.constant 0 : i32
    %dma_start3A_141 = tpu.memref_slice %arg2[%dma_start3A_139, %dma_start3A_140] : memref<20000x128xf32, #tpu.memory_space<hbm>> -> memref<20000x128xf32, #tpu.memory_space<hbm>>
    tpu.enqueue_indirect_dma source(%dma_start3A_141 : memref<20000x128xf32, #tpu.memory_space<hbm>>) target(%arg10 : memref<64x128xf32, #tpu.memory_space<vmem>>) offsets(%dma_start3A_138 : memref<64xi32, #tpu.memory_space<vmem>>) semaphore(%arg21 : memref<!tpu.dma_semaphore, #tpu.memory_space<semaphore_mem>>)
    %rem3A_142 = arith.constant 2 : i32
    %rem3A_143 = arith.constant 32 : i32
    %rem3A_144 = arith.remsi %rem3A_142, %rem3A_143 : i32
    %dma_start3A_145 = arith.constant 0 : i32
    %dma_start3A_146 = tpu.memref_slice %arg7[%rem3A_144, %dma_start3A_145] : memref<32x64xi32, #tpu.memory_space<vmem>> -> memref<1x64xi32, #tpu.memory_space<vmem>>
    %dma_start3A_147 = tpu.memref_squeeze %dma_start3A_146 : memref<1x64xi32, #tpu.memory_space<vmem>> -> memref<64xi32, #tpu.memory_space<vmem>>
    %dma_start3A_148 = arith.constant 0 : i32
    %dma_start3A_149 = arith.constant 0 : i32
    %dma_start3A_150 = tpu.memref_slice %arg2[%dma_start3A_148, %dma_start3A_149] : memref<20000x128xf32, #tpu.memory_space<hbm>> -> memref<20000x128xf32, #tpu.memory_space<hbm>>
    tpu.enqueue_indirect_dma source(%dma_start3A_150 : memref<20000x128xf32, #tpu.memory_space<hbm>>) target(%arg11 : memref<64x128xf32, #tpu.memory_space<vmem>>) offsets(%dma_start3A_147 : memref<64xi32, #tpu.memory_space<vmem>>) semaphore(%arg22 : memref<!tpu.dma_semaphore, #tpu.memory_space<semaphore_mem>>)
    %barrier3A = arith.constant 0 : index
    tpu.barrier barrier_id(%barrier3A)
    %scan3A_151 = arith.constant 0 : i32
    %scan3A_152 = arith.constant 0 : i32
    %scan3A_153 = arith.constant 52 : i32
    %scan3A_154 = arith.addi %scan3A_152, %scan3A_153 : i32
    %scan3A_155 = arith.constant 1 : i32
    scf.for %scan3A_330 = %scan3A_152 to %scan3A_154 step %scan3A_155  : i32 {
      %eq3A_331 = arith.constant 4 : i32
      %eq3A_332 = arith.cmpi eq, %scan3A_330, %eq3A_331 : i32
      %convert_element_type3A_333 = arith.extui %eq3A_332 : i1 to i32
      %cond3A_334 = arith.constant 0 : i32
      %cond3A_335 = arith.cmpi ne, %convert_element_type3A_333, %cond3A_334 : i32
      scf.if %cond3A_335 {
        %add3A_627 = arith.constant 16 : i32
        %add3A_628 = arith.addi %mul3A_33, %add3A_627 : i32
        %dma_wait3A_629 = arith.constant 16 : i32
        %dma_wait3A_630 = arith.constant 0 : i32
        %dma_wait3A_631 = tpu.memref_slice %arg7[%dma_wait3A_629, %dma_wait3A_630] : memref<32x64xi32, #tpu.memory_space<vmem>> -> memref<16x64xi32, #tpu.memory_space<vmem>>
        %dma_wait3A_632 = arith.constant 0 : i32
        %dma_wait3A_633 = tpu.memref_slice %arg3[%add3A_628, %dma_wait3A_632] : memref<2560x64xi32, #tpu.memory_space<hbm>> -> memref<16x64xi32, #tpu.memory_space<hbm>>
        %dma_wait3A_634 = arith.constant 16 : i32
        %dma_wait3A_635 = arith.constant 0 : i32
        %dma_wait3A_636 = tpu.memref_slice %arg7[%dma_wait3A_634, %dma_wait3A_635] : memref<32x64xi32, #tpu.memory_space<vmem>> -> memref<16x64xi32, #tpu.memory_space<vmem>>
        %dma_wait3A_637 = arith.constant 0 : i32
        %dma_wait3A_638 = tpu.memref_slice %arg3[%add3A_628, %dma_wait3A_637] : memref<2560x64xi32, #tpu.memory_space<hbm>> -> memref<16x64xi32, #tpu.memory_space<hbm>>
        tpu.wait_dma2 semaphore(%arg17 : memref<!tpu.dma_semaphore, #tpu.memory_space<semaphore_mem>>) src(%dma_wait3A_638 : memref<16x64xi32, #tpu.memory_space<hbm>>) dst(%dma_wait3A_636 : memref<16x64xi32, #tpu.memory_space<vmem>>)
        %add3A_639 = arith.constant 16 : i32
        %add3A_640 = arith.addi %mul3A_33, %add3A_639 : i32
        %dma_wait3A_641 = arith.constant 16 : i32
        %dma_wait3A_642 = arith.constant 0 : i32
        %dma_wait3A_643 = tpu.memref_slice %arg8[%dma_wait3A_641, %dma_wait3A_642] : memref<32x64xi32, #tpu.memory_space<vmem>> -> memref<16x64xi32, #tpu.memory_space<vmem>>
        %dma_wait3A_644 = arith.constant 0 : i32
        %dma_wait3A_645 = tpu.memref_slice %arg4[%add3A_640, %dma_wait3A_644] : memref<2560x64xi32, #tpu.memory_space<hbm>> -> memref<16x64xi32, #tpu.memory_space<hbm>>
        %dma_wait3A_646 = arith.constant 16 : i32
        %dma_wait3A_647 = arith.constant 0 : i32
        %dma_wait3A_648 = tpu.memref_slice %arg8[%dma_wait3A_646, %dma_wait3A_647] : memref<32x64xi32, #tpu.memory_space<vmem>> -> memref<16x64xi32, #tpu.memory_space<vmem>>
        %dma_wait3A_649 = arith.constant 0 : i32
        %dma_wait3A_650 = tpu.memref_slice %arg4[%add3A_640, %dma_wait3A_649] : memref<2560x64xi32, #tpu.memory_space<hbm>> -> memref<16x64xi32, #tpu.memory_space<hbm>>
        tpu.wait_dma2 semaphore(%arg19 : memref<!tpu.dma_semaphore, #tpu.memory_space<semaphore_mem>>) src(%dma_wait3A_650 : memref<16x64xi32, #tpu.memory_space<hbm>>) dst(%dma_wait3A_648 : memref<16x64xi32, #tpu.memory_space<vmem>>)
        %scan3A_651 = arith.constant 0 : i32
        %scan3A_652 = arith.constant 0 : i32
        %scan3A_653 = arith.constant 16 : i32
        %scan3A_654 = arith.addi %scan3A_652, %scan3A_653 : i32
        %scan3A_655 = arith.constant 1 : i32
        scf.for %scan3A_657 = %scan3A_652 to %scan3A_654 step %scan3A_655  : i32 {
          %add3A_658 = arith.constant 16 : i32
          %add3A_659 = arith.addi %add3A_658, %scan3A_657 : i32
          %get3A = arith.index_cast %add3A_659 : i32 to index
          %get3A_660 = arith.constant 0 : index
          %get3A_661 = tpu.vector_load %arg7[%get3A, %get3A_660] {strides = array<i32>} : memref<32x64xi32, #tpu.memory_space<vmem>>, vector<1x16xi32>,
          %get3A_662 = vector.shape_cast %get3A_661 : vector<1x16xi32> to vector<16xi32>
          %add3A_663 = vector.broadcast %arg0 : i32 to vector<16xi32>
          %add3A_664 = arith.addi %get3A_662, %add3A_663 : vector<16xi32>
          %add3A_665 = arith.constant 16 : i32
          %add3A_666 = arith.addi %add3A_665, %scan3A_657 : i32
          %swap3A_667 = arith.index_cast %add3A_666 : i32 to index
          %swap3A_668 = arith.constant 0 : index
          %swap3A_669 = tpu.vector_load %arg7[%swap3A_667, %swap3A_668] {strides = array<i32>} : memref<32x64xi32, #tpu.memory_space<vmem>>, vector<1x16xi32>,
          %swap3A_670 = vector.shape_cast %swap3A_669 : vector<1x16xi32> to vector<16xi32>
          %swap3A_671 = vector.shape_cast %add3A_664 : vector<16xi32> to vector<1x16xi32>
          tpu.vector_store %arg7[%swap3A_667, %swap3A_668], %swap3A_671 {strides = array<i32>} : memref<32x64xi32, #tpu.memory_space<vmem>>, vector<1x16xi32>,
          %add3A_672 = arith.constant 16 : i32
          %add3A_673 = arith.addi %add3A_672, %scan3A_657 : i32
          %get3A_674 = arith.index_cast %add3A_673 : i32 to index
          %get3A_675 = arith.constant 16 : index
          %get3A_676 = tpu.vector_load %arg7[%get3A_674, %get3A_675] {strides = array<i32>} : memref<32x64xi32, #tpu.memory_space<vmem>>, vector<1x16xi32>,
          %get3A_677 = vector.shape_cast %get3A_676 : vector<1x16xi32> to vector<16xi32>
          %add3A_678 = vector.broadcast %arg0 : i32 to vector<16xi32>
          %add3A_679 = arith.addi %get3A_677, %add3A_678 : vector<16xi32>
          %add3A_680 = arith.constant 16 : i32
          %add3A_681 = arith.addi %add3A_680, %scan3A_657 : i32
          %swap3A_682 = arith.index_cast %add3A_681 : i32 to index
          %swap3A_683 = arith.constant 16 : index
          %swap3A_684 = tpu.vector_load %arg7[%swap3A_682, %swap3A_683] {strides = array<i32>} : memref<32x64xi32, #tpu.memory_space<vmem>>, vector<1x16xi32>,
          %swap3A_685 = vector.shape_cast %swap3A_684 : vector<1x16xi32> to vector<16xi32>
          %swap3A_686 = vector.shape_cast %add3A_679 : vector<16xi32> to vector<1x16xi32>
          tpu.vector_store %arg7[%swap3A_682, %swap3A_683], %swap3A_686 {strides = array<i32>} : memref<32x64xi32, #tpu.memory_space<vmem>>, vector<1x16xi32>,
          %add3A_687 = arith.constant 16 : i32
          %add3A_688 = arith.addi %add3A_687, %scan3A_657 : i32
          %get3A_689 = arith.index_cast %add3A_688 : i32 to index
          %get3A_690 = arith.constant 32 : index
          %get3A_691 = tpu.vector_load %arg7[%get3A_689, %get3A_690] {strides = array<i32>} : memref<32x64xi32, #tpu.memory_space<vmem>>, vector<1x16xi32>,
          %get3A_692 = vector.shape_cast %get3A_691 : vector<1x16xi32> to vector<16xi32>
          %add3A_693 = vector.broadcast %arg0 : i32 to vector<16xi32>
          %add3A_694 = arith.addi %get3A_692, %add3A_693 : vector<16xi32>
          %add3A_695 = arith.constant 16 : i32
          %add3A_696 = arith.addi %add3A_695, %scan3A_657 : i32
          %swap3A_697 = arith.index_cast %add3A_696 : i32 to index
          %swap3A_698 = arith.constant 32 : index
          %swap3A_699 = tpu.vector_load %arg7[%swap3A_697, %swap3A_698] {strides = array<i32>} : memref<32x64xi32, #tpu.memory_space<vmem>>, vector<1x16xi32>,
          %swap3A_700 = vector.shape_cast %swap3A_699 : vector<1x16xi32> to vector<16xi32>
          %swap3A_701 = vector.shape_cast %add3A_694 : vector<16xi32> to vector<1x16xi32>
          tpu.vector_store %arg7[%swap3A_697, %swap3A_698], %swap3A_701 {strides = array<i32>} : memref<32x64xi32, #tpu.memory_space<vmem>>, vector<1x16xi32>,
          %add3A_702 = arith.constant 16 : i32
          %add3A_703 = arith.addi %add3A_702, %scan3A_657 : i32
          %get3A_704 = arith.index_cast %add3A_703 : i32 to index
          %get3A_705 = arith.constant 48 : index
          %get3A_706 = tpu.vector_load %arg7[%get3A_704, %get3A_705] {strides = array<i32>} : memref<32x64xi32, #tpu.memory_space<vmem>>, vector<1x16xi32>,
          %get3A_707 = vector.shape_cast %get3A_706 : vector<1x16xi32> to vector<16xi32>
          %add3A_708 = vector.broadcast %arg0 : i32 to vector<16xi32>
          %add3A_709 = arith.addi %get3A_707, %add3A_708 : vector<16xi32>
          %add3A_710 = arith.constant 16 : i32
          %add3A_711 = arith.addi %add3A_710, %scan3A_657 : i32
          %swap3A_712 = arith.index_cast %add3A_711 : i32 to index
          %swap3A_713 = arith.constant 48 : index
          %swap3A_714 = tpu.vector_load %arg7[%swap3A_712, %swap3A_713] {strides = array<i32>} : memref<32x64xi32, #tpu.memory_space<vmem>>, vector<1x16xi32>,
          %swap3A_715 = vector.shape_cast %swap3A_714 : vector<1x16xi32> to vector<16xi32>
          %swap3A_716 = vector.shape_cast %add3A_709 : vector<16xi32> to vector<1x16xi32>
          tpu.vector_store %arg7[%swap3A_712, %swap3A_713], %swap3A_716 {strides = array<i32>} : memref<32x64xi32, #tpu.memory_space<vmem>>, vector<1x16xi32>,
        }
        %scan3A_656 = arith.constant 16 : i32
      } else {
      }
      %eq3A_336 = arith.constant 6 : i32
      %eq3A_337 = arith.cmpi eq, %scan3A_330, %eq3A_336 : i32
      %convert_element_type3A_338 = arith.extui %eq3A_337 : i1 to i32
      %cond3A_339 = arith.constant 0 : i32
      %cond3A_340 = arith.cmpi ne, %convert_element_type3A_338, %cond3A_339 : i32
      scf.if %cond3A_340 {
        %eq3A_627 = arith.constant 0 : i32
        %eq3A_628 = arith.cmpi eq, %arg0, %eq3A_627 : i32
        %eq3A_629 = arith.constant true
        %eq3A_630 = arith.xori %eq3A_628, %eq3A_629 : i1
        %eq3A_631 = arith.constant true
        %eq3A_632 = arith.xori %eq3A_630, %eq3A_631 : i1
        %convert_element_type3A_633 = arith.extui %eq3A_632 : i1 to i32
        %cond3A_634 = arith.constant 0 : i32
        %cond3A_635 = arith.cmpi ne, %convert_element_type3A_633, %cond3A_634 : i32
        scf.if %cond3A_635 {
          %dma_wait3A_660 = arith.constant 0 : i32
          %dma_wait3A_661 = arith.constant 0 : i32
          %dma_wait3A_662 = tpu.memref_slice %arg8[%dma_wait3A_660, %dma_wait3A_661] : memref<32x64xi32, #tpu.memory_space<vmem>> -> memref<1x64xi32, #tpu.memory_space<vmem>>
          %dma_wait3A_663 = tpu.memref_squeeze %dma_wait3A_662 : memref<1x64xi32, #tpu.memory_space<vmem>> -> memref<64xi32, #tpu.memory_space<vmem>>
          %dma_wait3A_664 = arith.constant 0 : i32
          %dma_wait3A_665 = tpu.memref_slice %arg15[%dma_wait3A_664] : memref<10112xf32, #tpu.memory_space<vmem_shared>> -> memref<10112xf32, #tpu.memory_space<vmem_shared>>
          tpu.wait_indirect_dma semaphore(%arg26 : memref<!tpu.dma_semaphore, #tpu.memory_space<semaphore_mem>>) src(%arg12 : memref<64xf32, #tpu.memory_space<vmem>>) dst(%dma_wait3A_665 : memref<10112xf32, #tpu.memory_space<vmem_shared>>)
          %dma_wait3A_666 = arith.constant 0 : i32
          %dma_wait3A_667 = arith.constant 0 : i32
          %dma_wait3A_668 = tpu.memref_slice %arg8[%dma_wait3A_666, %dma_wait3A_667] : memref<32x64xi32, #tpu.memory_space<vmem>> -> memref<1x64xi32, #tpu.memory_space<vmem>>
          %dma_wait3A_669 = tpu.memref_squeeze %dma_wait3A_668 : memref<1x64xi32, #tpu.memory_space<vmem>> -> memref<64xi32, #tpu.memory_space<vmem>>
          %dma_wait3A_670 = arith.constant 0 : i32
          %dma_wait3A_671 = tpu.memref_slice %arg15[%dma_wait3A_670] : memref<10112xf32, #tpu.memory_space<vmem_shared>> -> memref<10112xf32, #tpu.memory_space<vmem_shared>>
          tpu.wait_indirect_dma semaphore(%arg26 : memref<!tpu.dma_semaphore, #tpu.memory_space<semaphore_mem>>) src(%arg12 : memref<64xf32, #tpu.memory_space<vmem>>) dst(%dma_wait3A_671 : memref<10112xf32, #tpu.memory_space<vmem_shared>>)
          %dma_wait3A_672 = arith.constant 0 : i32
          %dma_wait3A_673 = arith.constant 0 : i32
          %dma_wait3A_674 = tpu.memref_slice %arg8[%dma_wait3A_672, %dma_wait3A_673] : memref<32x64xi32, #tpu.memory_space<vmem>> -> memref<1x64xi32, #tpu.memory_space<vmem>>
          %dma_wait3A_675 = tpu.memref_squeeze %dma_wait3A_674 : memref<1x64xi32, #tpu.memory_space<vmem>> -> memref<64xi32, #tpu.memory_space<vmem>>
          %dma_wait3A_676 = arith.constant 0 : i32
          %dma_wait3A_677 = tpu.memref_slice %arg15[%dma_wait3A_676] : memref<10112xf32, #tpu.memory_space<vmem_shared>> -> memref<10112xf32, #tpu.memory_space<vmem_shared>>
          tpu.wait_indirect_dma semaphore(%arg26 : memref<!tpu.dma_semaphore, #tpu.memory_space<semaphore_mem>>) src(%arg12 : memref<64xf32, #tpu.memory_space<vmem>>) dst(%dma_wait3A_677 : memref<10112xf32, #tpu.memory_space<vmem_shared>>)
          %dma_wait3A_678 = arith.constant 0 : i32
          %dma_wait3A_679 = arith.constant 0 : i32
          %dma_wait3A_680 = tpu.memref_slice %arg8[%dma_wait3A_678, %dma_wait3A_679] : memref<32x64xi32, #tpu.memory_space<vmem>> -> memref<1x64xi32, #tpu.memory_space<vmem>>
          %dma_wait3A_681 = tpu.memref_squeeze %dma_wait3A_680 : memref<1x64xi32, #tpu.memory_space<vmem>> -> memref<64xi32, #tpu.memory_space<vmem>>
          %dma_wait3A_682 = arith.constant 0 : i32
          %dma_wait3A_683 = tpu.memref_slice %arg15[%dma_wait3A_682] : memref<10112xf32, #tpu.memory_space<vmem_shared>> -> memref<10112xf32, #tpu.memory_space<vmem_shared>>
          tpu.wait_indirect_dma semaphore(%arg26 : memref<!tpu.dma_semaphore, #tpu.memory_space<semaphore_mem>>) src(%arg12 : memref<64xf32, #tpu.memory_space<vmem>>) dst(%dma_wait3A_683 : memref<10112xf32, #tpu.memory_space<vmem_shared>>)
          %dma_wait3A_684 = arith.constant 0 : i32
          %dma_wait3A_685 = arith.constant 0 : i32
          %dma_wait3A_686 = tpu.memref_slice %arg8[%dma_wait3A_684, %dma_wait3A_685] : memref<32x64xi32, #tpu.memory_space<vmem>> -> memref<1x64xi32, #tpu.memory_space<vmem>>
          %dma_wait3A_687 = tpu.memref_squeeze %dma_wait3A_686 : memref<1x64xi32, #tpu.memory_space<vmem>> -> memref<64xi32, #tpu.memory_space<vmem>>
          %dma_wait3A_688 = arith.constant 0 : i32
          %dma_wait3A_689 = tpu.memref_slice %arg15[%dma_wait3A_688] : memref<10112xf32, #tpu.memory_space<vmem_shared>> -> memref<10112xf32, #tpu.memory_space<vmem_shared>>
          tpu.wait_indirect_dma semaphore(%arg26 : memref<!tpu.dma_semaphore, #tpu.memory_space<semaphore_mem>>) src(%arg12 : memref<64xf32, #tpu.memory_space<vmem>>) dst(%dma_wait3A_689 : memref<10112xf32, #tpu.memory_space<vmem_shared>>)
          %dma_wait3A_690 = arith.constant 0 : i32
          %dma_wait3A_691 = arith.constant 0 : i32
          %dma_wait3A_692 = tpu.memref_slice %arg8[%dma_wait3A_690, %dma_wait3A_691] : memref<32x64xi32, #tpu.memory_space<vmem>> -> memref<1x64xi32, #tpu.memory_space<vmem>>
          %dma_wait3A_693 = tpu.memref_squeeze %dma_wait3A_692 : memref<1x64xi32, #tpu.memory_space<vmem>> -> memref<64xi32, #tpu.memory_space<vmem>>
          %dma_wait3A_694 = arith.constant 0 : i32
          %dma_wait3A_695 = tpu.memref_slice %arg15[%dma_wait3A_694] : memref<10112xf32, #tpu.memory_space<vmem_shared>> -> memref<10112xf32, #tpu.memory_space<vmem_shared>>
          tpu.wait_indirect_dma semaphore(%arg26 : memref<!tpu.dma_semaphore, #tpu.memory_space<semaphore_mem>>) src(%arg12 : memref<64xf32, #tpu.memory_space<vmem>>) dst(%dma_wait3A_695 : memref<10112xf32, #tpu.memory_space<vmem_shared>>)
          %dma_wait3A_696 = arith.constant 0 : i32
          %dma_wait3A_697 = arith.constant 0 : i32
          %dma_wait3A_698 = tpu.memref_slice %arg8[%dma_wait3A_696, %dma_wait3A_697] : memref<32x64xi32, #tpu.memory_space<vmem>> -> memref<1x64xi32, #tpu.memory_space<vmem>>
          %dma_wait3A_699 = tpu.memref_squeeze %dma_wait3A_698 : memref<1x64xi32, #tpu.memory_space<vmem>> -> memref<64xi32, #tpu.memory_space<vmem>>
          %dma_wait3A_700 = arith.constant 0 : i32
          %dma_wait3A_701 = tpu.memref_slice %arg15[%dma_wait3A_700] : memref<10112xf32, #tpu.memory_space<vmem_shared>> -> memref<10112xf32, #tpu.memory_space<vmem_shared>>
          tpu.wait_indirect_dma semaphore(%arg26 : memref<!tpu.dma_semaphore, #tpu.memory_space<semaphore_mem>>) src(%arg12 : memref<64xf32, #tpu.memory_space<vmem>>) dst(%dma_wait3A_701 : memref<10112xf32, #tpu.memory_space<vmem_shared>>)
          %dma_wait3A_702 = arith.constant 0 : i32
          %dma_wait3A_703 = arith.constant 0 : i32
          %dma_wait3A_704 = tpu.memref_slice %arg8[%dma_wait3A_702, %dma_wait3A_703] : memref<32x64xi32, #tpu.memory_space<vmem>> -> memref<1x64xi32, #tpu.memory_space<vmem>>
          %dma_wait3A_705 = tpu.memref_squeeze %dma_wait3A_704 : memref<1x64xi32, #tpu.memory_space<vmem>> -> memref<64xi32, #tpu.memory_space<vmem>>
          %dma_wait3A_706 = arith.constant 0 : i32
          %dma_wait3A_707 = tpu.memref_slice %arg15[%dma_wait3A_706] : memref<10112xf32, #tpu.memory_space<vmem_shared>> -> memref<10112xf32, #tpu.memory_space<vmem_shared>>
          tpu.wait_indirect_dma semaphore(%arg26 : memref<!tpu.dma_semaphore, #tpu.memory_space<semaphore_mem>>) src(%arg12 : memref<64xf32, #tpu.memory_space<vmem>>) dst(%dma_wait3A_707 : memref<10112xf32, #tpu.memory_space<vmem_shared>>)
          %dma_wait3A_708 = arith.constant 0 : i32
          %dma_wait3A_709 = arith.constant 0 : i32
          %dma_wait3A_710 = tpu.memref_slice %arg8[%dma_wait3A_708, %dma_wait3A_709] : memref<32x64xi32, #tpu.memory_space<vmem>> -> memref<1x64xi32, #tpu.memory_space<vmem>>
          %dma_wait3A_711 = tpu.memref_squeeze %dma_wait3A_710 : memref<1x64xi32, #tpu.memory_space<vmem>> -> memref<64xi32, #tpu.memory_space<vmem>>
          %dma_wait3A_712 = arith.constant 0 : i32
          %dma_wait3A_713 = tpu.memref_slice %arg15[%dma_wait3A_712] : memref<10112xf32, #tpu.memory_space<vmem_shared>> -> memref<10112xf32, #tpu.memory_space<vmem_shared>>
          tpu.wait_indirect_dma semaphore(%arg26 : memref<!tpu.dma_semaphore, #tpu.memory_space<semaphore_mem>>) src(%arg12 : memref<64xf32, #tpu.memory_space<vmem>>) dst(%dma_wait3A_713 : memref<10112xf32, #tpu.memory_space<vmem_shared>>)
          %dma_wait3A_714 = arith.constant 0 : i32
          %dma_wait3A_715 = arith.constant 0 : i32
          %dma_wait3A_716 = tpu.memref_slice %arg8[%dma_wait3A_714, %dma_wait3A_715] : memref<32x64xi32, #tpu.memory_space<vmem>> -> memref<1x64xi32, #tpu.memory_space<vmem>>
          %dma_wait3A_717 = tpu.memref_squeeze %dma_wait3A_716 : memref<1x64xi32, #tpu.memory_space<vmem>> -> memref<64xi32, #tpu.memory_space<vmem>>
          %dma_wait3A_718 = arith.constant 0 : i32
          %dma_wait3A_719 = tpu.memref_slice %arg15[%dma_wait3A_718] : memref<10112xf32, #tpu.memory_space<vmem_shared>> -> memref<10112xf32, #tpu.memory_space<vmem_shared>>
          tpu.wait_indirect_dma semaphore(%arg26 : memref<!tpu.dma_semaphore, #tpu.memory_space<semaphore_mem>>) src(%arg12 : memref<64xf32, #tpu.memory_space<vmem>>) dst(%dma_wait3A_719 : memref<10112xf32, #tpu.memory_space<vmem_shared>>)
          %dma_wait3A_720 = arith.constant 0 : i32
          %dma_wait3A_721 = arith.constant 0 : i32
          %dma_wait3A_722 = tpu.memref_slice %arg8[%dma_wait3A_720, %dma_wait3A_721] : memref<32x64xi32, #tpu.memory_space<vmem>> -> memref<1x64xi32, #tpu.memory_space<vmem>>
          %dma_wait3A_723 = tpu.memref_squeeze %dma_wait3A_722 : memref<1x64xi32, #tpu.memory_space<vmem>> -> memref<64xi32, #tpu.memory_space<vmem>>
          %dma_wait3A_724 = arith.constant 0 : i32
          %dma_wait3A_725 = tpu.memref_slice %arg15[%dma_wait3A_724] : memref<10112xf32, #tpu.memory_space<vmem_shared>> -> memref<10112xf32, #tpu.memory_space<vmem_shared>>
          tpu.wait_indirect_dma semaphore(%arg26 : memref<!tpu.dma_semaphore, #tpu.memory_space<semaphore_mem>>) src(%arg12 : memref<64xf32, #tpu.memory_space<vmem>>) dst(%dma_wait3A_725 : memref<10112xf32, #tpu.memory_space<vmem_shared>>)
          %dma_wait3A_726 = arith.constant 0 : i32
          %dma_wait3A_727 = arith.constant 0 : i32
          %dma_wait3A_728 = tpu.memref_slice %arg8[%dma_wait3A_726, %dma_wait3A_727] : memref<32x64xi32, #tpu.memory_space<vmem>> -> memref<1x64xi32, #tpu.memory_space<vmem>>
          %dma_wait3A_729 = tpu.memref_squeeze %dma_wait3A_728 : memref<1x64xi32, #tpu.memory_space<vmem>> -> memref<64xi32, #tpu.memory_space<vmem>>
          %dma_wait3A_730 = arith.constant 0 : i32
          %dma_wait3A_731 = tpu.memref_slice %arg15[%dma_wait3A_730] : memref<10112xf32, #tpu.memory_space<vmem_shared>> -> memref<10112xf32, #tpu.memory_space<vmem_shared>>
          tpu.wait_indirect_dma semaphore(%arg26 : memref<!tpu.dma_semaphore, #tpu.memory_space<semaphore_mem>>) src(%arg12 : memref<64xf32, #tpu.memory_space<vmem>>) dst(%dma_wait3A_731 : memref<10112xf32, #tpu.memory_space<vmem_shared>>)
          %dma_wait3A_732 = arith.constant 0 : i32
          %dma_wait3A_733 = arith.constant 0 : i32
          %dma_wait3A_734 = tpu.memref_slice %arg8[%dma_wait3A_732, %dma_wait3A_733] : memref<32x64xi32, #tpu.memory_space<vmem>> -> memref<1x64xi32, #tpu.memory_space<vmem>>
          %dma_wait3A_735 = tpu.memref_squeeze %dma_wait3A_734 : memref<1x64xi32, #tpu.memory_space<vmem>> -> memref<64xi32, #tpu.memory_space<vmem>>
          %dma_wait3A_736 = arith.constant 0 : i32
          %dma_wait3A_737 = tpu.memref_slice %arg15[%dma_wait3A_736] : memref<10112xf32, #tpu.memory_space<vmem_shared>> -> memref<10112xf32, #tpu.memory_space<vmem_shared>>
          tpu.wait_indirect_dma semaphore(%arg26 : memref<!tpu.dma_semaphore, #tpu.memory_space<semaphore_mem>>) src(%arg12 : memref<64xf32, #tpu.memory_space<vmem>>) dst(%dma_wait3A_737 : memref<10112xf32, #tpu.memory_space<vmem_shared>>)
          %dma_wait3A_738 = arith.constant 0 : i32
          %dma_wait3A_739 = arith.constant 0 : i32
          %dma_wait3A_740 = tpu.memref_slice %arg8[%dma_wait3A_738, %dma_wait3A_739] : memref<32x64xi32, #tpu.memory_space<vmem>> -> memref<1x64xi32, #tpu.memory_space<vmem>>
          %dma_wait3A_741 = tpu.memref_squeeze %dma_wait3A_740 : memref<1x64xi32, #tpu.memory_space<vmem>> -> memref<64xi32, #tpu.memory_space<vmem>>
          %dma_wait3A_742 = arith.constant 0 : i32
          %dma_wait3A_743 = tpu.memref_slice %arg15[%dma_wait3A_742] : memref<10112xf32, #tpu.memory_space<vmem_shared>> -> memref<10112xf32, #tpu.memory_space<vmem_shared>>
          tpu.wait_indirect_dma semaphore(%arg26 : memref<!tpu.dma_semaphore, #tpu.memory_space<semaphore_mem>>) src(%arg12 : memref<64xf32, #tpu.memory_space<vmem>>) dst(%dma_wait3A_743 : memref<10112xf32, #tpu.memory_space<vmem_shared>>)
          %dma_wait3A_744 = arith.constant 0 : i32
          %dma_wait3A_745 = arith.constant 0 : i32
          %dma_wait3A_746 = tpu.memref_slice %arg8[%dma_wait3A_744, %dma_wait3A_745] : memref<32x64xi32, #tpu.memory_space<vmem>> -> memref<1x64xi32, #tpu.memory_space<vmem>>
          %dma_wait3A_747 = tpu.memref_squeeze %dma_wait3A_746 : memref<1x64xi32, #tpu.memory_space<vmem>> -> memref<64xi32, #tpu.memory_space<vmem>>
          %dma_wait3A_748 = arith.constant 0 : i32
          %dma_wait3A_749 = tpu.memref_slice %arg15[%dma_wait3A_748] : memref<10112xf32, #tpu.memory_space<vmem_shared>> -> memref<10112xf32, #tpu.memory_space<vmem_shared>>
          tpu.wait_indirect_dma semaphore(%arg26 : memref<!tpu.dma_semaphore, #tpu.memory_space<semaphore_mem>>) src(%arg12 : memref<64xf32, #tpu.memory_space<vmem>>) dst(%dma_wait3A_749 : memref<10112xf32, #tpu.memory_space<vmem_shared>>)
          %dma_wait3A_750 = arith.constant 0 : i32
          %dma_wait3A_751 = arith.constant 0 : i32
          %dma_wait3A_752 = tpu.memref_slice %arg8[%dma_wait3A_750, %dma_wait3A_751] : memref<32x64xi32, #tpu.memory_space<vmem>> -> memref<1x64xi32, #tpu.memory_space<vmem>>
          %dma_wait3A_753 = tpu.memref_squeeze %dma_wait3A_752 : memref<1x64xi32, #tpu.memory_space<vmem>> -> memref<64xi32, #tpu.memory_space<vmem>>
          %dma_wait3A_754 = arith.constant 0 : i32
          %dma_wait3A_755 = tpu.memref_slice %arg15[%dma_wait3A_754] : memref<10112xf32, #tpu.memory_space<vmem_shared>> -> memref<10112xf32, #tpu.memory_space<vmem_shared>>
          tpu.wait_indirect_dma semaphore(%arg26 : memref<!tpu.dma_semaphore, #tpu.memory_space<semaphore_mem>>) src(%arg12 : memref<64xf32, #tpu.memory_space<vmem>>) dst(%dma_wait3A_755 : memref<10112xf32, #tpu.memory_space<vmem_shared>>)
        } else {
        }
        %add3A_636 = arith.constant 32 : i32
        %add3A_637 = arith.addi %mul3A_33, %add3A_636 : i32
        %dma_start3A_638 = arith.constant 0 : i32
        %dma_start3A_639 = arith.constant 0 : i32
        %dma_start3A_640 = tpu.memref_slice %arg7[%dma_start3A_638, %dma_start3A_639] : memref<32x64xi32, #tpu.memory_space<vmem>> -> memref<16x64xi32, #tpu.memory_space<vmem>>
        %dma_start3A_641 = arith.constant 0 : i32
        %dma_start3A_642 = tpu.memref_slice %arg3[%add3A_637, %dma_start3A_641] : memref<2560x64xi32, #tpu.memory_space<hbm>> -> memref<16x64xi32, #tpu.memory_space<hbm>>
        %dma_start3A_643 = arith.constant 0 : i32
        %dma_start3A_644 = arith.constant 0 : i32
        %dma_start3A_645 = tpu.memref_slice %arg7[%dma_start3A_643, %dma_start3A_644] : memref<32x64xi32, #tpu.memory_space<vmem>> -> memref<16x64xi32, #tpu.memory_space<vmem>>
        %dma_start3A_646 = arith.constant 0 : i32
        %dma_start3A_647 = tpu.memref_slice %arg3[%add3A_637, %dma_start3A_646] : memref<2560x64xi32, #tpu.memory_space<hbm>> -> memref<16x64xi32, #tpu.memory_space<hbm>>
        tpu.enqueue_dma source(%dma_start3A_647 : memref<16x64xi32, #tpu.memory_space<hbm>>) target(%dma_start3A_645 : memref<16x64xi32, #tpu.memory_space<vmem>>) target_semaphore(%arg16 : memref<!tpu.dma_semaphore, #tpu.memory_space<semaphore_mem>>)
        %add3A_648 = arith.constant 32 : i32
        %add3A_649 = arith.addi %mul3A_33, %add3A_648 : i32
        %dma_start3A_650 = arith.constant 0 : i32
        %dma_start3A_651 = arith.constant 0 : i32
        %dma_start3A_652 = tpu.memref_slice %arg8[%dma_start3A_650, %dma_start3A_651] : memref<32x64xi32, #tpu.memory_space<vmem>> -> memref<16x64xi32, #tpu.memory_space<vmem>>
        %dma_start3A_653 = arith.constant 0 : i32
        %dma_start3A_654 = tpu.memref_slice %arg4[%add3A_649, %dma_start3A_653] : memref<2560x64xi32, #tpu.memory_space<hbm>> -> memref<16x64xi32, #tpu.memory_space<hbm>>
        %dma_start3A_655 = arith.constant 0 : i32
        %dma_start3A_656 = arith.constant 0 : i32
        %dma_start3A_657 = tpu.memref_slice %arg8[%dma_start3A_655, %dma_start3A_656] : memref<32x64xi32, #tpu.memory_space<vmem>> -> memref<16x64xi32, #tpu.memory_space<vmem>>
        %dma_start3A_658 = arith.constant 0 : i32
        %dma_start3A_659 = tpu.memref_slice %arg4[%add3A_649, %dma_start3A_658] : memref<2560x64xi32, #tpu.memory_space<hbm>> -> memref<16x64xi32, #tpu.memory_space<hbm>>
        tpu.enqueue_dma source(%dma_start3A_659 : memref<16x64xi32, #tpu.memory_space<hbm>>) target(%dma_start3A_657 : memref<16x64xi32, #tpu.memory_space<vmem>>) target_semaphore(%arg18 : memref<!tpu.dma_semaphore, #tpu.memory_space<semaphore_mem>>)
      } else {
      }
      %eq3A_341 = arith.constant 9 : i32
      %eq3A_342 = arith.cmpi eq, %scan3A_330, %eq3A_341 : i32
      %convert_element_type3A_343 = arith.extui %eq3A_342 : i1 to i32
      %cond3A_344 = arith.constant 0 : i32
      %cond3A_345 = arith.cmpi ne, %convert_element_type3A_343, %cond3A_344 : i32
      scf.if %cond3A_345 {
        %add3A_627 = arith.constant 32 : i32
        %add3A_628 = arith.addi %mul3A_33, %add3A_627 : i32
        %dma_wait3A_629 = arith.constant 0 : i32
        %dma_wait3A_630 = arith.constant 0 : i32
        %dma_wait3A_631 = tpu.memref_slice %arg7[%dma_wait3A_629, %dma_wait3A_630] : memref<32x64xi32, #tpu.memory_space<vmem>> -> memref<16x64xi32, #tpu.memory_space<vmem>>
        %dma_wait3A_632 = arith.constant 0 : i32
        %dma_wait3A_633 = tpu.memref_slice %arg3[%add3A_628, %dma_wait3A_632] : memref<2560x64xi32, #tpu.memory_space<hbm>> -> memref<16x64xi32, #tpu.memory_space<hbm>>
        %dma_wait3A_634 = arith.constant 0 : i32
        %dma_wait3A_635 = arith.constant 0 : i32
        %dma_wait3A_636 = tpu.memref_slice %arg7[%dma_wait3A_634, %dma_wait3A_635] : memref<32x64xi32, #tpu.memory_space<vmem>> -> memref<16x64xi32, #tpu.memory_space<vmem>>
        %dma_wait3A_637 = arith.constant 0 : i32
        %dma_wait3A_638 = tpu.memref_slice %arg3[%add3A_628, %dma_wait3A_637] : memref<2560x64xi32, #tpu.memory_space<hbm>> -> memref<16x64xi32, #tpu.memory_space<hbm>>
        tpu.wait_dma2 semaphore(%arg16 : memref<!tpu.dma_semaphore, #tpu.memory_space<semaphore_mem>>) src(%dma_wait3A_638 : memref<16x64xi32, #tpu.memory_space<hbm>>) dst(%dma_wait3A_636 : memref<16x64xi32, #tpu.memory_space<vmem>>)
        %add3A_639 = arith.constant 32 : i32
        %add3A_640 = arith.addi %mul3A_33, %add3A_639 : i32
        %dma_wait3A_641 = arith.constant 0 : i32
        %dma_wait3A_642 = arith.constant 0 : i32
        %dma_wait3A_643 = tpu.memref_slice %arg8[%dma_wait3A_641, %dma_wait3A_642] : memref<32x64xi32, #tpu.memory_space<vmem>> -> memref<16x64xi32, #tpu.memory_space<vmem>>
        %dma_wait3A_644 = arith.constant 0 : i32
        %dma_wait3A_645 = tpu.memref_slice %arg4[%add3A_640, %dma_wait3A_644] : memref<2560x64xi32, #tpu.memory_space<hbm>> -> memref<16x64xi32, #tpu.memory_space<hbm>>
        %dma_wait3A_646 = arith.constant 0 : i32
        %dma_wait3A_647 = arith.constant 0 : i32
        %dma_wait3A_648 = tpu.memref_slice %arg8[%dma_wait3A_646, %dma_wait3A_647] : memref<32x64xi32, #tpu.memory_space<vmem>> -> memref<16x64xi32, #tpu.memory_space<vmem>>
        %dma_wait3A_649 = arith.constant 0 : i32
        %dma_wait3A_650 = tpu.memref_slice %arg4[%add3A_640, %dma_wait3A_649] : memref<2560x64xi32, #tpu.memory_space<hbm>> -> memref<16x64xi32, #tpu.memory_space<hbm>>
        tpu.wait_dma2 semaphore(%arg18 : memref<!tpu.dma_semaphore, #tpu.memory_space<semaphore_mem>>) src(%dma_wait3A_650 : memref<16x64xi32, #tpu.memory_space<hbm>>) dst(%dma_wait3A_648 : memref<16x64xi32, #tpu.memory_space<vmem>>)
        %scan3A_651 = arith.constant 0 : i32
        %scan3A_652 = arith.constant 0 : i32
        %scan3A_653 = arith.constant 16 : i32
        %scan3A_654 = arith.addi %scan3A_652, %scan3A_653 : i32
        %scan3A_655 = arith.constant 1 : i32
        scf.for %scan3A_657 = %scan3A_652 to %scan3A_654 step %scan3A_655  : i32 {
          %add3A_658 = arith.constant 0 : i32
          %add3A_659 = arith.addi %add3A_658, %scan3A_657 : i32
          %get3A = arith.index_cast %add3A_659 : i32 to index
          %get3A_660 = arith.constant 0 : index
          %get3A_661 = tpu.vector_load %arg7[%get3A, %get3A_660] {strides = array<i32>} : memref<32x64xi32, #tpu.memory_space<vmem>>, vector<1x16xi32>,
          %get3A_662 = vector.shape_cast %get3A_661 : vector<1x16xi32> to vector<16xi32>
          %add3A_663 = vector.broadcast %arg0 : i32 to vector<16xi32>
          %add3A_664 = arith.addi %get3A_662, %add3A_663 : vector<16xi32>
          %add3A_665 = arith.constant 0 : i32
          %add3A_666 = arith.addi %add3A_665, %scan3A_657 : i32
          %swap3A_667 = arith.index_cast %add3A_666 : i32 to index
          %swap3A_668 = arith.constant 0 : index
          %swap3A_669 = tpu.vector_load %arg7[%swap3A_667, %swap3A_668] {strides = array<i32>} : memref<32x64xi32, #tpu.memory_space<vmem>>, vector<1x16xi32>,
          %swap3A_670 = vector.shape_cast %swap3A_669 : vector<1x16xi32> to vector<16xi32>
          %swap3A_671 = vector.shape_cast %add3A_664 : vector<16xi32> to vector<1x16xi32>
          tpu.vector_store %arg7[%swap3A_667, %swap3A_668], %swap3A_671 {strides = array<i32>} : memref<32x64xi32, #tpu.memory_space<vmem>>, vector<1x16xi32>,
          %add3A_672 = arith.constant 0 : i32
          %add3A_673 = arith.addi %add3A_672, %scan3A_657 : i32
          %get3A_674 = arith.index_cast %add3A_673 : i32 to index
          %get3A_675 = arith.constant 16 : index
          %get3A_676 = tpu.vector_load %arg7[%get3A_674, %get3A_675] {strides = array<i32>} : memref<32x64xi32, #tpu.memory_space<vmem>>, vector<1x16xi32>,
          %get3A_677 = vector.shape_cast %get3A_676 : vector<1x16xi32> to vector<16xi32>
          %add3A_678 = vector.broadcast %arg0 : i32 to vector<16xi32>
          %add3A_679 = arith.addi %get3A_677, %add3A_678 : vector<16xi32>
          %add3A_680 = arith.constant 0 : i32
          %add3A_681 = arith.addi %add3A_680, %scan3A_657 : i32
          %swap3A_682 = arith.index_cast %add3A_681 : i32 to index
          %swap3A_683 = arith.constant 16 : index
          %swap3A_684 = tpu.vector_load %arg7[%swap3A_682, %swap3A_683] {strides = array<i32>} : memref<32x64xi32, #tpu.memory_space<vmem>>, vector<1x16xi32>,
          %swap3A_685 = vector.shape_cast %swap3A_684 : vector<1x16xi32> to vector<16xi32>
          %swap3A_686 = vector.shape_cast %add3A_679 : vector<16xi32> to vector<1x16xi32>
          tpu.vector_store %arg7[%swap3A_682, %swap3A_683], %swap3A_686 {strides = array<i32>} : memref<32x64xi32, #tpu.memory_space<vmem>>, vector<1x16xi32>,
          %add3A_687 = arith.constant 0 : i32
          %add3A_688 = arith.addi %add3A_687, %scan3A_657 : i32
          %get3A_689 = arith.index_cast %add3A_688 : i32 to index
          %get3A_690 = arith.constant 32 : index
          %get3A_691 = tpu.vector_load %arg7[%get3A_689, %get3A_690] {strides = array<i32>} : memref<32x64xi32, #tpu.memory_space<vmem>>, vector<1x16xi32>,
          %get3A_692 = vector.shape_cast %get3A_691 : vector<1x16xi32> to vector<16xi32>
          %add3A_693 = vector.broadcast %arg0 : i32 to vector<16xi32>
          %add3A_694 = arith.addi %get3A_692, %add3A_693 : vector<16xi32>
          %add3A_695 = arith.constant 0 : i32
          %add3A_696 = arith.addi %add3A_695, %scan3A_657 : i32
          %swap3A_697 = arith.index_cast %add3A_696 : i32 to index
          %swap3A_698 = arith.constant 32 : index
          %swap3A_699 = tpu.vector_load %arg7[%swap3A_697, %swap3A_698] {strides = array<i32>} : memref<32x64xi32, #tpu.memory_space<vmem>>, vector<1x16xi32>,
          %swap3A_700 = vector.shape_cast %swap3A_699 : vector<1x16xi32> to vector<16xi32>
          %swap3A_701 = vector.shape_cast %add3A_694 : vector<16xi32> to vector<1x16xi32>
          tpu.vector_store %arg7[%swap3A_697, %swap3A_698], %swap3A_701 {strides = array<i32>} : memref<32x64xi32, #tpu.memory_space<vmem>>, vector<1x16xi32>,
          %add3A_702 = arith.constant 0 : i32
          %add3A_703 = arith.addi %add3A_702, %scan3A_657 : i32
          %get3A_704 = arith.index_cast %add3A_703 : i32 to index
          %get3A_705 = arith.constant 48 : index
          %get3A_706 = tpu.vector_load %arg7[%get3A_704, %get3A_705] {strides = array<i32>} : memref<32x64xi32, #tpu.memory_space<vmem>>, vector<1x16xi32>,
          %get3A_707 = vector.shape_cast %get3A_706 : vector<1x16xi32> to vector<16xi32>
          %add3A_708 = vector.broadcast %arg0 : i32 to vector<16xi32>
          %add3A_709 = arith.addi %get3A_707, %add3A_708 : vector<16xi32>
          %add3A_710 = arith.constant 0 : i32
          %add3A_711 = arith.addi %add3A_710, %scan3A_657 : i32
          %swap3A_712 = arith.index_cast %add3A_711 : i32 to index
          %swap3A_713 = arith.constant 48 : index
          %swap3A_714 = tpu.vector_load %arg7[%swap3A_712, %swap3A_713] {strides = array<i32>} : memref<32x64xi32, #tpu.memory_space<vmem>>, vector<1x16xi32>,
          %swap3A_715 = vector.shape_cast %swap3A_714 : vector<1x16xi32> to vector<16xi32>
          %swap3A_716 = vector.shape_cast %add3A_709 : vector<16xi32> to vector<1x16xi32>
          tpu.vector_store %arg7[%swap3A_712, %swap3A_713], %swap3A_716 {strides = array<i32>} : memref<32x64xi32, #tpu.memory_space<vmem>>, vector<1x16xi32>,
        }
        %scan3A_656 = arith.constant 16 : i32
      } else {
      }
      %eq3A_346 = arith.constant 11 : i32
      %eq3A_347 = arith.cmpi eq, %scan3A_330, %eq3A_346 : i32
      %convert_element_type3A_348 = arith.extui %eq3A_347 : i1 to i32
      %cond3A_349 = arith.constant 0 : i32
      %cond3A_350 = arith.cmpi ne, %convert_element_type3A_348, %cond3A_349 : i32
      scf.if %cond3A_350 {
        %eq3A_627 = arith.constant 0 : i32
        %eq3A_628 = arith.cmpi eq, %arg0, %eq3A_627 : i32
        %eq3A_629 = arith.constant true
        %eq3A_630 = arith.xori %eq3A_628, %eq3A_629 : i1
        %eq3A_631 = arith.constant true
        %eq3A_632 = arith.xori %eq3A_630, %eq3A_631 : i1
        %convert_element_type3A_633 = arith.extui %eq3A_632 : i1 to i32
        %cond3A_634 = arith.constant 0 : i32
        %cond3A_635 = arith.cmpi ne, %convert_element_type3A_633, %cond3A_634 : i32
        scf.if %cond3A_635 {
          %dma_wait3A_660 = arith.constant 0 : i32
          %dma_wait3A_661 = arith.constant 0 : i32
          %dma_wait3A_662 = tpu.memref_slice %arg8[%dma_wait3A_660, %dma_wait3A_661] : memref<32x64xi32, #tpu.memory_space<vmem>> -> memref<1x64xi32, #tpu.memory_space<vmem>>
          %dma_wait3A_663 = tpu.memref_squeeze %dma_wait3A_662 : memref<1x64xi32, #tpu.memory_space<vmem>> -> memref<64xi32, #tpu.memory_space<vmem>>
          %dma_wait3A_664 = arith.constant 0 : i32
          %dma_wait3A_665 = tpu.memref_slice %arg15[%dma_wait3A_664] : memref<10112xf32, #tpu.memory_space<vmem_shared>> -> memref<10112xf32, #tpu.memory_space<vmem_shared>>
          tpu.wait_indirect_dma semaphore(%arg26 : memref<!tpu.dma_semaphore, #tpu.memory_space<semaphore_mem>>) src(%arg12 : memref<64xf32, #tpu.memory_space<vmem>>) dst(%dma_wait3A_665 : memref<10112xf32, #tpu.memory_space<vmem_shared>>)
          %dma_wait3A_666 = arith.constant 0 : i32
          %dma_wait3A_667 = arith.constant 0 : i32
          %dma_wait3A_668 = tpu.memref_slice %arg8[%dma_wait3A_666, %dma_wait3A_667] : memref<32x64xi32, #tpu.memory_space<vmem>> -> memref<1x64xi32, #tpu.memory_space<vmem>>
          %dma_wait3A_669 = tpu.memref_squeeze %dma_wait3A_668 : memref<1x64xi32, #tpu.memory_space<vmem>> -> memref<64xi32, #tpu.memory_space<vmem>>
          %dma_wait3A_670 = arith.constant 0 : i32
          %dma_wait3A_671 = tpu.memref_slice %arg15[%dma_wait3A_670] : memref<10112xf32, #tpu.memory_space<vmem_shared>> -> memref<10112xf32, #tpu.memory_space<vmem_shared>>
          tpu.wait_indirect_dma semaphore(%arg26 : memref<!tpu.dma_semaphore, #tpu.memory_space<semaphore_mem>>) src(%arg12 : memref<64xf32, #tpu.memory_space<vmem>>) dst(%dma_wait3A_671 : memref<10112xf32, #tpu.memory_space<vmem_shared>>)
          %dma_wait3A_672 = arith.constant 0 : i32
          %dma_wait3A_673 = arith.constant 0 : i32
          %dma_wait3A_674 = tpu.memref_slice %arg8[%dma_wait3A_672, %dma_wait3A_673] : memref<32x64xi32, #tpu.memory_space<vmem>> -> memref<1x64xi32, #tpu.memory_space<vmem>>
          %dma_wait3A_675 = tpu.memref_squeeze %dma_wait3A_674 : memref<1x64xi32, #tpu.memory_space<vmem>> -> memref<64xi32, #tpu.memory_space<vmem>>
          %dma_wait3A_676 = arith.constant 0 : i32
          %dma_wait3A_677 = tpu.memref_slice %arg15[%dma_wait3A_676] : memref<10112xf32, #tpu.memory_space<vmem_shared>> -> memref<10112xf32, #tpu.memory_space<vmem_shared>>
          tpu.wait_indirect_dma semaphore(%arg26 : memref<!tpu.dma_semaphore, #tpu.memory_space<semaphore_mem>>) src(%arg12 : memref<64xf32, #tpu.memory_space<vmem>>) dst(%dma_wait3A_677 : memref<10112xf32, #tpu.memory_space<vmem_shared>>)
          %dma_wait3A_678 = arith.constant 0 : i32
          %dma_wait3A_679 = arith.constant 0 : i32
          %dma_wait3A_680 = tpu.memref_slice %arg8[%dma_wait3A_678, %dma_wait3A_679] : memref<32x64xi32, #tpu.memory_space<vmem>> -> memref<1x64xi32, #tpu.memory_space<vmem>>
          %dma_wait3A_681 = tpu.memref_squeeze %dma_wait3A_680 : memref<1x64xi32, #tpu.memory_space<vmem>> -> memref<64xi32, #tpu.memory_space<vmem>>
          %dma_wait3A_682 = arith.constant 0 : i32
          %dma_wait3A_683 = tpu.memref_slice %arg15[%dma_wait3A_682] : memref<10112xf32, #tpu.memory_space<vmem_shared>> -> memref<10112xf32, #tpu.memory_space<vmem_shared>>
          tpu.wait_indirect_dma semaphore(%arg26 : memref<!tpu.dma_semaphore, #tpu.memory_space<semaphore_mem>>) src(%arg12 : memref<64xf32, #tpu.memory_space<vmem>>) dst(%dma_wait3A_683 : memref<10112xf32, #tpu.memory_space<vmem_shared>>)
          %dma_wait3A_684 = arith.constant 0 : i32
          %dma_wait3A_685 = arith.constant 0 : i32
          %dma_wait3A_686 = tpu.memref_slice %arg8[%dma_wait3A_684, %dma_wait3A_685] : memref<32x64xi32, #tpu.memory_space<vmem>> -> memref<1x64xi32, #tpu.memory_space<vmem>>
          %dma_wait3A_687 = tpu.memref_squeeze %dma_wait3A_686 : memref<1x64xi32, #tpu.memory_space<vmem>> -> memref<64xi32, #tpu.memory_space<vmem>>
          %dma_wait3A_688 = arith.constant 0 : i32
          %dma_wait3A_689 = tpu.memref_slice %arg15[%dma_wait3A_688] : memref<10112xf32, #tpu.memory_space<vmem_shared>> -> memref<10112xf32, #tpu.memory_space<vmem_shared>>
          tpu.wait_indirect_dma semaphore(%arg26 : memref<!tpu.dma_semaphore, #tpu.memory_space<semaphore_mem>>) src(%arg12 : memref<64xf32, #tpu.memory_space<vmem>>) dst(%dma_wait3A_689 : memref<10112xf32, #tpu.memory_space<vmem_shared>>)
          %dma_wait3A_690 = arith.constant 0 : i32
          %dma_wait3A_691 = arith.constant 0 : i32
          %dma_wait3A_692 = tpu.memref_slice %arg8[%dma_wait3A_690, %dma_wait3A_691] : memref<32x64xi32, #tpu.memory_space<vmem>> -> memref<1x64xi32, #tpu.memory_space<vmem>>
          %dma_wait3A_693 = tpu.memref_squeeze %dma_wait3A_692 : memref<1x64xi32, #tpu.memory_space<vmem>> -> memref<64xi32, #tpu.memory_space<vmem>>
          %dma_wait3A_694 = arith.constant 0 : i32
          %dma_wait3A_695 = tpu.memref_slice %arg15[%dma_wait3A_694] : memref<10112xf32, #tpu.memory_space<vmem_shared>> -> memref<10112xf32, #tpu.memory_space<vmem_shared>>
          tpu.wait_indirect_dma semaphore(%arg26 : memref<!tpu.dma_semaphore, #tpu.memory_space<semaphore_mem>>) src(%arg12 : memref<64xf32, #tpu.memory_space<vmem>>) dst(%dma_wait3A_695 : memref<10112xf32, #tpu.memory_space<vmem_shared>>)
          %dma_wait3A_696 = arith.constant 0 : i32
          %dma_wait3A_697 = arith.constant 0 : i32
          %dma_wait3A_698 = tpu.memref_slice %arg8[%dma_wait3A_696, %dma_wait3A_697] : memref<32x64xi32, #tpu.memory_space<vmem>> -> memref<1x64xi32, #tpu.memory_space<vmem>>
          %dma_wait3A_699 = tpu.memref_squeeze %dma_wait3A_698 : memref<1x64xi32, #tpu.memory_space<vmem>> -> memref<64xi32, #tpu.memory_space<vmem>>
          %dma_wait3A_700 = arith.constant 0 : i32
          %dma_wait3A_701 = tpu.memref_slice %arg15[%dma_wait3A_700] : memref<10112xf32, #tpu.memory_space<vmem_shared>> -> memref<10112xf32, #tpu.memory_space<vmem_shared>>
          tpu.wait_indirect_dma semaphore(%arg26 : memref<!tpu.dma_semaphore, #tpu.memory_space<semaphore_mem>>) src(%arg12 : memref<64xf32, #tpu.memory_space<vmem>>) dst(%dma_wait3A_701 : memref<10112xf32, #tpu.memory_space<vmem_shared>>)
          %dma_wait3A_702 = arith.constant 0 : i32
          %dma_wait3A_703 = arith.constant 0 : i32
          %dma_wait3A_704 = tpu.memref_slice %arg8[%dma_wait3A_702, %dma_wait3A_703] : memref<32x64xi32, #tpu.memory_space<vmem>> -> memref<1x64xi32, #tpu.memory_space<vmem>>
          %dma_wait3A_705 = tpu.memref_squeeze %dma_wait3A_704 : memref<1x64xi32, #tpu.memory_space<vmem>> -> memref<64xi32, #tpu.memory_space<vmem>>
          %dma_wait3A_706 = arith.constant 0 : i32
          %dma_wait3A_707 = tpu.memref_slice %arg15[%dma_wait3A_706] : memref<10112xf32, #tpu.memory_space<vmem_shared>> -> memref<10112xf32, #tpu.memory_space<vmem_shared>>
          tpu.wait_indirect_dma semaphore(%arg26 : memref<!tpu.dma_semaphore, #tpu.memory_space<semaphore_mem>>) src(%arg12 : memref<64xf32, #tpu.memory_space<vmem>>) dst(%dma_wait3A_707 : memref<10112xf32, #tpu.memory_space<vmem_shared>>)
          %dma_wait3A_708 = arith.constant 0 : i32
          %dma_wait3A_709 = arith.constant 0 : i32
          %dma_wait3A_710 = tpu.memref_slice %arg8[%dma_wait3A_708, %dma_wait3A_709] : memref<32x64xi32, #tpu.memory_space<vmem>> -> memref<1x64xi32, #tpu.memory_space<vmem>>
          %dma_wait3A_711 = tpu.memref_squeeze %dma_wait3A_710 : memref<1x64xi32, #tpu.memory_space<vmem>> -> memref<64xi32, #tpu.memory_space<vmem>>
          %dma_wait3A_712 = arith.constant 0 : i32
          %dma_wait3A_713 = tpu.memref_slice %arg15[%dma_wait3A_712] : memref<10112xf32, #tpu.memory_space<vmem_shared>> -> memref<10112xf32, #tpu.memory_space<vmem_shared>>
          tpu.wait_indirect_dma semaphore(%arg26 : memref<!tpu.dma_semaphore, #tpu.memory_space<semaphore_mem>>) src(%arg12 : memref<64xf32, #tpu.memory_space<vmem>>) dst(%dma_wait3A_713 : memref<10112xf32, #tpu.memory_space<vmem_shared>>)
          %dma_wait3A_714 = arith.constant 0 : i32
          %dma_wait3A_715 = arith.constant 0 : i32
          %dma_wait3A_716 = tpu.memref_slice %arg8[%dma_wait3A_714, %dma_wait3A_715] : memref<32x64xi32, #tpu.memory_space<vmem>> -> memref<1x64xi32, #tpu.memory_space<vmem>>
          %dma_wait3A_717 = tpu.memref_squeeze %dma_wait3A_716 : memref<1x64xi32, #tpu.memory_space<vmem>> -> memref<64xi32, #tpu.memory_space<vmem>>
          %dma_wait3A_718 = arith.constant 0 : i32
          %dma_wait3A_719 = tpu.memref_slice %arg15[%dma_wait3A_718] : memref<10112xf32, #tpu.memory_space<vmem_shared>> -> memref<10112xf32, #tpu.memory_space<vmem_shared>>
          tpu.wait_indirect_dma semaphore(%arg26 : memref<!tpu.dma_semaphore, #tpu.memory_space<semaphore_mem>>) src(%arg12 : memref<64xf32, #tpu.memory_space<vmem>>) dst(%dma_wait3A_719 : memref<10112xf32, #tpu.memory_space<vmem_shared>>)
          %dma_wait3A_720 = arith.constant 0 : i32
          %dma_wait3A_721 = arith.constant 0 : i32
          %dma_wait3A_722 = tpu.memref_slice %arg8[%dma_wait3A_720, %dma_wait3A_721] : memref<32x64xi32, #tpu.memory_space<vmem>> -> memref<1x64xi32, #tpu.memory_space<vmem>>
          %dma_wait3A_723 = tpu.memref_squeeze %dma_wait3A_722 : memref<1x64xi32, #tpu.memory_space<vmem>> -> memref<64xi32, #tpu.memory_space<vmem>>
          %dma_wait3A_724 = arith.constant 0 : i32
          %dma_wait3A_725 = tpu.memref_slice %arg15[%dma_wait3A_724] : memref<10112xf32, #tpu.memory_space<vmem_shared>> -> memref<10112xf32, #tpu.memory_space<vmem_shared>>
          tpu.wait_indirect_dma semaphore(%arg26 : memref<!tpu.dma_semaphore, #tpu.memory_space<semaphore_mem>>) src(%arg12 : memref<64xf32, #tpu.memory_space<vmem>>) dst(%dma_wait3A_725 : memref<10112xf32, #tpu.memory_space<vmem_shared>>)
          %dma_wait3A_726 = arith.constant 0 : i32
          %dma_wait3A_727 = arith.constant 0 : i32
          %dma_wait3A_728 = tpu.memref_slice %arg8[%dma_wait3A_726, %dma_wait3A_727] : memref<32x64xi32, #tpu.memory_space<vmem>> -> memref<1x64xi32, #tpu.memory_space<vmem>>
          %dma_wait3A_729 = tpu.memref_squeeze %dma_wait3A_728 : memref<1x64xi32, #tpu.memory_space<vmem>> -> memref<64xi32, #tpu.memory_space<vmem>>
          %dma_wait3A_730 = arith.constant 0 : i32
          %dma_wait3A_731 = tpu.memref_slice %arg15[%dma_wait3A_730] : memref<10112xf32, #tpu.memory_space<vmem_shared>> -> memref<10112xf32, #tpu.memory_space<vmem_shared>>
          tpu.wait_indirect_dma semaphore(%arg26 : memref<!tpu.dma_semaphore, #tpu.memory_space<semaphore_mem>>) src(%arg12 : memref<64xf32, #tpu.memory_space<vmem>>) dst(%dma_wait3A_731 : memref<10112xf32, #tpu.memory_space<vmem_shared>>)
          %dma_wait3A_732 = arith.constant 0 : i32
          %dma_wait3A_733 = arith.constant 0 : i32
          %dma_wait3A_734 = tpu.memref_slice %arg8[%dma_wait3A_732, %dma_wait3A_733] : memref<32x64xi32, #tpu.memory_space<vmem>> -> memref<1x64xi32, #tpu.memory_space<vmem>>
          %dma_wait3A_735 = tpu.memref_squeeze %dma_wait3A_734 : memref<1x64xi32, #tpu.memory_space<vmem>> -> memref<64xi32, #tpu.memory_space<vmem>>
          %dma_wait3A_736 = arith.constant 0 : i32
          %dma_wait3A_737 = tpu.memref_slice %arg15[%dma_wait3A_736] : memref<10112xf32, #tpu.memory_space<vmem_shared>> -> memref<10112xf32, #tpu.memory_space<vmem_shared>>
          tpu.wait_indirect_dma semaphore(%arg26 : memref<!tpu.dma_semaphore, #tpu.memory_space<semaphore_mem>>) src(%arg12 : memref<64xf32, #tpu.memory_space<vmem>>) dst(%dma_wait3A_737 : memref<10112xf32, #tpu.memory_space<vmem_shared>>)
          %dma_wait3A_738 = arith.constant 0 : i32
          %dma_wait3A_739 = arith.constant 0 : i32
          %dma_wait3A_740 = tpu.memref_slice %arg8[%dma_wait3A_738, %dma_wait3A_739] : memref<32x64xi32, #tpu.memory_space<vmem>> -> memref<1x64xi32, #tpu.memory_space<vmem>>
          %dma_wait3A_741 = tpu.memref_squeeze %dma_wait3A_740 : memref<1x64xi32, #tpu.memory_space<vmem>> -> memref<64xi32, #tpu.memory_space<vmem>>
          %dma_wait3A_742 = arith.constant 0 : i32
          %dma_wait3A_743 = tpu.memref_slice %arg15[%dma_wait3A_742] : memref<10112xf32, #tpu.memory_space<vmem_shared>> -> memref<10112xf32, #tpu.memory_space<vmem_shared>>
          tpu.wait_indirect_dma semaphore(%arg26 : memref<!tpu.dma_semaphore, #tpu.memory_space<semaphore_mem>>) src(%arg12 : memref<64xf32, #tpu.memory_space<vmem>>) dst(%dma_wait3A_743 : memref<10112xf32, #tpu.memory_space<vmem_shared>>)
          %dma_wait3A_744 = arith.constant 0 : i32
          %dma_wait3A_745 = arith.constant 0 : i32
          %dma_wait3A_746 = tpu.memref_slice %arg8[%dma_wait3A_744, %dma_wait3A_745] : memref<32x64xi32, #tpu.memory_space<vmem>> -> memref<1x64xi32, #tpu.memory_space<vmem>>
          %dma_wait3A_747 = tpu.memref_squeeze %dma_wait3A_746 : memref<1x64xi32, #tpu.memory_space<vmem>> -> memref<64xi32, #tpu.memory_space<vmem>>
          %dma_wait3A_748 = arith.constant 0 : i32
          %dma_wait3A_749 = tpu.memref_slice %arg15[%dma_wait3A_748] : memref<10112xf32, #tpu.memory_space<vmem_shared>> -> memref<10112xf32, #tpu.memory_space<vmem_shared>>
          tpu.wait_indirect_dma semaphore(%arg26 : memref<!tpu.dma_semaphore, #tpu.memory_space<semaphore_mem>>) src(%arg12 : memref<64xf32, #tpu.memory_space<vmem>>) dst(%dma_wait3A_749 : memref<10112xf32, #tpu.memory_space<vmem_shared>>)
          %dma_wait3A_750 = arith.constant 0 : i32
          %dma_wait3A_751 = arith.constant 0 : i32
          %dma_wait3A_752 = tpu.memref_slice %arg8[%dma_wait3A_750, %dma_wait3A_751] : memref<32x64xi32, #tpu.memory_space<vmem>> -> memref<1x64xi32, #tpu.memory_space<vmem>>
          %dma_wait3A_753 = tpu.memref_squeeze %dma_wait3A_752 : memref<1x64xi32, #tpu.memory_space<vmem>> -> memref<64xi32, #tpu.memory_space<vmem>>
          %dma_wait3A_754 = arith.constant 0 : i32
          %dma_wait3A_755 = tpu.memref_slice %arg15[%dma_wait3A_754] : memref<10112xf32, #tpu.memory_space<vmem_shared>> -> memref<10112xf32, #tpu.memory_space<vmem_shared>>
          tpu.wait_indirect_dma semaphore(%arg26 : memref<!tpu.dma_semaphore, #tpu.memory_space<semaphore_mem>>) src(%arg12 : memref<64xf32, #tpu.memory_space<vmem>>) dst(%dma_wait3A_755 : memref<10112xf32, #tpu.memory_space<vmem_shared>>)
        } else {
        }
        %add3A_636 = arith.constant 48 : i32
        %add3A_637 = arith.addi %mul3A_33, %add3A_636 : i32
        %dma_start3A_638 = arith.constant 16 : i32
        %dma_start3A_639 = arith.constant 0 : i32
        %dma_start3A_640 = tpu.memref_slice %arg7[%dma_start3A_638, %dma_start3A_639] : memref<32x64xi32, #tpu.memory_space<vmem>> -> memref<16x64xi32, #tpu.memory_space<vmem>>
        %dma_start3A_641 = arith.constant 0 : i32
        %dma_start3A_642 = tpu.memref_slice %arg3[%add3A_637, %dma_start3A_641] : memref<2560x64xi32, #tpu.memory_space<hbm>> -> memref<16x64xi32, #tpu.memory_space<hbm>>
        %dma_start3A_643 = arith.constant 16 : i32
        %dma_start3A_644 = arith.constant 0 : i32
        %dma_start3A_645 = tpu.memref_slice %arg7[%dma_start3A_643, %dma_start3A_644] : memref<32x64xi32, #tpu.memory_space<vmem>> -> memref<16x64xi32, #tpu.memory_space<vmem>>
        %dma_start3A_646 = arith.constant 0 : i32
        %dma_start3A_647 = tpu.memref_slice %arg3[%add3A_637, %dma_start3A_646] : memref<2560x64xi32, #tpu.memory_space<hbm>> -> memref<16x64xi32, #tpu.memory_space<hbm>>
        tpu.enqueue_dma source(%dma_start3A_647 : memref<16x64xi32, #tpu.memory_space<hbm>>) target(%dma_start3A_645 : memref<16x64xi32, #tpu.memory_space<vmem>>) target_semaphore(%arg17 : memref<!tpu.dma_semaphore, #tpu.memory_space<semaphore_mem>>)
        %add3A_648 = arith.constant 48 : i32
        %add3A_649 = arith.addi %mul3A_33, %add3A_648 : i32
        %dma_start3A_650 = arith.constant 16 : i32
        %dma_start3A_651 = arith.constant 0 : i32
        %dma_start3A_652 = tpu.memref_slice %arg8[%dma_start3A_650, %dma_start3A_651] : memref<32x64xi32, #tpu.memory_space<vmem>> -> memref<16x64xi32, #tpu.memory_space<vmem>>
        %dma_start3A_653 = arith.constant 0 : i32
        %dma_start3A_654 = tpu.memref_slice %arg4[%add3A_649, %dma_start3A_653] : memref<2560x64xi32, #tpu.memory_space<hbm>> -> memref<16x64xi32, #tpu.memory_space<hbm>>
        %dma_start3A_655 = arith.constant 16 : i32
        %dma_start3A_656 = arith.constant 0 : i32
        %dma_start3A_657 = tpu.memref_slice %arg8[%dma_start3A_655, %dma_start3A_656] : memref<32x64xi32, #tpu.memory_space<vmem>> -> memref<16x64xi32, #tpu.memory_space<vmem>>
        %dma_start3A_658 = arith.constant 0 : i32
        %dma_start3A_659 = tpu.memref_slice %arg4[%add3A_649, %dma_start3A_658] : memref<2560x64xi32, #tpu.memory_space<hbm>> -> memref<16x64xi32, #tpu.memory_space<hbm>>
        tpu.enqueue_dma source(%dma_start3A_659 : memref<16x64xi32, #tpu.memory_space<hbm>>) target(%dma_start3A_657 : memref<16x64xi32, #tpu.memory_space<vmem>>) target_semaphore(%arg19 : memref<!tpu.dma_semaphore, #tpu.memory_space<semaphore_mem>>)
      } else {
      }
      %eq3A_351 = arith.constant 15 : i32
      %eq3A_352 = arith.cmpi eq, %scan3A_330, %eq3A_351 : i32
      %convert_element_type3A_353 = arith.extui %eq3A_352 : i1 to i32
      %cond3A_354 = arith.constant 0 : i32
      %cond3A_355 = arith.cmpi ne, %convert_element_type3A_353, %cond3A_354 : i32
      scf.if %cond3A_355 {
        %add3A_627 = arith.constant 48 : i32
        %add3A_628 = arith.addi %mul3A_33, %add3A_627 : i32
        %dma_wait3A_629 = arith.constant 16 : i32
        %dma_wait3A_630 = arith.constant 0 : i32
        %dma_wait3A_631 = tpu.memref_slice %arg7[%dma_wait3A_629, %dma_wait3A_630] : memref<32x64xi32, #tpu.memory_space<vmem>> -> memref<16x64xi32, #tpu.memory_space<vmem>>
        %dma_wait3A_632 = arith.constant 0 : i32
        %dma_wait3A_633 = tpu.memref_slice %arg3[%add3A_628, %dma_wait3A_632] : memref<2560x64xi32, #tpu.memory_space<hbm>> -> memref<16x64xi32, #tpu.memory_space<hbm>>
        %dma_wait3A_634 = arith.constant 16 : i32
        %dma_wait3A_635 = arith.constant 0 : i32
        %dma_wait3A_636 = tpu.memref_slice %arg7[%dma_wait3A_634, %dma_wait3A_635] : memref<32x64xi32, #tpu.memory_space<vmem>> -> memref<16x64xi32, #tpu.memory_space<vmem>>
        %dma_wait3A_637 = arith.constant 0 : i32
        %dma_wait3A_638 = tpu.memref_slice %arg3[%add3A_628, %dma_wait3A_637] : memref<2560x64xi32, #tpu.memory_space<hbm>> -> memref<16x64xi32, #tpu.memory_space<hbm>>
        tpu.wait_dma2 semaphore(%arg17 : memref<!tpu.dma_semaphore, #tpu.memory_space<semaphore_mem>>) src(%dma_wait3A_638 : memref<16x64xi32, #tpu.memory_space<hbm>>) dst(%dma_wait3A_636 : memref<16x64xi32, #tpu.memory_space<vmem>>)
        %add3A_639 = arith.constant 48 : i32
        %add3A_640 = arith.addi %mul3A_33, %add3A_639 : i32
        %dma_wait3A_641 = arith.constant 16 : i32
        %dma_wait3A_642 = arith.constant 0 : i32
        %dma_wait3A_643 = tpu.memref_slice %arg8[%dma_wait3A_641, %dma_wait3A_642] : memref<32x64xi32, #tpu.memory_space<vmem>> -> memref<16x64xi32, #tpu.memory_space<vmem>>
        %dma_wait3A_644 = arith.constant 0 : i32
        %dma_wait3A_645 = tpu.memref_slice %arg4[%add3A_640, %dma_wait3A_644] : memref<2560x64xi32, #tpu.memory_space<hbm>> -> memref<16x64xi32, #tpu.memory_space<hbm>>
        %dma_wait3A_646 = arith.constant 16 : i32
        %dma_wait3A_647 = arith.constant 0 : i32
        %dma_wait3A_648 = tpu.memref_slice %arg8[%dma_wait3A_646, %dma_wait3A_647] : memref<32x64xi32, #tpu.memory_space<vmem>> -> memref<16x64xi32, #tpu.memory_space<vmem>>
        %dma_wait3A_649 = arith.constant 0 : i32
        %dma_wait3A_650 = tpu.memref_slice %arg4[%add3A_640, %dma_wait3A_649] : memref<2560x64xi32, #tpu.memory_space<hbm>> -> memref<16x64xi32, #tpu.memory_space<hbm>>
        tpu.wait_dma2 semaphore(%arg19 : memref<!tpu.dma_semaphore, #tpu.memory_space<semaphore_mem>>) src(%dma_wait3A_650 : memref<16x64xi32, #tpu.memory_space<hbm>>) dst(%dma_wait3A_648 : memref<16x64xi32, #tpu.memory_space<vmem>>)
        %scan3A_651 = arith.constant 0 : i32
        %scan3A_652 = arith.constant 0 : i32
        %scan3A_653 = arith.constant 16 : i32
        %scan3A_654 = arith.addi %scan3A_652, %scan3A_653 : i32
        %scan3A_655 = arith.constant 1 : i32
        scf.for %scan3A_657 = %scan3A_652 to %scan3A_654 step %scan3A_655  : i32 {
          %add3A_658 = arith.constant 16 : i32
          %add3A_659 = arith.addi %add3A_658, %scan3A_657 : i32
          %get3A = arith.index_cast %add3A_659 : i32 to index
          %get3A_660 = arith.constant 0 : index
          %get3A_661 = tpu.vector_load %arg7[%get3A, %get3A_660] {strides = array<i32>} : memref<32x64xi32, #tpu.memory_space<vmem>>, vector<1x16xi32>,
          %get3A_662 = vector.shape_cast %get3A_661 : vector<1x16xi32> to vector<16xi32>
          %add3A_663 = vector.broadcast %arg0 : i32 to vector<16xi32>
          %add3A_664 = arith.addi %get3A_662, %add3A_663 : vector<16xi32>
          %add3A_665 = arith.constant 16 : i32
          %add3A_666 = arith.addi %add3A_665, %scan3A_657 : i32
          %swap3A_667 = arith.index_cast %add3A_666 : i32 to index
          %swap3A_668 = arith.constant 0 : index
          %swap3A_669 = tpu.vector_load %arg7[%swap3A_667, %swap3A_668] {strides = array<i32>} : memref<32x64xi32, #tpu.memory_space<vmem>>, vector<1x16xi32>,
          %swap3A_670 = vector.shape_cast %swap3A_669 : vector<1x16xi32> to vector<16xi32>
          %swap3A_671 = vector.shape_cast %add3A_664 : vector<16xi32> to vector<1x16xi32>
          tpu.vector_store %arg7[%swap3A_667, %swap3A_668], %swap3A_671 {strides = array<i32>} : memref<32x64xi32, #tpu.memory_space<vmem>>, vector<1x16xi32>,
          %add3A_672 = arith.constant 16 : i32
          %add3A_673 = arith.addi %add3A_672, %scan3A_657 : i32
          %get3A_674 = arith.index_cast %add3A_673 : i32 to index
          %get3A_675 = arith.constant 16 : index
          %get3A_676 = tpu.vector_load %arg7[%get3A_674, %get3A_675] {strides = array<i32>} : memref<32x64xi32, #tpu.memory_space<vmem>>, vector<1x16xi32>,
          %get3A_677 = vector.shape_cast %get3A_676 : vector<1x16xi32> to vector<16xi32>
          %add3A_678 = vector.broadcast %arg0 : i32 to vector<16xi32>
          %add3A_679 = arith.addi %get3A_677, %add3A_678 : vector<16xi32>
          %add3A_680 = arith.constant 16 : i32
          %add3A_681 = arith.addi %add3A_680, %scan3A_657 : i32
          %swap3A_682 = arith.index_cast %add3A_681 : i32 to index
          %swap3A_683 = arith.constant 16 : index
          %swap3A_684 = tpu.vector_load %arg7[%swap3A_682, %swap3A_683] {strides = array<i32>} : memref<32x64xi32, #tpu.memory_space<vmem>>, vector<1x16xi32>,
          %swap3A_685 = vector.shape_cast %swap3A_684 : vector<1x16xi32> to vector<16xi32>
          %swap3A_686 = vector.shape_cast %add3A_679 : vector<16xi32> to vector<1x16xi32>
          tpu.vector_store %arg7[%swap3A_682, %swap3A_683], %swap3A_686 {strides = array<i32>} : memref<32x64xi32, #tpu.memory_space<vmem>>, vector<1x16xi32>,
          %add3A_687 = arith.constant 16 : i32
          %add3A_688 = arith.addi %add3A_687, %scan3A_657 : i32
          %get3A_689 = arith.index_cast %add3A_688 : i32 to index
          %get3A_690 = arith.constant 32 : index
          %get3A_691 = tpu.vector_load %arg7[%get3A_689, %get3A_690] {strides = array<i32>} : memref<32x64xi32, #tpu.memory_space<vmem>>, vector<1x16xi32>,
          %get3A_692 = vector.shape_cast %get3A_691 : vector<1x16xi32> to vector<16xi32>
          %add3A_693 = vector.broadcast %arg0 : i32 to vector<16xi32>
          %add3A_694 = arith.addi %get3A_692, %add3A_693 : vector<16xi32>
          %add3A_695 = arith.constant 16 : i32
          %add3A_696 = arith.addi %add3A_695, %scan3A_657 : i32
          %swap3A_697 = arith.index_cast %add3A_696 : i32 to index
          %swap3A_698 = arith.constant 32 : index
          %swap3A_699 = tpu.vector_load %arg7[%swap3A_697, %swap3A_698] {strides = array<i32>} : memref<32x64xi32, #tpu.memory_space<vmem>>, vector<1x16xi32>,
          %swap3A_700 = vector.shape_cast %swap3A_699 : vector<1x16xi32> to vector<16xi32>
          %swap3A_701 = vector.shape_cast %add3A_694 : vector<16xi32> to vector<1x16xi32>
          tpu.vector_store %arg7[%swap3A_697, %swap3A_698], %swap3A_701 {strides = array<i32>} : memref<32x64xi32, #tpu.memory_space<vmem>>, vector<1x16xi32>,
          %add3A_702 = arith.constant 16 : i32
          %add3A_703 = arith.addi %add3A_702, %scan3A_657 : i32
          %get3A_704 = arith.index_cast %add3A_703 : i32 to index
          %get3A_705 = arith.constant 48 : index
          %get3A_706 = tpu.vector_load %arg7[%get3A_704, %get3A_705] {strides = array<i32>} : memref<32x64xi32, #tpu.memory_space<vmem>>, vector<1x16xi32>,
          %get3A_707 = vector.shape_cast %get3A_706 : vector<1x16xi32> to vector<16xi32>
          %add3A_708 = vector.broadcast %arg0 : i32 to vector<16xi32>
          %add3A_709 = arith.addi %get3A_707, %add3A_708 : vector<16xi32>
          %add3A_710 = arith.constant 16 : i32
          %add3A_711 = arith.addi %add3A_710, %scan3A_657 : i32
          %swap3A_712 = arith.index_cast %add3A_711 : i32 to index
          %swap3A_713 = arith.constant 48 : index
          %swap3A_714 = tpu.vector_load %arg7[%swap3A_712, %swap3A_713] {strides = array<i32>} : memref<32x64xi32, #tpu.memory_space<vmem>>, vector<1x16xi32>,
          %swap3A_715 = vector.shape_cast %swap3A_714 : vector<1x16xi32> to vector<16xi32>
          %swap3A_716 = vector.shape_cast %add3A_709 : vector<16xi32> to vector<1x16xi32>
          tpu.vector_store %arg7[%swap3A_712, %swap3A_713], %swap3A_716 {strides = array<i32>} : memref<32x64xi32, #tpu.memory_space<vmem>>, vector<1x16xi32>,
        }
        %scan3A_656 = arith.constant 16 : i32
      } else {
      }
      %eq3A_356 = arith.constant 16 : i32
      %eq3A_357 = arith.cmpi eq, %scan3A_330, %eq3A_356 : i32
      %convert_element_type3A_358 = arith.extui %eq3A_357 : i1 to i32
      %cond3A_359 = arith.constant 0 : i32
      %cond3A_360 = arith.cmpi ne, %convert_element_type3A_358, %cond3A_359 : i32
      scf.if %cond3A_360 {
        %eq3A_627 = arith.constant 0 : i32
        %eq3A_628 = arith.cmpi eq, %arg0, %eq3A_627 : i32
        %eq3A_629 = arith.constant true
        %eq3A_630 = arith.xori %eq3A_628, %eq3A_629 : i1
        %eq3A_631 = arith.constant true
        %eq3A_632 = arith.xori %eq3A_630, %eq3A_631 : i1
        %convert_element_type3A_633 = arith.extui %eq3A_632 : i1 to i32
        %cond3A_634 = arith.constant 0 : i32
        %cond3A_635 = arith.cmpi ne, %convert_element_type3A_633, %cond3A_634 : i32
        scf.if %cond3A_635 {
          %dma_wait3A_660 = arith.constant 0 : i32
          %dma_wait3A_661 = arith.constant 0 : i32
          %dma_wait3A_662 = tpu.memref_slice %arg8[%dma_wait3A_660, %dma_wait3A_661] : memref<32x64xi32, #tpu.memory_space<vmem>> -> memref<1x64xi32, #tpu.memory_space<vmem>>
          %dma_wait3A_663 = tpu.memref_squeeze %dma_wait3A_662 : memref<1x64xi32, #tpu.memory_space<vmem>> -> memref<64xi32, #tpu.memory_space<vmem>>
          %dma_wait3A_664 = arith.constant 0 : i32
          %dma_wait3A_665 = tpu.memref_slice %arg15[%dma_wait3A_664] : memref<10112xf32, #tpu.memory_space<vmem_shared>> -> memref<10112xf32, #tpu.memory_space<vmem_shared>>
          tpu.wait_indirect_dma semaphore(%arg26 : memref<!tpu.dma_semaphore, #tpu.memory_space<semaphore_mem>>) src(%arg12 : memref<64xf32, #tpu.memory_space<vmem>>) dst(%dma_wait3A_665 : memref<10112xf32, #tpu.memory_space<vmem_shared>>)
          %dma_wait3A_666 = arith.constant 0 : i32
          %dma_wait3A_667 = arith.constant 0 : i32
          %dma_wait3A_668 = tpu.memref_slice %arg8[%dma_wait3A_666, %dma_wait3A_667] : memref<32x64xi32, #tpu.memory_space<vmem>> -> memref<1x64xi32, #tpu.memory_space<vmem>>
          %dma_wait3A_669 = tpu.memref_squeeze %dma_wait3A_668 : memref<1x64xi32, #tpu.memory_space<vmem>> -> memref<64xi32, #tpu.memory_space<vmem>>
          %dma_wait3A_670 = arith.constant 0 : i32
          %dma_wait3A_671 = tpu.memref_slice %arg15[%dma_wait3A_670] : memref<10112xf32, #tpu.memory_space<vmem_shared>> -> memref<10112xf32, #tpu.memory_space<vmem_shared>>
          tpu.wait_indirect_dma semaphore(%arg26 : memref<!tpu.dma_semaphore, #tpu.memory_space<semaphore_mem>>) src(%arg12 : memref<64xf32, #tpu.memory_space<vmem>>) dst(%dma_wait3A_671 : memref<10112xf32, #tpu.memory_space<vmem_shared>>)
          %dma_wait3A_672 = arith.constant 0 : i32
          %dma_wait3A_673 = arith.constant 0 : i32
          %dma_wait3A_674 = tpu.memref_slice %arg8[%dma_wait3A_672, %dma_wait3A_673] : memref<32x64xi32, #tpu.memory_space<vmem>> -> memref<1x64xi32, #tpu.memory_space<vmem>>
          %dma_wait3A_675 = tpu.memref_squeeze %dma_wait3A_674 : memref<1x64xi32, #tpu.memory_space<vmem>> -> memref<64xi32, #tpu.memory_space<vmem>>
          %dma_wait3A_676 = arith.constant 0 : i32
          %dma_wait3A_677 = tpu.memref_slice %arg15[%dma_wait3A_676] : memref<10112xf32, #tpu.memory_space<vmem_shared>> -> memref<10112xf32, #tpu.memory_space<vmem_shared>>
          tpu.wait_indirect_dma semaphore(%arg26 : memref<!tpu.dma_semaphore, #tpu.memory_space<semaphore_mem>>) src(%arg12 : memref<64xf32, #tpu.memory_space<vmem>>) dst(%dma_wait3A_677 : memref<10112xf32, #tpu.memory_space<vmem_shared>>)
          %dma_wait3A_678 = arith.constant 0 : i32
          %dma_wait3A_679 = arith.constant 0 : i32
          %dma_wait3A_680 = tpu.memref_slice %arg8[%dma_wait3A_678, %dma_wait3A_679] : memref<32x64xi32, #tpu.memory_space<vmem>> -> memref<1x64xi32, #tpu.memory_space<vmem>>
          %dma_wait3A_681 = tpu.memref_squeeze %dma_wait3A_680 : memref<1x64xi32, #tpu.memory_space<vmem>> -> memref<64xi32, #tpu.memory_space<vmem>>
          %dma_wait3A_682 = arith.constant 0 : i32
          %dma_wait3A_683 = tpu.memref_slice %arg15[%dma_wait3A_682] : memref<10112xf32, #tpu.memory_space<vmem_shared>> -> memref<10112xf32, #tpu.memory_space<vmem_shared>>
          tpu.wait_indirect_dma semaphore(%arg26 : memref<!tpu.dma_semaphore, #tpu.memory_space<semaphore_mem>>) src(%arg12 : memref<64xf32, #tpu.memory_space<vmem>>) dst(%dma_wait3A_683 : memref<10112xf32, #tpu.memory_space<vmem_shared>>)
          %dma_wait3A_684 = arith.constant 0 : i32
          %dma_wait3A_685 = arith.constant 0 : i32
          %dma_wait3A_686 = tpu.memref_slice %arg8[%dma_wait3A_684, %dma_wait3A_685] : memref<32x64xi32, #tpu.memory_space<vmem>> -> memref<1x64xi32, #tpu.memory_space<vmem>>
          %dma_wait3A_687 = tpu.memref_squeeze %dma_wait3A_686 : memref<1x64xi32, #tpu.memory_space<vmem>> -> memref<64xi32, #tpu.memory_space<vmem>>
          %dma_wait3A_688 = arith.constant 0 : i32
          %dma_wait3A_689 = tpu.memref_slice %arg15[%dma_wait3A_688] : memref<10112xf32, #tpu.memory_space<vmem_shared>> -> memref<10112xf32, #tpu.memory_space<vmem_shared>>
          tpu.wait_indirect_dma semaphore(%arg26 : memref<!tpu.dma_semaphore, #tpu.memory_space<semaphore_mem>>) src(%arg12 : memref<64xf32, #tpu.memory_space<vmem>>) dst(%dma_wait3A_689 : memref<10112xf32, #tpu.memory_space<vmem_shared>>)
          %dma_wait3A_690 = arith.constant 0 : i32
          %dma_wait3A_691 = arith.constant 0 : i32
          %dma_wait3A_692 = tpu.memref_slice %arg8[%dma_wait3A_690, %dma_wait3A_691] : memref<32x64xi32, #tpu.memory_space<vmem>> -> memref<1x64xi32, #tpu.memory_space<vmem>>
          %dma_wait3A_693 = tpu.memref_squeeze %dma_wait3A_692 : memref<1x64xi32, #tpu.memory_space<vmem>> -> memref<64xi32, #tpu.memory_space<vmem>>
          %dma_wait3A_694 = arith.constant 0 : i32
          %dma_wait3A_695 = tpu.memref_slice %arg15[%dma_wait3A_694] : memref<10112xf32, #tpu.memory_space<vmem_shared>> -> memref<10112xf32, #tpu.memory_space<vmem_shared>>
          tpu.wait_indirect_dma semaphore(%arg26 : memref<!tpu.dma_semaphore, #tpu.memory_space<semaphore_mem>>) src(%arg12 : memref<64xf32, #tpu.memory_space<vmem>>) dst(%dma_wait3A_695 : memref<10112xf32, #tpu.memory_space<vmem_shared>>)
          %dma_wait3A_696 = arith.constant 0 : i32
          %dma_wait3A_697 = arith.constant 0 : i32
          %dma_wait3A_698 = tpu.memref_slice %arg8[%dma_wait3A_696, %dma_wait3A_697] : memref<32x64xi32, #tpu.memory_space<vmem>> -> memref<1x64xi32, #tpu.memory_space<vmem>>
          %dma_wait3A_699 = tpu.memref_squeeze %dma_wait3A_698 : memref<1x64xi32, #tpu.memory_space<vmem>> -> memref<64xi32, #tpu.memory_space<vmem>>
          %dma_wait3A_700 = arith.constant 0 : i32
          %dma_wait3A_701 = tpu.memref_slice %arg15[%dma_wait3A_700] : memref<10112xf32, #tpu.memory_space<vmem_shared>> -> memref<10112xf32, #tpu.memory_space<vmem_shared>>
          tpu.wait_indirect_dma semaphore(%arg26 : memref<!tpu.dma_semaphore, #tpu.memory_space<semaphore_mem>>) src(%arg12 : memref<64xf32, #tpu.memory_space<vmem>>) dst(%dma_wait3A_701 : memref<10112xf32, #tpu.memory_space<vmem_shared>>)
          %dma_wait3A_702 = arith.constant 0 : i32
          %dma_wait3A_703 = arith.constant 0 : i32
          %dma_wait3A_704 = tpu.memref_slice %arg8[%dma_wait3A_702, %dma_wait3A_703] : memref<32x64xi32, #tpu.memory_space<vmem>> -> memref<1x64xi32, #tpu.memory_space<vmem>>
          %dma_wait3A_705 = tpu.memref_squeeze %dma_wait3A_704 : memref<1x64xi32, #tpu.memory_space<vmem>> -> memref<64xi32, #tpu.memory_space<vmem>>
          %dma_wait3A_706 = arith.constant 0 : i32
          %dma_wait3A_707 = tpu.memref_slice %arg15[%dma_wait3A_706] : memref<10112xf32, #tpu.memory_space<vmem_shared>> -> memref<10112xf32, #tpu.memory_space<vmem_shared>>
          tpu.wait_indirect_dma semaphore(%arg26 : memref<!tpu.dma_semaphore, #tpu.memory_space<semaphore_mem>>) src(%arg12 : memref<64xf32, #tpu.memory_space<vmem>>) dst(%dma_wait3A_707 : memref<10112xf32, #tpu.memory_space<vmem_shared>>)
          %dma_wait3A_708 = arith.constant 0 : i32
          %dma_wait3A_709 = arith.constant 0 : i32
          %dma_wait3A_710 = tpu.memref_slice %arg8[%dma_wait3A_708, %dma_wait3A_709] : memref<32x64xi32, #tpu.memory_space<vmem>> -> memref<1x64xi32, #tpu.memory_space<vmem>>
          %dma_wait3A_711 = tpu.memref_squeeze %dma_wait3A_710 : memref<1x64xi32, #tpu.memory_space<vmem>> -> memref<64xi32, #tpu.memory_space<vmem>>
          %dma_wait3A_712 = arith.constant 0 : i32
          %dma_wait3A_713 = tpu.memref_slice %arg15[%dma_wait3A_712] : memref<10112xf32, #tpu.memory_space<vmem_shared>> -> memref<10112xf32, #tpu.memory_space<vmem_shared>>
          tpu.wait_indirect_dma semaphore(%arg26 : memref<!tpu.dma_semaphore, #tpu.memory_space<semaphore_mem>>) src(%arg12 : memref<64xf32, #tpu.memory_space<vmem>>) dst(%dma_wait3A_713 : memref<10112xf32, #tpu.memory_space<vmem_shared>>)
          %dma_wait3A_714 = arith.constant 0 : i32
          %dma_wait3A_715 = arith.constant 0 : i32
          %dma_wait3A_716 = tpu.memref_slice %arg8[%dma_wait3A_714, %dma_wait3A_715] : memref<32x64xi32, #tpu.memory_space<vmem>> -> memref<1x64xi32, #tpu.memory_space<vmem>>
          %dma_wait3A_717 = tpu.memref_squeeze %dma_wait3A_716 : memref<1x64xi32, #tpu.memory_space<vmem>> -> memref<64xi32, #tpu.memory_space<vmem>>
          %dma_wait3A_718 = arith.constant 0 : i32
          %dma_wait3A_719 = tpu.memref_slice %arg15[%dma_wait3A_718] : memref<10112xf32, #tpu.memory_space<vmem_shared>> -> memref<10112xf32, #tpu.memory_space<vmem_shared>>
          tpu.wait_indirect_dma semaphore(%arg26 : memref<!tpu.dma_semaphore, #tpu.memory_space<semaphore_mem>>) src(%arg12 : memref<64xf32, #tpu.memory_space<vmem>>) dst(%dma_wait3A_719 : memref<10112xf32, #tpu.memory_space<vmem_shared>>)
          %dma_wait3A_720 = arith.constant 0 : i32
          %dma_wait3A_721 = arith.constant 0 : i32
          %dma_wait3A_722 = tpu.memref_slice %arg8[%dma_wait3A_720, %dma_wait3A_721] : memref<32x64xi32, #tpu.memory_space<vmem>> -> memref<1x64xi32, #tpu.memory_space<vmem>>
          %dma_wait3A_723 = tpu.memref_squeeze %dma_wait3A_722 : memref<1x64xi32, #tpu.memory_space<vmem>> -> memref<64xi32, #tpu.memory_space<vmem>>
          %dma_wait3A_724 = arith.constant 0 : i32
          %dma_wait3A_725 = tpu.memref_slice %arg15[%dma_wait3A_724] : memref<10112xf32, #tpu.memory_space<vmem_shared>> -> memref<10112xf32, #tpu.memory_space<vmem_shared>>
          tpu.wait_indirect_dma semaphore(%arg26 : memref<!tpu.dma_semaphore, #tpu.memory_space<semaphore_mem>>) src(%arg12 : memref<64xf32, #tpu.memory_space<vmem>>) dst(%dma_wait3A_725 : memref<10112xf32, #tpu.memory_space<vmem_shared>>)
          %dma_wait3A_726 = arith.constant 0 : i32
          %dma_wait3A_727 = arith.constant 0 : i32
          %dma_wait3A_728 = tpu.memref_slice %arg8[%dma_wait3A_726, %dma_wait3A_727] : memref<32x64xi32, #tpu.memory_space<vmem>> -> memref<1x64xi32, #tpu.memory_space<vmem>>
          %dma_wait3A_729 = tpu.memref_squeeze %dma_wait3A_728 : memref<1x64xi32, #tpu.memory_space<vmem>> -> memref<64xi32, #tpu.memory_space<vmem>>
          %dma_wait3A_730 = arith.constant 0 : i32
          %dma_wait3A_731 = tpu.memref_slice %arg15[%dma_wait3A_730] : memref<10112xf32, #tpu.memory_space<vmem_shared>> -> memref<10112xf32, #tpu.memory_space<vmem_shared>>
          tpu.wait_indirect_dma semaphore(%arg26 : memref<!tpu.dma_semaphore, #tpu.memory_space<semaphore_mem>>) src(%arg12 : memref<64xf32, #tpu.memory_space<vmem>>) dst(%dma_wait3A_731 : memref<10112xf32, #tpu.memory_space<vmem_shared>>)
          %dma_wait3A_732 = arith.constant 0 : i32
          %dma_wait3A_733 = arith.constant 0 : i32
          %dma_wait3A_734 = tpu.memref_slice %arg8[%dma_wait3A_732, %dma_wait3A_733] : memref<32x64xi32, #tpu.memory_space<vmem>> -> memref<1x64xi32, #tpu.memory_space<vmem>>
          %dma_wait3A_735 = tpu.memref_squeeze %dma_wait3A_734 : memref<1x64xi32, #tpu.memory_space<vmem>> -> memref<64xi32, #tpu.memory_space<vmem>>
          %dma_wait3A_736 = arith.constant 0 : i32
          %dma_wait3A_737 = tpu.memref_slice %arg15[%dma_wait3A_736] : memref<10112xf32, #tpu.memory_space<vmem_shared>> -> memref<10112xf32, #tpu.memory_space<vmem_shared>>
          tpu.wait_indirect_dma semaphore(%arg26 : memref<!tpu.dma_semaphore, #tpu.memory_space<semaphore_mem>>) src(%arg12 : memref<64xf32, #tpu.memory_space<vmem>>) dst(%dma_wait3A_737 : memref<10112xf32, #tpu.memory_space<vmem_shared>>)
          %dma_wait3A_738 = arith.constant 0 : i32
          %dma_wait3A_739 = arith.constant 0 : i32
          %dma_wait3A_740 = tpu.memref_slice %arg8[%dma_wait3A_738, %dma_wait3A_739] : memref<32x64xi32, #tpu.memory_space<vmem>> -> memref<1x64xi32, #tpu.memory_space<vmem>>
          %dma_wait3A_741 = tpu.memref_squeeze %dma_wait3A_740 : memref<1x64xi32, #tpu.memory_space<vmem>> -> memref<64xi32, #tpu.memory_space<vmem>>
          %dma_wait3A_742 = arith.constant 0 : i32
          %dma_wait3A_743 = tpu.memref_slice %arg15[%dma_wait3A_742] : memref<10112xf32, #tpu.memory_space<vmem_shared>> -> memref<10112xf32, #tpu.memory_space<vmem_shared>>
          tpu.wait_indirect_dma semaphore(%arg26 : memref<!tpu.dma_semaphore, #tpu.memory_space<semaphore_mem>>) src(%arg12 : memref<64xf32, #tpu.memory_space<vmem>>) dst(%dma_wait3A_743 : memref<10112xf32, #tpu.memory_space<vmem_shared>>)
          %dma_wait3A_744 = arith.constant 0 : i32
          %dma_wait3A_745 = arith.constant 0 : i32
          %dma_wait3A_746 = tpu.memref_slice %arg8[%dma_wait3A_744, %dma_wait3A_745] : memref<32x64xi32, #tpu.memory_space<vmem>> -> memref<1x64xi32, #tpu.memory_space<vmem>>
          %dma_wait3A_747 = tpu.memref_squeeze %dma_wait3A_746 : memref<1x64xi32, #tpu.memory_space<vmem>> -> memref<64xi32, #tpu.memory_space<vmem>>
          %dma_wait3A_748 = arith.constant 0 : i32
          %dma_wait3A_749 = tpu.memref_slice %arg15[%dma_wait3A_748] : memref<10112xf32, #tpu.memory_space<vmem_shared>> -> memref<10112xf32, #tpu.memory_space<vmem_shared>>
          tpu.wait_indirect_dma semaphore(%arg26 : memref<!tpu.dma_semaphore, #tpu.memory_space<semaphore_mem>>) src(%arg12 : memref<64xf32, #tpu.memory_space<vmem>>) dst(%dma_wait3A_749 : memref<10112xf32, #tpu.memory_space<vmem_shared>>)
          %dma_wait3A_750 = arith.constant 0 : i32
          %dma_wait3A_751 = arith.constant 0 : i32
          %dma_wait3A_752 = tpu.memref_slice %arg8[%dma_wait3A_750, %dma_wait3A_751] : memref<32x64xi32, #tpu.memory_space<vmem>> -> memref<1x64xi32, #tpu.memory_space<vmem>>
          %dma_wait3A_753 = tpu.memref_squeeze %dma_wait3A_752 : memref<1x64xi32, #tpu.memory_space<vmem>> -> memref<64xi32, #tpu.memory_space<vmem>>
          %dma_wait3A_754 = arith.constant 0 : i32
          %dma_wait3A_755 = tpu.memref_slice %arg15[%dma_wait3A_754] : memref<10112xf32, #tpu.memory_space<vmem_shared>> -> memref<10112xf32, #tpu.memory_space<vmem_shared>>
          tpu.wait_indirect_dma semaphore(%arg26 : memref<!tpu.dma_semaphore, #tpu.memory_space<semaphore_mem>>) src(%arg12 : memref<64xf32, #tpu.memory_space<vmem>>) dst(%dma_wait3A_755 : memref<10112xf32, #tpu.memory_space<vmem_shared>>)
        } else {
        }
        %add3A_636 = arith.constant 64 : i32
        %add3A_637 = arith.addi %mul3A_33, %add3A_636 : i32
        %dma_start3A_638 = arith.constant 0 : i32
        %dma_start3A_639 = arith.constant 0 : i32
        %dma_start3A_640 = tpu.memref_slice %arg7[%dma_start3A_638, %dma_start3A_639] : memref<32x64xi32, #tpu.memory_space<vmem>> -> memref<16x64xi32, #tpu.memory_space<vmem>>
        %dma_start3A_641 = arith.constant 0 : i32
        %dma_start3A_642 = tpu.memref_slice %arg3[%add3A_637, %dma_start3A_641] : memref<2560x64xi32, #tpu.memory_space<hbm>> -> memref<16x64xi32, #tpu.memory_space<hbm>>
        %dma_start3A_643 = arith.constant 0 : i32
        %dma_start3A_644 = arith.constant 0 : i32
        %dma_start3A_645 = tpu.memref_slice %arg7[%dma_start3A_643, %dma_start3A_644] : memref<32x64xi32, #tpu.memory_space<vmem>> -> memref<16x64xi32, #tpu.memory_space<vmem>>
        %dma_start3A_646 = arith.constant 0 : i32
        %dma_start3A_647 = tpu.memref_slice %arg3[%add3A_637, %dma_start3A_646] : memref<2560x64xi32, #tpu.memory_space<hbm>> -> memref<16x64xi32, #tpu.memory_space<hbm>>
        tpu.enqueue_dma source(%dma_start3A_647 : memref<16x64xi32, #tpu.memory_space<hbm>>) target(%dma_start3A_645 : memref<16x64xi32, #tpu.memory_space<vmem>>) target_semaphore(%arg16 : memref<!tpu.dma_semaphore, #tpu.memory_space<semaphore_mem>>)
        %add3A_648 = arith.constant 64 : i32
        %add3A_649 = arith.addi %mul3A_33, %add3A_648 : i32
        %dma_start3A_650 = arith.constant 0 : i32
        %dma_start3A_651 = arith.constant 0 : i32
        %dma_start3A_652 = tpu.memref_slice %arg8[%dma_start3A_650, %dma_start3A_651] : memref<32x64xi32, #tpu.memory_space<vmem>> -> memref<16x64xi32, #tpu.memory_space<vmem>>
        %dma_start3A_653 = arith.constant 0 : i32
        %dma_start3A_654 = tpu.memref_slice %arg4[%add3A_649, %dma_start3A_653] : memref<2560x64xi32, #tpu.memory_space<hbm>> -> memref<16x64xi32, #tpu.memory_space<hbm>>
        %dma_start3A_655 = arith.constant 0 : i32
        %dma_start3A_656 = arith.constant 0 : i32
        %dma_start3A_657 = tpu.memref_slice %arg8[%dma_start3A_655, %dma_start3A_656] : memref<32x64xi32, #tpu.memory_space<vmem>> -> memref<16x64xi32, #tpu.memory_space<vmem>>
        %dma_start3A_658 = arith.constant 0 : i32
        %dma_start3A_659 = tpu.memref_slice %arg4[%add3A_649, %dma_start3A_658] : memref<2560x64xi32, #tpu.memory_space<hbm>> -> memref<16x64xi32, #tpu.memory_space<hbm>>
        tpu.enqueue_dma source(%dma_start3A_659 : memref<16x64xi32, #tpu.memory_space<hbm>>) target(%dma_start3A_657 : memref<16x64xi32, #tpu.memory_space<vmem>>) target_semaphore(%arg18 : memref<!tpu.dma_semaphore, #tpu.memory_space<semaphore_mem>>)
      } else {
      }
      %eq3A_361 = arith.constant 20 : i32
      %eq3A_362 = arith.cmpi eq, %scan3A_330, %eq3A_361 : i32
      %convert_element_type3A_363 = arith.extui %eq3A_362 : i1 to i32
      %cond3A_364 = arith.constant 0 : i32
      %cond3A_365 = arith.cmpi ne, %convert_element_type3A_363, %cond3A_364 : i32
      scf.if %cond3A_365 {
        %add3A_627 = arith.constant 64 : i32
        %add3A_628 = arith.addi %mul3A_33, %add3A_627 : i32
        %dma_wait3A_629 = arith.constant 0 : i32
        %dma_wait3A_630 = arith.constant 0 : i32
        %dma_wait3A_631 = tpu.memref_slice %arg7[%dma_wait3A_629, %dma_wait3A_630] : memref<32x64xi32, #tpu.memory_space<vmem>> -> memref<16x64xi32, #tpu.memory_space<vmem>>
        %dma_wait3A_632 = arith.constant 0 : i32
        %dma_wait3A_633 = tpu.memref_slice %arg3[%add3A_628, %dma_wait3A_632] : memref<2560x64xi32, #tpu.memory_space<hbm>> -> memref<16x64xi32, #tpu.memory_space<hbm>>
        %dma_wait3A_634 = arith.constant 0 : i32
        %dma_wait3A_635 = arith.constant 0 : i32
        %dma_wait3A_636 = tpu.memref_slice %arg7[%dma_wait3A_634, %dma_wait3A_635] : memref<32x64xi32, #tpu.memory_space<vmem>> -> memref<16x64xi32, #tpu.memory_space<vmem>>
        %dma_wait3A_637 = arith.constant 0 : i32
        %dma_wait3A_638 = tpu.memref_slice %arg3[%add3A_628, %dma_wait3A_637] : memref<2560x64xi32, #tpu.memory_space<hbm>> -> memref<16x64xi32, #tpu.memory_space<hbm>>
        tpu.wait_dma2 semaphore(%arg16 : memref<!tpu.dma_semaphore, #tpu.memory_space<semaphore_mem>>) src(%dma_wait3A_638 : memref<16x64xi32, #tpu.memory_space<hbm>>) dst(%dma_wait3A_636 : memref<16x64xi32, #tpu.memory_space<vmem>>)
        %add3A_639 = arith.constant 64 : i32
        %add3A_640 = arith.addi %mul3A_33, %add3A_639 : i32
        %dma_wait3A_641 = arith.constant 0 : i32
        %dma_wait3A_642 = arith.constant 0 : i32
        %dma_wait3A_643 = tpu.memref_slice %arg8[%dma_wait3A_641, %dma_wait3A_642] : memref<32x64xi32, #tpu.memory_space<vmem>> -> memref<16x64xi32, #tpu.memory_space<vmem>>
        %dma_wait3A_644 = arith.constant 0 : i32
        %dma_wait3A_645 = tpu.memref_slice %arg4[%add3A_640, %dma_wait3A_644] : memref<2560x64xi32, #tpu.memory_space<hbm>> -> memref<16x64xi32, #tpu.memory_space<hbm>>
        %dma_wait3A_646 = arith.constant 0 : i32
        %dma_wait3A_647 = arith.constant 0 : i32
        %dma_wait3A_648 = tpu.memref_slice %arg8[%dma_wait3A_646, %dma_wait3A_647] : memref<32x64xi32, #tpu.memory_space<vmem>> -> memref<16x64xi32, #tpu.memory_space<vmem>>
        %dma_wait3A_649 = arith.constant 0 : i32
        %dma_wait3A_650 = tpu.memref_slice %arg4[%add3A_640, %dma_wait3A_649] : memref<2560x64xi32, #tpu.memory_space<hbm>> -> memref<16x64xi32, #tpu.memory_space<hbm>>
        tpu.wait_dma2 semaphore(%arg18 : memref<!tpu.dma_semaphore, #tpu.memory_space<semaphore_mem>>) src(%dma_wait3A_650 : memref<16x64xi32, #tpu.memory_space<hbm>>) dst(%dma_wait3A_648 : memref<16x64xi32, #tpu.memory_space<vmem>>)
        %scan3A_651 = arith.constant 0 : i32
        %scan3A_652 = arith.constant 0 : i32
        %scan3A_653 = arith.constant 16 : i32
        %scan3A_654 = arith.addi %scan3A_652, %scan3A_653 : i32
        %scan3A_655 = arith.constant 1 : i32
        scf.for %scan3A_657 = %scan3A_652 to %scan3A_654 step %scan3A_655  : i32 {
          %add3A_658 = arith.constant 0 : i32
          %add3A_659 = arith.addi %add3A_658, %scan3A_657 : i32
          %get3A = arith.index_cast %add3A_659 : i32 to index
          %get3A_660 = arith.constant 0 : index
          %get3A_661 = tpu.vector_load %arg7[%get3A, %get3A_660] {strides = array<i32>} : memref<32x64xi32, #tpu.memory_space<vmem>>, vector<1x16xi32>,
          %get3A_662 = vector.shape_cast %get3A_661 : vector<1x16xi32> to vector<16xi32>
          %add3A_663 = vector.broadcast %arg0 : i32 to vector<16xi32>
          %add3A_664 = arith.addi %get3A_662, %add3A_663 : vector<16xi32>
          %add3A_665 = arith.constant 0 : i32
          %add3A_666 = arith.addi %add3A_665, %scan3A_657 : i32
          %swap3A_667 = arith.index_cast %add3A_666 : i32 to index
          %swap3A_668 = arith.constant 0 : index
          %swap3A_669 = tpu.vector_load %arg7[%swap3A_667, %swap3A_668] {strides = array<i32>} : memref<32x64xi32, #tpu.memory_space<vmem>>, vector<1x16xi32>,
          %swap3A_670 = vector.shape_cast %swap3A_669 : vector<1x16xi32> to vector<16xi32>
          %swap3A_671 = vector.shape_cast %add3A_664 : vector<16xi32> to vector<1x16xi32>
          tpu.vector_store %arg7[%swap3A_667, %swap3A_668], %swap3A_671 {strides = array<i32>} : memref<32x64xi32, #tpu.memory_space<vmem>>, vector<1x16xi32>,
          %add3A_672 = arith.constant 0 : i32
          %add3A_673 = arith.addi %add3A_672, %scan3A_657 : i32
          %get3A_674 = arith.index_cast %add3A_673 : i32 to index
          %get3A_675 = arith.constant 16 : index
          %get3A_676 = tpu.vector_load %arg7[%get3A_674, %get3A_675] {strides = array<i32>} : memref<32x64xi32, #tpu.memory_space<vmem>>, vector<1x16xi32>,
          %get3A_677 = vector.shape_cast %get3A_676 : vector<1x16xi32> to vector<16xi32>
          %add3A_678 = vector.broadcast %arg0 : i32 to vector<16xi32>
          %add3A_679 = arith.addi %get3A_677, %add3A_678 : vector<16xi32>
          %add3A_680 = arith.constant 0 : i32
          %add3A_681 = arith.addi %add3A_680, %scan3A_657 : i32
          %swap3A_682 = arith.index_cast %add3A_681 : i32 to index
          %swap3A_683 = arith.constant 16 : index
          %swap3A_684 = tpu.vector_load %arg7[%swap3A_682, %swap3A_683] {strides = array<i32>} : memref<32x64xi32, #tpu.memory_space<vmem>>, vector<1x16xi32>,
          %swap3A_685 = vector.shape_cast %swap3A_684 : vector<1x16xi32> to vector<16xi32>
          %swap3A_686 = vector.shape_cast %add3A_679 : vector<16xi32> to vector<1x16xi32>
          tpu.vector_store %arg7[%swap3A_682, %swap3A_683], %swap3A_686 {strides = array<i32>} : memref<32x64xi32, #tpu.memory_space<vmem>>, vector<1x16xi32>,
          %add3A_687 = arith.constant 0 : i32
          %add3A_688 = arith.addi %add3A_687, %scan3A_657 : i32
          %get3A_689 = arith.index_cast %add3A_688 : i32 to index
          %get3A_690 = arith.constant 32 : index
          %get3A_691 = tpu.vector_load %arg7[%get3A_689, %get3A_690] {strides = array<i32>} : memref<32x64xi32, #tpu.memory_space<vmem>>, vector<1x16xi32>,
          %get3A_692 = vector.shape_cast %get3A_691 : vector<1x16xi32> to vector<16xi32>
          %add3A_693 = vector.broadcast %arg0 : i32 to vector<16xi32>
          %add3A_694 = arith.addi %get3A_692, %add3A_693 : vector<16xi32>
          %add3A_695 = arith.constant 0 : i32
          %add3A_696 = arith.addi %add3A_695, %scan3A_657 : i32
          %swap3A_697 = arith.index_cast %add3A_696 : i32 to index
          %swap3A_698 = arith.constant 32 : index
          %swap3A_699 = tpu.vector_load %arg7[%swap3A_697, %swap3A_698] {strides = array<i32>} : memref<32x64xi32, #tpu.memory_space<vmem>>, vector<1x16xi32>,
          %swap3A_700 = vector.shape_cast %swap3A_699 : vector<1x16xi32> to vector<16xi32>
          %swap3A_701 = vector.shape_cast %add3A_694 : vector<16xi32> to vector<1x16xi32>
          tpu.vector_store %arg7[%swap3A_697, %swap3A_698], %swap3A_701 {strides = array<i32>} : memref<32x64xi32, #tpu.memory_space<vmem>>, vector<1x16xi32>,
          %add3A_702 = arith.constant 0 : i32
          %add3A_703 = arith.addi %add3A_702, %scan3A_657 : i32
          %get3A_704 = arith.index_cast %add3A_703 : i32 to index
          %get3A_705 = arith.constant 48 : index
          %get3A_706 = tpu.vector_load %arg7[%get3A_704, %get3A_705] {strides = array<i32>} : memref<32x64xi32, #tpu.memory_space<vmem>>, vector<1x16xi32>,
          %get3A_707 = vector.shape_cast %get3A_706 : vector<1x16xi32> to vector<16xi32>
          %add3A_708 = vector.broadcast %arg0 : i32 to vector<16xi32>
          %add3A_709 = arith.addi %get3A_707, %add3A_708 : vector<16xi32>
          %add3A_710 = arith.constant 0 : i32
          %add3A_711 = arith.addi %add3A_710, %scan3A_657 : i32
          %swap3A_712 = arith.index_cast %add3A_711 : i32 to index
          %swap3A_713 = arith.constant 48 : index
          %swap3A_714 = tpu.vector_load %arg7[%swap3A_712, %swap3A_713] {strides = array<i32>} : memref<32x64xi32, #tpu.memory_space<vmem>>, vector<1x16xi32>,
          %swap3A_715 = vector.shape_cast %swap3A_714 : vector<1x16xi32> to vector<16xi32>
          %swap3A_716 = vector.shape_cast %add3A_709 : vector<16xi32> to vector<1x16xi32>
          tpu.vector_store %arg7[%swap3A_712, %swap3A_713], %swap3A_716 {strides = array<i32>} : memref<32x64xi32, #tpu.memory_space<vmem>>, vector<1x16xi32>,
        }
        %scan3A_656 = arith.constant 16 : i32
      } else {
      }
      %eq3A_366 = arith.constant 22 : i32
      %eq3A_367 = arith.cmpi eq, %scan3A_330, %eq3A_366 : i32
      %convert_element_type3A_368 = arith.extui %eq3A_367 : i1 to i32
      %cond3A_369 = arith.constant 0 : i32
      %cond3A_370 = arith.cmpi ne, %convert_element_type3A_368, %cond3A_369 : i32
      scf.if %cond3A_370 {
        %eq3A_627 = arith.constant 0 : i32
        %eq3A_628 = arith.cmpi eq, %arg0, %eq3A_627 : i32
        %eq3A_629 = arith.constant true
        %eq3A_630 = arith.xori %eq3A_628, %eq3A_629 : i1
        %eq3A_631 = arith.constant true
        %eq3A_632 = arith.xori %eq3A_630, %eq3A_631 : i1
        %convert_element_type3A_633 = arith.extui %eq3A_632 : i1 to i32
        %cond3A_634 = arith.constant 0 : i32
        %cond3A_635 = arith.cmpi ne, %convert_element_type3A_633, %cond3A_634 : i32
        scf.if %cond3A_635 {
          %dma_wait3A_660 = arith.constant 0 : i32
          %dma_wait3A_661 = arith.constant 0 : i32
          %dma_wait3A_662 = tpu.memref_slice %arg8[%dma_wait3A_660, %dma_wait3A_661] : memref<32x64xi32, #tpu.memory_space<vmem>> -> memref<1x64xi32, #tpu.memory_space<vmem>>
          %dma_wait3A_663 = tpu.memref_squeeze %dma_wait3A_662 : memref<1x64xi32, #tpu.memory_space<vmem>> -> memref<64xi32, #tpu.memory_space<vmem>>
          %dma_wait3A_664 = arith.constant 0 : i32
          %dma_wait3A_665 = tpu.memref_slice %arg15[%dma_wait3A_664] : memref<10112xf32, #tpu.memory_space<vmem_shared>> -> memref<10112xf32, #tpu.memory_space<vmem_shared>>
          tpu.wait_indirect_dma semaphore(%arg26 : memref<!tpu.dma_semaphore, #tpu.memory_space<semaphore_mem>>) src(%arg12 : memref<64xf32, #tpu.memory_space<vmem>>) dst(%dma_wait3A_665 : memref<10112xf32, #tpu.memory_space<vmem_shared>>)
          %dma_wait3A_666 = arith.constant 0 : i32
          %dma_wait3A_667 = arith.constant 0 : i32
          %dma_wait3A_668 = tpu.memref_slice %arg8[%dma_wait3A_666, %dma_wait3A_667] : memref<32x64xi32, #tpu.memory_space<vmem>> -> memref<1x64xi32, #tpu.memory_space<vmem>>
          %dma_wait3A_669 = tpu.memref_squeeze %dma_wait3A_668 : memref<1x64xi32, #tpu.memory_space<vmem>> -> memref<64xi32, #tpu.memory_space<vmem>>
          %dma_wait3A_670 = arith.constant 0 : i32
          %dma_wait3A_671 = tpu.memref_slice %arg15[%dma_wait3A_670] : memref<10112xf32, #tpu.memory_space<vmem_shared>> -> memref<10112xf32, #tpu.memory_space<vmem_shared>>
          tpu.wait_indirect_dma semaphore(%arg26 : memref<!tpu.dma_semaphore, #tpu.memory_space<semaphore_mem>>) src(%arg12 : memref<64xf32, #tpu.memory_space<vmem>>) dst(%dma_wait3A_671 : memref<10112xf32, #tpu.memory_space<vmem_shared>>)
          %dma_wait3A_672 = arith.constant 0 : i32
          %dma_wait3A_673 = arith.constant 0 : i32
          %dma_wait3A_674 = tpu.memref_slice %arg8[%dma_wait3A_672, %dma_wait3A_673] : memref<32x64xi32, #tpu.memory_space<vmem>> -> memref<1x64xi32, #tpu.memory_space<vmem>>
          %dma_wait3A_675 = tpu.memref_squeeze %dma_wait3A_674 : memref<1x64xi32, #tpu.memory_space<vmem>> -> memref<64xi32, #tpu.memory_space<vmem>>
          %dma_wait3A_676 = arith.constant 0 : i32
          %dma_wait3A_677 = tpu.memref_slice %arg15[%dma_wait3A_676] : memref<10112xf32, #tpu.memory_space<vmem_shared>> -> memref<10112xf32, #tpu.memory_space<vmem_shared>>
          tpu.wait_indirect_dma semaphore(%arg26 : memref<!tpu.dma_semaphore, #tpu.memory_space<semaphore_mem>>) src(%arg12 : memref<64xf32, #tpu.memory_space<vmem>>) dst(%dma_wait3A_677 : memref<10112xf32, #tpu.memory_space<vmem_shared>>)
          %dma_wait3A_678 = arith.constant 0 : i32
          %dma_wait3A_679 = arith.constant 0 : i32
          %dma_wait3A_680 = tpu.memref_slice %arg8[%dma_wait3A_678, %dma_wait3A_679] : memref<32x64xi32, #tpu.memory_space<vmem>> -> memref<1x64xi32, #tpu.memory_space<vmem>>
          %dma_wait3A_681 = tpu.memref_squeeze %dma_wait3A_680 : memref<1x64xi32, #tpu.memory_space<vmem>> -> memref<64xi32, #tpu.memory_space<vmem>>
          %dma_wait3A_682 = arith.constant 0 : i32
          %dma_wait3A_683 = tpu.memref_slice %arg15[%dma_wait3A_682] : memref<10112xf32, #tpu.memory_space<vmem_shared>> -> memref<10112xf32, #tpu.memory_space<vmem_shared>>
          tpu.wait_indirect_dma semaphore(%arg26 : memref<!tpu.dma_semaphore, #tpu.memory_space<semaphore_mem>>) src(%arg12 : memref<64xf32, #tpu.memory_space<vmem>>) dst(%dma_wait3A_683 : memref<10112xf32, #tpu.memory_space<vmem_shared>>)
          %dma_wait3A_684 = arith.constant 0 : i32
          %dma_wait3A_685 = arith.constant 0 : i32
          %dma_wait3A_686 = tpu.memref_slice %arg8[%dma_wait3A_684, %dma_wait3A_685] : memref<32x64xi32, #tpu.memory_space<vmem>> -> memref<1x64xi32, #tpu.memory_space<vmem>>
          %dma_wait3A_687 = tpu.memref_squeeze %dma_wait3A_686 : memref<1x64xi32, #tpu.memory_space<vmem>> -> memref<64xi32, #tpu.memory_space<vmem>>
          %dma_wait3A_688 = arith.constant 0 : i32
          %dma_wait3A_689 = tpu.memref_slice %arg15[%dma_wait3A_688] : memref<10112xf32, #tpu.memory_space<vmem_shared>> -> memref<10112xf32, #tpu.memory_space<vmem_shared>>
          tpu.wait_indirect_dma semaphore(%arg26 : memref<!tpu.dma_semaphore, #tpu.memory_space<semaphore_mem>>) src(%arg12 : memref<64xf32, #tpu.memory_space<vmem>>) dst(%dma_wait3A_689 : memref<10112xf32, #tpu.memory_space<vmem_shared>>)
          %dma_wait3A_690 = arith.constant 0 : i32
          %dma_wait3A_691 = arith.constant 0 : i32
          %dma_wait3A_692 = tpu.memref_slice %arg8[%dma_wait3A_690, %dma_wait3A_691] : memref<32x64xi32, #tpu.memory_space<vmem>> -> memref<1x64xi32, #tpu.memory_space<vmem>>
          %dma_wait3A_693 = tpu.memref_squeeze %dma_wait3A_692 : memref<1x64xi32, #tpu.memory_space<vmem>> -> memref<64xi32, #tpu.memory_space<vmem>>
          %dma_wait3A_694 = arith.constant 0 : i32
          %dma_wait3A_695 = tpu.memref_slice %arg15[%dma_wait3A_694] : memref<10112xf32, #tpu.memory_space<vmem_shared>> -> memref<10112xf32, #tpu.memory_space<vmem_shared>>
          tpu.wait_indirect_dma semaphore(%arg26 : memref<!tpu.dma_semaphore, #tpu.memory_space<semaphore_mem>>) src(%arg12 : memref<64xf32, #tpu.memory_space<vmem>>) dst(%dma_wait3A_695 : memref<10112xf32, #tpu.memory_space<vmem_shared>>)
          %dma_wait3A_696 = arith.constant 0 : i32
          %dma_wait3A_697 = arith.constant 0 : i32
          %dma_wait3A_698 = tpu.memref_slice %arg8[%dma_wait3A_696, %dma_wait3A_697] : memref<32x64xi32, #tpu.memory_space<vmem>> -> memref<1x64xi32, #tpu.memory_space<vmem>>
          %dma_wait3A_699 = tpu.memref_squeeze %dma_wait3A_698 : memref<1x64xi32, #tpu.memory_space<vmem>> -> memref<64xi32, #tpu.memory_space<vmem>>
          %dma_wait3A_700 = arith.constant 0 : i32
          %dma_wait3A_701 = tpu.memref_slice %arg15[%dma_wait3A_700] : memref<10112xf32, #tpu.memory_space<vmem_shared>> -> memref<10112xf32, #tpu.memory_space<vmem_shared>>
          tpu.wait_indirect_dma semaphore(%arg26 : memref<!tpu.dma_semaphore, #tpu.memory_space<semaphore_mem>>) src(%arg12 : memref<64xf32, #tpu.memory_space<vmem>>) dst(%dma_wait3A_701 : memref<10112xf32, #tpu.memory_space<vmem_shared>>)
          %dma_wait3A_702 = arith.constant 0 : i32
          %dma_wait3A_703 = arith.constant 0 : i32
          %dma_wait3A_704 = tpu.memref_slice %arg8[%dma_wait3A_702, %dma_wait3A_703] : memref<32x64xi32, #tpu.memory_space<vmem>> -> memref<1x64xi32, #tpu.memory_space<vmem>>
          %dma_wait3A_705 = tpu.memref_squeeze %dma_wait3A_704 : memref<1x64xi32, #tpu.memory_space<vmem>> -> memref<64xi32, #tpu.memory_space<vmem>>
          %dma_wait3A_706 = arith.constant 0 : i32
          %dma_wait3A_707 = tpu.memref_slice %arg15[%dma_wait3A_706] : memref<10112xf32, #tpu.memory_space<vmem_shared>> -> memref<10112xf32, #tpu.memory_space<vmem_shared>>
          tpu.wait_indirect_dma semaphore(%arg26 : memref<!tpu.dma_semaphore, #tpu.memory_space<semaphore_mem>>) src(%arg12 : memref<64xf32, #tpu.memory_space<vmem>>) dst(%dma_wait3A_707 : memref<10112xf32, #tpu.memory_space<vmem_shared>>)
          %dma_wait3A_708 = arith.constant 0 : i32
          %dma_wait3A_709 = arith.constant 0 : i32
          %dma_wait3A_710 = tpu.memref_slice %arg8[%dma_wait3A_708, %dma_wait3A_709] : memref<32x64xi32, #tpu.memory_space<vmem>> -> memref<1x64xi32, #tpu.memory_space<vmem>>
          %dma_wait3A_711 = tpu.memref_squeeze %dma_wait3A_710 : memref<1x64xi32, #tpu.memory_space<vmem>> -> memref<64xi32, #tpu.memory_space<vmem>>
          %dma_wait3A_712 = arith.constant 0 : i32
          %dma_wait3A_713 = tpu.memref_slice %arg15[%dma_wait3A_712] : memref<10112xf32, #tpu.memory_space<vmem_shared>> -> memref<10112xf32, #tpu.memory_space<vmem_shared>>
          tpu.wait_indirect_dma semaphore(%arg26 : memref<!tpu.dma_semaphore, #tpu.memory_space<semaphore_mem>>) src(%arg12 : memref<64xf32, #tpu.memory_space<vmem>>) dst(%dma_wait3A_713 : memref<10112xf32, #tpu.memory_space<vmem_shared>>)
          %dma_wait3A_714 = arith.constant 0 : i32
          %dma_wait3A_715 = arith.constant 0 : i32
          %dma_wait3A_716 = tpu.memref_slice %arg8[%dma_wait3A_714, %dma_wait3A_715] : memref<32x64xi32, #tpu.memory_space<vmem>> -> memref<1x64xi32, #tpu.memory_space<vmem>>
          %dma_wait3A_717 = tpu.memref_squeeze %dma_wait3A_716 : memref<1x64xi32, #tpu.memory_space<vmem>> -> memref<64xi32, #tpu.memory_space<vmem>>
          %dma_wait3A_718 = arith.constant 0 : i32
          %dma_wait3A_719 = tpu.memref_slice %arg15[%dma_wait3A_718] : memref<10112xf32, #tpu.memory_space<vmem_shared>> -> memref<10112xf32, #tpu.memory_space<vmem_shared>>
          tpu.wait_indirect_dma semaphore(%arg26 : memref<!tpu.dma_semaphore, #tpu.memory_space<semaphore_mem>>) src(%arg12 : memref<64xf32, #tpu.memory_space<vmem>>) dst(%dma_wait3A_719 : memref<10112xf32, #tpu.memory_space<vmem_shared>>)
          %dma_wait3A_720 = arith.constant 0 : i32
          %dma_wait3A_721 = arith.constant 0 : i32
          %dma_wait3A_722 = tpu.memref_slice %arg8[%dma_wait3A_720, %dma_wait3A_721] : memref<32x64xi32, #tpu.memory_space<vmem>> -> memref<1x64xi32, #tpu.memory_space<vmem>>
          %dma_wait3A_723 = tpu.memref_squeeze %dma_wait3A_722 : memref<1x64xi32, #tpu.memory_space<vmem>> -> memref<64xi32, #tpu.memory_space<vmem>>
          %dma_wait3A_724 = arith.constant 0 : i32
          %dma_wait3A_725 = tpu.memref_slice %arg15[%dma_wait3A_724] : memref<10112xf32, #tpu.memory_space<vmem_shared>> -> memref<10112xf32, #tpu.memory_space<vmem_shared>>
          tpu.wait_indirect_dma semaphore(%arg26 : memref<!tpu.dma_semaphore, #tpu.memory_space<semaphore_mem>>) src(%arg12 : memref<64xf32, #tpu.memory_space<vmem>>) dst(%dma_wait3A_725 : memref<10112xf32, #tpu.memory_space<vmem_shared>>)
          %dma_wait3A_726 = arith.constant 0 : i32
          %dma_wait3A_727 = arith.constant 0 : i32
          %dma_wait3A_728 = tpu.memref_slice %arg8[%dma_wait3A_726, %dma_wait3A_727] : memref<32x64xi32, #tpu.memory_space<vmem>> -> memref<1x64xi32, #tpu.memory_space<vmem>>
          %dma_wait3A_729 = tpu.memref_squeeze %dma_wait3A_728 : memref<1x64xi32, #tpu.memory_space<vmem>> -> memref<64xi32, #tpu.memory_space<vmem>>
          %dma_wait3A_730 = arith.constant 0 : i32
          %dma_wait3A_731 = tpu.memref_slice %arg15[%dma_wait3A_730] : memref<10112xf32, #tpu.memory_space<vmem_shared>> -> memref<10112xf32, #tpu.memory_space<vmem_shared>>
          tpu.wait_indirect_dma semaphore(%arg26 : memref<!tpu.dma_semaphore, #tpu.memory_space<semaphore_mem>>) src(%arg12 : memref<64xf32, #tpu.memory_space<vmem>>) dst(%dma_wait3A_731 : memref<10112xf32, #tpu.memory_space<vmem_shared>>)
          %dma_wait3A_732 = arith.constant 0 : i32
          %dma_wait3A_733 = arith.constant 0 : i32
          %dma_wait3A_734 = tpu.memref_slice %arg8[%dma_wait3A_732, %dma_wait3A_733] : memref<32x64xi32, #tpu.memory_space<vmem>> -> memref<1x64xi32, #tpu.memory_space<vmem>>
          %dma_wait3A_735 = tpu.memref_squeeze %dma_wait3A_734 : memref<1x64xi32, #tpu.memory_space<vmem>> -> memref<64xi32, #tpu.memory_space<vmem>>
          %dma_wait3A_736 = arith.constant 0 : i32
          %dma_wait3A_737 = tpu.memref_slice %arg15[%dma_wait3A_736] : memref<10112xf32, #tpu.memory_space<vmem_shared>> -> memref<10112xf32, #tpu.memory_space<vmem_shared>>
          tpu.wait_indirect_dma semaphore(%arg26 : memref<!tpu.dma_semaphore, #tpu.memory_space<semaphore_mem>>) src(%arg12 : memref<64xf32, #tpu.memory_space<vmem>>) dst(%dma_wait3A_737 : memref<10112xf32, #tpu.memory_space<vmem_shared>>)
          %dma_wait3A_738 = arith.constant 0 : i32
          %dma_wait3A_739 = arith.constant 0 : i32
          %dma_wait3A_740 = tpu.memref_slice %arg8[%dma_wait3A_738, %dma_wait3A_739] : memref<32x64xi32, #tpu.memory_space<vmem>> -> memref<1x64xi32, #tpu.memory_space<vmem>>
          %dma_wait3A_741 = tpu.memref_squeeze %dma_wait3A_740 : memref<1x64xi32, #tpu.memory_space<vmem>> -> memref<64xi32, #tpu.memory_space<vmem>>
          %dma_wait3A_742 = arith.constant 0 : i32
          %dma_wait3A_743 = tpu.memref_slice %arg15[%dma_wait3A_742] : memref<10112xf32, #tpu.memory_space<vmem_shared>> -> memref<10112xf32, #tpu.memory_space<vmem_shared>>
          tpu.wait_indirect_dma semaphore(%arg26 : memref<!tpu.dma_semaphore, #tpu.memory_space<semaphore_mem>>) src(%arg12 : memref<64xf32, #tpu.memory_space<vmem>>) dst(%dma_wait3A_743 : memref<10112xf32, #tpu.memory_space<vmem_shared>>)
          %dma_wait3A_744 = arith.constant 0 : i32
          %dma_wait3A_745 = arith.constant 0 : i32
          %dma_wait3A_746 = tpu.memref_slice %arg8[%dma_wait3A_744, %dma_wait3A_745] : memref<32x64xi32, #tpu.memory_space<vmem>> -> memref<1x64xi32, #tpu.memory_space<vmem>>
          %dma_wait3A_747 = tpu.memref_squeeze %dma_wait3A_746 : memref<1x64xi32, #tpu.memory_space<vmem>> -> memref<64xi32, #tpu.memory_space<vmem>>
          %dma_wait3A_748 = arith.constant 0 : i32
          %dma_wait3A_749 = tpu.memref_slice %arg15[%dma_wait3A_748] : memref<10112xf32, #tpu.memory_space<vmem_shared>> -> memref<10112xf32, #tpu.memory_space<vmem_shared>>
          tpu.wait_indirect_dma semaphore(%arg26 : memref<!tpu.dma_semaphore, #tpu.memory_space<semaphore_mem>>) src(%arg12 : memref<64xf32, #tpu.memory_space<vmem>>) dst(%dma_wait3A_749 : memref<10112xf32, #tpu.memory_space<vmem_shared>>)
          %dma_wait3A_750 = arith.constant 0 : i32
          %dma_wait3A_751 = arith.constant 0 : i32
          %dma_wait3A_752 = tpu.memref_slice %arg8[%dma_wait3A_750, %dma_wait3A_751] : memref<32x64xi32, #tpu.memory_space<vmem>> -> memref<1x64xi32, #tpu.memory_space<vmem>>
          %dma_wait3A_753 = tpu.memref_squeeze %dma_wait3A_752 : memref<1x64xi32, #tpu.memory_space<vmem>> -> memref<64xi32, #tpu.memory_space<vmem>>
          %dma_wait3A_754 = arith.constant 0 : i32
          %dma_wait3A_755 = tpu.memref_slice %arg15[%dma_wait3A_754] : memref<10112xf32, #tpu.memory_space<vmem_shared>> -> memref<10112xf32, #tpu.memory_space<vmem_shared>>
          tpu.wait_indirect_dma semaphore(%arg26 : memref<!tpu.dma_semaphore, #tpu.memory_space<semaphore_mem>>) src(%arg12 : memref<64xf32, #tpu.memory_space<vmem>>) dst(%dma_wait3A_755 : memref<10112xf32, #tpu.memory_space<vmem_shared>>)
        } else {
        }
        %add3A_636 = arith.constant 80 : i32
        %add3A_637 = arith.addi %mul3A_33, %add3A_636 : i32
        %dma_start3A_638 = arith.constant 16 : i32
        %dma_start3A_639 = arith.constant 0 : i32
        %dma_start3A_640 = tpu.memref_slice %arg7[%dma_start3A_638, %dma_start3A_639] : memref<32x64xi32, #tpu.memory_space<vmem>> -> memref<16x64xi32, #tpu.memory_space<vmem>>
        %dma_start3A_641 = arith.constant 0 : i32
        %dma_start3A_642 = tpu.memref_slice %arg3[%add3A_637, %dma_start3A_641] : memref<2560x64xi32, #tpu.memory_space<hbm>> -> memref<16x64xi32, #tpu.memory_space<hbm>>
        %dma_start3A_643 = arith.constant 16 : i32
        %dma_start3A_644 = arith.constant 0 : i32
        %dma_start3A_645 = tpu.memref_slice %arg7[%dma_start3A_643, %dma_start3A_644] : memref<32x64xi32, #tpu.memory_space<vmem>> -> memref<16x64xi32, #tpu.memory_space<vmem>>
        %dma_start3A_646 = arith.constant 0 : i32
        %dma_start3A_647 = tpu.memref_slice %arg3[%add3A_637, %dma_start3A_646] : memref<2560x64xi32, #tpu.memory_space<hbm>> -> memref<16x64xi32, #tpu.memory_space<hbm>>
        tpu.enqueue_dma source(%dma_start3A_647 : memref<16x64xi32, #tpu.memory_space<hbm>>) target(%dma_start3A_645 : memref<16x64xi32, #tpu.memory_space<vmem>>) target_semaphore(%arg17 : memref<!tpu.dma_semaphore, #tpu.memory_space<semaphore_mem>>)
        %add3A_648 = arith.constant 80 : i32
        %add3A_649 = arith.addi %mul3A_33, %add3A_648 : i32
        %dma_start3A_650 = arith.constant 16 : i32
        %dma_start3A_651 = arith.constant 0 : i32
        %dma_start3A_652 = tpu.memref_slice %arg8[%dma_start3A_650, %dma_start3A_651] : memref<32x64xi32, #tpu.memory_space<vmem>> -> memref<16x64xi32, #tpu.memory_space<vmem>>
        %dma_start3A_653 = arith.constant 0 : i32
        %dma_start3A_654 = tpu.memref_slice %arg4[%add3A_649, %dma_start3A_653] : memref<2560x64xi32, #tpu.memory_space<hbm>> -> memref<16x64xi32, #tpu.memory_space<hbm>>
        %dma_start3A_655 = arith.constant 16 : i32
        %dma_start3A_656 = arith.constant 0 : i32
        %dma_start3A_657 = tpu.memref_slice %arg8[%dma_start3A_655, %dma_start3A_656] : memref<32x64xi32, #tpu.memory_space<vmem>> -> memref<16x64xi32, #tpu.memory_space<vmem>>
        %dma_start3A_658 = arith.constant 0 : i32
        %dma_start3A_659 = tpu.memref_slice %arg4[%add3A_649, %dma_start3A_658] : memref<2560x64xi32, #tpu.memory_space<hbm>> -> memref<16x64xi32, #tpu.memory_space<hbm>>
        tpu.enqueue_dma source(%dma_start3A_659 : memref<16x64xi32, #tpu.memory_space<hbm>>) target(%dma_start3A_657 : memref<16x64xi32, #tpu.memory_space<vmem>>) target_semaphore(%arg19 : memref<!tpu.dma_semaphore, #tpu.memory_space<semaphore_mem>>)
      } else {
      }
      %eq3A_371 = arith.constant 25 : i32
      %eq3A_372 = arith.cmpi eq, %scan3A_330, %eq3A_371 : i32
      %convert_element_type3A_373 = arith.extui %eq3A_372 : i1 to i32
      %cond3A_374 = arith.constant 0 : i32
      %cond3A_375 = arith.cmpi ne, %convert_element_type3A_373, %cond3A_374 : i32
      scf.if %cond3A_375 {
        %add3A_627 = arith.constant 80 : i32
        %add3A_628 = arith.addi %mul3A_33, %add3A_627 : i32
        %dma_wait3A_629 = arith.constant 16 : i32
        %dma_wait3A_630 = arith.constant 0 : i32
        %dma_wait3A_631 = tpu.memref_slice %arg7[%dma_wait3A_629, %dma_wait3A_630] : memref<32x64xi32, #tpu.memory_space<vmem>> -> memref<16x64xi32, #tpu.memory_space<vmem>>
        %dma_wait3A_632 = arith.constant 0 : i32
        %dma_wait3A_633 = tpu.memref_slice %arg3[%add3A_628, %dma_wait3A_632] : memref<2560x64xi32, #tpu.memory_space<hbm>> -> memref<16x64xi32, #tpu.memory_space<hbm>>
        %dma_wait3A_634 = arith.constant 16 : i32
        %dma_wait3A_635 = arith.constant 0 : i32
        %dma_wait3A_636 = tpu.memref_slice %arg7[%dma_wait3A_634, %dma_wait3A_635] : memref<32x64xi32, #tpu.memory_space<vmem>> -> memref<16x64xi32, #tpu.memory_space<vmem>>
        %dma_wait3A_637 = arith.constant 0 : i32
        %dma_wait3A_638 = tpu.memref_slice %arg3[%add3A_628, %dma_wait3A_637] : memref<2560x64xi32, #tpu.memory_space<hbm>> -> memref<16x64xi32, #tpu.memory_space<hbm>>
        tpu.wait_dma2 semaphore(%arg17 : memref<!tpu.dma_semaphore, #tpu.memory_space<semaphore_mem>>) src(%dma_wait3A_638 : memref<16x64xi32, #tpu.memory_space<hbm>>) dst(%dma_wait3A_636 : memref<16x64xi32, #tpu.memory_space<vmem>>)
        %add3A_639 = arith.constant 80 : i32
        %add3A_640 = arith.addi %mul3A_33, %add3A_639 : i32
        %dma_wait3A_641 = arith.constant 16 : i32
        %dma_wait3A_642 = arith.constant 0 : i32
        %dma_wait3A_643 = tpu.memref_slice %arg8[%dma_wait3A_641, %dma_wait3A_642] : memref<32x64xi32, #tpu.memory_space<vmem>> -> memref<16x64xi32, #tpu.memory_space<vmem>>
        %dma_wait3A_644 = arith.constant 0 : i32
        %dma_wait3A_645 = tpu.memref_slice %arg4[%add3A_640, %dma_wait3A_644] : memref<2560x64xi32, #tpu.memory_space<hbm>> -> memref<16x64xi32, #tpu.memory_space<hbm>>
        %dma_wait3A_646 = arith.constant 16 : i32
        %dma_wait3A_647 = arith.constant 0 : i32
        %dma_wait3A_648 = tpu.memref_slice %arg8[%dma_wait3A_646, %dma_wait3A_647] : memref<32x64xi32, #tpu.memory_space<vmem>> -> memref<16x64xi32, #tpu.memory_space<vmem>>
        %dma_wait3A_649 = arith.constant 0 : i32
        %dma_wait3A_650 = tpu.memref_slice %arg4[%add3A_640, %dma_wait3A_649] : memref<2560x64xi32, #tpu.memory_space<hbm>> -> memref<16x64xi32, #tpu.memory_space<hbm>>
        tpu.wait_dma2 semaphore(%arg19 : memref<!tpu.dma_semaphore, #tpu.memory_space<semaphore_mem>>) src(%dma_wait3A_650 : memref<16x64xi32, #tpu.memory_space<hbm>>) dst(%dma_wait3A_648 : memref<16x64xi32, #tpu.memory_space<vmem>>)
        %scan3A_651 = arith.constant 0 : i32
        %scan3A_652 = arith.constant 0 : i32
        %scan3A_653 = arith.constant 16 : i32
        %scan3A_654 = arith.addi %scan3A_652, %scan3A_653 : i32
        %scan3A_655 = arith.constant 1 : i32
        scf.for %scan3A_657 = %scan3A_652 to %scan3A_654 step %scan3A_655  : i32 {
          %add3A_658 = arith.constant 16 : i32
          %add3A_659 = arith.addi %add3A_658, %scan3A_657 : i32
          %get3A = arith.index_cast %add3A_659 : i32 to index
          %get3A_660 = arith.constant 0 : index
          %get3A_661 = tpu.vector_load %arg7[%get3A, %get3A_660] {strides = array<i32>} : memref<32x64xi32, #tpu.memory_space<vmem>>, vector<1x16xi32>,
          %get3A_662 = vector.shape_cast %get3A_661 : vector<1x16xi32> to vector<16xi32>
          %add3A_663 = vector.broadcast %arg0 : i32 to vector<16xi32>
          %add3A_664 = arith.addi %get3A_662, %add3A_663 : vector<16xi32>
          %add3A_665 = arith.constant 16 : i32
          %add3A_666 = arith.addi %add3A_665, %scan3A_657 : i32
          %swap3A_667 = arith.index_cast %add3A_666 : i32 to index
          %swap3A_668 = arith.constant 0 : index
          %swap3A_669 = tpu.vector_load %arg7[%swap3A_667, %swap3A_668] {strides = array<i32>} : memref<32x64xi32, #tpu.memory_space<vmem>>, vector<1x16xi32>,
          %swap3A_670 = vector.shape_cast %swap3A_669 : vector<1x16xi32> to vector<16xi32>
          %swap3A_671 = vector.shape_cast %add3A_664 : vector<16xi32> to vector<1x16xi32>
          tpu.vector_store %arg7[%swap3A_667, %swap3A_668], %swap3A_671 {strides = array<i32>} : memref<32x64xi32, #tpu.memory_space<vmem>>, vector<1x16xi32>,
          %add3A_672 = arith.constant 16 : i32
          %add3A_673 = arith.addi %add3A_672, %scan3A_657 : i32
          %get3A_674 = arith.index_cast %add3A_673 : i32 to index
          %get3A_675 = arith.constant 16 : index
          %get3A_676 = tpu.vector_load %arg7[%get3A_674, %get3A_675] {strides = array<i32>} : memref<32x64xi32, #tpu.memory_space<vmem>>, vector<1x16xi32>,
          %get3A_677 = vector.shape_cast %get3A_676 : vector<1x16xi32> to vector<16xi32>
          %add3A_678 = vector.broadcast %arg0 : i32 to vector<16xi32>
          %add3A_679 = arith.addi %get3A_677, %add3A_678 : vector<16xi32>
          %add3A_680 = arith.constant 16 : i32
          %add3A_681 = arith.addi %add3A_680, %scan3A_657 : i32
          %swap3A_682 = arith.index_cast %add3A_681 : i32 to index
          %swap3A_683 = arith.constant 16 : index
          %swap3A_684 = tpu.vector_load %arg7[%swap3A_682, %swap3A_683] {strides = array<i32>} : memref<32x64xi32, #tpu.memory_space<vmem>>, vector<1x16xi32>,
          %swap3A_685 = vector.shape_cast %swap3A_684 : vector<1x16xi32> to vector<16xi32>
          %swap3A_686 = vector.shape_cast %add3A_679 : vector<16xi32> to vector<1x16xi32>
          tpu.vector_store %arg7[%swap3A_682, %swap3A_683], %swap3A_686 {strides = array<i32>} : memref<32x64xi32, #tpu.memory_space<vmem>>, vector<1x16xi32>,
          %add3A_687 = arith.constant 16 : i32
          %add3A_688 = arith.addi %add3A_687, %scan3A_657 : i32
          %get3A_689 = arith.index_cast %add3A_688 : i32 to index
          %get3A_690 = arith.constant 32 : index
          %get3A_691 = tpu.vector_load %arg7[%get3A_689, %get3A_690] {strides = array<i32>} : memref<32x64xi32, #tpu.memory_space<vmem>>, vector<1x16xi32>,
          %get3A_692 = vector.shape_cast %get3A_691 : vector<1x16xi32> to vector<16xi32>
          %add3A_693 = vector.broadcast %arg0 : i32 to vector<16xi32>
          %add3A_694 = arith.addi %get3A_692, %add3A_693 : vector<16xi32>
          %add3A_695 = arith.constant 16 : i32
          %add3A_696 = arith.addi %add3A_695, %scan3A_657 : i32
          %swap3A_697 = arith.index_cast %add3A_696 : i32 to index
          %swap3A_698 = arith.constant 32 : index
          %swap3A_699 = tpu.vector_load %arg7[%swap3A_697, %swap3A_698] {strides = array<i32>} : memref<32x64xi32, #tpu.memory_space<vmem>>, vector<1x16xi32>,
          %swap3A_700 = vector.shape_cast %swap3A_699 : vector<1x16xi32> to vector<16xi32>
          %swap3A_701 = vector.shape_cast %add3A_694 : vector<16xi32> to vector<1x16xi32>
          tpu.vector_store %arg7[%swap3A_697, %swap3A_698], %swap3A_701 {strides = array<i32>} : memref<32x64xi32, #tpu.memory_space<vmem>>, vector<1x16xi32>,
          %add3A_702 = arith.constant 16 : i32
          %add3A_703 = arith.addi %add3A_702, %scan3A_657 : i32
          %get3A_704 = arith.index_cast %add3A_703 : i32 to index
          %get3A_705 = arith.constant 48 : index
          %get3A_706 = tpu.vector_load %arg7[%get3A_704, %get3A_705] {strides = array<i32>} : memref<32x64xi32, #tpu.memory_space<vmem>>, vector<1x16xi32>,
          %get3A_707 = vector.shape_cast %get3A_706 : vector<1x16xi32> to vector<16xi32>
          %add3A_708 = vector.broadcast %arg0 : i32 to vector<16xi32>
          %add3A_709 = arith.addi %get3A_707, %add3A_708 : vector<16xi32>
          %add3A_710 = arith.constant 16 : i32
          %add3A_711 = arith.addi %add3A_710, %scan3A_657 : i32
          %swap3A_712 = arith.index_cast %add3A_711 : i32 to index
          %swap3A_713 = arith.constant 48 : index
          %swap3A_714 = tpu.vector_load %arg7[%swap3A_712, %swap3A_713] {strides = array<i32>} : memref<32x64xi32, #tpu.memory_space<vmem>>, vector<1x16xi32>,
          %swap3A_715 = vector.shape_cast %swap3A_714 : vector<1x16xi32> to vector<16xi32>
          %swap3A_716 = vector.shape_cast %add3A_709 : vector<16xi32> to vector<1x16xi32>
          tpu.vector_store %arg7[%swap3A_712, %swap3A_713], %swap3A_716 {strides = array<i32>} : memref<32x64xi32, #tpu.memory_space<vmem>>, vector<1x16xi32>,
        }
        %scan3A_656 = arith.constant 16 : i32
      } else {
      }
      %eq3A_376 = arith.constant 27 : i32
      %eq3A_377 = arith.cmpi eq, %scan3A_330, %eq3A_376 : i32
      %convert_element_type3A_378 = arith.extui %eq3A_377 : i1 to i32
      %cond3A_379 = arith.constant 0 : i32
      %cond3A_380 = arith.cmpi ne, %convert_element_type3A_378, %cond3A_379 : i32
      scf.if %cond3A_380 {
        %eq3A_627 = arith.constant 0 : i32
        %eq3A_628 = arith.cmpi eq, %arg0, %eq3A_627 : i32
        %eq3A_629 = arith.constant true
        %eq3A_630 = arith.xori %eq3A_628, %eq3A_629 : i1
        %eq3A_631 = arith.constant true
        %eq3A_632 = arith.xori %eq3A_630, %eq3A_631 : i1
        %convert_element_type3A_633 = arith.extui %eq3A_632 : i1 to i32
        %cond3A_634 = arith.constant 0 : i32
        %cond3A_635 = arith.cmpi ne, %convert_element_type3A_633, %cond3A_634 : i32
        scf.if %cond3A_635 {
          %dma_wait3A_660 = arith.constant 0 : i32
          %dma_wait3A_661 = arith.constant 0 : i32
          %dma_wait3A_662 = tpu.memref_slice %arg8[%dma_wait3A_660, %dma_wait3A_661] : memref<32x64xi32, #tpu.memory_space<vmem>> -> memref<1x64xi32, #tpu.memory_space<vmem>>
          %dma_wait3A_663 = tpu.memref_squeeze %dma_wait3A_662 : memref<1x64xi32, #tpu.memory_space<vmem>> -> memref<64xi32, #tpu.memory_space<vmem>>
          %dma_wait3A_664 = arith.constant 0 : i32
          %dma_wait3A_665 = tpu.memref_slice %arg15[%dma_wait3A_664] : memref<10112xf32, #tpu.memory_space<vmem_shared>> -> memref<10112xf32, #tpu.memory_space<vmem_shared>>
          tpu.wait_indirect_dma semaphore(%arg26 : memref<!tpu.dma_semaphore, #tpu.memory_space<semaphore_mem>>) src(%arg12 : memref<64xf32, #tpu.memory_space<vmem>>) dst(%dma_wait3A_665 : memref<10112xf32, #tpu.memory_space<vmem_shared>>)
          %dma_wait3A_666 = arith.constant 0 : i32
          %dma_wait3A_667 = arith.constant 0 : i32
          %dma_wait3A_668 = tpu.memref_slice %arg8[%dma_wait3A_666, %dma_wait3A_667] : memref<32x64xi32, #tpu.memory_space<vmem>> -> memref<1x64xi32, #tpu.memory_space<vmem>>
          %dma_wait3A_669 = tpu.memref_squeeze %dma_wait3A_668 : memref<1x64xi32, #tpu.memory_space<vmem>> -> memref<64xi32, #tpu.memory_space<vmem>>
          %dma_wait3A_670 = arith.constant 0 : i32
          %dma_wait3A_671 = tpu.memref_slice %arg15[%dma_wait3A_670] : memref<10112xf32, #tpu.memory_space<vmem_shared>> -> memref<10112xf32, #tpu.memory_space<vmem_shared>>
          tpu.wait_indirect_dma semaphore(%arg26 : memref<!tpu.dma_semaphore, #tpu.memory_space<semaphore_mem>>) src(%arg12 : memref<64xf32, #tpu.memory_space<vmem>>) dst(%dma_wait3A_671 : memref<10112xf32, #tpu.memory_space<vmem_shared>>)
          %dma_wait3A_672 = arith.constant 0 : i32
          %dma_wait3A_673 = arith.constant 0 : i32
          %dma_wait3A_674 = tpu.memref_slice %arg8[%dma_wait3A_672, %dma_wait3A_673] : memref<32x64xi32, #tpu.memory_space<vmem>> -> memref<1x64xi32, #tpu.memory_space<vmem>>
          %dma_wait3A_675 = tpu.memref_squeeze %dma_wait3A_674 : memref<1x64xi32, #tpu.memory_space<vmem>> -> memref<64xi32, #tpu.memory_space<vmem>>
          %dma_wait3A_676 = arith.constant 0 : i32
          %dma_wait3A_677 = tpu.memref_slice %arg15[%dma_wait3A_676] : memref<10112xf32, #tpu.memory_space<vmem_shared>> -> memref<10112xf32, #tpu.memory_space<vmem_shared>>
          tpu.wait_indirect_dma semaphore(%arg26 : memref<!tpu.dma_semaphore, #tpu.memory_space<semaphore_mem>>) src(%arg12 : memref<64xf32, #tpu.memory_space<vmem>>) dst(%dma_wait3A_677 : memref<10112xf32, #tpu.memory_space<vmem_shared>>)
          %dma_wait3A_678 = arith.constant 0 : i32
          %dma_wait3A_679 = arith.constant 0 : i32
          %dma_wait3A_680 = tpu.memref_slice %arg8[%dma_wait3A_678, %dma_wait3A_679] : memref<32x64xi32, #tpu.memory_space<vmem>> -> memref<1x64xi32, #tpu.memory_space<vmem>>
          %dma_wait3A_681 = tpu.memref_squeeze %dma_wait3A_680 : memref<1x64xi32, #tpu.memory_space<vmem>> -> memref<64xi32, #tpu.memory_space<vmem>>
          %dma_wait3A_682 = arith.constant 0 : i32
          %dma_wait3A_683 = tpu.memref_slice %arg15[%dma_wait3A_682] : memref<10112xf32, #tpu.memory_space<vmem_shared>> -> memref<10112xf32, #tpu.memory_space<vmem_shared>>
          tpu.wait_indirect_dma semaphore(%arg26 : memref<!tpu.dma_semaphore, #tpu.memory_space<semaphore_mem>>) src(%arg12 : memref<64xf32, #tpu.memory_space<vmem>>) dst(%dma_wait3A_683 : memref<10112xf32, #tpu.memory_space<vmem_shared>>)
          %dma_wait3A_684 = arith.constant 0 : i32
          %dma_wait3A_685 = arith.constant 0 : i32
          %dma_wait3A_686 = tpu.memref_slice %arg8[%dma_wait3A_684, %dma_wait3A_685] : memref<32x64xi32, #tpu.memory_space<vmem>> -> memref<1x64xi32, #tpu.memory_space<vmem>>
          %dma_wait3A_687 = tpu.memref_squeeze %dma_wait3A_686 : memref<1x64xi32, #tpu.memory_space<vmem>> -> memref<64xi32, #tpu.memory_space<vmem>>
          %dma_wait3A_688 = arith.constant 0 : i32
          %dma_wait3A_689 = tpu.memref_slice %arg15[%dma_wait3A_688] : memref<10112xf32, #tpu.memory_space<vmem_shared>> -> memref<10112xf32, #tpu.memory_space<vmem_shared>>
          tpu.wait_indirect_dma semaphore(%arg26 : memref<!tpu.dma_semaphore, #tpu.memory_space<semaphore_mem>>) src(%arg12 : memref<64xf32, #tpu.memory_space<vmem>>) dst(%dma_wait3A_689 : memref<10112xf32, #tpu.memory_space<vmem_shared>>)
          %dma_wait3A_690 = arith.constant 0 : i32
          %dma_wait3A_691 = arith.constant 0 : i32
          %dma_wait3A_692 = tpu.memref_slice %arg8[%dma_wait3A_690, %dma_wait3A_691] : memref<32x64xi32, #tpu.memory_space<vmem>> -> memref<1x64xi32, #tpu.memory_space<vmem>>
          %dma_wait3A_693 = tpu.memref_squeeze %dma_wait3A_692 : memref<1x64xi32, #tpu.memory_space<vmem>> -> memref<64xi32, #tpu.memory_space<vmem>>
          %dma_wait3A_694 = arith.constant 0 : i32
          %dma_wait3A_695 = tpu.memref_slice %arg15[%dma_wait3A_694] : memref<10112xf32, #tpu.memory_space<vmem_shared>> -> memref<10112xf32, #tpu.memory_space<vmem_shared>>
          tpu.wait_indirect_dma semaphore(%arg26 : memref<!tpu.dma_semaphore, #tpu.memory_space<semaphore_mem>>) src(%arg12 : memref<64xf32, #tpu.memory_space<vmem>>) dst(%dma_wait3A_695 : memref<10112xf32, #tpu.memory_space<vmem_shared>>)
          %dma_wait3A_696 = arith.constant 0 : i32
          %dma_wait3A_697 = arith.constant 0 : i32
          %dma_wait3A_698 = tpu.memref_slice %arg8[%dma_wait3A_696, %dma_wait3A_697] : memref<32x64xi32, #tpu.memory_space<vmem>> -> memref<1x64xi32, #tpu.memory_space<vmem>>
          %dma_wait3A_699 = tpu.memref_squeeze %dma_wait3A_698 : memref<1x64xi32, #tpu.memory_space<vmem>> -> memref<64xi32, #tpu.memory_space<vmem>>
          %dma_wait3A_700 = arith.constant 0 : i32
          %dma_wait3A_701 = tpu.memref_slice %arg15[%dma_wait3A_700] : memref<10112xf32, #tpu.memory_space<vmem_shared>> -> memref<10112xf32, #tpu.memory_space<vmem_shared>>
          tpu.wait_indirect_dma semaphore(%arg26 : memref<!tpu.dma_semaphore, #tpu.memory_space<semaphore_mem>>) src(%arg12 : memref<64xf32, #tpu.memory_space<vmem>>) dst(%dma_wait3A_701 : memref<10112xf32, #tpu.memory_space<vmem_shared>>)
          %dma_wait3A_702 = arith.constant 0 : i32
          %dma_wait3A_703 = arith.constant 0 : i32
          %dma_wait3A_704 = tpu.memref_slice %arg8[%dma_wait3A_702, %dma_wait3A_703] : memref<32x64xi32, #tpu.memory_space<vmem>> -> memref<1x64xi32, #tpu.memory_space<vmem>>
          %dma_wait3A_705 = tpu.memref_squeeze %dma_wait3A_704 : memref<1x64xi32, #tpu.memory_space<vmem>> -> memref<64xi32, #tpu.memory_space<vmem>>
          %dma_wait3A_706 = arith.constant 0 : i32
          %dma_wait3A_707 = tpu.memref_slice %arg15[%dma_wait3A_706] : memref<10112xf32, #tpu.memory_space<vmem_shared>> -> memref<10112xf32, #tpu.memory_space<vmem_shared>>
          tpu.wait_indirect_dma semaphore(%arg26 : memref<!tpu.dma_semaphore, #tpu.memory_space<semaphore_mem>>) src(%arg12 : memref<64xf32, #tpu.memory_space<vmem>>) dst(%dma_wait3A_707 : memref<10112xf32, #tpu.memory_space<vmem_shared>>)
          %dma_wait3A_708 = arith.constant 0 : i32
          %dma_wait3A_709 = arith.constant 0 : i32
          %dma_wait3A_710 = tpu.memref_slice %arg8[%dma_wait3A_708, %dma_wait3A_709] : memref<32x64xi32, #tpu.memory_space<vmem>> -> memref<1x64xi32, #tpu.memory_space<vmem>>
          %dma_wait3A_711 = tpu.memref_squeeze %dma_wait3A_710 : memref<1x64xi32, #tpu.memory_space<vmem>> -> memref<64xi32, #tpu.memory_space<vmem>>
          %dma_wait3A_712 = arith.constant 0 : i32
          %dma_wait3A_713 = tpu.memref_slice %arg15[%dma_wait3A_712] : memref<10112xf32, #tpu.memory_space<vmem_shared>> -> memref<10112xf32, #tpu.memory_space<vmem_shared>>
          tpu.wait_indirect_dma semaphore(%arg26 : memref<!tpu.dma_semaphore, #tpu.memory_space<semaphore_mem>>) src(%arg12 : memref<64xf32, #tpu.memory_space<vmem>>) dst(%dma_wait3A_713 : memref<10112xf32, #tpu.memory_space<vmem_shared>>)
          %dma_wait3A_714 = arith.constant 0 : i32
          %dma_wait3A_715 = arith.constant 0 : i32
          %dma_wait3A_716 = tpu.memref_slice %arg8[%dma_wait3A_714, %dma_wait3A_715] : memref<32x64xi32, #tpu.memory_space<vmem>> -> memref<1x64xi32, #tpu.memory_space<vmem>>
          %dma_wait3A_717 = tpu.memref_squeeze %dma_wait3A_716 : memref<1x64xi32, #tpu.memory_space<vmem>> -> memref<64xi32, #tpu.memory_space<vmem>>
          %dma_wait3A_718 = arith.constant 0 : i32
          %dma_wait3A_719 = tpu.memref_slice %arg15[%dma_wait3A_718] : memref<10112xf32, #tpu.memory_space<vmem_shared>> -> memref<10112xf32, #tpu.memory_space<vmem_shared>>
          tpu.wait_indirect_dma semaphore(%arg26 : memref<!tpu.dma_semaphore, #tpu.memory_space<semaphore_mem>>) src(%arg12 : memref<64xf32, #tpu.memory_space<vmem>>) dst(%dma_wait3A_719 : memref<10112xf32, #tpu.memory_space<vmem_shared>>)
          %dma_wait3A_720 = arith.constant 0 : i32
          %dma_wait3A_721 = arith.constant 0 : i32
          %dma_wait3A_722 = tpu.memref_slice %arg8[%dma_wait3A_720, %dma_wait3A_721] : memref<32x64xi32, #tpu.memory_space<vmem>> -> memref<1x64xi32, #tpu.memory_space<vmem>>
          %dma_wait3A_723 = tpu.memref_squeeze %dma_wait3A_722 : memref<1x64xi32, #tpu.memory_space<vmem>> -> memref<64xi32, #tpu.memory_space<vmem>>
          %dma_wait3A_724 = arith.constant 0 : i32
          %dma_wait3A_725 = tpu.memref_slice %arg15[%dma_wait3A_724] : memref<10112xf32, #tpu.memory_space<vmem_shared>> -> memref<10112xf32, #tpu.memory_space<vmem_shared>>
          tpu.wait_indirect_dma semaphore(%arg26 : memref<!tpu.dma_semaphore, #tpu.memory_space<semaphore_mem>>) src(%arg12 : memref<64xf32, #tpu.memory_space<vmem>>) dst(%dma_wait3A_725 : memref<10112xf32, #tpu.memory_space<vmem_shared>>)
          %dma_wait3A_726 = arith.constant 0 : i32
          %dma_wait3A_727 = arith.constant 0 : i32
          %dma_wait3A_728 = tpu.memref_slice %arg8[%dma_wait3A_726, %dma_wait3A_727] : memref<32x64xi32, #tpu.memory_space<vmem>> -> memref<1x64xi32, #tpu.memory_space<vmem>>
          %dma_wait3A_729 = tpu.memref_squeeze %dma_wait3A_728 : memref<1x64xi32, #tpu.memory_space<vmem>> -> memref<64xi32, #tpu.memory_space<vmem>>
          %dma_wait3A_730 = arith.constant 0 : i32
          %dma_wait3A_731 = tpu.memref_slice %arg15[%dma_wait3A_730] : memref<10112xf32, #tpu.memory_space<vmem_shared>> -> memref<10112xf32, #tpu.memory_space<vmem_shared>>
          tpu.wait_indirect_dma semaphore(%arg26 : memref<!tpu.dma_semaphore, #tpu.memory_space<semaphore_mem>>) src(%arg12 : memref<64xf32, #tpu.memory_space<vmem>>) dst(%dma_wait3A_731 : memref<10112xf32, #tpu.memory_space<vmem_shared>>)
          %dma_wait3A_732 = arith.constant 0 : i32
          %dma_wait3A_733 = arith.constant 0 : i32
          %dma_wait3A_734 = tpu.memref_slice %arg8[%dma_wait3A_732, %dma_wait3A_733] : memref<32x64xi32, #tpu.memory_space<vmem>> -> memref<1x64xi32, #tpu.memory_space<vmem>>
          %dma_wait3A_735 = tpu.memref_squeeze %dma_wait3A_734 : memref<1x64xi32, #tpu.memory_space<vmem>> -> memref<64xi32, #tpu.memory_space<vmem>>
          %dma_wait3A_736 = arith.constant 0 : i32
          %dma_wait3A_737 = tpu.memref_slice %arg15[%dma_wait3A_736] : memref<10112xf32, #tpu.memory_space<vmem_shared>> -> memref<10112xf32, #tpu.memory_space<vmem_shared>>
          tpu.wait_indirect_dma semaphore(%arg26 : memref<!tpu.dma_semaphore, #tpu.memory_space<semaphore_mem>>) src(%arg12 : memref<64xf32, #tpu.memory_space<vmem>>) dst(%dma_wait3A_737 : memref<10112xf32, #tpu.memory_space<vmem_shared>>)
          %dma_wait3A_738 = arith.constant 0 : i32
          %dma_wait3A_739 = arith.constant 0 : i32
          %dma_wait3A_740 = tpu.memref_slice %arg8[%dma_wait3A_738, %dma_wait3A_739] : memref<32x64xi32, #tpu.memory_space<vmem>> -> memref<1x64xi32, #tpu.memory_space<vmem>>
          %dma_wait3A_741 = tpu.memref_squeeze %dma_wait3A_740 : memref<1x64xi32, #tpu.memory_space<vmem>> -> memref<64xi32, #tpu.memory_space<vmem>>
          %dma_wait3A_742 = arith.constant 0 : i32
          %dma_wait3A_743 = tpu.memref_slice %arg15[%dma_wait3A_742] : memref<10112xf32, #tpu.memory_space<vmem_shared>> -> memref<10112xf32, #tpu.memory_space<vmem_shared>>
          tpu.wait_indirect_dma semaphore(%arg26 : memref<!tpu.dma_semaphore, #tpu.memory_space<semaphore_mem>>) src(%arg12 : memref<64xf32, #tpu.memory_space<vmem>>) dst(%dma_wait3A_743 : memref<10112xf32, #tpu.memory_space<vmem_shared>>)
          %dma_wait3A_744 = arith.constant 0 : i32
          %dma_wait3A_745 = arith.constant 0 : i32
          %dma_wait3A_746 = tpu.memref_slice %arg8[%dma_wait3A_744, %dma_wait3A_745] : memref<32x64xi32, #tpu.memory_space<vmem>> -> memref<1x64xi32, #tpu.memory_space<vmem>>
          %dma_wait3A_747 = tpu.memref_squeeze %dma_wait3A_746 : memref<1x64xi32, #tpu.memory_space<vmem>> -> memref<64xi32, #tpu.memory_space<vmem>>
          %dma_wait3A_748 = arith.constant 0 : i32
          %dma_wait3A_749 = tpu.memref_slice %arg15[%dma_wait3A_748] : memref<10112xf32, #tpu.memory_space<vmem_shared>> -> memref<10112xf32, #tpu.memory_space<vmem_shared>>
          tpu.wait_indirect_dma semaphore(%arg26 : memref<!tpu.dma_semaphore, #tpu.memory_space<semaphore_mem>>) src(%arg12 : memref<64xf32, #tpu.memory_space<vmem>>) dst(%dma_wait3A_749 : memref<10112xf32, #tpu.memory_space<vmem_shared>>)
          %dma_wait3A_750 = arith.constant 0 : i32
          %dma_wait3A_751 = arith.constant 0 : i32
          %dma_wait3A_752 = tpu.memref_slice %arg8[%dma_wait3A_750, %dma_wait3A_751] : memref<32x64xi32, #tpu.memory_space<vmem>> -> memref<1x64xi32, #tpu.memory_space<vmem>>
          %dma_wait3A_753 = tpu.memref_squeeze %dma_wait3A_752 : memref<1x64xi32, #tpu.memory_space<vmem>> -> memref<64xi32, #tpu.memory_space<vmem>>
          %dma_wait3A_754 = arith.constant 0 : i32
          %dma_wait3A_755 = tpu.memref_slice %arg15[%dma_wait3A_754] : memref<10112xf32, #tpu.memory_space<vmem_shared>> -> memref<10112xf32, #tpu.memory_space<vmem_shared>>
          tpu.wait_indirect_dma semaphore(%arg26 : memref<!tpu.dma_semaphore, #tpu.memory_space<semaphore_mem>>) src(%arg12 : memref<64xf32, #tpu.memory_space<vmem>>) dst(%dma_wait3A_755 : memref<10112xf32, #tpu.memory_space<vmem_shared>>)
        } else {
        }
        %add3A_636 = arith.constant 96 : i32
        %add3A_637 = arith.addi %mul3A_33, %add3A_636 : i32
        %dma_start3A_638 = arith.constant 0 : i32
        %dma_start3A_639 = arith.constant 0 : i32
        %dma_start3A_640 = tpu.memref_slice %arg7[%dma_start3A_638, %dma_start3A_639] : memref<32x64xi32, #tpu.memory_space<vmem>> -> memref<16x64xi32, #tpu.memory_space<vmem>>
        %dma_start3A_641 = arith.constant 0 : i32
        %dma_start3A_642 = tpu.memref_slice %arg3[%add3A_637, %dma_start3A_641] : memref<2560x64xi32, #tpu.memory_space<hbm>> -> memref<16x64xi32, #tpu.memory_space<hbm>>
        %dma_start3A_643 = arith.constant 0 : i32
        %dma_start3A_644 = arith.constant 0 : i32
        %dma_start3A_645 = tpu.memref_slice %arg7[%dma_start3A_643, %dma_start3A_644] : memref<32x64xi32, #tpu.memory_space<vmem>> -> memref<16x64xi32, #tpu.memory_space<vmem>>
        %dma_start3A_646 = arith.constant 0 : i32
        %dma_start3A_647 = tpu.memref_slice %arg3[%add3A_637, %dma_start3A_646] : memref<2560x64xi32, #tpu.memory_space<hbm>> -> memref<16x64xi32, #tpu.memory_space<hbm>>
        tpu.enqueue_dma source(%dma_start3A_647 : memref<16x64xi32, #tpu.memory_space<hbm>>) target(%dma_start3A_645 : memref<16x64xi32, #tpu.memory_space<vmem>>) target_semaphore(%arg16 : memref<!tpu.dma_semaphore, #tpu.memory_space<semaphore_mem>>)
        %add3A_648 = arith.constant 96 : i32
        %add3A_649 = arith.addi %mul3A_33, %add3A_648 : i32
        %dma_start3A_650 = arith.constant 0 : i32
        %dma_start3A_651 = arith.constant 0 : i32
        %dma_start3A_652 = tpu.memref_slice %arg8[%dma_start3A_650, %dma_start3A_651] : memref<32x64xi32, #tpu.memory_space<vmem>> -> memref<16x64xi32, #tpu.memory_space<vmem>>
        %dma_start3A_653 = arith.constant 0 : i32
        %dma_start3A_654 = tpu.memref_slice %arg4[%add3A_649, %dma_start3A_653] : memref<2560x64xi32, #tpu.memory_space<hbm>> -> memref<16x64xi32, #tpu.memory_space<hbm>>
        %dma_start3A_655 = arith.constant 0 : i32
        %dma_start3A_656 = arith.constant 0 : i32
        %dma_start3A_657 = tpu.memref_slice %arg8[%dma_start3A_655, %dma_start3A_656] : memref<32x64xi32, #tpu.memory_space<vmem>> -> memref<16x64xi32, #tpu.memory_space<vmem>>
        %dma_start3A_658 = arith.constant 0 : i32
        %dma_start3A_659 = tpu.memref_slice %arg4[%add3A_649, %dma_start3A_658] : memref<2560x64xi32, #tpu.memory_space<hbm>> -> memref<16x64xi32, #tpu.memory_space<hbm>>
        tpu.enqueue_dma source(%dma_start3A_659 : memref<16x64xi32, #tpu.memory_space<hbm>>) target(%dma_start3A_657 : memref<16x64xi32, #tpu.memory_space<vmem>>) target_semaphore(%arg18 : memref<!tpu.dma_semaphore, #tpu.memory_space<semaphore_mem>>)
      } else {
      }
      %eq3A_381 = arith.constant 31 : i32
      %eq3A_382 = arith.cmpi eq, %scan3A_330, %eq3A_381 : i32
      %convert_element_type3A_383 = arith.extui %eq3A_382 : i1 to i32
      %cond3A_384 = arith.constant 0 : i32
      %cond3A_385 = arith.cmpi ne, %convert_element_type3A_383, %cond3A_384 : i32
      scf.if %cond3A_385 {
        %add3A_627 = arith.constant 96 : i32
        %add3A_628 = arith.addi %mul3A_33, %add3A_627 : i32
        %dma_wait3A_629 = arith.constant 0 : i32
        %dma_wait3A_630 = arith.constant 0 : i32
        %dma_wait3A_631 = tpu.memref_slice %arg7[%dma_wait3A_629, %dma_wait3A_630] : memref<32x64xi32, #tpu.memory_space<vmem>> -> memref<16x64xi32, #tpu.memory_space<vmem>>
        %dma_wait3A_632 = arith.constant 0 : i32
        %dma_wait3A_633 = tpu.memref_slice %arg3[%add3A_628, %dma_wait3A_632] : memref<2560x64xi32, #tpu.memory_space<hbm>> -> memref<16x64xi32, #tpu.memory_space<hbm>>
        %dma_wait3A_634 = arith.constant 0 : i32
        %dma_wait3A_635 = arith.constant 0 : i32
        %dma_wait3A_636 = tpu.memref_slice %arg7[%dma_wait3A_634, %dma_wait3A_635] : memref<32x64xi32, #tpu.memory_space<vmem>> -> memref<16x64xi32, #tpu.memory_space<vmem>>
        %dma_wait3A_637 = arith.constant 0 : i32
        %dma_wait3A_638 = tpu.memref_slice %arg3[%add3A_628, %dma_wait3A_637] : memref<2560x64xi32, #tpu.memory_space<hbm>> -> memref<16x64xi32, #tpu.memory_space<hbm>>
        tpu.wait_dma2 semaphore(%arg16 : memref<!tpu.dma_semaphore, #tpu.memory_space<semaphore_mem>>) src(%dma_wait3A_638 : memref<16x64xi32, #tpu.memory_space<hbm>>) dst(%dma_wait3A_636 : memref<16x64xi32, #tpu.memory_space<vmem>>)
        %add3A_639 = arith.constant 96 : i32
        %add3A_640 = arith.addi %mul3A_33, %add3A_639 : i32
        %dma_wait3A_641 = arith.constant 0 : i32
        %dma_wait3A_642 = arith.constant 0 : i32
        %dma_wait3A_643 = tpu.memref_slice %arg8[%dma_wait3A_641, %dma_wait3A_642] : memref<32x64xi32, #tpu.memory_space<vmem>> -> memref<16x64xi32, #tpu.memory_space<vmem>>
        %dma_wait3A_644 = arith.constant 0 : i32
        %dma_wait3A_645 = tpu.memref_slice %arg4[%add3A_640, %dma_wait3A_644] : memref<2560x64xi32, #tpu.memory_space<hbm>> -> memref<16x64xi32, #tpu.memory_space<hbm>>
        %dma_wait3A_646 = arith.constant 0 : i32
        %dma_wait3A_647 = arith.constant 0 : i32
        %dma_wait3A_648 = tpu.memref_slice %arg8[%dma_wait3A_646, %dma_wait3A_647] : memref<32x64xi32, #tpu.memory_space<vmem>> -> memref<16x64xi32, #tpu.memory_space<vmem>>
        %dma_wait3A_649 = arith.constant 0 : i32
        %dma_wait3A_650 = tpu.memref_slice %arg4[%add3A_640, %dma_wait3A_649] : memref<2560x64xi32, #tpu.memory_space<hbm>> -> memref<16x64xi32, #tpu.memory_space<hbm>>
        tpu.wait_dma2 semaphore(%arg18 : memref<!tpu.dma_semaphore, #tpu.memory_space<semaphore_mem>>) src(%dma_wait3A_650 : memref<16x64xi32, #tpu.memory_space<hbm>>) dst(%dma_wait3A_648 : memref<16x64xi32, #tpu.memory_space<vmem>>)
        %scan3A_651 = arith.constant 0 : i32
        %scan3A_652 = arith.constant 0 : i32
        %scan3A_653 = arith.constant 16 : i32
        %scan3A_654 = arith.addi %scan3A_652, %scan3A_653 : i32
        %scan3A_655 = arith.constant 1 : i32
        scf.for %scan3A_657 = %scan3A_652 to %scan3A_654 step %scan3A_655  : i32 {
          %add3A_658 = arith.constant 0 : i32
          %add3A_659 = arith.addi %add3A_658, %scan3A_657 : i32
          %get3A = arith.index_cast %add3A_659 : i32 to index
          %get3A_660 = arith.constant 0 : index
          %get3A_661 = tpu.vector_load %arg7[%get3A, %get3A_660] {strides = array<i32>} : memref<32x64xi32, #tpu.memory_space<vmem>>, vector<1x16xi32>,
          %get3A_662 = vector.shape_cast %get3A_661 : vector<1x16xi32> to vector<16xi32>
          %add3A_663 = vector.broadcast %arg0 : i32 to vector<16xi32>
          %add3A_664 = arith.addi %get3A_662, %add3A_663 : vector<16xi32>
          %add3A_665 = arith.constant 0 : i32
          %add3A_666 = arith.addi %add3A_665, %scan3A_657 : i32
          %swap3A_667 = arith.index_cast %add3A_666 : i32 to index
          %swap3A_668 = arith.constant 0 : index
          %swap3A_669 = tpu.vector_load %arg7[%swap3A_667, %swap3A_668] {strides = array<i32>} : memref<32x64xi32, #tpu.memory_space<vmem>>, vector<1x16xi32>,
          %swap3A_670 = vector.shape_cast %swap3A_669 : vector<1x16xi32> to vector<16xi32>
          %swap3A_671 = vector.shape_cast %add3A_664 : vector<16xi32> to vector<1x16xi32>
          tpu.vector_store %arg7[%swap3A_667, %swap3A_668], %swap3A_671 {strides = array<i32>} : memref<32x64xi32, #tpu.memory_space<vmem>>, vector<1x16xi32>,
          %add3A_672 = arith.constant 0 : i32
          %add3A_673 = arith.addi %add3A_672, %scan3A_657 : i32
          %get3A_674 = arith.index_cast %add3A_673 : i32 to index
          %get3A_675 = arith.constant 16 : index
          %get3A_676 = tpu.vector_load %arg7[%get3A_674, %get3A_675] {strides = array<i32>} : memref<32x64xi32, #tpu.memory_space<vmem>>, vector<1x16xi32>,
          %get3A_677 = vector.shape_cast %get3A_676 : vector<1x16xi32> to vector<16xi32>
          %add3A_678 = vector.broadcast %arg0 : i32 to vector<16xi32>
          %add3A_679 = arith.addi %get3A_677, %add3A_678 : vector<16xi32>
          %add3A_680 = arith.constant 0 : i32
          %add3A_681 = arith.addi %add3A_680, %scan3A_657 : i32
          %swap3A_682 = arith.index_cast %add3A_681 : i32 to index
          %swap3A_683 = arith.constant 16 : index
          %swap3A_684 = tpu.vector_load %arg7[%swap3A_682, %swap3A_683] {strides = array<i32>} : memref<32x64xi32, #tpu.memory_space<vmem>>, vector<1x16xi32>,
          %swap3A_685 = vector.shape_cast %swap3A_684 : vector<1x16xi32> to vector<16xi32>
          %swap3A_686 = vector.shape_cast %add3A_679 : vector<16xi32> to vector<1x16xi32>
          tpu.vector_store %arg7[%swap3A_682, %swap3A_683], %swap3A_686 {strides = array<i32>} : memref<32x64xi32, #tpu.memory_space<vmem>>, vector<1x16xi32>,
          %add3A_687 = arith.constant 0 : i32
          %add3A_688 = arith.addi %add3A_687, %scan3A_657 : i32
          %get3A_689 = arith.index_cast %add3A_688 : i32 to index
          %get3A_690 = arith.constant 32 : index
          %get3A_691 = tpu.vector_load %arg7[%get3A_689, %get3A_690] {strides = array<i32>} : memref<32x64xi32, #tpu.memory_space<vmem>>, vector<1x16xi32>,
          %get3A_692 = vector.shape_cast %get3A_691 : vector<1x16xi32> to vector<16xi32>
          %add3A_693 = vector.broadcast %arg0 : i32 to vector<16xi32>
          %add3A_694 = arith.addi %get3A_692, %add3A_693 : vector<16xi32>
          %add3A_695 = arith.constant 0 : i32
          %add3A_696 = arith.addi %add3A_695, %scan3A_657 : i32
          %swap3A_697 = arith.index_cast %add3A_696 : i32 to index
          %swap3A_698 = arith.constant 32 : index
          %swap3A_699 = tpu.vector_load %arg7[%swap3A_697, %swap3A_698] {strides = array<i32>} : memref<32x64xi32, #tpu.memory_space<vmem>>, vector<1x16xi32>,
          %swap3A_700 = vector.shape_cast %swap3A_699 : vector<1x16xi32> to vector<16xi32>
          %swap3A_701 = vector.shape_cast %add3A_694 : vector<16xi32> to vector<1x16xi32>
          tpu.vector_store %arg7[%swap3A_697, %swap3A_698], %swap3A_701 {strides = array<i32>} : memref<32x64xi32, #tpu.memory_space<vmem>>, vector<1x16xi32>,
          %add3A_702 = arith.constant 0 : i32
          %add3A_703 = arith.addi %add3A_702, %scan3A_657 : i32
          %get3A_704 = arith.index_cast %add3A_703 : i32 to index
          %get3A_705 = arith.constant 48 : index
          %get3A_706 = tpu.vector_load %arg7[%get3A_704, %get3A_705] {strides = array<i32>} : memref<32x64xi32, #tpu.memory_space<vmem>>, vector<1x16xi32>,
          %get3A_707 = vector.shape_cast %get3A_706 : vector<1x16xi32> to vector<16xi32>
          %add3A_708 = vector.broadcast %arg0 : i32 to vector<16xi32>
          %add3A_709 = arith.addi %get3A_707, %add3A_708 : vector<16xi32>
          %add3A_710 = arith.constant 0 : i32
          %add3A_711 = arith.addi %add3A_710, %scan3A_657 : i32
          %swap3A_712 = arith.index_cast %add3A_711 : i32 to index
          %swap3A_713 = arith.constant 48 : index
          %swap3A_714 = tpu.vector_load %arg7[%swap3A_712, %swap3A_713] {strides = array<i32>} : memref<32x64xi32, #tpu.memory_space<vmem>>, vector<1x16xi32>,
          %swap3A_715 = vector.shape_cast %swap3A_714 : vector<1x16xi32> to vector<16xi32>
          %swap3A_716 = vector.shape_cast %add3A_709 : vector<16xi32> to vector<1x16xi32>
          tpu.vector_store %arg7[%swap3A_712, %swap3A_713], %swap3A_716 {strides = array<i32>} : memref<32x64xi32, #tpu.memory_space<vmem>>, vector<1x16xi32>,
        }
        %scan3A_656 = arith.constant 16 : i32
      } else {
      }
      %eq3A_386 = arith.constant 32 : i32
      %eq3A_387 = arith.cmpi eq, %scan3A_330, %eq3A_386 : i32
      %convert_element_type3A_388 = arith.extui %eq3A_387 : i1 to i32
      %cond3A_389 = arith.constant 0 : i32
      %cond3A_390 = arith.cmpi ne, %convert_element_type3A_388, %cond3A_389 : i32
      scf.if %cond3A_390 {
        %eq3A_627 = arith.constant 0 : i32
        %eq3A_628 = arith.cmpi eq, %arg0, %eq3A_627 : i32
        %eq3A_629 = arith.constant false
        %eq3A_630 = arith.xori %eq3A_628, %eq3A_629 : i1
        %eq3A_631 = arith.constant true
        %eq3A_632 = arith.xori %eq3A_630, %eq3A_631 : i1
        %convert_element_type3A_633 = arith.extui %eq3A_632 : i1 to i32
        %cond3A_634 = arith.constant 0 : i32
        %cond3A_635 = arith.cmpi ne, %convert_element_type3A_633, %cond3A_634 : i32
        scf.if %cond3A_635 {
          %dma_wait3A_660 = arith.constant 0 : i32
          %dma_wait3A_661 = arith.constant 0 : i32
          %dma_wait3A_662 = tpu.memref_slice %arg8[%dma_wait3A_660, %dma_wait3A_661] : memref<32x64xi32, #tpu.memory_space<vmem>> -> memref<1x64xi32, #tpu.memory_space<vmem>>
          %dma_wait3A_663 = tpu.memref_squeeze %dma_wait3A_662 : memref<1x64xi32, #tpu.memory_space<vmem>> -> memref<64xi32, #tpu.memory_space<vmem>>
          %dma_wait3A_664 = arith.constant 0 : i32
          %dma_wait3A_665 = tpu.memref_slice %arg15[%dma_wait3A_664] : memref<10112xf32, #tpu.memory_space<vmem_shared>> -> memref<10112xf32, #tpu.memory_space<vmem_shared>>
          tpu.wait_indirect_dma semaphore(%arg26 : memref<!tpu.dma_semaphore, #tpu.memory_space<semaphore_mem>>) src(%arg12 : memref<64xf32, #tpu.memory_space<vmem>>) dst(%dma_wait3A_665 : memref<10112xf32, #tpu.memory_space<vmem_shared>>)
          %dma_wait3A_666 = arith.constant 0 : i32
          %dma_wait3A_667 = arith.constant 0 : i32
          %dma_wait3A_668 = tpu.memref_slice %arg8[%dma_wait3A_666, %dma_wait3A_667] : memref<32x64xi32, #tpu.memory_space<vmem>> -> memref<1x64xi32, #tpu.memory_space<vmem>>
          %dma_wait3A_669 = tpu.memref_squeeze %dma_wait3A_668 : memref<1x64xi32, #tpu.memory_space<vmem>> -> memref<64xi32, #tpu.memory_space<vmem>>
          %dma_wait3A_670 = arith.constant 0 : i32
          %dma_wait3A_671 = tpu.memref_slice %arg15[%dma_wait3A_670] : memref<10112xf32, #tpu.memory_space<vmem_shared>> -> memref<10112xf32, #tpu.memory_space<vmem_shared>>
          tpu.wait_indirect_dma semaphore(%arg26 : memref<!tpu.dma_semaphore, #tpu.memory_space<semaphore_mem>>) src(%arg12 : memref<64xf32, #tpu.memory_space<vmem>>) dst(%dma_wait3A_671 : memref<10112xf32, #tpu.memory_space<vmem_shared>>)
          %dma_wait3A_672 = arith.constant 0 : i32
          %dma_wait3A_673 = arith.constant 0 : i32
          %dma_wait3A_674 = tpu.memref_slice %arg8[%dma_wait3A_672, %dma_wait3A_673] : memref<32x64xi32, #tpu.memory_space<vmem>> -> memref<1x64xi32, #tpu.memory_space<vmem>>
          %dma_wait3A_675 = tpu.memref_squeeze %dma_wait3A_674 : memref<1x64xi32, #tpu.memory_space<vmem>> -> memref<64xi32, #tpu.memory_space<vmem>>
          %dma_wait3A_676 = arith.constant 0 : i32
          %dma_wait3A_677 = tpu.memref_slice %arg15[%dma_wait3A_676] : memref<10112xf32, #tpu.memory_space<vmem_shared>> -> memref<10112xf32, #tpu.memory_space<vmem_shared>>
          tpu.wait_indirect_dma semaphore(%arg26 : memref<!tpu.dma_semaphore, #tpu.memory_space<semaphore_mem>>) src(%arg12 : memref<64xf32, #tpu.memory_space<vmem>>) dst(%dma_wait3A_677 : memref<10112xf32, #tpu.memory_space<vmem_shared>>)
          %dma_wait3A_678 = arith.constant 0 : i32
          %dma_wait3A_679 = arith.constant 0 : i32
          %dma_wait3A_680 = tpu.memref_slice %arg8[%dma_wait3A_678, %dma_wait3A_679] : memref<32x64xi32, #tpu.memory_space<vmem>> -> memref<1x64xi32, #tpu.memory_space<vmem>>
          %dma_wait3A_681 = tpu.memref_squeeze %dma_wait3A_680 : memref<1x64xi32, #tpu.memory_space<vmem>> -> memref<64xi32, #tpu.memory_space<vmem>>
          %dma_wait3A_682 = arith.constant 0 : i32
          %dma_wait3A_683 = tpu.memref_slice %arg15[%dma_wait3A_682] : memref<10112xf32, #tpu.memory_space<vmem_shared>> -> memref<10112xf32, #tpu.memory_space<vmem_shared>>
          tpu.wait_indirect_dma semaphore(%arg26 : memref<!tpu.dma_semaphore, #tpu.memory_space<semaphore_mem>>) src(%arg12 : memref<64xf32, #tpu.memory_space<vmem>>) dst(%dma_wait3A_683 : memref<10112xf32, #tpu.memory_space<vmem_shared>>)
          %dma_wait3A_684 = arith.constant 0 : i32
          %dma_wait3A_685 = arith.constant 0 : i32
          %dma_wait3A_686 = tpu.memref_slice %arg8[%dma_wait3A_684, %dma_wait3A_685] : memref<32x64xi32, #tpu.memory_space<vmem>> -> memref<1x64xi32, #tpu.memory_space<vmem>>
          %dma_wait3A_687 = tpu.memref_squeeze %dma_wait3A_686 : memref<1x64xi32, #tpu.memory_space<vmem>> -> memref<64xi32, #tpu.memory_space<vmem>>
          %dma_wait3A_688 = arith.constant 0 : i32
          %dma_wait3A_689 = tpu.memref_slice %arg15[%dma_wait3A_688] : memref<10112xf32, #tpu.memory_space<vmem_shared>> -> memref<10112xf32, #tpu.memory_space<vmem_shared>>
          tpu.wait_indirect_dma semaphore(%arg26 : memref<!tpu.dma_semaphore, #tpu.memory_space<semaphore_mem>>) src(%arg12 : memref<64xf32, #tpu.memory_space<vmem>>) dst(%dma_wait3A_689 : memref<10112xf32, #tpu.memory_space<vmem_shared>>)
          %dma_wait3A_690 = arith.constant 0 : i32
          %dma_wait3A_691 = arith.constant 0 : i32
          %dma_wait3A_692 = tpu.memref_slice %arg8[%dma_wait3A_690, %dma_wait3A_691] : memref<32x64xi32, #tpu.memory_space<vmem>> -> memref<1x64xi32, #tpu.memory_space<vmem>>
          %dma_wait3A_693 = tpu.memref_squeeze %dma_wait3A_692 : memref<1x64xi32, #tpu.memory_space<vmem>> -> memref<64xi32, #tpu.memory_space<vmem>>
          %dma_wait3A_694 = arith.constant 0 : i32
          %dma_wait3A_695 = tpu.memref_slice %arg15[%dma_wait3A_694] : memref<10112xf32, #tpu.memory_space<vmem_shared>> -> memref<10112xf32, #tpu.memory_space<vmem_shared>>
          tpu.wait_indirect_dma semaphore(%arg26 : memref<!tpu.dma_semaphore, #tpu.memory_space<semaphore_mem>>) src(%arg12 : memref<64xf32, #tpu.memory_space<vmem>>) dst(%dma_wait3A_695 : memref<10112xf32, #tpu.memory_space<vmem_shared>>)
          %dma_wait3A_696 = arith.constant 0 : i32
          %dma_wait3A_697 = arith.constant 0 : i32
          %dma_wait3A_698 = tpu.memref_slice %arg8[%dma_wait3A_696, %dma_wait3A_697] : memref<32x64xi32, #tpu.memory_space<vmem>> -> memref<1x64xi32, #tpu.memory_space<vmem>>
          %dma_wait3A_699 = tpu.memref_squeeze %dma_wait3A_698 : memref<1x64xi32, #tpu.memory_space<vmem>> -> memref<64xi32, #tpu.memory_space<vmem>>
          %dma_wait3A_700 = arith.constant 0 : i32
          %dma_wait3A_701 = tpu.memref_slice %arg15[%dma_wait3A_700] : memref<10112xf32, #tpu.memory_space<vmem_shared>> -> memref<10112xf32, #tpu.memory_space<vmem_shared>>
          tpu.wait_indirect_dma semaphore(%arg26 : memref<!tpu.dma_semaphore, #tpu.memory_space<semaphore_mem>>) src(%arg12 : memref<64xf32, #tpu.memory_space<vmem>>) dst(%dma_wait3A_701 : memref<10112xf32, #tpu.memory_space<vmem_shared>>)
          %dma_wait3A_702 = arith.constant 0 : i32
          %dma_wait3A_703 = arith.constant 0 : i32
          %dma_wait3A_704 = tpu.memref_slice %arg8[%dma_wait3A_702, %dma_wait3A_703] : memref<32x64xi32, #tpu.memory_space<vmem>> -> memref<1x64xi32, #tpu.memory_space<vmem>>
          %dma_wait3A_705 = tpu.memref_squeeze %dma_wait3A_704 : memref<1x64xi32, #tpu.memory_space<vmem>> -> memref<64xi32, #tpu.memory_space<vmem>>
          %dma_wait3A_706 = arith.constant 0 : i32
          %dma_wait3A_707 = tpu.memref_slice %arg15[%dma_wait3A_706] : memref<10112xf32, #tpu.memory_space<vmem_shared>> -> memref<10112xf32, #tpu.memory_space<vmem_shared>>
          tpu.wait_indirect_dma semaphore(%arg26 : memref<!tpu.dma_semaphore, #tpu.memory_space<semaphore_mem>>) src(%arg12 : memref<64xf32, #tpu.memory_space<vmem>>) dst(%dma_wait3A_707 : memref<10112xf32, #tpu.memory_space<vmem_shared>>)
          %dma_wait3A_708 = arith.constant 0 : i32
          %dma_wait3A_709 = arith.constant 0 : i32
          %dma_wait3A_710 = tpu.memref_slice %arg8[%dma_wait3A_708, %dma_wait3A_709] : memref<32x64xi32, #tpu.memory_space<vmem>> -> memref<1x64xi32, #tpu.memory_space<vmem>>
          %dma_wait3A_711 = tpu.memref_squeeze %dma_wait3A_710 : memref<1x64xi32, #tpu.memory_space<vmem>> -> memref<64xi32, #tpu.memory_space<vmem>>
          %dma_wait3A_712 = arith.constant 0 : i32
          %dma_wait3A_713 = tpu.memref_slice %arg15[%dma_wait3A_712] : memref<10112xf32, #tpu.memory_space<vmem_shared>> -> memref<10112xf32, #tpu.memory_space<vmem_shared>>
          tpu.wait_indirect_dma semaphore(%arg26 : memref<!tpu.dma_semaphore, #tpu.memory_space<semaphore_mem>>) src(%arg12 : memref<64xf32, #tpu.memory_space<vmem>>) dst(%dma_wait3A_713 : memref<10112xf32, #tpu.memory_space<vmem_shared>>)
          %dma_wait3A_714 = arith.constant 0 : i32
          %dma_wait3A_715 = arith.constant 0 : i32
          %dma_wait3A_716 = tpu.memref_slice %arg8[%dma_wait3A_714, %dma_wait3A_715] : memref<32x64xi32, #tpu.memory_space<vmem>> -> memref<1x64xi32, #tpu.memory_space<vmem>>
          %dma_wait3A_717 = tpu.memref_squeeze %dma_wait3A_716 : memref<1x64xi32, #tpu.memory_space<vmem>> -> memref<64xi32, #tpu.memory_space<vmem>>
          %dma_wait3A_718 = arith.constant 0 : i32
          %dma_wait3A_719 = tpu.memref_slice %arg15[%dma_wait3A_718] : memref<10112xf32, #tpu.memory_space<vmem_shared>> -> memref<10112xf32, #tpu.memory_space<vmem_shared>>
          tpu.wait_indirect_dma semaphore(%arg26 : memref<!tpu.dma_semaphore, #tpu.memory_space<semaphore_mem>>) src(%arg12 : memref<64xf32, #tpu.memory_space<vmem>>) dst(%dma_wait3A_719 : memref<10112xf32, #tpu.memory_space<vmem_shared>>)
          %dma_wait3A_720 = arith.constant 0 : i32
          %dma_wait3A_721 = arith.constant 0 : i32
          %dma_wait3A_722 = tpu.memref_slice %arg8[%dma_wait3A_720, %dma_wait3A_721] : memref<32x64xi32, #tpu.memory_space<vmem>> -> memref<1x64xi32, #tpu.memory_space<vmem>>
          %dma_wait3A_723 = tpu.memref_squeeze %dma_wait3A_722 : memref<1x64xi32, #tpu.memory_space<vmem>> -> memref<64xi32, #tpu.memory_space<vmem>>
          %dma_wait3A_724 = arith.constant 0 : i32
          %dma_wait3A_725 = tpu.memref_slice %arg15[%dma_wait3A_724] : memref<10112xf32, #tpu.memory_space<vmem_shared>> -> memref<10112xf32, #tpu.memory_space<vmem_shared>>
          tpu.wait_indirect_dma semaphore(%arg26 : memref<!tpu.dma_semaphore, #tpu.memory_space<semaphore_mem>>) src(%arg12 : memref<64xf32, #tpu.memory_space<vmem>>) dst(%dma_wait3A_725 : memref<10112xf32, #tpu.memory_space<vmem_shared>>)
          %dma_wait3A_726 = arith.constant 0 : i32
          %dma_wait3A_727 = arith.constant 0 : i32
          %dma_wait3A_728 = tpu.memref_slice %arg8[%dma_wait3A_726, %dma_wait3A_727] : memref<32x64xi32, #tpu.memory_space<vmem>> -> memref<1x64xi32, #tpu.memory_space<vmem>>
          %dma_wait3A_729 = tpu.memref_squeeze %dma_wait3A_728 : memref<1x64xi32, #tpu.memory_space<vmem>> -> memref<64xi32, #tpu.memory_space<vmem>>
          %dma_wait3A_730 = arith.constant 0 : i32
          %dma_wait3A_731 = tpu.memref_slice %arg15[%dma_wait3A_730] : memref<10112xf32, #tpu.memory_space<vmem_shared>> -> memref<10112xf32, #tpu.memory_space<vmem_shared>>
          tpu.wait_indirect_dma semaphore(%arg26 : memref<!tpu.dma_semaphore, #tpu.memory_space<semaphore_mem>>) src(%arg12 : memref<64xf32, #tpu.memory_space<vmem>>) dst(%dma_wait3A_731 : memref<10112xf32, #tpu.memory_space<vmem_shared>>)
          %dma_wait3A_732 = arith.constant 0 : i32
          %dma_wait3A_733 = arith.constant 0 : i32
          %dma_wait3A_734 = tpu.memref_slice %arg8[%dma_wait3A_732, %dma_wait3A_733] : memref<32x64xi32, #tpu.memory_space<vmem>> -> memref<1x64xi32, #tpu.memory_space<vmem>>
          %dma_wait3A_735 = tpu.memref_squeeze %dma_wait3A_734 : memref<1x64xi32, #tpu.memory_space<vmem>> -> memref<64xi32, #tpu.memory_space<vmem>>
          %dma_wait3A_736 = arith.constant 0 : i32
          %dma_wait3A_737 = tpu.memref_slice %arg15[%dma_wait3A_736] : memref<10112xf32, #tpu.memory_space<vmem_shared>> -> memref<10112xf32, #tpu.memory_space<vmem_shared>>
          tpu.wait_indirect_dma semaphore(%arg26 : memref<!tpu.dma_semaphore, #tpu.memory_space<semaphore_mem>>) src(%arg12 : memref<64xf32, #tpu.memory_space<vmem>>) dst(%dma_wait3A_737 : memref<10112xf32, #tpu.memory_space<vmem_shared>>)
          %dma_wait3A_738 = arith.constant 0 : i32
          %dma_wait3A_739 = arith.constant 0 : i32
          %dma_wait3A_740 = tpu.memref_slice %arg8[%dma_wait3A_738, %dma_wait3A_739] : memref<32x64xi32, #tpu.memory_space<vmem>> -> memref<1x64xi32, #tpu.memory_space<vmem>>
          %dma_wait3A_741 = tpu.memref_squeeze %dma_wait3A_740 : memref<1x64xi32, #tpu.memory_space<vmem>> -> memref<64xi32, #tpu.memory_space<vmem>>
          %dma_wait3A_742 = arith.constant 0 : i32
          %dma_wait3A_743 = tpu.memref_slice %arg15[%dma_wait3A_742] : memref<10112xf32, #tpu.memory_space<vmem_shared>> -> memref<10112xf32, #tpu.memory_space<vmem_shared>>
          tpu.wait_indirect_dma semaphore(%arg26 : memref<!tpu.dma_semaphore, #tpu.memory_space<semaphore_mem>>) src(%arg12 : memref<64xf32, #tpu.memory_space<vmem>>) dst(%dma_wait3A_743 : memref<10112xf32, #tpu.memory_space<vmem_shared>>)
          %dma_wait3A_744 = arith.constant 0 : i32
          %dma_wait3A_745 = arith.constant 0 : i32
          %dma_wait3A_746 = tpu.memref_slice %arg8[%dma_wait3A_744, %dma_wait3A_745] : memref<32x64xi32, #tpu.memory_space<vmem>> -> memref<1x64xi32, #tpu.memory_space<vmem>>
          %dma_wait3A_747 = tpu.memref_squeeze %dma_wait3A_746 : memref<1x64xi32, #tpu.memory_space<vmem>> -> memref<64xi32, #tpu.memory_space<vmem>>
          %dma_wait3A_748 = arith.constant 0 : i32
          %dma_wait3A_749 = tpu.memref_slice %arg15[%dma_wait3A_748] : memref<10112xf32, #tpu.memory_space<vmem_shared>> -> memref<10112xf32, #tpu.memory_space<vmem_shared>>
          tpu.wait_indirect_dma semaphore(%arg26 : memref<!tpu.dma_semaphore, #tpu.memory_space<semaphore_mem>>) src(%arg12 : memref<64xf32, #tpu.memory_space<vmem>>) dst(%dma_wait3A_749 : memref<10112xf32, #tpu.memory_space<vmem_shared>>)
          %dma_wait3A_750 = arith.constant 0 : i32
          %dma_wait3A_751 = arith.constant 0 : i32
          %dma_wait3A_752 = tpu.memref_slice %arg8[%dma_wait3A_750, %dma_wait3A_751] : memref<32x64xi32, #tpu.memory_space<vmem>> -> memref<1x64xi32, #tpu.memory_space<vmem>>
          %dma_wait3A_753 = tpu.memref_squeeze %dma_wait3A_752 : memref<1x64xi32, #tpu.memory_space<vmem>> -> memref<64xi32, #tpu.memory_space<vmem>>
          %dma_wait3A_754 = arith.constant 0 : i32
          %dma_wait3A_755 = tpu.memref_slice %arg15[%dma_wait3A_754] : memref<10112xf32, #tpu.memory_space<vmem_shared>> -> memref<10112xf32, #tpu.memory_space<vmem_shared>>
          tpu.wait_indirect_dma semaphore(%arg26 : memref<!tpu.dma_semaphore, #tpu.memory_space<semaphore_mem>>) src(%arg12 : memref<64xf32, #tpu.memory_space<vmem>>) dst(%dma_wait3A_755 : memref<10112xf32, #tpu.memory_space<vmem_shared>>)
        } else {
        }
        %add3A_636 = arith.constant 112 : i32
        %add3A_637 = arith.addi %mul3A_33, %add3A_636 : i32
        %dma_start3A_638 = arith.constant 16 : i32
        %dma_start3A_639 = arith.constant 0 : i32
        %dma_start3A_640 = tpu.memref_slice %arg7[%dma_start3A_638, %dma_start3A_639] : memref<32x64xi32, #tpu.memory_space<vmem>> -> memref<16x64xi32, #tpu.memory_space<vmem>>
        %dma_start3A_641 = arith.constant 0 : i32
        %dma_start3A_642 = tpu.memref_slice %arg3[%add3A_637, %dma_start3A_641] : memref<2560x64xi32, #tpu.memory_space<hbm>> -> memref<16x64xi32, #tpu.memory_space<hbm>>
        %dma_start3A_643 = arith.constant 16 : i32
        %dma_start3A_644 = arith.constant 0 : i32
        %dma_start3A_645 = tpu.memref_slice %arg7[%dma_start3A_643, %dma_start3A_644] : memref<32x64xi32, #tpu.memory_space<vmem>> -> memref<16x64xi32, #tpu.memory_space<vmem>>
        %dma_start3A_646 = arith.constant 0 : i32
        %dma_start3A_647 = tpu.memref_slice %arg3[%add3A_637, %dma_start3A_646] : memref<2560x64xi32, #tpu.memory_space<hbm>> -> memref<16x64xi32, #tpu.memory_space<hbm>>
        tpu.enqueue_dma source(%dma_start3A_647 : memref<16x64xi32, #tpu.memory_space<hbm>>) target(%dma_start3A_645 : memref<16x64xi32, #tpu.memory_space<vmem>>) target_semaphore(%arg17 : memref<!tpu.dma_semaphore, #tpu.memory_space<semaphore_mem>>)
        %add3A_648 = arith.constant 112 : i32
        %add3A_649 = arith.addi %mul3A_33, %add3A_648 : i32
        %dma_start3A_650 = arith.constant 16 : i32
        %dma_start3A_651 = arith.constant 0 : i32
        %dma_start3A_652 = tpu.memref_slice %arg8[%dma_start3A_650, %dma_start3A_651] : memref<32x64xi32, #tpu.memory_space<vmem>> -> memref<16x64xi32, #tpu.memory_space<vmem>>
        %dma_start3A_653 = arith.constant 0 : i32
        %dma_start3A_654 = tpu.memref_slice %arg4[%add3A_649, %dma_start3A_653] : memref<2560x64xi32, #tpu.memory_space<hbm>> -> memref<16x64xi32, #tpu.memory_space<hbm>>
        %dma_start3A_655 = arith.constant 16 : i32
        %dma_start3A_656 = arith.constant 0 : i32
        %dma_start3A_657 = tpu.memref_slice %arg8[%dma_start3A_655, %dma_start3A_656] : memref<32x64xi32, #tpu.memory_space<vmem>> -> memref<16x64xi32, #tpu.memory_space<vmem>>
        %dma_start3A_658 = arith.constant 0 : i32
        %dma_start3A_659 = tpu.memref_slice %arg4[%add3A_649, %dma_start3A_658] : memref<2560x64xi32, #tpu.memory_space<hbm>> -> memref<16x64xi32, #tpu.memory_space<hbm>>
        tpu.enqueue_dma source(%dma_start3A_659 : memref<16x64xi32, #tpu.memory_space<hbm>>) target(%dma_start3A_657 : memref<16x64xi32, #tpu.memory_space<vmem>>) target_semaphore(%arg19 : memref<!tpu.dma_semaphore, #tpu.memory_space<semaphore_mem>>)
      } else {
      }
      %eq3A_391 = arith.constant 36 : i32
      %eq3A_392 = arith.cmpi eq, %scan3A_330, %eq3A_391 : i32
      %convert_element_type3A_393 = arith.extui %eq3A_392 : i1 to i32
      %cond3A_394 = arith.constant 0 : i32
      %cond3A_395 = arith.cmpi ne, %convert_element_type3A_393, %cond3A_394 : i32
      scf.if %cond3A_395 {
        %add3A_627 = arith.constant 112 : i32
        %add3A_628 = arith.addi %mul3A_33, %add3A_627 : i32
        %dma_wait3A_629 = arith.constant 16 : i32
        %dma_wait3A_630 = arith.constant 0 : i32
        %dma_wait3A_631 = tpu.memref_slice %arg7[%dma_wait3A_629, %dma_wait3A_630] : memref<32x64xi32, #tpu.memory_space<vmem>> -> memref<16x64xi32, #tpu.memory_space<vmem>>
        %dma_wait3A_632 = arith.constant 0 : i32
        %dma_wait3A_633 = tpu.memref_slice %arg3[%add3A_628, %dma_wait3A_632] : memref<2560x64xi32, #tpu.memory_space<hbm>> -> memref<16x64xi32, #tpu.memory_space<hbm>>
        %dma_wait3A_634 = arith.constant 16 : i32
        %dma_wait3A_635 = arith.constant 0 : i32
        %dma_wait3A_636 = tpu.memref_slice %arg7[%dma_wait3A_634, %dma_wait3A_635] : memref<32x64xi32, #tpu.memory_space<vmem>> -> memref<16x64xi32, #tpu.memory_space<vmem>>
        %dma_wait3A_637 = arith.constant 0 : i32
        %dma_wait3A_638 = tpu.memref_slice %arg3[%add3A_628, %dma_wait3A_637] : memref<2560x64xi32, #tpu.memory_space<hbm>> -> memref<16x64xi32, #tpu.memory_space<hbm>>
        tpu.wait_dma2 semaphore(%arg17 : memref<!tpu.dma_semaphore, #tpu.memory_space<semaphore_mem>>) src(%dma_wait3A_638 : memref<16x64xi32, #tpu.memory_space<hbm>>) dst(%dma_wait3A_636 : memref<16x64xi32, #tpu.memory_space<vmem>>)
        %add3A_639 = arith.constant 112 : i32
        %add3A_640 = arith.addi %mul3A_33, %add3A_639 : i32
        %dma_wait3A_641 = arith.constant 16 : i32
        %dma_wait3A_642 = arith.constant 0 : i32
        %dma_wait3A_643 = tpu.memref_slice %arg8[%dma_wait3A_641, %dma_wait3A_642] : memref<32x64xi32, #tpu.memory_space<vmem>> -> memref<16x64xi32, #tpu.memory_space<vmem>>
        %dma_wait3A_644 = arith.constant 0 : i32
        %dma_wait3A_645 = tpu.memref_slice %arg4[%add3A_640, %dma_wait3A_644] : memref<2560x64xi32, #tpu.memory_space<hbm>> -> memref<16x64xi32, #tpu.memory_space<hbm>>
        %dma_wait3A_646 = arith.constant 16 : i32
        %dma_wait3A_647 = arith.constant 0 : i32
        %dma_wait3A_648 = tpu.memref_slice %arg8[%dma_wait3A_646, %dma_wait3A_647] : memref<32x64xi32, #tpu.memory_space<vmem>> -> memref<16x64xi32, #tpu.memory_space<vmem>>
        %dma_wait3A_649 = arith.constant 0 : i32
        %dma_wait3A_650 = tpu.memref_slice %arg4[%add3A_640, %dma_wait3A_649] : memref<2560x64xi32, #tpu.memory_space<hbm>> -> memref<16x64xi32, #tpu.memory_space<hbm>>
        tpu.wait_dma2 semaphore(%arg19 : memref<!tpu.dma_semaphore, #tpu.memory_space<semaphore_mem>>) src(%dma_wait3A_650 : memref<16x64xi32, #tpu.memory_space<hbm>>) dst(%dma_wait3A_648 : memref<16x64xi32, #tpu.memory_space<vmem>>)
        %scan3A_651 = arith.constant 0 : i32
        %scan3A_652 = arith.constant 0 : i32
        %scan3A_653 = arith.constant 16 : i32
        %scan3A_654 = arith.addi %scan3A_652, %scan3A_653 : i32
        %scan3A_655 = arith.constant 1 : i32
        scf.for %scan3A_657 = %scan3A_652 to %scan3A_654 step %scan3A_655  : i32 {
          %add3A_658 = arith.constant 16 : i32
          %add3A_659 = arith.addi %add3A_658, %scan3A_657 : i32
          %get3A = arith.index_cast %add3A_659 : i32 to index
          %get3A_660 = arith.constant 0 : index
          %get3A_661 = tpu.vector_load %arg7[%get3A, %get3A_660] {strides = array<i32>} : memref<32x64xi32, #tpu.memory_space<vmem>>, vector<1x16xi32>,
          %get3A_662 = vector.shape_cast %get3A_661 : vector<1x16xi32> to vector<16xi32>
          %add3A_663 = vector.broadcast %arg0 : i32 to vector<16xi32>
          %add3A_664 = arith.addi %get3A_662, %add3A_663 : vector<16xi32>
          %add3A_665 = arith.constant 16 : i32
          %add3A_666 = arith.addi %add3A_665, %scan3A_657 : i32
          %swap3A_667 = arith.index_cast %add3A_666 : i32 to index
          %swap3A_668 = arith.constant 0 : index
          %swap3A_669 = tpu.vector_load %arg7[%swap3A_667, %swap3A_668] {strides = array<i32>} : memref<32x64xi32, #tpu.memory_space<vmem>>, vector<1x16xi32>,
          %swap3A_670 = vector.shape_cast %swap3A_669 : vector<1x16xi32> to vector<16xi32>
          %swap3A_671 = vector.shape_cast %add3A_664 : vector<16xi32> to vector<1x16xi32>
          tpu.vector_store %arg7[%swap3A_667, %swap3A_668], %swap3A_671 {strides = array<i32>} : memref<32x64xi32, #tpu.memory_space<vmem>>, vector<1x16xi32>,
          %add3A_672 = arith.constant 16 : i32
          %add3A_673 = arith.addi %add3A_672, %scan3A_657 : i32
          %get3A_674 = arith.index_cast %add3A_673 : i32 to index
          %get3A_675 = arith.constant 16 : index
          %get3A_676 = tpu.vector_load %arg7[%get3A_674, %get3A_675] {strides = array<i32>} : memref<32x64xi32, #tpu.memory_space<vmem>>, vector<1x16xi32>,
          %get3A_677 = vector.shape_cast %get3A_676 : vector<1x16xi32> to vector<16xi32>
          %add3A_678 = vector.broadcast %arg0 : i32 to vector<16xi32>
          %add3A_679 = arith.addi %get3A_677, %add3A_678 : vector<16xi32>
          %add3A_680 = arith.constant 16 : i32
          %add3A_681 = arith.addi %add3A_680, %scan3A_657 : i32
          %swap3A_682 = arith.index_cast %add3A_681 : i32 to index
          %swap3A_683 = arith.constant 16 : index
          %swap3A_684 = tpu.vector_load %arg7[%swap3A_682, %swap3A_683] {strides = array<i32>} : memref<32x64xi32, #tpu.memory_space<vmem>>, vector<1x16xi32>,
          %swap3A_685 = vector.shape_cast %swap3A_684 : vector<1x16xi32> to vector<16xi32>
          %swap3A_686 = vector.shape_cast %add3A_679 : vector<16xi32> to vector<1x16xi32>
          tpu.vector_store %arg7[%swap3A_682, %swap3A_683], %swap3A_686 {strides = array<i32>} : memref<32x64xi32, #tpu.memory_space<vmem>>, vector<1x16xi32>,
          %add3A_687 = arith.constant 16 : i32
          %add3A_688 = arith.addi %add3A_687, %scan3A_657 : i32
          %get3A_689 = arith.index_cast %add3A_688 : i32 to index
          %get3A_690 = arith.constant 32 : index
          %get3A_691 = tpu.vector_load %arg7[%get3A_689, %get3A_690] {strides = array<i32>} : memref<32x64xi32, #tpu.memory_space<vmem>>, vector<1x16xi32>,
          %get3A_692 = vector.shape_cast %get3A_691 : vector<1x16xi32> to vector<16xi32>
          %add3A_693 = vector.broadcast %arg0 : i32 to vector<16xi32>
          %add3A_694 = arith.addi %get3A_692, %add3A_693 : vector<16xi32>
          %add3A_695 = arith.constant 16 : i32
          %add3A_696 = arith.addi %add3A_695, %scan3A_657 : i32
          %swap3A_697 = arith.index_cast %add3A_696 : i32 to index
          %swap3A_698 = arith.constant 32 : index
          %swap3A_699 = tpu.vector_load %arg7[%swap3A_697, %swap3A_698] {strides = array<i32>} : memref<32x64xi32, #tpu.memory_space<vmem>>, vector<1x16xi32>,
          %swap3A_700 = vector.shape_cast %swap3A_699 : vector<1x16xi32> to vector<16xi32>
          %swap3A_701 = vector.shape_cast %add3A_694 : vector<16xi32> to vector<1x16xi32>
          tpu.vector_store %arg7[%swap3A_697, %swap3A_698], %swap3A_701 {strides = array<i32>} : memref<32x64xi32, #tpu.memory_space<vmem>>, vector<1x16xi32>,
          %add3A_702 = arith.constant 16 : i32
          %add3A_703 = arith.addi %add3A_702, %scan3A_657 : i32
          %get3A_704 = arith.index_cast %add3A_703 : i32 to index
          %get3A_705 = arith.constant 48 : index
          %get3A_706 = tpu.vector_load %arg7[%get3A_704, %get3A_705] {strides = array<i32>} : memref<32x64xi32, #tpu.memory_space<vmem>>, vector<1x16xi32>,
          %get3A_707 = vector.shape_cast %get3A_706 : vector<1x16xi32> to vector<16xi32>
          %add3A_708 = vector.broadcast %arg0 : i32 to vector<16xi32>
          %add3A_709 = arith.addi %get3A_707, %add3A_708 : vector<16xi32>
          %add3A_710 = arith.constant 16 : i32
          %add3A_711 = arith.addi %add3A_710, %scan3A_657 : i32
          %swap3A_712 = arith.index_cast %add3A_711 : i32 to index
          %swap3A_713 = arith.constant 48 : index
          %swap3A_714 = tpu.vector_load %arg7[%swap3A_712, %swap3A_713] {strides = array<i32>} : memref<32x64xi32, #tpu.memory_space<vmem>>, vector<1x16xi32>,
          %swap3A_715 = vector.shape_cast %swap3A_714 : vector<1x16xi32> to vector<16xi32>
          %swap3A_716 = vector.shape_cast %add3A_709 : vector<16xi32> to vector<1x16xi32>
          tpu.vector_store %arg7[%swap3A_712, %swap3A_713], %swap3A_716 {strides = array<i32>} : memref<32x64xi32, #tpu.memory_space<vmem>>, vector<1x16xi32>,
        }
        %scan3A_656 = arith.constant 16 : i32
      } else {
      }
      %eq3A_396 = arith.constant 38 : i32
      %eq3A_397 = arith.cmpi eq, %scan3A_330, %eq3A_396 : i32
      %convert_element_type3A_398 = arith.extui %eq3A_397 : i1 to i32
      %cond3A_399 = arith.constant 0 : i32
      %cond3A_400 = arith.cmpi ne, %convert_element_type3A_398, %cond3A_399 : i32
      scf.if %cond3A_400 {
        %eq3A_627 = arith.constant 0 : i32
        %eq3A_628 = arith.cmpi eq, %arg0, %eq3A_627 : i32
        %eq3A_629 = arith.constant false
        %eq3A_630 = arith.xori %eq3A_628, %eq3A_629 : i1
        %eq3A_631 = arith.constant true
        %eq3A_632 = arith.xori %eq3A_630, %eq3A_631 : i1
        %convert_element_type3A_633 = arith.extui %eq3A_632 : i1 to i32
        %cond3A_634 = arith.constant 0 : i32
        %cond3A_635 = arith.cmpi ne, %convert_element_type3A_633, %cond3A_634 : i32
        scf.if %cond3A_635 {
          %dma_wait3A_660 = arith.constant 0 : i32
          %dma_wait3A_661 = arith.constant 0 : i32
          %dma_wait3A_662 = tpu.memref_slice %arg8[%dma_wait3A_660, %dma_wait3A_661] : memref<32x64xi32, #tpu.memory_space<vmem>> -> memref<1x64xi32, #tpu.memory_space<vmem>>
          %dma_wait3A_663 = tpu.memref_squeeze %dma_wait3A_662 : memref<1x64xi32, #tpu.memory_space<vmem>> -> memref<64xi32, #tpu.memory_space<vmem>>
          %dma_wait3A_664 = arith.constant 0 : i32
          %dma_wait3A_665 = tpu.memref_slice %arg15[%dma_wait3A_664] : memref<10112xf32, #tpu.memory_space<vmem_shared>> -> memref<10112xf32, #tpu.memory_space<vmem_shared>>
          tpu.wait_indirect_dma semaphore(%arg26 : memref<!tpu.dma_semaphore, #tpu.memory_space<semaphore_mem>>) src(%arg12 : memref<64xf32, #tpu.memory_space<vmem>>) dst(%dma_wait3A_665 : memref<10112xf32, #tpu.memory_space<vmem_shared>>)
          %dma_wait3A_666 = arith.constant 0 : i32
          %dma_wait3A_667 = arith.constant 0 : i32
          %dma_wait3A_668 = tpu.memref_slice %arg8[%dma_wait3A_666, %dma_wait3A_667] : memref<32x64xi32, #tpu.memory_space<vmem>> -> memref<1x64xi32, #tpu.memory_space<vmem>>
          %dma_wait3A_669 = tpu.memref_squeeze %dma_wait3A_668 : memref<1x64xi32, #tpu.memory_space<vmem>> -> memref<64xi32, #tpu.memory_space<vmem>>
          %dma_wait3A_670 = arith.constant 0 : i32
          %dma_wait3A_671 = tpu.memref_slice %arg15[%dma_wait3A_670] : memref<10112xf32, #tpu.memory_space<vmem_shared>> -> memref<10112xf32, #tpu.memory_space<vmem_shared>>
          tpu.wait_indirect_dma semaphore(%arg26 : memref<!tpu.dma_semaphore, #tpu.memory_space<semaphore_mem>>) src(%arg12 : memref<64xf32, #tpu.memory_space<vmem>>) dst(%dma_wait3A_671 : memref<10112xf32, #tpu.memory_space<vmem_shared>>)
          %dma_wait3A_672 = arith.constant 0 : i32
          %dma_wait3A_673 = arith.constant 0 : i32
          %dma_wait3A_674 = tpu.memref_slice %arg8[%dma_wait3A_672, %dma_wait3A_673] : memref<32x64xi32, #tpu.memory_space<vmem>> -> memref<1x64xi32, #tpu.memory_space<vmem>>
          %dma_wait3A_675 = tpu.memref_squeeze %dma_wait3A_674 : memref<1x64xi32, #tpu.memory_space<vmem>> -> memref<64xi32, #tpu.memory_space<vmem>>
          %dma_wait3A_676 = arith.constant 0 : i32
          %dma_wait3A_677 = tpu.memref_slice %arg15[%dma_wait3A_676] : memref<10112xf32, #tpu.memory_space<vmem_shared>> -> memref<10112xf32, #tpu.memory_space<vmem_shared>>
          tpu.wait_indirect_dma semaphore(%arg26 : memref<!tpu.dma_semaphore, #tpu.memory_space<semaphore_mem>>) src(%arg12 : memref<64xf32, #tpu.memory_space<vmem>>) dst(%dma_wait3A_677 : memref<10112xf32, #tpu.memory_space<vmem_shared>>)
          %dma_wait3A_678 = arith.constant 0 : i32
          %dma_wait3A_679 = arith.constant 0 : i32
          %dma_wait3A_680 = tpu.memref_slice %arg8[%dma_wait3A_678, %dma_wait3A_679] : memref<32x64xi32, #tpu.memory_space<vmem>> -> memref<1x64xi32, #tpu.memory_space<vmem>>
          %dma_wait3A_681 = tpu.memref_squeeze %dma_wait3A_680 : memref<1x64xi32, #tpu.memory_space<vmem>> -> memref<64xi32, #tpu.memory_space<vmem>>
          %dma_wait3A_682 = arith.constant 0 : i32
          %dma_wait3A_683 = tpu.memref_slice %arg15[%dma_wait3A_682] : memref<10112xf32, #tpu.memory_space<vmem_shared>> -> memref<10112xf32, #tpu.memory_space<vmem_shared>>
          tpu.wait_indirect_dma semaphore(%arg26 : memref<!tpu.dma_semaphore, #tpu.memory_space<semaphore_mem>>) src(%arg12 : memref<64xf32, #tpu.memory_space<vmem>>) dst(%dma_wait3A_683 : memref<10112xf32, #tpu.memory_space<vmem_shared>>)
          %dma_wait3A_684 = arith.constant 0 : i32
          %dma_wait3A_685 = arith.constant 0 : i32
          %dma_wait3A_686 = tpu.memref_slice %arg8[%dma_wait3A_684, %dma_wait3A_685] : memref<32x64xi32, #tpu.memory_space<vmem>> -> memref<1x64xi32, #tpu.memory_space<vmem>>
          %dma_wait3A_687 = tpu.memref_squeeze %dma_wait3A_686 : memref<1x64xi32, #tpu.memory_space<vmem>> -> memref<64xi32, #tpu.memory_space<vmem>>
          %dma_wait3A_688 = arith.constant 0 : i32
          %dma_wait3A_689 = tpu.memref_slice %arg15[%dma_wait3A_688] : memref<10112xf32, #tpu.memory_space<vmem_shared>> -> memref<10112xf32, #tpu.memory_space<vmem_shared>>
          tpu.wait_indirect_dma semaphore(%arg26 : memref<!tpu.dma_semaphore, #tpu.memory_space<semaphore_mem>>) src(%arg12 : memref<64xf32, #tpu.memory_space<vmem>>) dst(%dma_wait3A_689 : memref<10112xf32, #tpu.memory_space<vmem_shared>>)
          %dma_wait3A_690 = arith.constant 0 : i32
          %dma_wait3A_691 = arith.constant 0 : i32
          %dma_wait3A_692 = tpu.memref_slice %arg8[%dma_wait3A_690, %dma_wait3A_691] : memref<32x64xi32, #tpu.memory_space<vmem>> -> memref<1x64xi32, #tpu.memory_space<vmem>>
          %dma_wait3A_693 = tpu.memref_squeeze %dma_wait3A_692 : memref<1x64xi32, #tpu.memory_space<vmem>> -> memref<64xi32, #tpu.memory_space<vmem>>
          %dma_wait3A_694 = arith.constant 0 : i32
          %dma_wait3A_695 = tpu.memref_slice %arg15[%dma_wait3A_694] : memref<10112xf32, #tpu.memory_space<vmem_shared>> -> memref<10112xf32, #tpu.memory_space<vmem_shared>>
          tpu.wait_indirect_dma semaphore(%arg26 : memref<!tpu.dma_semaphore, #tpu.memory_space<semaphore_mem>>) src(%arg12 : memref<64xf32, #tpu.memory_space<vmem>>) dst(%dma_wait3A_695 : memref<10112xf32, #tpu.memory_space<vmem_shared>>)
          %dma_wait3A_696 = arith.constant 0 : i32
          %dma_wait3A_697 = arith.constant 0 : i32
          %dma_wait3A_698 = tpu.memref_slice %arg8[%dma_wait3A_696, %dma_wait3A_697] : memref<32x64xi32, #tpu.memory_space<vmem>> -> memref<1x64xi32, #tpu.memory_space<vmem>>
          %dma_wait3A_699 = tpu.memref_squeeze %dma_wait3A_698 : memref<1x64xi32, #tpu.memory_space<vmem>> -> memref<64xi32, #tpu.memory_space<vmem>>
          %dma_wait3A_700 = arith.constant 0 : i32
          %dma_wait3A_701 = tpu.memref_slice %arg15[%dma_wait3A_700] : memref<10112xf32, #tpu.memory_space<vmem_shared>> -> memref<10112xf32, #tpu.memory_space<vmem_shared>>
          tpu.wait_indirect_dma semaphore(%arg26 : memref<!tpu.dma_semaphore, #tpu.memory_space<semaphore_mem>>) src(%arg12 : memref<64xf32, #tpu.memory_space<vmem>>) dst(%dma_wait3A_701 : memref<10112xf32, #tpu.memory_space<vmem_shared>>)
          %dma_wait3A_702 = arith.constant 0 : i32
          %dma_wait3A_703 = arith.constant 0 : i32
          %dma_wait3A_704 = tpu.memref_slice %arg8[%dma_wait3A_702, %dma_wait3A_703] : memref<32x64xi32, #tpu.memory_space<vmem>> -> memref<1x64xi32, #tpu.memory_space<vmem>>
          %dma_wait3A_705 = tpu.memref_squeeze %dma_wait3A_704 : memref<1x64xi32, #tpu.memory_space<vmem>> -> memref<64xi32, #tpu.memory_space<vmem>>
          %dma_wait3A_706 = arith.constant 0 : i32
          %dma_wait3A_707 = tpu.memref_slice %arg15[%dma_wait3A_706] : memref<10112xf32, #tpu.memory_space<vmem_shared>> -> memref<10112xf32, #tpu.memory_space<vmem_shared>>
          tpu.wait_indirect_dma semaphore(%arg26 : memref<!tpu.dma_semaphore, #tpu.memory_space<semaphore_mem>>) src(%arg12 : memref<64xf32, #tpu.memory_space<vmem>>) dst(%dma_wait3A_707 : memref<10112xf32, #tpu.memory_space<vmem_shared>>)
          %dma_wait3A_708 = arith.constant 0 : i32
          %dma_wait3A_709 = arith.constant 0 : i32
          %dma_wait3A_710 = tpu.memref_slice %arg8[%dma_wait3A_708, %dma_wait3A_709] : memref<32x64xi32, #tpu.memory_space<vmem>> -> memref<1x64xi32, #tpu.memory_space<vmem>>
          %dma_wait3A_711 = tpu.memref_squeeze %dma_wait3A_710 : memref<1x64xi32, #tpu.memory_space<vmem>> -> memref<64xi32, #tpu.memory_space<vmem>>
          %dma_wait3A_712 = arith.constant 0 : i32
          %dma_wait3A_713 = tpu.memref_slice %arg15[%dma_wait3A_712] : memref<10112xf32, #tpu.memory_space<vmem_shared>> -> memref<10112xf32, #tpu.memory_space<vmem_shared>>
          tpu.wait_indirect_dma semaphore(%arg26 : memref<!tpu.dma_semaphore, #tpu.memory_space<semaphore_mem>>) src(%arg12 : memref<64xf32, #tpu.memory_space<vmem>>) dst(%dma_wait3A_713 : memref<10112xf32, #tpu.memory_space<vmem_shared>>)
          %dma_wait3A_714 = arith.constant 0 : i32
          %dma_wait3A_715 = arith.constant 0 : i32
          %dma_wait3A_716 = tpu.memref_slice %arg8[%dma_wait3A_714, %dma_wait3A_715] : memref<32x64xi32, #tpu.memory_space<vmem>> -> memref<1x64xi32, #tpu.memory_space<vmem>>
          %dma_wait3A_717 = tpu.memref_squeeze %dma_wait3A_716 : memref<1x64xi32, #tpu.memory_space<vmem>> -> memref<64xi32, #tpu.memory_space<vmem>>
          %dma_wait3A_718 = arith.constant 0 : i32
          %dma_wait3A_719 = tpu.memref_slice %arg15[%dma_wait3A_718] : memref<10112xf32, #tpu.memory_space<vmem_shared>> -> memref<10112xf32, #tpu.memory_space<vmem_shared>>
          tpu.wait_indirect_dma semaphore(%arg26 : memref<!tpu.dma_semaphore, #tpu.memory_space<semaphore_mem>>) src(%arg12 : memref<64xf32, #tpu.memory_space<vmem>>) dst(%dma_wait3A_719 : memref<10112xf32, #tpu.memory_space<vmem_shared>>)
          %dma_wait3A_720 = arith.constant 0 : i32
          %dma_wait3A_721 = arith.constant 0 : i32
          %dma_wait3A_722 = tpu.memref_slice %arg8[%dma_wait3A_720, %dma_wait3A_721] : memref<32x64xi32, #tpu.memory_space<vmem>> -> memref<1x64xi32, #tpu.memory_space<vmem>>
          %dma_wait3A_723 = tpu.memref_squeeze %dma_wait3A_722 : memref<1x64xi32, #tpu.memory_space<vmem>> -> memref<64xi32, #tpu.memory_space<vmem>>
          %dma_wait3A_724 = arith.constant 0 : i32
          %dma_wait3A_725 = tpu.memref_slice %arg15[%dma_wait3A_724] : memref<10112xf32, #tpu.memory_space<vmem_shared>> -> memref<10112xf32, #tpu.memory_space<vmem_shared>>
          tpu.wait_indirect_dma semaphore(%arg26 : memref<!tpu.dma_semaphore, #tpu.memory_space<semaphore_mem>>) src(%arg12 : memref<64xf32, #tpu.memory_space<vmem>>) dst(%dma_wait3A_725 : memref<10112xf32, #tpu.memory_space<vmem_shared>>)
          %dma_wait3A_726 = arith.constant 0 : i32
          %dma_wait3A_727 = arith.constant 0 : i32
          %dma_wait3A_728 = tpu.memref_slice %arg8[%dma_wait3A_726, %dma_wait3A_727] : memref<32x64xi32, #tpu.memory_space<vmem>> -> memref<1x64xi32, #tpu.memory_space<vmem>>
          %dma_wait3A_729 = tpu.memref_squeeze %dma_wait3A_728 : memref<1x64xi32, #tpu.memory_space<vmem>> -> memref<64xi32, #tpu.memory_space<vmem>>
          %dma_wait3A_730 = arith.constant 0 : i32
          %dma_wait3A_731 = tpu.memref_slice %arg15[%dma_wait3A_730] : memref<10112xf32, #tpu.memory_space<vmem_shared>> -> memref<10112xf32, #tpu.memory_space<vmem_shared>>
          tpu.wait_indirect_dma semaphore(%arg26 : memref<!tpu.dma_semaphore, #tpu.memory_space<semaphore_mem>>) src(%arg12 : memref<64xf32, #tpu.memory_space<vmem>>) dst(%dma_wait3A_731 : memref<10112xf32, #tpu.memory_space<vmem_shared>>)
          %dma_wait3A_732 = arith.constant 0 : i32
          %dma_wait3A_733 = arith.constant 0 : i32
          %dma_wait3A_734 = tpu.memref_slice %arg8[%dma_wait3A_732, %dma_wait3A_733] : memref<32x64xi32, #tpu.memory_space<vmem>> -> memref<1x64xi32, #tpu.memory_space<vmem>>
          %dma_wait3A_735 = tpu.memref_squeeze %dma_wait3A_734 : memref<1x64xi32, #tpu.memory_space<vmem>> -> memref<64xi32, #tpu.memory_space<vmem>>
          %dma_wait3A_736 = arith.constant 0 : i32
          %dma_wait3A_737 = tpu.memref_slice %arg15[%dma_wait3A_736] : memref<10112xf32, #tpu.memory_space<vmem_shared>> -> memref<10112xf32, #tpu.memory_space<vmem_shared>>
          tpu.wait_indirect_dma semaphore(%arg26 : memref<!tpu.dma_semaphore, #tpu.memory_space<semaphore_mem>>) src(%arg12 : memref<64xf32, #tpu.memory_space<vmem>>) dst(%dma_wait3A_737 : memref<10112xf32, #tpu.memory_space<vmem_shared>>)
          %dma_wait3A_738 = arith.constant 0 : i32
          %dma_wait3A_739 = arith.constant 0 : i32
          %dma_wait3A_740 = tpu.memref_slice %arg8[%dma_wait3A_738, %dma_wait3A_739] : memref<32x64xi32, #tpu.memory_space<vmem>> -> memref<1x64xi32, #tpu.memory_space<vmem>>
          %dma_wait3A_741 = tpu.memref_squeeze %dma_wait3A_740 : memref<1x64xi32, #tpu.memory_space<vmem>> -> memref<64xi32, #tpu.memory_space<vmem>>
          %dma_wait3A_742 = arith.constant 0 : i32
          %dma_wait3A_743 = tpu.memref_slice %arg15[%dma_wait3A_742] : memref<10112xf32, #tpu.memory_space<vmem_shared>> -> memref<10112xf32, #tpu.memory_space<vmem_shared>>
          tpu.wait_indirect_dma semaphore(%arg26 : memref<!tpu.dma_semaphore, #tpu.memory_space<semaphore_mem>>) src(%arg12 : memref<64xf32, #tpu.memory_space<vmem>>) dst(%dma_wait3A_743 : memref<10112xf32, #tpu.memory_space<vmem_shared>>)
          %dma_wait3A_744 = arith.constant 0 : i32
          %dma_wait3A_745 = arith.constant 0 : i32
          %dma_wait3A_746 = tpu.memref_slice %arg8[%dma_wait3A_744, %dma_wait3A_745] : memref<32x64xi32, #tpu.memory_space<vmem>> -> memref<1x64xi32, #tpu.memory_space<vmem>>
          %dma_wait3A_747 = tpu.memref_squeeze %dma_wait3A_746 : memref<1x64xi32, #tpu.memory_space<vmem>> -> memref<64xi32, #tpu.memory_space<vmem>>
          %dma_wait3A_748 = arith.constant 0 : i32
          %dma_wait3A_749 = tpu.memref_slice %arg15[%dma_wait3A_748] : memref<10112xf32, #tpu.memory_space<vmem_shared>> -> memref<10112xf32, #tpu.memory_space<vmem_shared>>
          tpu.wait_indirect_dma semaphore(%arg26 : memref<!tpu.dma_semaphore, #tpu.memory_space<semaphore_mem>>) src(%arg12 : memref<64xf32, #tpu.memory_space<vmem>>) dst(%dma_wait3A_749 : memref<10112xf32, #tpu.memory_space<vmem_shared>>)
          %dma_wait3A_750 = arith.constant 0 : i32
          %dma_wait3A_751 = arith.constant 0 : i32
          %dma_wait3A_752 = tpu.memref_slice %arg8[%dma_wait3A_750, %dma_wait3A_751] : memref<32x64xi32, #tpu.memory_space<vmem>> -> memref<1x64xi32, #tpu.memory_space<vmem>>
          %dma_wait3A_753 = tpu.memref_squeeze %dma_wait3A_752 : memref<1x64xi32, #tpu.memory_space<vmem>> -> memref<64xi32, #tpu.memory_space<vmem>>
          %dma_wait3A_754 = arith.constant 0 : i32
          %dma_wait3A_755 = tpu.memref_slice %arg15[%dma_wait3A_754] : memref<10112xf32, #tpu.memory_space<vmem_shared>> -> memref<10112xf32, #tpu.memory_space<vmem_shared>>
          tpu.wait_indirect_dma semaphore(%arg26 : memref<!tpu.dma_semaphore, #tpu.memory_space<semaphore_mem>>) src(%arg12 : memref<64xf32, #tpu.memory_space<vmem>>) dst(%dma_wait3A_755 : memref<10112xf32, #tpu.memory_space<vmem_shared>>)
        } else {
        }
        %add3A_636 = arith.constant 128 : i32
        %add3A_637 = arith.addi %mul3A_33, %add3A_636 : i32
        %dma_start3A_638 = arith.constant 0 : i32
        %dma_start3A_639 = arith.constant 0 : i32
        %dma_start3A_640 = tpu.memref_slice %arg7[%dma_start3A_638, %dma_start3A_639] : memref<32x64xi32, #tpu.memory_space<vmem>> -> memref<16x64xi32, #tpu.memory_space<vmem>>
        %dma_start3A_641 = arith.constant 0 : i32
        %dma_start3A_642 = tpu.memref_slice %arg3[%add3A_637, %dma_start3A_641] : memref<2560x64xi32, #tpu.memory_space<hbm>> -> memref<16x64xi32, #tpu.memory_space<hbm>>
        %dma_start3A_643 = arith.constant 0 : i32
        %dma_start3A_644 = arith.constant 0 : i32
        %dma_start3A_645 = tpu.memref_slice %arg7[%dma_start3A_643, %dma_start3A_644] : memref<32x64xi32, #tpu.memory_space<vmem>> -> memref<16x64xi32, #tpu.memory_space<vmem>>
        %dma_start3A_646 = arith.constant 0 : i32
        %dma_start3A_647 = tpu.memref_slice %arg3[%add3A_637, %dma_start3A_646] : memref<2560x64xi32, #tpu.memory_space<hbm>> -> memref<16x64xi32, #tpu.memory_space<hbm>>
        tpu.enqueue_dma source(%dma_start3A_647 : memref<16x64xi32, #tpu.memory_space<hbm>>) target(%dma_start3A_645 : memref<16x64xi32, #tpu.memory_space<vmem>>) target_semaphore(%arg16 : memref<!tpu.dma_semaphore, #tpu.memory_space<semaphore_mem>>)
        %add3A_648 = arith.constant 128 : i32
        %add3A_649 = arith.addi %mul3A_33, %add3A_648 : i32
        %dma_start3A_650 = arith.constant 0 : i32
        %dma_start3A_651 = arith.constant 0 : i32
        %dma_start3A_652 = tpu.memref_slice %arg8[%dma_start3A_650, %dma_start3A_651] : memref<32x64xi32, #tpu.memory_space<vmem>> -> memref<16x64xi32, #tpu.memory_space<vmem>>
        %dma_start3A_653 = arith.constant 0 : i32
        %dma_start3A_654 = tpu.memref_slice %arg4[%add3A_649, %dma_start3A_653] : memref<2560x64xi32, #tpu.memory_space<hbm>> -> memref<16x64xi32, #tpu.memory_space<hbm>>
        %dma_start3A_655 = arith.constant 0 : i32
        %dma_start3A_656 = arith.constant 0 : i32
        %dma_start3A_657 = tpu.memref_slice %arg8[%dma_start3A_655, %dma_start3A_656] : memref<32x64xi32, #tpu.memory_space<vmem>> -> memref<16x64xi32, #tpu.memory_space<vmem>>
        %dma_start3A_658 = arith.constant 0 : i32
        %dma_start3A_659 = tpu.memref_slice %arg4[%add3A_649, %dma_start3A_658] : memref<2560x64xi32, #tpu.memory_space<hbm>> -> memref<16x64xi32, #tpu.memory_space<hbm>>
        tpu.enqueue_dma source(%dma_start3A_659 : memref<16x64xi32, #tpu.memory_space<hbm>>) target(%dma_start3A_657 : memref<16x64xi32, #tpu.memory_space<vmem>>) target_semaphore(%arg18 : memref<!tpu.dma_semaphore, #tpu.memory_space<semaphore_mem>>)
      } else {
      }
      %eq3A_401 = arith.constant 41 : i32
      %eq3A_402 = arith.cmpi eq, %scan3A_330, %eq3A_401 : i32
      %convert_element_type3A_403 = arith.extui %eq3A_402 : i1 to i32
      %cond3A_404 = arith.constant 0 : i32
      %cond3A_405 = arith.cmpi ne, %convert_element_type3A_403, %cond3A_404 : i32
      scf.if %cond3A_405 {
        %add3A_627 = arith.constant 128 : i32
        %add3A_628 = arith.addi %mul3A_33, %add3A_627 : i32
        %dma_wait3A_629 = arith.constant 0 : i32
        %dma_wait3A_630 = arith.constant 0 : i32
        %dma_wait3A_631 = tpu.memref_slice %arg7[%dma_wait3A_629, %dma_wait3A_630] : memref<32x64xi32, #tpu.memory_space<vmem>> -> memref<16x64xi32, #tpu.memory_space<vmem>>
        %dma_wait3A_632 = arith.constant 0 : i32
        %dma_wait3A_633 = tpu.memref_slice %arg3[%add3A_628, %dma_wait3A_632] : memref<2560x64xi32, #tpu.memory_space<hbm>> -> memref<16x64xi32, #tpu.memory_space<hbm>>
        %dma_wait3A_634 = arith.constant 0 : i32
        %dma_wait3A_635 = arith.constant 0 : i32
        %dma_wait3A_636 = tpu.memref_slice %arg7[%dma_wait3A_634, %dma_wait3A_635] : memref<32x64xi32, #tpu.memory_space<vmem>> -> memref<16x64xi32, #tpu.memory_space<vmem>>
        %dma_wait3A_637 = arith.constant 0 : i32
        %dma_wait3A_638 = tpu.memref_slice %arg3[%add3A_628, %dma_wait3A_637] : memref<2560x64xi32, #tpu.memory_space<hbm>> -> memref<16x64xi32, #tpu.memory_space<hbm>>
        tpu.wait_dma2 semaphore(%arg16 : memref<!tpu.dma_semaphore, #tpu.memory_space<semaphore_mem>>) src(%dma_wait3A_638 : memref<16x64xi32, #tpu.memory_space<hbm>>) dst(%dma_wait3A_636 : memref<16x64xi32, #tpu.memory_space<vmem>>)
        %add3A_639 = arith.constant 128 : i32
        %add3A_640 = arith.addi %mul3A_33, %add3A_639 : i32
        %dma_wait3A_641 = arith.constant 0 : i32
        %dma_wait3A_642 = arith.constant 0 : i32
        %dma_wait3A_643 = tpu.memref_slice %arg8[%dma_wait3A_641, %dma_wait3A_642] : memref<32x64xi32, #tpu.memory_space<vmem>> -> memref<16x64xi32, #tpu.memory_space<vmem>>
        %dma_wait3A_644 = arith.constant 0 : i32
        %dma_wait3A_645 = tpu.memref_slice %arg4[%add3A_640, %dma_wait3A_644] : memref<2560x64xi32, #tpu.memory_space<hbm>> -> memref<16x64xi32, #tpu.memory_space<hbm>>
        %dma_wait3A_646 = arith.constant 0 : i32
        %dma_wait3A_647 = arith.constant 0 : i32
        %dma_wait3A_648 = tpu.memref_slice %arg8[%dma_wait3A_646, %dma_wait3A_647] : memref<32x64xi32, #tpu.memory_space<vmem>> -> memref<16x64xi32, #tpu.memory_space<vmem>>
        %dma_wait3A_649 = arith.constant 0 : i32
        %dma_wait3A_650 = tpu.memref_slice %arg4[%add3A_640, %dma_wait3A_649] : memref<2560x64xi32, #tpu.memory_space<hbm>> -> memref<16x64xi32, #tpu.memory_space<hbm>>
        tpu.wait_dma2 semaphore(%arg18 : memref<!tpu.dma_semaphore, #tpu.memory_space<semaphore_mem>>) src(%dma_wait3A_650 : memref<16x64xi32, #tpu.memory_space<hbm>>) dst(%dma_wait3A_648 : memref<16x64xi32, #tpu.memory_space<vmem>>)
        %scan3A_651 = arith.constant 0 : i32
        %scan3A_652 = arith.constant 0 : i32
        %scan3A_653 = arith.constant 16 : i32
        %scan3A_654 = arith.addi %scan3A_652, %scan3A_653 : i32
        %scan3A_655 = arith.constant 1 : i32
        scf.for %scan3A_657 = %scan3A_652 to %scan3A_654 step %scan3A_655  : i32 {
          %add3A_658 = arith.constant 0 : i32
          %add3A_659 = arith.addi %add3A_658, %scan3A_657 : i32
          %get3A = arith.index_cast %add3A_659 : i32 to index
          %get3A_660 = arith.constant 0 : index
          %get3A_661 = tpu.vector_load %arg7[%get3A, %get3A_660] {strides = array<i32>} : memref<32x64xi32, #tpu.memory_space<vmem>>, vector<1x16xi32>,
          %get3A_662 = vector.shape_cast %get3A_661 : vector<1x16xi32> to vector<16xi32>
          %add3A_663 = vector.broadcast %arg0 : i32 to vector<16xi32>
          %add3A_664 = arith.addi %get3A_662, %add3A_663 : vector<16xi32>
          %add3A_665 = arith.constant 0 : i32
          %add3A_666 = arith.addi %add3A_665, %scan3A_657 : i32
          %swap3A_667 = arith.index_cast %add3A_666 : i32 to index
          %swap3A_668 = arith.constant 0 : index
          %swap3A_669 = tpu.vector_load %arg7[%swap3A_667, %swap3A_668] {strides = array<i32>} : memref<32x64xi32, #tpu.memory_space<vmem>>, vector<1x16xi32>,
          %swap3A_670 = vector.shape_cast %swap3A_669 : vector<1x16xi32> to vector<16xi32>
          %swap3A_671 = vector.shape_cast %add3A_664 : vector<16xi32> to vector<1x16xi32>
          tpu.vector_store %arg7[%swap3A_667, %swap3A_668], %swap3A_671 {strides = array<i32>} : memref<32x64xi32, #tpu.memory_space<vmem>>, vector<1x16xi32>,
          %add3A_672 = arith.constant 0 : i32
          %add3A_673 = arith.addi %add3A_672, %scan3A_657 : i32
          %get3A_674 = arith.index_cast %add3A_673 : i32 to index
          %get3A_675 = arith.constant 16 : index
          %get3A_676 = tpu.vector_load %arg7[%get3A_674, %get3A_675] {strides = array<i32>} : memref<32x64xi32, #tpu.memory_space<vmem>>, vector<1x16xi32>,
          %get3A_677 = vector.shape_cast %get3A_676 : vector<1x16xi32> to vector<16xi32>
          %add3A_678 = vector.broadcast %arg0 : i32 to vector<16xi32>
          %add3A_679 = arith.addi %get3A_677, %add3A_678 : vector<16xi32>
          %add3A_680 = arith.constant 0 : i32
          %add3A_681 = arith.addi %add3A_680, %scan3A_657 : i32
          %swap3A_682 = arith.index_cast %add3A_681 : i32 to index
          %swap3A_683 = arith.constant 16 : index
          %swap3A_684 = tpu.vector_load %arg7[%swap3A_682, %swap3A_683] {strides = array<i32>} : memref<32x64xi32, #tpu.memory_space<vmem>>, vector<1x16xi32>,
          %swap3A_685 = vector.shape_cast %swap3A_684 : vector<1x16xi32> to vector<16xi32>
          %swap3A_686 = vector.shape_cast %add3A_679 : vector<16xi32> to vector<1x16xi32>
          tpu.vector_store %arg7[%swap3A_682, %swap3A_683], %swap3A_686 {strides = array<i32>} : memref<32x64xi32, #tpu.memory_space<vmem>>, vector<1x16xi32>,
          %add3A_687 = arith.constant 0 : i32
          %add3A_688 = arith.addi %add3A_687, %scan3A_657 : i32
          %get3A_689 = arith.index_cast %add3A_688 : i32 to index
          %get3A_690 = arith.constant 32 : index
          %get3A_691 = tpu.vector_load %arg7[%get3A_689, %get3A_690] {strides = array<i32>} : memref<32x64xi32, #tpu.memory_space<vmem>>, vector<1x16xi32>,
          %get3A_692 = vector.shape_cast %get3A_691 : vector<1x16xi32> to vector<16xi32>
          %add3A_693 = vector.broadcast %arg0 : i32 to vector<16xi32>
          %add3A_694 = arith.addi %get3A_692, %add3A_693 : vector<16xi32>
          %add3A_695 = arith.constant 0 : i32
          %add3A_696 = arith.addi %add3A_695, %scan3A_657 : i32
          %swap3A_697 = arith.index_cast %add3A_696 : i32 to index
          %swap3A_698 = arith.constant 32 : index
          %swap3A_699 = tpu.vector_load %arg7[%swap3A_697, %swap3A_698] {strides = array<i32>} : memref<32x64xi32, #tpu.memory_space<vmem>>, vector<1x16xi32>,
          %swap3A_700 = vector.shape_cast %swap3A_699 : vector<1x16xi32> to vector<16xi32>
          %swap3A_701 = vector.shape_cast %add3A_694 : vector<16xi32> to vector<1x16xi32>
          tpu.vector_store %arg7[%swap3A_697, %swap3A_698], %swap3A_701 {strides = array<i32>} : memref<32x64xi32, #tpu.memory_space<vmem>>, vector<1x16xi32>,
          %add3A_702 = arith.constant 0 : i32
          %add3A_703 = arith.addi %add3A_702, %scan3A_657 : i32
          %get3A_704 = arith.index_cast %add3A_703 : i32 to index
          %get3A_705 = arith.constant 48 : index
          %get3A_706 = tpu.vector_load %arg7[%get3A_704, %get3A_705] {strides = array<i32>} : memref<32x64xi32, #tpu.memory_space<vmem>>, vector<1x16xi32>,
          %get3A_707 = vector.shape_cast %get3A_706 : vector<1x16xi32> to vector<16xi32>
          %add3A_708 = vector.broadcast %arg0 : i32 to vector<16xi32>
          %add3A_709 = arith.addi %get3A_707, %add3A_708 : vector<16xi32>
          %add3A_710 = arith.constant 0 : i32
          %add3A_711 = arith.addi %add3A_710, %scan3A_657 : i32
          %swap3A_712 = arith.index_cast %add3A_711 : i32 to index
          %swap3A_713 = arith.constant 48 : index
          %swap3A_714 = tpu.vector_load %arg7[%swap3A_712, %swap3A_713] {strides = array<i32>} : memref<32x64xi32, #tpu.memory_space<vmem>>, vector<1x16xi32>,
          %swap3A_715 = vector.shape_cast %swap3A_714 : vector<1x16xi32> to vector<16xi32>
          %swap3A_716 = vector.shape_cast %add3A_709 : vector<16xi32> to vector<1x16xi32>
          tpu.vector_store %arg7[%swap3A_712, %swap3A_713], %swap3A_716 {strides = array<i32>} : memref<32x64xi32, #tpu.memory_space<vmem>>, vector<1x16xi32>,
        }
        %scan3A_656 = arith.constant 16 : i32
      } else {
      }
      %eq3A_406 = arith.constant 43 : i32
      %eq3A_407 = arith.cmpi eq, %scan3A_330, %eq3A_406 : i32
      %convert_element_type3A_408 = arith.extui %eq3A_407 : i1 to i32
      %cond3A_409 = arith.constant 0 : i32
      %cond3A_410 = arith.cmpi ne, %convert_element_type3A_408, %cond3A_409 : i32
      scf.if %cond3A_410 {
        %eq3A_627 = arith.constant 0 : i32
        %eq3A_628 = arith.cmpi eq, %arg0, %eq3A_627 : i32
        %eq3A_629 = arith.constant false
        %eq3A_630 = arith.xori %eq3A_628, %eq3A_629 : i1
        %eq3A_631 = arith.constant true
        %eq3A_632 = arith.xori %eq3A_630, %eq3A_631 : i1
        %convert_element_type3A_633 = arith.extui %eq3A_632 : i1 to i32
        %cond3A_634 = arith.constant 0 : i32
        %cond3A_635 = arith.cmpi ne, %convert_element_type3A_633, %cond3A_634 : i32
        scf.if %cond3A_635 {
          %dma_wait3A_660 = arith.constant 0 : i32
          %dma_wait3A_661 = arith.constant 0 : i32
          %dma_wait3A_662 = tpu.memref_slice %arg8[%dma_wait3A_660, %dma_wait3A_661] : memref<32x64xi32, #tpu.memory_space<vmem>> -> memref<1x64xi32, #tpu.memory_space<vmem>>
          %dma_wait3A_663 = tpu.memref_squeeze %dma_wait3A_662 : memref<1x64xi32, #tpu.memory_space<vmem>> -> memref<64xi32, #tpu.memory_space<vmem>>
          %dma_wait3A_664 = arith.constant 0 : i32
          %dma_wait3A_665 = tpu.memref_slice %arg15[%dma_wait3A_664] : memref<10112xf32, #tpu.memory_space<vmem_shared>> -> memref<10112xf32, #tpu.memory_space<vmem_shared>>
          tpu.wait_indirect_dma semaphore(%arg26 : memref<!tpu.dma_semaphore, #tpu.memory_space<semaphore_mem>>) src(%arg12 : memref<64xf32, #tpu.memory_space<vmem>>) dst(%dma_wait3A_665 : memref<10112xf32, #tpu.memory_space<vmem_shared>>)
          %dma_wait3A_666 = arith.constant 0 : i32
          %dma_wait3A_667 = arith.constant 0 : i32
          %dma_wait3A_668 = tpu.memref_slice %arg8[%dma_wait3A_666, %dma_wait3A_667] : memref<32x64xi32, #tpu.memory_space<vmem>> -> memref<1x64xi32, #tpu.memory_space<vmem>>
          %dma_wait3A_669 = tpu.memref_squeeze %dma_wait3A_668 : memref<1x64xi32, #tpu.memory_space<vmem>> -> memref<64xi32, #tpu.memory_space<vmem>>
          %dma_wait3A_670 = arith.constant 0 : i32
          %dma_wait3A_671 = tpu.memref_slice %arg15[%dma_wait3A_670] : memref<10112xf32, #tpu.memory_space<vmem_shared>> -> memref<10112xf32, #tpu.memory_space<vmem_shared>>
          tpu.wait_indirect_dma semaphore(%arg26 : memref<!tpu.dma_semaphore, #tpu.memory_space<semaphore_mem>>) src(%arg12 : memref<64xf32, #tpu.memory_space<vmem>>) dst(%dma_wait3A_671 : memref<10112xf32, #tpu.memory_space<vmem_shared>>)
          %dma_wait3A_672 = arith.constant 0 : i32
          %dma_wait3A_673 = arith.constant 0 : i32
          %dma_wait3A_674 = tpu.memref_slice %arg8[%dma_wait3A_672, %dma_wait3A_673] : memref<32x64xi32, #tpu.memory_space<vmem>> -> memref<1x64xi32, #tpu.memory_space<vmem>>
          %dma_wait3A_675 = tpu.memref_squeeze %dma_wait3A_674 : memref<1x64xi32, #tpu.memory_space<vmem>> -> memref<64xi32, #tpu.memory_space<vmem>>
          %dma_wait3A_676 = arith.constant 0 : i32
          %dma_wait3A_677 = tpu.memref_slice %arg15[%dma_wait3A_676] : memref<10112xf32, #tpu.memory_space<vmem_shared>> -> memref<10112xf32, #tpu.memory_space<vmem_shared>>
          tpu.wait_indirect_dma semaphore(%arg26 : memref<!tpu.dma_semaphore, #tpu.memory_space<semaphore_mem>>) src(%arg12 : memref<64xf32, #tpu.memory_space<vmem>>) dst(%dma_wait3A_677 : memref<10112xf32, #tpu.memory_space<vmem_shared>>)
          %dma_wait3A_678 = arith.constant 0 : i32
          %dma_wait3A_679 = arith.constant 0 : i32
          %dma_wait3A_680 = tpu.memref_slice %arg8[%dma_wait3A_678, %dma_wait3A_679] : memref<32x64xi32, #tpu.memory_space<vmem>> -> memref<1x64xi32, #tpu.memory_space<vmem>>
          %dma_wait3A_681 = tpu.memref_squeeze %dma_wait3A_680 : memref<1x64xi32, #tpu.memory_space<vmem>> -> memref<64xi32, #tpu.memory_space<vmem>>
          %dma_wait3A_682 = arith.constant 0 : i32
          %dma_wait3A_683 = tpu.memref_slice %arg15[%dma_wait3A_682] : memref<10112xf32, #tpu.memory_space<vmem_shared>> -> memref<10112xf32, #tpu.memory_space<vmem_shared>>
          tpu.wait_indirect_dma semaphore(%arg26 : memref<!tpu.dma_semaphore, #tpu.memory_space<semaphore_mem>>) src(%arg12 : memref<64xf32, #tpu.memory_space<vmem>>) dst(%dma_wait3A_683 : memref<10112xf32, #tpu.memory_space<vmem_shared>>)
          %dma_wait3A_684 = arith.constant 0 : i32
          %dma_wait3A_685 = arith.constant 0 : i32
          %dma_wait3A_686 = tpu.memref_slice %arg8[%dma_wait3A_684, %dma_wait3A_685] : memref<32x64xi32, #tpu.memory_space<vmem>> -> memref<1x64xi32, #tpu.memory_space<vmem>>
          %dma_wait3A_687 = tpu.memref_squeeze %dma_wait3A_686 : memref<1x64xi32, #tpu.memory_space<vmem>> -> memref<64xi32, #tpu.memory_space<vmem>>
          %dma_wait3A_688 = arith.constant 0 : i32
          %dma_wait3A_689 = tpu.memref_slice %arg15[%dma_wait3A_688] : memref<10112xf32, #tpu.memory_space<vmem_shared>> -> memref<10112xf32, #tpu.memory_space<vmem_shared>>
          tpu.wait_indirect_dma semaphore(%arg26 : memref<!tpu.dma_semaphore, #tpu.memory_space<semaphore_mem>>) src(%arg12 : memref<64xf32, #tpu.memory_space<vmem>>) dst(%dma_wait3A_689 : memref<10112xf32, #tpu.memory_space<vmem_shared>>)
          %dma_wait3A_690 = arith.constant 0 : i32
          %dma_wait3A_691 = arith.constant 0 : i32
          %dma_wait3A_692 = tpu.memref_slice %arg8[%dma_wait3A_690, %dma_wait3A_691] : memref<32x64xi32, #tpu.memory_space<vmem>> -> memref<1x64xi32, #tpu.memory_space<vmem>>
          %dma_wait3A_693 = tpu.memref_squeeze %dma_wait3A_692 : memref<1x64xi32, #tpu.memory_space<vmem>> -> memref<64xi32, #tpu.memory_space<vmem>>
          %dma_wait3A_694 = arith.constant 0 : i32
          %dma_wait3A_695 = tpu.memref_slice %arg15[%dma_wait3A_694] : memref<10112xf32, #tpu.memory_space<vmem_shared>> -> memref<10112xf32, #tpu.memory_space<vmem_shared>>
          tpu.wait_indirect_dma semaphore(%arg26 : memref<!tpu.dma_semaphore, #tpu.memory_space<semaphore_mem>>) src(%arg12 : memref<64xf32, #tpu.memory_space<vmem>>) dst(%dma_wait3A_695 : memref<10112xf32, #tpu.memory_space<vmem_shared>>)
          %dma_wait3A_696 = arith.constant 0 : i32
          %dma_wait3A_697 = arith.constant 0 : i32
          %dma_wait3A_698 = tpu.memref_slice %arg8[%dma_wait3A_696, %dma_wait3A_697] : memref<32x64xi32, #tpu.memory_space<vmem>> -> memref<1x64xi32, #tpu.memory_space<vmem>>
          %dma_wait3A_699 = tpu.memref_squeeze %dma_wait3A_698 : memref<1x64xi32, #tpu.memory_space<vmem>> -> memref<64xi32, #tpu.memory_space<vmem>>
          %dma_wait3A_700 = arith.constant 0 : i32
          %dma_wait3A_701 = tpu.memref_slice %arg15[%dma_wait3A_700] : memref<10112xf32, #tpu.memory_space<vmem_shared>> -> memref<10112xf32, #tpu.memory_space<vmem_shared>>
          tpu.wait_indirect_dma semaphore(%arg26 : memref<!tpu.dma_semaphore, #tpu.memory_space<semaphore_mem>>) src(%arg12 : memref<64xf32, #tpu.memory_space<vmem>>) dst(%dma_wait3A_701 : memref<10112xf32, #tpu.memory_space<vmem_shared>>)
          %dma_wait3A_702 = arith.constant 0 : i32
          %dma_wait3A_703 = arith.constant 0 : i32
          %dma_wait3A_704 = tpu.memref_slice %arg8[%dma_wait3A_702, %dma_wait3A_703] : memref<32x64xi32, #tpu.memory_space<vmem>> -> memref<1x64xi32, #tpu.memory_space<vmem>>
          %dma_wait3A_705 = tpu.memref_squeeze %dma_wait3A_704 : memref<1x64xi32, #tpu.memory_space<vmem>> -> memref<64xi32, #tpu.memory_space<vmem>>
          %dma_wait3A_706 = arith.constant 0 : i32
          %dma_wait3A_707 = tpu.memref_slice %arg15[%dma_wait3A_706] : memref<10112xf32, #tpu.memory_space<vmem_shared>> -> memref<10112xf32, #tpu.memory_space<vmem_shared>>
          tpu.wait_indirect_dma semaphore(%arg26 : memref<!tpu.dma_semaphore, #tpu.memory_space<semaphore_mem>>) src(%arg12 : memref<64xf32, #tpu.memory_space<vmem>>) dst(%dma_wait3A_707 : memref<10112xf32, #tpu.memory_space<vmem_shared>>)
          %dma_wait3A_708 = arith.constant 0 : i32
          %dma_wait3A_709 = arith.constant 0 : i32
          %dma_wait3A_710 = tpu.memref_slice %arg8[%dma_wait3A_708, %dma_wait3A_709] : memref<32x64xi32, #tpu.memory_space<vmem>> -> memref<1x64xi32, #tpu.memory_space<vmem>>
          %dma_wait3A_711 = tpu.memref_squeeze %dma_wait3A_710 : memref<1x64xi32, #tpu.memory_space<vmem>> -> memref<64xi32, #tpu.memory_space<vmem>>
          %dma_wait3A_712 = arith.constant 0 : i32
          %dma_wait3A_713 = tpu.memref_slice %arg15[%dma_wait3A_712] : memref<10112xf32, #tpu.memory_space<vmem_shared>> -> memref<10112xf32, #tpu.memory_space<vmem_shared>>
          tpu.wait_indirect_dma semaphore(%arg26 : memref<!tpu.dma_semaphore, #tpu.memory_space<semaphore_mem>>) src(%arg12 : memref<64xf32, #tpu.memory_space<vmem>>) dst(%dma_wait3A_713 : memref<10112xf32, #tpu.memory_space<vmem_shared>>)
          %dma_wait3A_714 = arith.constant 0 : i32
          %dma_wait3A_715 = arith.constant 0 : i32
          %dma_wait3A_716 = tpu.memref_slice %arg8[%dma_wait3A_714, %dma_wait3A_715] : memref<32x64xi32, #tpu.memory_space<vmem>> -> memref<1x64xi32, #tpu.memory_space<vmem>>
          %dma_wait3A_717 = tpu.memref_squeeze %dma_wait3A_716 : memref<1x64xi32, #tpu.memory_space<vmem>> -> memref<64xi32, #tpu.memory_space<vmem>>
          %dma_wait3A_718 = arith.constant 0 : i32
          %dma_wait3A_719 = tpu.memref_slice %arg15[%dma_wait3A_718] : memref<10112xf32, #tpu.memory_space<vmem_shared>> -> memref<10112xf32, #tpu.memory_space<vmem_shared>>
          tpu.wait_indirect_dma semaphore(%arg26 : memref<!tpu.dma_semaphore, #tpu.memory_space<semaphore_mem>>) src(%arg12 : memref<64xf32, #tpu.memory_space<vmem>>) dst(%dma_wait3A_719 : memref<10112xf32, #tpu.memory_space<vmem_shared>>)
          %dma_wait3A_720 = arith.constant 0 : i32
          %dma_wait3A_721 = arith.constant 0 : i32
          %dma_wait3A_722 = tpu.memref_slice %arg8[%dma_wait3A_720, %dma_wait3A_721] : memref<32x64xi32, #tpu.memory_space<vmem>> -> memref<1x64xi32, #tpu.memory_space<vmem>>
          %dma_wait3A_723 = tpu.memref_squeeze %dma_wait3A_722 : memref<1x64xi32, #tpu.memory_space<vmem>> -> memref<64xi32, #tpu.memory_space<vmem>>
          %dma_wait3A_724 = arith.constant 0 : i32
          %dma_wait3A_725 = tpu.memref_slice %arg15[%dma_wait3A_724] : memref<10112xf32, #tpu.memory_space<vmem_shared>> -> memref<10112xf32, #tpu.memory_space<vmem_shared>>
          tpu.wait_indirect_dma semaphore(%arg26 : memref<!tpu.dma_semaphore, #tpu.memory_space<semaphore_mem>>) src(%arg12 : memref<64xf32, #tpu.memory_space<vmem>>) dst(%dma_wait3A_725 : memref<10112xf32, #tpu.memory_space<vmem_shared>>)
          %dma_wait3A_726 = arith.constant 0 : i32
          %dma_wait3A_727 = arith.constant 0 : i32
          %dma_wait3A_728 = tpu.memref_slice %arg8[%dma_wait3A_726, %dma_wait3A_727] : memref<32x64xi32, #tpu.memory_space<vmem>> -> memref<1x64xi32, #tpu.memory_space<vmem>>
          %dma_wait3A_729 = tpu.memref_squeeze %dma_wait3A_728 : memref<1x64xi32, #tpu.memory_space<vmem>> -> memref<64xi32, #tpu.memory_space<vmem>>
          %dma_wait3A_730 = arith.constant 0 : i32
          %dma_wait3A_731 = tpu.memref_slice %arg15[%dma_wait3A_730] : memref<10112xf32, #tpu.memory_space<vmem_shared>> -> memref<10112xf32, #tpu.memory_space<vmem_shared>>
          tpu.wait_indirect_dma semaphore(%arg26 : memref<!tpu.dma_semaphore, #tpu.memory_space<semaphore_mem>>) src(%arg12 : memref<64xf32, #tpu.memory_space<vmem>>) dst(%dma_wait3A_731 : memref<10112xf32, #tpu.memory_space<vmem_shared>>)
          %dma_wait3A_732 = arith.constant 0 : i32
          %dma_wait3A_733 = arith.constant 0 : i32
          %dma_wait3A_734 = tpu.memref_slice %arg8[%dma_wait3A_732, %dma_wait3A_733] : memref<32x64xi32, #tpu.memory_space<vmem>> -> memref<1x64xi32, #tpu.memory_space<vmem>>
          %dma_wait3A_735 = tpu.memref_squeeze %dma_wait3A_734 : memref<1x64xi32, #tpu.memory_space<vmem>> -> memref<64xi32, #tpu.memory_space<vmem>>
          %dma_wait3A_736 = arith.constant 0 : i32
          %dma_wait3A_737 = tpu.memref_slice %arg15[%dma_wait3A_736] : memref<10112xf32, #tpu.memory_space<vmem_shared>> -> memref<10112xf32, #tpu.memory_space<vmem_shared>>
          tpu.wait_indirect_dma semaphore(%arg26 : memref<!tpu.dma_semaphore, #tpu.memory_space<semaphore_mem>>) src(%arg12 : memref<64xf32, #tpu.memory_space<vmem>>) dst(%dma_wait3A_737 : memref<10112xf32, #tpu.memory_space<vmem_shared>>)
          %dma_wait3A_738 = arith.constant 0 : i32
          %dma_wait3A_739 = arith.constant 0 : i32
          %dma_wait3A_740 = tpu.memref_slice %arg8[%dma_wait3A_738, %dma_wait3A_739] : memref<32x64xi32, #tpu.memory_space<vmem>> -> memref<1x64xi32, #tpu.memory_space<vmem>>
          %dma_wait3A_741 = tpu.memref_squeeze %dma_wait3A_740 : memref<1x64xi32, #tpu.memory_space<vmem>> -> memref<64xi32, #tpu.memory_space<vmem>>
          %dma_wait3A_742 = arith.constant 0 : i32
          %dma_wait3A_743 = tpu.memref_slice %arg15[%dma_wait3A_742] : memref<10112xf32, #tpu.memory_space<vmem_shared>> -> memref<10112xf32, #tpu.memory_space<vmem_shared>>
          tpu.wait_indirect_dma semaphore(%arg26 : memref<!tpu.dma_semaphore, #tpu.memory_space<semaphore_mem>>) src(%arg12 : memref<64xf32, #tpu.memory_space<vmem>>) dst(%dma_wait3A_743 : memref<10112xf32, #tpu.memory_space<vmem_shared>>)
          %dma_wait3A_744 = arith.constant 0 : i32
          %dma_wait3A_745 = arith.constant 0 : i32
          %dma_wait3A_746 = tpu.memref_slice %arg8[%dma_wait3A_744, %dma_wait3A_745] : memref<32x64xi32, #tpu.memory_space<vmem>> -> memref<1x64xi32, #tpu.memory_space<vmem>>
          %dma_wait3A_747 = tpu.memref_squeeze %dma_wait3A_746 : memref<1x64xi32, #tpu.memory_space<vmem>> -> memref<64xi32, #tpu.memory_space<vmem>>
          %dma_wait3A_748 = arith.constant 0 : i32
          %dma_wait3A_749 = tpu.memref_slice %arg15[%dma_wait3A_748] : memref<10112xf32, #tpu.memory_space<vmem_shared>> -> memref<10112xf32, #tpu.memory_space<vmem_shared>>
          tpu.wait_indirect_dma semaphore(%arg26 : memref<!tpu.dma_semaphore, #tpu.memory_space<semaphore_mem>>) src(%arg12 : memref<64xf32, #tpu.memory_space<vmem>>) dst(%dma_wait3A_749 : memref<10112xf32, #tpu.memory_space<vmem_shared>>)
          %dma_wait3A_750 = arith.constant 0 : i32
          %dma_wait3A_751 = arith.constant 0 : i32
          %dma_wait3A_752 = tpu.memref_slice %arg8[%dma_wait3A_750, %dma_wait3A_751] : memref<32x64xi32, #tpu.memory_space<vmem>> -> memref<1x64xi32, #tpu.memory_space<vmem>>
          %dma_wait3A_753 = tpu.memref_squeeze %dma_wait3A_752 : memref<1x64xi32, #tpu.memory_space<vmem>> -> memref<64xi32, #tpu.memory_space<vmem>>
          %dma_wait3A_754 = arith.constant 0 : i32
          %dma_wait3A_755 = tpu.memref_slice %arg15[%dma_wait3A_754] : memref<10112xf32, #tpu.memory_space<vmem_shared>> -> memref<10112xf32, #tpu.memory_space<vmem_shared>>
          tpu.wait_indirect_dma semaphore(%arg26 : memref<!tpu.dma_semaphore, #tpu.memory_space<semaphore_mem>>) src(%arg12 : memref<64xf32, #tpu.memory_space<vmem>>) dst(%dma_wait3A_755 : memref<10112xf32, #tpu.memory_space<vmem_shared>>)
        } else {
        }
        %add3A_636 = arith.constant 144 : i32
        %add3A_637 = arith.addi %mul3A_33, %add3A_636 : i32
        %dma_start3A_638 = arith.constant 16 : i32
        %dma_start3A_639 = arith.constant 0 : i32
        %dma_start3A_640 = tpu.memref_slice %arg7[%dma_start3A_638, %dma_start3A_639] : memref<32x64xi32, #tpu.memory_space<vmem>> -> memref<16x64xi32, #tpu.memory_space<vmem>>
        %dma_start3A_641 = arith.constant 0 : i32
        %dma_start3A_642 = tpu.memref_slice %arg3[%add3A_637, %dma_start3A_641] : memref<2560x64xi32, #tpu.memory_space<hbm>> -> memref<16x64xi32, #tpu.memory_space<hbm>>
        %dma_start3A_643 = arith.constant 16 : i32
        %dma_start3A_644 = arith.constant 0 : i32
        %dma_start3A_645 = tpu.memref_slice %arg7[%dma_start3A_643, %dma_start3A_644] : memref<32x64xi32, #tpu.memory_space<vmem>> -> memref<16x64xi32, #tpu.memory_space<vmem>>
        %dma_start3A_646 = arith.constant 0 : i32
        %dma_start3A_647 = tpu.memref_slice %arg3[%add3A_637, %dma_start3A_646] : memref<2560x64xi32, #tpu.memory_space<hbm>> -> memref<16x64xi32, #tpu.memory_space<hbm>>
        tpu.enqueue_dma source(%dma_start3A_647 : memref<16x64xi32, #tpu.memory_space<hbm>>) target(%dma_start3A_645 : memref<16x64xi32, #tpu.memory_space<vmem>>) target_semaphore(%arg17 : memref<!tpu.dma_semaphore, #tpu.memory_space<semaphore_mem>>)
        %add3A_648 = arith.constant 144 : i32
        %add3A_649 = arith.addi %mul3A_33, %add3A_648 : i32
        %dma_start3A_650 = arith.constant 16 : i32
        %dma_start3A_651 = arith.constant 0 : i32
        %dma_start3A_652 = tpu.memref_slice %arg8[%dma_start3A_650, %dma_start3A_651] : memref<32x64xi32, #tpu.memory_space<vmem>> -> memref<16x64xi32, #tpu.memory_space<vmem>>
        %dma_start3A_653 = arith.constant 0 : i32
        %dma_start3A_654 = tpu.memref_slice %arg4[%add3A_649, %dma_start3A_653] : memref<2560x64xi32, #tpu.memory_space<hbm>> -> memref<16x64xi32, #tpu.memory_space<hbm>>
        %dma_start3A_655 = arith.constant 16 : i32
        %dma_start3A_656 = arith.constant 0 : i32
        %dma_start3A_657 = tpu.memref_slice %arg8[%dma_start3A_655, %dma_start3A_656] : memref<32x64xi32, #tpu.memory_space<vmem>> -> memref<16x64xi32, #tpu.memory_space<vmem>>
        %dma_start3A_658 = arith.constant 0 : i32
        %dma_start3A_659 = tpu.memref_slice %arg4[%add3A_649, %dma_start3A_658] : memref<2560x64xi32, #tpu.memory_space<hbm>> -> memref<16x64xi32, #tpu.memory_space<hbm>>
        tpu.enqueue_dma source(%dma_start3A_659 : memref<16x64xi32, #tpu.memory_space<hbm>>) target(%dma_start3A_657 : memref<16x64xi32, #tpu.memory_space<vmem>>) target_semaphore(%arg19 : memref<!tpu.dma_semaphore, #tpu.memory_space<semaphore_mem>>)
      } else {
      }
      %eq3A_411 = arith.constant 47 : i32
      %eq3A_412 = arith.cmpi eq, %scan3A_330, %eq3A_411 : i32
      %convert_element_type3A_413 = arith.extui %eq3A_412 : i1 to i32
      %cond3A_414 = arith.constant 0 : i32
      %cond3A_415 = arith.cmpi ne, %convert_element_type3A_413, %cond3A_414 : i32
      scf.if %cond3A_415 {
        %add3A_627 = arith.constant 144 : i32
        %add3A_628 = arith.addi %mul3A_33, %add3A_627 : i32
        %dma_wait3A_629 = arith.constant 16 : i32
        %dma_wait3A_630 = arith.constant 0 : i32
        %dma_wait3A_631 = tpu.memref_slice %arg7[%dma_wait3A_629, %dma_wait3A_630] : memref<32x64xi32, #tpu.memory_space<vmem>> -> memref<16x64xi32, #tpu.memory_space<vmem>>
        %dma_wait3A_632 = arith.constant 0 : i32
        %dma_wait3A_633 = tpu.memref_slice %arg3[%add3A_628, %dma_wait3A_632] : memref<2560x64xi32, #tpu.memory_space<hbm>> -> memref<16x64xi32, #tpu.memory_space<hbm>>
        %dma_wait3A_634 = arith.constant 16 : i32
        %dma_wait3A_635 = arith.constant 0 : i32
        %dma_wait3A_636 = tpu.memref_slice %arg7[%dma_wait3A_634, %dma_wait3A_635] : memref<32x64xi32, #tpu.memory_space<vmem>> -> memref<16x64xi32, #tpu.memory_space<vmem>>
        %dma_wait3A_637 = arith.constant 0 : i32
        %dma_wait3A_638 = tpu.memref_slice %arg3[%add3A_628, %dma_wait3A_637] : memref<2560x64xi32, #tpu.memory_space<hbm>> -> memref<16x64xi32, #tpu.memory_space<hbm>>
        tpu.wait_dma2 semaphore(%arg17 : memref<!tpu.dma_semaphore, #tpu.memory_space<semaphore_mem>>) src(%dma_wait3A_638 : memref<16x64xi32, #tpu.memory_space<hbm>>) dst(%dma_wait3A_636 : memref<16x64xi32, #tpu.memory_space<vmem>>)
        %add3A_639 = arith.constant 144 : i32
        %add3A_640 = arith.addi %mul3A_33, %add3A_639 : i32
        %dma_wait3A_641 = arith.constant 16 : i32
        %dma_wait3A_642 = arith.constant 0 : i32
        %dma_wait3A_643 = tpu.memref_slice %arg8[%dma_wait3A_641, %dma_wait3A_642] : memref<32x64xi32, #tpu.memory_space<vmem>> -> memref<16x64xi32, #tpu.memory_space<vmem>>
        %dma_wait3A_644 = arith.constant 0 : i32
        %dma_wait3A_645 = tpu.memref_slice %arg4[%add3A_640, %dma_wait3A_644] : memref<2560x64xi32, #tpu.memory_space<hbm>> -> memref<16x64xi32, #tpu.memory_space<hbm>>
        %dma_wait3A_646 = arith.constant 16 : i32
        %dma_wait3A_647 = arith.constant 0 : i32
        %dma_wait3A_648 = tpu.memref_slice %arg8[%dma_wait3A_646, %dma_wait3A_647] : memref<32x64xi32, #tpu.memory_space<vmem>> -> memref<16x64xi32, #tpu.memory_space<vmem>>
        %dma_wait3A_649 = arith.constant 0 : i32
        %dma_wait3A_650 = tpu.memref_slice %arg4[%add3A_640, %dma_wait3A_649] : memref<2560x64xi32, #tpu.memory_space<hbm>> -> memref<16x64xi32, #tpu.memory_space<hbm>>
        tpu.wait_dma2 semaphore(%arg19 : memref<!tpu.dma_semaphore, #tpu.memory_space<semaphore_mem>>) src(%dma_wait3A_650 : memref<16x64xi32, #tpu.memory_space<hbm>>) dst(%dma_wait3A_648 : memref<16x64xi32, #tpu.memory_space<vmem>>)
        %scan3A_651 = arith.constant 0 : i32
        %scan3A_652 = arith.constant 0 : i32
        %scan3A_653 = arith.constant 16 : i32
        %scan3A_654 = arith.addi %scan3A_652, %scan3A_653 : i32
        %scan3A_655 = arith.constant 1 : i32
        scf.for %scan3A_657 = %scan3A_652 to %scan3A_654 step %scan3A_655  : i32 {
          %add3A_658 = arith.constant 16 : i32
          %add3A_659 = arith.addi %add3A_658, %scan3A_657 : i32
          %get3A = arith.index_cast %add3A_659 : i32 to index
          %get3A_660 = arith.constant 0 : index
          %get3A_661 = tpu.vector_load %arg7[%get3A, %get3A_660] {strides = array<i32>} : memref<32x64xi32, #tpu.memory_space<vmem>>, vector<1x16xi32>,
          %get3A_662 = vector.shape_cast %get3A_661 : vector<1x16xi32> to vector<16xi32>
          %add3A_663 = vector.broadcast %arg0 : i32 to vector<16xi32>
          %add3A_664 = arith.addi %get3A_662, %add3A_663 : vector<16xi32>
          %add3A_665 = arith.constant 16 : i32
          %add3A_666 = arith.addi %add3A_665, %scan3A_657 : i32
          %swap3A_667 = arith.index_cast %add3A_666 : i32 to index
          %swap3A_668 = arith.constant 0 : index
          %swap3A_669 = tpu.vector_load %arg7[%swap3A_667, %swap3A_668] {strides = array<i32>} : memref<32x64xi32, #tpu.memory_space<vmem>>, vector<1x16xi32>,
          %swap3A_670 = vector.shape_cast %swap3A_669 : vector<1x16xi32> to vector<16xi32>
          %swap3A_671 = vector.shape_cast %add3A_664 : vector<16xi32> to vector<1x16xi32>
          tpu.vector_store %arg7[%swap3A_667, %swap3A_668], %swap3A_671 {strides = array<i32>} : memref<32x64xi32, #tpu.memory_space<vmem>>, vector<1x16xi32>,
          %add3A_672 = arith.constant 16 : i32
          %add3A_673 = arith.addi %add3A_672, %scan3A_657 : i32
          %get3A_674 = arith.index_cast %add3A_673 : i32 to index
          %get3A_675 = arith.constant 16 : index
          %get3A_676 = tpu.vector_load %arg7[%get3A_674, %get3A_675] {strides = array<i32>} : memref<32x64xi32, #tpu.memory_space<vmem>>, vector<1x16xi32>,
          %get3A_677 = vector.shape_cast %get3A_676 : vector<1x16xi32> to vector<16xi32>
          %add3A_678 = vector.broadcast %arg0 : i32 to vector<16xi32>
          %add3A_679 = arith.addi %get3A_677, %add3A_678 : vector<16xi32>
          %add3A_680 = arith.constant 16 : i32
          %add3A_681 = arith.addi %add3A_680, %scan3A_657 : i32
          %swap3A_682 = arith.index_cast %add3A_681 : i32 to index
          %swap3A_683 = arith.constant 16 : index
          %swap3A_684 = tpu.vector_load %arg7[%swap3A_682, %swap3A_683] {strides = array<i32>} : memref<32x64xi32, #tpu.memory_space<vmem>>, vector<1x16xi32>,
          %swap3A_685 = vector.shape_cast %swap3A_684 : vector<1x16xi32> to vector<16xi32>
          %swap3A_686 = vector.shape_cast %add3A_679 : vector<16xi32> to vector<1x16xi32>
          tpu.vector_store %arg7[%swap3A_682, %swap3A_683], %swap3A_686 {strides = array<i32>} : memref<32x64xi32, #tpu.memory_space<vmem>>, vector<1x16xi32>,
          %add3A_687 = arith.constant 16 : i32
          %add3A_688 = arith.addi %add3A_687, %scan3A_657 : i32
          %get3A_689 = arith.index_cast %add3A_688 : i32 to index
          %get3A_690 = arith.constant 32 : index
          %get3A_691 = tpu.vector_load %arg7[%get3A_689, %get3A_690] {strides = array<i32>} : memref<32x64xi32, #tpu.memory_space<vmem>>, vector<1x16xi32>,
          %get3A_692 = vector.shape_cast %get3A_691 : vector<1x16xi32> to vector<16xi32>
          %add3A_693 = vector.broadcast %arg0 : i32 to vector<16xi32>
          %add3A_694 = arith.addi %get3A_692, %add3A_693 : vector<16xi32>
          %add3A_695 = arith.constant 16 : i32
          %add3A_696 = arith.addi %add3A_695, %scan3A_657 : i32
          %swap3A_697 = arith.index_cast %add3A_696 : i32 to index
          %swap3A_698 = arith.constant 32 : index
          %swap3A_699 = tpu.vector_load %arg7[%swap3A_697, %swap3A_698] {strides = array<i32>} : memref<32x64xi32, #tpu.memory_space<vmem>>, vector<1x16xi32>,
          %swap3A_700 = vector.shape_cast %swap3A_699 : vector<1x16xi32> to vector<16xi32>
          %swap3A_701 = vector.shape_cast %add3A_694 : vector<16xi32> to vector<1x16xi32>
          tpu.vector_store %arg7[%swap3A_697, %swap3A_698], %swap3A_701 {strides = array<i32>} : memref<32x64xi32, #tpu.memory_space<vmem>>, vector<1x16xi32>,
          %add3A_702 = arith.constant 16 : i32
          %add3A_703 = arith.addi %add3A_702, %scan3A_657 : i32
          %get3A_704 = arith.index_cast %add3A_703 : i32 to index
          %get3A_705 = arith.constant 48 : index
          %get3A_706 = tpu.vector_load %arg7[%get3A_704, %get3A_705] {strides = array<i32>} : memref<32x64xi32, #tpu.memory_space<vmem>>, vector<1x16xi32>,
          %get3A_707 = vector.shape_cast %get3A_706 : vector<1x16xi32> to vector<16xi32>
          %add3A_708 = vector.broadcast %arg0 : i32 to vector<16xi32>
          %add3A_709 = arith.addi %get3A_707, %add3A_708 : vector<16xi32>
          %add3A_710 = arith.constant 16 : i32
          %add3A_711 = arith.addi %add3A_710, %scan3A_657 : i32
          %swap3A_712 = arith.index_cast %add3A_711 : i32 to index
          %swap3A_713 = arith.constant 48 : index
          %swap3A_714 = tpu.vector_load %arg7[%swap3A_712, %swap3A_713] {strides = array<i32>} : memref<32x64xi32, #tpu.memory_space<vmem>>, vector<1x16xi32>,
          %swap3A_715 = vector.shape_cast %swap3A_714 : vector<1x16xi32> to vector<16xi32>
          %swap3A_716 = vector.shape_cast %add3A_709 : vector<16xi32> to vector<1x16xi32>
          tpu.vector_store %arg7[%swap3A_712, %swap3A_713], %swap3A_716 {strides = array<i32>} : memref<32x64xi32, #tpu.memory_space<vmem>>, vector<1x16xi32>,
        }
        %scan3A_656 = arith.constant 16 : i32
      } else {
      }
      %mul3A_416 = arith.constant 3 : i32
      %mul3A_417 = arith.muli %mul3A_416, %scan3A_330 : i32
      %rem3A_418 = arith.constant 32 : i32
      %rem3A_419 = arith.remsi %mul3A_417, %rem3A_418 : i32
      %dma_wait3A_420 = arith.constant 0 : i32
      %dma_wait3A_421 = tpu.memref_slice %arg7[%rem3A_419, %dma_wait3A_420] : memref<32x64xi32, #tpu.memory_space<vmem>> -> memref<1x64xi32, #tpu.memory_space<vmem>>
      %dma_wait3A_422 = tpu.memref_squeeze %dma_wait3A_421 : memref<1x64xi32, #tpu.memory_space<vmem>> -> memref<64xi32, #tpu.memory_space<vmem>>
      %dma_wait3A_423 = arith.constant 0 : i32
      %dma_wait3A_424 = arith.constant 0 : i32
      %dma_wait3A_425 = tpu.memref_slice %arg2[%dma_wait3A_423, %dma_wait3A_424] : memref<20000x128xf32, #tpu.memory_space<hbm>> -> memref<20000x128xf32, #tpu.memory_space<hbm>>
      tpu.wait_indirect_dma semaphore(%arg20 : memref<!tpu.dma_semaphore, #tpu.memory_space<semaphore_mem>>) src(%dma_wait3A_425 : memref<20000x128xf32, #tpu.memory_space<hbm>>) dst(%arg9 : memref<64x128xf32, #tpu.memory_space<vmem>>)
      %rem3A_426 = arith.constant 32 : i32
      %rem3A_427 = arith.remsi %mul3A_417, %rem3A_426 : i32
      %dma_start3A_428 = arith.constant 0 : i32
      %dma_start3A_429 = tpu.memref_slice %arg8[%rem3A_427, %dma_start3A_428] : memref<32x64xi32, #tpu.memory_space<vmem>> -> memref<1x64xi32, #tpu.memory_space<vmem>>
      %dma_start3A_430 = tpu.memref_squeeze %dma_start3A_429 : memref<1x64xi32, #tpu.memory_space<vmem>> -> memref<64xi32, #tpu.memory_space<vmem>>
      %dma_start3A_431 = arith.constant 0 : i32
      %dma_start3A_432 = arith.constant 0 : i32
      %dma_start3A_433 = tpu.memref_slice %arg14[%dma_start3A_431, %dma_start3A_432] : memref<10112x128xf32, #tpu.memory_space<vmem_shared>> -> memref<10112x128xf32, #tpu.memory_space<vmem_shared>>
      tpu.enqueue_indirect_dma source(%arg9 : memref<64x128xf32, #tpu.memory_space<vmem>>) target(%dma_start3A_433 : memref<10112x128xf32, #tpu.memory_space<vmem_shared>>) offsets(%dma_start3A_430 : memref<64xi32, #tpu.memory_space<vmem>>) semaphore(%arg23 : memref<!tpu.dma_semaphore, #tpu.memory_space<semaphore_mem>>) {add = true}
      %eq3A_434 = arith.constant 0 : i32
      %eq3A_435 = arith.cmpi eq, %arg0, %eq3A_434 : i32
      %jit3A = arith.constant 16 : i32
      %div3A = arith.divsi %mul3A_417, %jit3A : i32
      %sign3A = arith.constant 0 : i32
      %sign3A_436 = arith.cmpi sgt, %mul3A_417, %sign3A : i32
      %sign3A_437 = arith.extui %sign3A_436 : i1 to i32
      %sign3A_438 = arith.constant 0 : i32
      %sign3A_439 = arith.cmpi slt, %mul3A_417, %sign3A_438 : i32
      %sign3A_440 = arith.extui %sign3A_439 : i1 to i32
      %sign3A_441 = arith.subi %sign3A_437, %sign3A_440 : i32
      %sign3A_442 = arith.constant 0 : i32
      %sign3A_443 = arith.cmpi sgt, %jit3A, %sign3A_442 : i32
      %sign3A_444 = arith.extui %sign3A_443 : i1 to i32
      %sign3A_445 = arith.constant 0 : i32
      %sign3A_446 = arith.cmpi slt, %jit3A, %sign3A_445 : i32
      %sign3A_447 = arith.extui %sign3A_446 : i1 to i32
      %sign3A_448 = arith.subi %sign3A_444, %sign3A_447 : i32
      %ne3A = arith.cmpi ne, %sign3A_441, %sign3A_448 : i32
      %rem3A_449 = arith.remsi %mul3A_417, %jit3A : i32
      %ne3A_450 = arith.constant 0 : i32
      %ne3A_451 = arith.cmpi ne, %rem3A_449, %ne3A_450 : i32
      %and3A = arith.andi %ne3A, %ne3A_451 : i1
      %sub3A = arith.constant 1 : i32
      %sub3A_452 = arith.subi %div3A, %sub3A : i32
      %select_n3A = arith.select %and3A, %sub3A_452, %div3A : i32
      %lt3A_453 = arith.constant 5 : i32
      %lt3A_454 = arith.cmpi slt, %select_n3A, %lt3A_453 : i32
      %eq3A_455 = arith.xori %eq3A_435, %lt3A_454 : i1
      %eq3A_456 = arith.constant true
      %eq3A_457 = arith.xori %eq3A_455, %eq3A_456 : i1
      %convert_element_type3A_458 = arith.extui %eq3A_457 : i1 to i32
      %cond3A_459 = arith.constant 0 : i32
      %cond3A_460 = arith.cmpi ne, %convert_element_type3A_458, %cond3A_459 : i32
      scf.if %cond3A_460 {
        %dma_start3A_627 = arith.constant 0 : i32
        %dma_start3A_628 = tpu.memref_slice %arg8[%rem3A_427, %dma_start3A_627] : memref<32x64xi32, #tpu.memory_space<vmem>> -> memref<1x64xi32, #tpu.memory_space<vmem>>
        %dma_start3A_629 = tpu.memref_squeeze %dma_start3A_628 : memref<1x64xi32, #tpu.memory_space<vmem>> -> memref<64xi32, #tpu.memory_space<vmem>>
        %dma_start3A_630 = arith.constant 0 : i32
        %dma_start3A_631 = tpu.memref_slice %arg15[%dma_start3A_630] : memref<10112xf32, #tpu.memory_space<vmem_shared>> -> memref<10112xf32, #tpu.memory_space<vmem_shared>>
        tpu.enqueue_indirect_dma source(%arg12 : memref<64xf32, #tpu.memory_space<vmem>>) target(%dma_start3A_631 : memref<10112xf32, #tpu.memory_space<vmem_shared>>) offsets(%dma_start3A_629 : memref<64xi32, #tpu.memory_space<vmem>>) semaphore(%arg26 : memref<!tpu.dma_semaphore, #tpu.memory_space<semaphore_mem>>) {add = true}
      } else {
      }
      %add3A_461 = arith.constant 1 : i32
      %add3A_462 = arith.addi %mul3A_417, %add3A_461 : i32
      %rem3A_463 = arith.constant 32 : i32
      %rem3A_464 = arith.remsi %add3A_462, %rem3A_463 : i32
      %dma_wait3A_465 = arith.constant 0 : i32
      %dma_wait3A_466 = tpu.memref_slice %arg7[%rem3A_464, %dma_wait3A_465] : memref<32x64xi32, #tpu.memory_space<vmem>> -> memref<1x64xi32, #tpu.memory_space<vmem>>
      %dma_wait3A_467 = tpu.memref_squeeze %dma_wait3A_466 : memref<1x64xi32, #tpu.memory_space<vmem>> -> memref<64xi32, #tpu.memory_space<vmem>>
      %dma_wait3A_468 = arith.constant 0 : i32
      %dma_wait3A_469 = arith.constant 0 : i32
      %dma_wait3A_470 = tpu.memref_slice %arg2[%dma_wait3A_468, %dma_wait3A_469] : memref<20000x128xf32, #tpu.memory_space<hbm>> -> memref<20000x128xf32, #tpu.memory_space<hbm>>
      tpu.wait_indirect_dma semaphore(%arg21 : memref<!tpu.dma_semaphore, #tpu.memory_space<semaphore_mem>>) src(%dma_wait3A_470 : memref<20000x128xf32, #tpu.memory_space<hbm>>) dst(%arg10 : memref<64x128xf32, #tpu.memory_space<vmem>>)
      %add3A_471 = arith.constant 1 : i32
      %add3A_472 = arith.addi %mul3A_417, %add3A_471 : i32
      %rem3A_473 = arith.constant 32 : i32
      %rem3A_474 = arith.remsi %add3A_472, %rem3A_473 : i32
      %dma_start3A_475 = arith.constant 0 : i32
      %dma_start3A_476 = tpu.memref_slice %arg8[%rem3A_474, %dma_start3A_475] : memref<32x64xi32, #tpu.memory_space<vmem>> -> memref<1x64xi32, #tpu.memory_space<vmem>>
      %dma_start3A_477 = tpu.memref_squeeze %dma_start3A_476 : memref<1x64xi32, #tpu.memory_space<vmem>> -> memref<64xi32, #tpu.memory_space<vmem>>
      %dma_start3A_478 = arith.constant 0 : i32
      %dma_start3A_479 = arith.constant 0 : i32
      %dma_start3A_480 = tpu.memref_slice %arg14[%dma_start3A_478, %dma_start3A_479] : memref<10112x128xf32, #tpu.memory_space<vmem_shared>> -> memref<10112x128xf32, #tpu.memory_space<vmem_shared>>
      tpu.enqueue_indirect_dma source(%arg10 : memref<64x128xf32, #tpu.memory_space<vmem>>) target(%dma_start3A_480 : memref<10112x128xf32, #tpu.memory_space<vmem_shared>>) offsets(%dma_start3A_477 : memref<64xi32, #tpu.memory_space<vmem>>) semaphore(%arg24 : memref<!tpu.dma_semaphore, #tpu.memory_space<semaphore_mem>>) {add = true}
      %eq3A_481 = arith.constant 0 : i32
      %eq3A_482 = arith.cmpi eq, %arg0, %eq3A_481 : i32
      %jit3A_483 = arith.constant 16 : i32
      %div3A_484 = arith.divsi %add3A_472, %jit3A_483 : i32
      %sign3A_485 = arith.constant 0 : i32
      %sign3A_486 = arith.cmpi sgt, %add3A_472, %sign3A_485 : i32
      %sign3A_487 = arith.extui %sign3A_486 : i1 to i32
      %sign3A_488 = arith.constant 0 : i32
      %sign3A_489 = arith.cmpi slt, %add3A_472, %sign3A_488 : i32
      %sign3A_490 = arith.extui %sign3A_489 : i1 to i32
      %sign3A_491 = arith.subi %sign3A_487, %sign3A_490 : i32
      %sign3A_492 = arith.constant 0 : i32
      %sign3A_493 = arith.cmpi sgt, %jit3A_483, %sign3A_492 : i32
      %sign3A_494 = arith.extui %sign3A_493 : i1 to i32
      %sign3A_495 = arith.constant 0 : i32
      %sign3A_496 = arith.cmpi slt, %jit3A_483, %sign3A_495 : i32
      %sign3A_497 = arith.extui %sign3A_496 : i1 to i32
      %sign3A_498 = arith.subi %sign3A_494, %sign3A_497 : i32
      %ne3A_499 = arith.cmpi ne, %sign3A_491, %sign3A_498 : i32
      %rem3A_500 = arith.remsi %add3A_472, %jit3A_483 : i32
      %ne3A_501 = arith.constant 0 : i32
      %ne3A_502 = arith.cmpi ne, %rem3A_500, %ne3A_501 : i32
      %and3A_503 = arith.andi %ne3A_499, %ne3A_502 : i1
      %sub3A_504 = arith.constant 1 : i32
      %sub3A_505 = arith.subi %div3A_484, %sub3A_504 : i32
      %select_n3A_506 = arith.select %and3A_503, %sub3A_505, %div3A_484 : i32
      %lt3A_507 = arith.constant 5 : i32
      %lt3A_508 = arith.cmpi slt, %select_n3A_506, %lt3A_507 : i32
      %eq3A_509 = arith.xori %eq3A_482, %lt3A_508 : i1
      %eq3A_510 = arith.constant true
      %eq3A_511 = arith.xori %eq3A_509, %eq3A_510 : i1
      %convert_element_type3A_512 = arith.extui %eq3A_511 : i1 to i32
      %cond3A_513 = arith.constant 0 : i32
      %cond3A_514 = arith.cmpi ne, %convert_element_type3A_512, %cond3A_513 : i32
      scf.if %cond3A_514 {
        %dma_start3A_627 = arith.constant 0 : i32
        %dma_start3A_628 = tpu.memref_slice %arg8[%rem3A_474, %dma_start3A_627] : memref<32x64xi32, #tpu.memory_space<vmem>> -> memref<1x64xi32, #tpu.memory_space<vmem>>
        %dma_start3A_629 = tpu.memref_squeeze %dma_start3A_628 : memref<1x64xi32, #tpu.memory_space<vmem>> -> memref<64xi32, #tpu.memory_space<vmem>>
        %dma_start3A_630 = arith.constant 0 : i32
        %dma_start3A_631 = tpu.memref_slice %arg15[%dma_start3A_630] : memref<10112xf32, #tpu.memory_space<vmem_shared>> -> memref<10112xf32, #tpu.memory_space<vmem_shared>>
        tpu.enqueue_indirect_dma source(%arg12 : memref<64xf32, #tpu.memory_space<vmem>>) target(%dma_start3A_631 : memref<10112xf32, #tpu.memory_space<vmem_shared>>) offsets(%dma_start3A_629 : memref<64xi32, #tpu.memory_space<vmem>>) semaphore(%arg26 : memref<!tpu.dma_semaphore, #tpu.memory_space<semaphore_mem>>) {add = true}
      } else {
      }
      %rem3A_515 = arith.constant 32 : i32
      %rem3A_516 = arith.remsi %mul3A_417, %rem3A_515 : i32
      %dma_wait3A_517 = arith.constant 0 : i32
      %dma_wait3A_518 = tpu.memref_slice %arg8[%rem3A_516, %dma_wait3A_517] : memref<32x64xi32, #tpu.memory_space<vmem>> -> memref<1x64xi32, #tpu.memory_space<vmem>>
      %dma_wait3A_519 = tpu.memref_squeeze %dma_wait3A_518 : memref<1x64xi32, #tpu.memory_space<vmem>> -> memref<64xi32, #tpu.memory_space<vmem>>
      %dma_wait3A_520 = arith.constant 0 : i32
      %dma_wait3A_521 = arith.constant 0 : i32
      %dma_wait3A_522 = tpu.memref_slice %arg14[%dma_wait3A_520, %dma_wait3A_521] : memref<10112x128xf32, #tpu.memory_space<vmem_shared>> -> memref<10112x128xf32, #tpu.memory_space<vmem_shared>>
      tpu.wait_indirect_dma semaphore(%arg23 : memref<!tpu.dma_semaphore, #tpu.memory_space<semaphore_mem>>) src(%arg9 : memref<64x128xf32, #tpu.memory_space<vmem>>) dst(%dma_wait3A_522 : memref<10112x128xf32, #tpu.memory_space<vmem_shared>>)
      %add3A_523 = arith.constant 3 : i32
      %add3A_524 = arith.addi %mul3A_417, %add3A_523 : i32
      %rem3A_525 = arith.constant 32 : i32
      %rem3A_526 = arith.remsi %add3A_524, %rem3A_525 : i32
      %dma_start3A_527 = arith.constant 0 : i32
      %dma_start3A_528 = tpu.memref_slice %arg7[%rem3A_526, %dma_start3A_527] : memref<32x64xi32, #tpu.memory_space<vmem>> -> memref<1x64xi32, #tpu.memory_space<vmem>>
      %dma_start3A_529 = tpu.memref_squeeze %dma_start3A_528 : memref<1x64xi32, #tpu.memory_space<vmem>> -> memref<64xi32, #tpu.memory_space<vmem>>
      %dma_start3A_530 = arith.constant 0 : i32
      %dma_start3A_531 = arith.constant 0 : i32
      %dma_start3A_532 = tpu.memref_slice %arg2[%dma_start3A_530, %dma_start3A_531] : memref<20000x128xf32, #tpu.memory_space<hbm>> -> memref<20000x128xf32, #tpu.memory_space<hbm>>
      tpu.enqueue_indirect_dma source(%dma_start3A_532 : memref<20000x128xf32, #tpu.memory_space<hbm>>) target(%arg9 : memref<64x128xf32, #tpu.memory_space<vmem>>) offsets(%dma_start3A_529 : memref<64xi32, #tpu.memory_space<vmem>>) semaphore(%arg20 : memref<!tpu.dma_semaphore, #tpu.memory_space<semaphore_mem>>)
      %add3A_533 = arith.constant 2 : i32
      %add3A_534 = arith.addi %mul3A_417, %add3A_533 : i32
      %rem3A_535 = arith.constant 32 : i32
      %rem3A_536 = arith.remsi %add3A_534, %rem3A_535 : i32
      %dma_wait3A_537 = arith.constant 0 : i32
      %dma_wait3A_538 = tpu.memref_slice %arg7[%rem3A_536, %dma_wait3A_537] : memref<32x64xi32, #tpu.memory_space<vmem>> -> memref<1x64xi32, #tpu.memory_space<vmem>>
      %dma_wait3A_539 = tpu.memref_squeeze %dma_wait3A_538 : memref<1x64xi32, #tpu.memory_space<vmem>> -> memref<64xi32, #tpu.memory_space<vmem>>
      %dma_wait3A_540 = arith.constant 0 : i32
      %dma_wait3A_541 = arith.constant 0 : i32
      %dma_wait3A_542 = tpu.memref_slice %arg2[%dma_wait3A_540, %dma_wait3A_541] : memref<20000x128xf32, #tpu.memory_space<hbm>> -> memref<20000x128xf32, #tpu.memory_space<hbm>>
      tpu.wait_indirect_dma semaphore(%arg22 : memref<!tpu.dma_semaphore, #tpu.memory_space<semaphore_mem>>) src(%dma_wait3A_542 : memref<20000x128xf32, #tpu.memory_space<hbm>>) dst(%arg11 : memref<64x128xf32, #tpu.memory_space<vmem>>)
      %add3A_543 = arith.constant 2 : i32
      %add3A_544 = arith.addi %mul3A_417, %add3A_543 : i32
      %rem3A_545 = arith.constant 32 : i32
      %rem3A_546 = arith.remsi %add3A_544, %rem3A_545 : i32
      %dma_start3A_547 = arith.constant 0 : i32
      %dma_start3A_548 = tpu.memref_slice %arg8[%rem3A_546, %dma_start3A_547] : memref<32x64xi32, #tpu.memory_space<vmem>> -> memref<1x64xi32, #tpu.memory_space<vmem>>
      %dma_start3A_549 = tpu.memref_squeeze %dma_start3A_548 : memref<1x64xi32, #tpu.memory_space<vmem>> -> memref<64xi32, #tpu.memory_space<vmem>>
      %dma_start3A_550 = arith.constant 0 : i32
      %dma_start3A_551 = arith.constant 0 : i32
      %dma_start3A_552 = tpu.memref_slice %arg14[%dma_start3A_550, %dma_start3A_551] : memref<10112x128xf32, #tpu.memory_space<vmem_shared>> -> memref<10112x128xf32, #tpu.memory_space<vmem_shared>>
      tpu.enqueue_indirect_dma source(%arg11 : memref<64x128xf32, #tpu.memory_space<vmem>>) target(%dma_start3A_552 : memref<10112x128xf32, #tpu.memory_space<vmem_shared>>) offsets(%dma_start3A_549 : memref<64xi32, #tpu.memory_space<vmem>>) semaphore(%arg25 : memref<!tpu.dma_semaphore, #tpu.memory_space<semaphore_mem>>) {add = true}
      %eq3A_553 = arith.constant 0 : i32
      %eq3A_554 = arith.cmpi eq, %arg0, %eq3A_553 : i32
      %jit3A_555 = arith.constant 16 : i32
      %div3A_556 = arith.divsi %add3A_544, %jit3A_555 : i32
      %sign3A_557 = arith.constant 0 : i32
      %sign3A_558 = arith.cmpi sgt, %add3A_544, %sign3A_557 : i32
      %sign3A_559 = arith.extui %sign3A_558 : i1 to i32
      %sign3A_560 = arith.constant 0 : i32
      %sign3A_561 = arith.cmpi slt, %add3A_544, %sign3A_560 : i32
      %sign3A_562 = arith.extui %sign3A_561 : i1 to i32
      %sign3A_563 = arith.subi %sign3A_559, %sign3A_562 : i32
      %sign3A_564 = arith.constant 0 : i32
      %sign3A_565 = arith.cmpi sgt, %jit3A_555, %sign3A_564 : i32
      %sign3A_566 = arith.extui %sign3A_565 : i1 to i32
      %sign3A_567 = arith.constant 0 : i32
      %sign3A_568 = arith.cmpi slt, %jit3A_555, %sign3A_567 : i32
      %sign3A_569 = arith.extui %sign3A_568 : i1 to i32
      %sign3A_570 = arith.subi %sign3A_566, %sign3A_569 : i32
      %ne3A_571 = arith.cmpi ne, %sign3A_563, %sign3A_570 : i32
      %rem3A_572 = arith.remsi %add3A_544, %jit3A_555 : i32
      %ne3A_573 = arith.constant 0 : i32
      %ne3A_574 = arith.cmpi ne, %rem3A_572, %ne3A_573 : i32
      %and3A_575 = arith.andi %ne3A_571, %ne3A_574 : i1
      %sub3A_576 = arith.constant 1 : i32
      %sub3A_577 = arith.subi %div3A_556, %sub3A_576 : i32
      %select_n3A_578 = arith.select %and3A_575, %sub3A_577, %div3A_556 : i32
      %lt3A_579 = arith.constant 5 : i32
      %lt3A_580 = arith.cmpi slt, %select_n3A_578, %lt3A_579 : i32
      %eq3A_581 = arith.xori %eq3A_554, %lt3A_580 : i1
      %eq3A_582 = arith.constant true
      %eq3A_583 = arith.xori %eq3A_581, %eq3A_582 : i1
      %convert_element_type3A_584 = arith.extui %eq3A_583 : i1 to i32
      %cond3A_585 = arith.constant 0 : i32
      %cond3A_586 = arith.cmpi ne, %convert_element_type3A_584, %cond3A_585 : i32
      scf.if %cond3A_586 {
        %dma_start3A_627 = arith.constant 0 : i32
        %dma_start3A_628 = tpu.memref_slice %arg8[%rem3A_546, %dma_start3A_627] : memref<32x64xi32, #tpu.memory_space<vmem>> -> memref<1x64xi32, #tpu.memory_space<vmem>>
        %dma_start3A_629 = tpu.memref_squeeze %dma_start3A_628 : memref<1x64xi32, #tpu.memory_space<vmem>> -> memref<64xi32, #tpu.memory_space<vmem>>
        %dma_start3A_630 = arith.constant 0 : i32
        %dma_start3A_631 = tpu.memref_slice %arg15[%dma_start3A_630] : memref<10112xf32, #tpu.memory_space<vmem_shared>> -> memref<10112xf32, #tpu.memory_space<vmem_shared>>
        tpu.enqueue_indirect_dma source(%arg12 : memref<64xf32, #tpu.memory_space<vmem>>) target(%dma_start3A_631 : memref<10112xf32, #tpu.memory_space<vmem_shared>>) offsets(%dma_start3A_629 : memref<64xi32, #tpu.memory_space<vmem>>) semaphore(%arg26 : memref<!tpu.dma_semaphore, #tpu.memory_space<semaphore_mem>>) {add = true}
      } else {
      }
      %add3A_587 = arith.constant 1 : i32
      %add3A_588 = arith.addi %mul3A_417, %add3A_587 : i32
      %rem3A_589 = arith.constant 32 : i32
      %rem3A_590 = arith.remsi %add3A_588, %rem3A_589 : i32
      %dma_wait3A_591 = arith.constant 0 : i32
      %dma_wait3A_592 = tpu.memref_slice %arg8[%rem3A_590, %dma_wait3A_591] : memref<32x64xi32, #tpu.memory_space<vmem>> -> memref<1x64xi32, #tpu.memory_space<vmem>>
      %dma_wait3A_593 = tpu.memref_squeeze %dma_wait3A_592 : memref<1x64xi32, #tpu.memory_space<vmem>> -> memref<64xi32, #tpu.memory_space<vmem>>
      %dma_wait3A_594 = arith.constant 0 : i32
      %dma_wait3A_595 = arith.constant 0 : i32
      %dma_wait3A_596 = tpu.memref_slice %arg14[%dma_wait3A_594, %dma_wait3A_595] : memref<10112x128xf32, #tpu.memory_space<vmem_shared>> -> memref<10112x128xf32, #tpu.memory_space<vmem_shared>>
      tpu.wait_indirect_dma semaphore(%arg24 : memref<!tpu.dma_semaphore, #tpu.memory_space<semaphore_mem>>) src(%arg10 : memref<64x128xf32, #tpu.memory_space<vmem>>) dst(%dma_wait3A_596 : memref<10112x128xf32, #tpu.memory_space<vmem_shared>>)
      %add3A_597 = arith.constant 4 : i32
      %add3A_598 = arith.addi %mul3A_417, %add3A_597 : i32
      %rem3A_599 = arith.constant 32 : i32
      %rem3A_600 = arith.remsi %add3A_598, %rem3A_599 : i32
      %dma_start3A_601 = arith.constant 0 : i32
      %dma_start3A_602 = tpu.memref_slice %arg7[%rem3A_600, %dma_start3A_601] : memref<32x64xi32, #tpu.memory_space<vmem>> -> memref<1x64xi32, #tpu.memory_space<vmem>>
      %dma_start3A_603 = tpu.memref_squeeze %dma_start3A_602 : memref<1x64xi32, #tpu.memory_space<vmem>> -> memref<64xi32, #tpu.memory_space<vmem>>
      %dma_start3A_604 = arith.constant 0 : i32
      %dma_start3A_605 = arith.constant 0 : i32
      %dma_start3A_606 = tpu.memref_slice %arg2[%dma_start3A_604, %dma_start3A_605] : memref<20000x128xf32, #tpu.memory_space<hbm>> -> memref<20000x128xf32, #tpu.memory_space<hbm>>
      tpu.enqueue_indirect_dma source(%dma_start3A_606 : memref<20000x128xf32, #tpu.memory_space<hbm>>) target(%arg10 : memref<64x128xf32, #tpu.memory_space<vmem>>) offsets(%dma_start3A_603 : memref<64xi32, #tpu.memory_space<vmem>>) semaphore(%arg21 : memref<!tpu.dma_semaphore, #tpu.memory_space<semaphore_mem>>)
      %add3A_607 = arith.constant 2 : i32
      %add3A_608 = arith.addi %mul3A_417, %add3A_607 : i32
      %rem3A_609 = arith.constant 32 : i32
      %rem3A_610 = arith.remsi %add3A_608, %rem3A_609 : i32
      %dma_wait3A_611 = arith.constant 0 : i32
      %dma_wait3A_612 = tpu.memref_slice %arg8[%rem3A_610, %dma_wait3A_611] : memref<32x64xi32, #tpu.memory_space<vmem>> -> memref<1x64xi32, #tpu.memory_space<vmem>>
      %dma_wait3A_613 = tpu.memref_squeeze %dma_wait3A_612 : memref<1x64xi32, #tpu.memory_space<vmem>> -> memref<64xi32, #tpu.memory_space<vmem>>
      %dma_wait3A_614 = arith.constant 0 : i32
      %dma_wait3A_615 = arith.constant 0 : i32
      %dma_wait3A_616 = tpu.memref_slice %arg14[%dma_wait3A_614, %dma_wait3A_615] : memref<10112x128xf32, #tpu.memory_space<vmem_shared>> -> memref<10112x128xf32, #tpu.memory_space<vmem_shared>>
      tpu.wait_indirect_dma semaphore(%arg25 : memref<!tpu.dma_semaphore, #tpu.memory_space<semaphore_mem>>) src(%arg11 : memref<64x128xf32, #tpu.memory_space<vmem>>) dst(%dma_wait3A_616 : memref<10112x128xf32, #tpu.memory_space<vmem_shared>>)
      %add3A_617 = arith.constant 5 : i32
      %add3A_618 = arith.addi %mul3A_417, %add3A_617 : i32
      %rem3A_619 = arith.constant 32 : i32
      %rem3A_620 = arith.remsi %add3A_618, %rem3A_619 : i32
      %dma_start3A_621 = arith.constant 0 : i32
      %dma_start3A_622 = tpu.memref_slice %arg7[%rem3A_620, %dma_start3A_621] : memref<32x64xi32, #tpu.memory_space<vmem>> -> memref<1x64xi32, #tpu.memory_space<vmem>>
      %dma_start3A_623 = tpu.memref_squeeze %dma_start3A_622 : memref<1x64xi32, #tpu.memory_space<vmem>> -> memref<64xi32, #tpu.memory_space<vmem>>
      %dma_start3A_624 = arith.constant 0 : i32
      %dma_start3A_625 = arith.constant 0 : i32
      %dma_start3A_626 = tpu.memref_slice %arg2[%dma_start3A_624, %dma_start3A_625] : memref<20000x128xf32, #tpu.memory_space<hbm>> -> memref<20000x128xf32, #tpu.memory_space<hbm>>
      tpu.enqueue_indirect_dma source(%dma_start3A_626 : memref<20000x128xf32, #tpu.memory_space<hbm>>) target(%arg11 : memref<64x128xf32, #tpu.memory_space<vmem>>) offsets(%dma_start3A_623 : memref<64xi32, #tpu.memory_space<vmem>>) semaphore(%arg22 : memref<!tpu.dma_semaphore, #tpu.memory_space<semaphore_mem>>)
    }
    %scan3A_156 = arith.constant 52 : i32
    %rem3A_157 = arith.constant 156 : i32
    %rem3A_158 = arith.constant 32 : i32
    %rem3A_159 = arith.remsi %rem3A_157, %rem3A_158 : i32
    %dma_wait3A_160 = arith.constant 0 : i32
    %dma_wait3A_161 = tpu.memref_slice %arg7[%rem3A_159, %dma_wait3A_160] : memref<32x64xi32, #tpu.memory_space<vmem>> -> memref<1x64xi32, #tpu.memory_space<vmem>>
    %dma_wait3A_162 = tpu.memref_squeeze %dma_wait3A_161 : memref<1x64xi32, #tpu.memory_space<vmem>> -> memref<64xi32, #tpu.memory_space<vmem>>
    %dma_wait3A_163 = arith.constant 0 : i32
    %dma_wait3A_164 = arith.constant 0 : i32
    %dma_wait3A_165 = tpu.memref_slice %arg2[%dma_wait3A_163, %dma_wait3A_164] : memref<20000x128xf32, #tpu.memory_space<hbm>> -> memref<20000x128xf32, #tpu.memory_space<hbm>>
    tpu.wait_indirect_dma semaphore(%arg20 : memref<!tpu.dma_semaphore, #tpu.memory_space<semaphore_mem>>) src(%dma_wait3A_165 : memref<20000x128xf32, #tpu.memory_space<hbm>>) dst(%arg9 : memref<64x128xf32, #tpu.memory_space<vmem>>)
    %rem3A_166 = arith.constant 156 : i32
    %rem3A_167 = arith.constant 32 : i32
    %rem3A_168 = arith.remsi %rem3A_166, %rem3A_167 : i32
    %dma_start3A_169 = arith.constant 0 : i32
    %dma_start3A_170 = tpu.memref_slice %arg8[%rem3A_168, %dma_start3A_169] : memref<32x64xi32, #tpu.memory_space<vmem>> -> memref<1x64xi32, #tpu.memory_space<vmem>>
    %dma_start3A_171 = tpu.memref_squeeze %dma_start3A_170 : memref<1x64xi32, #tpu.memory_space<vmem>> -> memref<64xi32, #tpu.memory_space<vmem>>
    %dma_start3A_172 = arith.constant 0 : i32
    %dma_start3A_173 = arith.constant 0 : i32
    %dma_start3A_174 = tpu.memref_slice %arg14[%dma_start3A_172, %dma_start3A_173] : memref<10112x128xf32, #tpu.memory_space<vmem_shared>> -> memref<10112x128xf32, #tpu.memory_space<vmem_shared>>
    tpu.enqueue_indirect_dma source(%arg9 : memref<64x128xf32, #tpu.memory_space<vmem>>) target(%dma_start3A_174 : memref<10112x128xf32, #tpu.memory_space<vmem_shared>>) offsets(%dma_start3A_171 : memref<64xi32, #tpu.memory_space<vmem>>) semaphore(%arg23 : memref<!tpu.dma_semaphore, #tpu.memory_space<semaphore_mem>>) {add = true}
    %eq3A_175 = arith.constant 0 : i32
    %eq3A_176 = arith.cmpi eq, %arg0, %eq3A_175 : i32
    %eq3A_177 = arith.constant false
    %eq3A_178 = arith.xori %eq3A_176, %eq3A_177 : i1
    %eq3A_179 = arith.constant true
    %eq3A_180 = arith.xori %eq3A_178, %eq3A_179 : i1
    %convert_element_type3A_181 = arith.extui %eq3A_180 : i1 to i32
    %cond3A_182 = arith.constant 0 : i32
    %cond3A_183 = arith.cmpi ne, %convert_element_type3A_181, %cond3A_182 : i32
    scf.if %cond3A_183 {
      %dma_start3A_330 = arith.constant 0 : i32
      %dma_start3A_331 = tpu.memref_slice %arg8[%rem3A_168, %dma_start3A_330] : memref<32x64xi32, #tpu.memory_space<vmem>> -> memref<1x64xi32, #tpu.memory_space<vmem>>
      %dma_start3A_332 = tpu.memref_squeeze %dma_start3A_331 : memref<1x64xi32, #tpu.memory_space<vmem>> -> memref<64xi32, #tpu.memory_space<vmem>>
      %dma_start3A_333 = arith.constant 0 : i32
      %dma_start3A_334 = tpu.memref_slice %arg15[%dma_start3A_333] : memref<10112xf32, #tpu.memory_space<vmem_shared>> -> memref<10112xf32, #tpu.memory_space<vmem_shared>>
      tpu.enqueue_indirect_dma source(%arg12 : memref<64xf32, #tpu.memory_space<vmem>>) target(%dma_start3A_334 : memref<10112xf32, #tpu.memory_space<vmem_shared>>) offsets(%dma_start3A_332 : memref<64xi32, #tpu.memory_space<vmem>>) semaphore(%arg26 : memref<!tpu.dma_semaphore, #tpu.memory_space<semaphore_mem>>) {add = true}
    } else {
    }
    %rem3A_184 = arith.constant 157 : i32
    %rem3A_185 = arith.constant 32 : i32
    %rem3A_186 = arith.remsi %rem3A_184, %rem3A_185 : i32
    %dma_wait3A_187 = arith.constant 0 : i32
    %dma_wait3A_188 = tpu.memref_slice %arg7[%rem3A_186, %dma_wait3A_187] : memref<32x64xi32, #tpu.memory_space<vmem>> -> memref<1x64xi32, #tpu.memory_space<vmem>>
    %dma_wait3A_189 = tpu.memref_squeeze %dma_wait3A_188 : memref<1x64xi32, #tpu.memory_space<vmem>> -> memref<64xi32, #tpu.memory_space<vmem>>
    %dma_wait3A_190 = arith.constant 0 : i32
    %dma_wait3A_191 = arith.constant 0 : i32
    %dma_wait3A_192 = tpu.memref_slice %arg2[%dma_wait3A_190, %dma_wait3A_191] : memref<20000x128xf32, #tpu.memory_space<hbm>> -> memref<20000x128xf32, #tpu.memory_space<hbm>>
    tpu.wait_indirect_dma semaphore(%arg21 : memref<!tpu.dma_semaphore, #tpu.memory_space<semaphore_mem>>) src(%dma_wait3A_192 : memref<20000x128xf32, #tpu.memory_space<hbm>>) dst(%arg10 : memref<64x128xf32, #tpu.memory_space<vmem>>)
    %rem3A_193 = arith.constant 157 : i32
    %rem3A_194 = arith.constant 32 : i32
    %rem3A_195 = arith.remsi %rem3A_193, %rem3A_194 : i32
    %dma_start3A_196 = arith.constant 0 : i32
    %dma_start3A_197 = tpu.memref_slice %arg8[%rem3A_195, %dma_start3A_196] : memref<32x64xi32, #tpu.memory_space<vmem>> -> memref<1x64xi32, #tpu.memory_space<vmem>>
    %dma_start3A_198 = tpu.memref_squeeze %dma_start3A_197 : memref<1x64xi32, #tpu.memory_space<vmem>> -> memref<64xi32, #tpu.memory_space<vmem>>
    %dma_start3A_199 = arith.constant 0 : i32
    %dma_start3A_200 = arith.constant 0 : i32
    %dma_start3A_201 = tpu.memref_slice %arg14[%dma_start3A_199, %dma_start3A_200] : memref<10112x128xf32, #tpu.memory_space<vmem_shared>> -> memref<10112x128xf32, #tpu.memory_space<vmem_shared>>
    tpu.enqueue_indirect_dma source(%arg10 : memref<64x128xf32, #tpu.memory_space<vmem>>) target(%dma_start3A_201 : memref<10112x128xf32, #tpu.memory_space<vmem_shared>>) offsets(%dma_start3A_198 : memref<64xi32, #tpu.memory_space<vmem>>) semaphore(%arg24 : memref<!tpu.dma_semaphore, #tpu.memory_space<semaphore_mem>>) {add = true}
    %eq3A_202 = arith.constant 0 : i32
    %eq3A_203 = arith.cmpi eq, %arg0, %eq3A_202 : i32
    %eq3A_204 = arith.constant false
    %eq3A_205 = arith.xori %eq3A_203, %eq3A_204 : i1
    %eq3A_206 = arith.constant true
    %eq3A_207 = arith.xori %eq3A_205, %eq3A_206 : i1
    %convert_element_type3A_208 = arith.extui %eq3A_207 : i1 to i32
    %cond3A_209 = arith.constant 0 : i32
    %cond3A_210 = arith.cmpi ne, %convert_element_type3A_208, %cond3A_209 : i32
    scf.if %cond3A_210 {
      %dma_start3A_330 = arith.constant 0 : i32
      %dma_start3A_331 = tpu.memref_slice %arg8[%rem3A_195, %dma_start3A_330] : memref<32x64xi32, #tpu.memory_space<vmem>> -> memref<1x64xi32, #tpu.memory_space<vmem>>
      %dma_start3A_332 = tpu.memref_squeeze %dma_start3A_331 : memref<1x64xi32, #tpu.memory_space<vmem>> -> memref<64xi32, #tpu.memory_space<vmem>>
      %dma_start3A_333 = arith.constant 0 : i32
      %dma_start3A_334 = tpu.memref_slice %arg15[%dma_start3A_333] : memref<10112xf32, #tpu.memory_space<vmem_shared>> -> memref<10112xf32, #tpu.memory_space<vmem_shared>>
      tpu.enqueue_indirect_dma source(%arg12 : memref<64xf32, #tpu.memory_space<vmem>>) target(%dma_start3A_334 : memref<10112xf32, #tpu.memory_space<vmem_shared>>) offsets(%dma_start3A_332 : memref<64xi32, #tpu.memory_space<vmem>>) semaphore(%arg26 : memref<!tpu.dma_semaphore, #tpu.memory_space<semaphore_mem>>) {add = true}
    } else {
    }
    %rem3A_211 = arith.constant 156 : i32
    %rem3A_212 = arith.constant 32 : i32
    %rem3A_213 = arith.remsi %rem3A_211, %rem3A_212 : i32
    %dma_wait3A_214 = arith.constant 0 : i32
    %dma_wait3A_215 = tpu.memref_slice %arg8[%rem3A_213, %dma_wait3A_214] : memref<32x64xi32, #tpu.memory_space<vmem>> -> memref<1x64xi32, #tpu.memory_space<vmem>>
    %dma_wait3A_216 = tpu.memref_squeeze %dma_wait3A_215 : memref<1x64xi32, #tpu.memory_space<vmem>> -> memref<64xi32, #tpu.memory_space<vmem>>
    %dma_wait3A_217 = arith.constant 0 : i32
    %dma_wait3A_218 = arith.constant 0 : i32
    %dma_wait3A_219 = tpu.memref_slice %arg14[%dma_wait3A_217, %dma_wait3A_218] : memref<10112x128xf32, #tpu.memory_space<vmem_shared>> -> memref<10112x128xf32, #tpu.memory_space<vmem_shared>>
    tpu.wait_indirect_dma semaphore(%arg23 : memref<!tpu.dma_semaphore, #tpu.memory_space<semaphore_mem>>) src(%arg9 : memref<64x128xf32, #tpu.memory_space<vmem>>) dst(%dma_wait3A_219 : memref<10112x128xf32, #tpu.memory_space<vmem_shared>>)
    %rem3A_220 = arith.constant 159 : i32
    %rem3A_221 = arith.constant 32 : i32
    %rem3A_222 = arith.remsi %rem3A_220, %rem3A_221 : i32
    %dma_start3A_223 = arith.constant 0 : i32
    %dma_start3A_224 = tpu.memref_slice %arg7[%rem3A_222, %dma_start3A_223] : memref<32x64xi32, #tpu.memory_space<vmem>> -> memref<1x64xi32, #tpu.memory_space<vmem>>
    %dma_start3A_225 = tpu.memref_squeeze %dma_start3A_224 : memref<1x64xi32, #tpu.memory_space<vmem>> -> memref<64xi32, #tpu.memory_space<vmem>>
    %dma_start3A_226 = arith.constant 0 : i32
    %dma_start3A_227 = arith.constant 0 : i32
    %dma_start3A_228 = tpu.memref_slice %arg2[%dma_start3A_226, %dma_start3A_227] : memref<20000x128xf32, #tpu.memory_space<hbm>> -> memref<20000x128xf32, #tpu.memory_space<hbm>>
    tpu.enqueue_indirect_dma source(%dma_start3A_228 : memref<20000x128xf32, #tpu.memory_space<hbm>>) target(%arg9 : memref<64x128xf32, #tpu.memory_space<vmem>>) offsets(%dma_start3A_225 : memref<64xi32, #tpu.memory_space<vmem>>) semaphore(%arg20 : memref<!tpu.dma_semaphore, #tpu.memory_space<semaphore_mem>>)
    %rem3A_229 = arith.constant 158 : i32
    %rem3A_230 = arith.constant 32 : i32
    %rem3A_231 = arith.remsi %rem3A_229, %rem3A_230 : i32
    %dma_wait3A_232 = arith.constant 0 : i32
    %dma_wait3A_233 = tpu.memref_slice %arg7[%rem3A_231, %dma_wait3A_232] : memref<32x64xi32, #tpu.memory_space<vmem>> -> memref<1x64xi32, #tpu.memory_space<vmem>>
    %dma_wait3A_234 = tpu.memref_squeeze %dma_wait3A_233 : memref<1x64xi32, #tpu.memory_space<vmem>> -> memref<64xi32, #tpu.memory_space<vmem>>
    %dma_wait3A_235 = arith.constant 0 : i32
    %dma_wait3A_236 = arith.constant 0 : i32
    %dma_wait3A_237 = tpu.memref_slice %arg2[%dma_wait3A_235, %dma_wait3A_236] : memref<20000x128xf32, #tpu.memory_space<hbm>> -> memref<20000x128xf32, #tpu.memory_space<hbm>>
    tpu.wait_indirect_dma semaphore(%arg22 : memref<!tpu.dma_semaphore, #tpu.memory_space<semaphore_mem>>) src(%dma_wait3A_237 : memref<20000x128xf32, #tpu.memory_space<hbm>>) dst(%arg11 : memref<64x128xf32, #tpu.memory_space<vmem>>)
    %rem3A_238 = arith.constant 158 : i32
    %rem3A_239 = arith.constant 32 : i32
    %rem3A_240 = arith.remsi %rem3A_238, %rem3A_239 : i32
    %dma_start3A_241 = arith.constant 0 : i32
    %dma_start3A_242 = tpu.memref_slice %arg8[%rem3A_240, %dma_start3A_241] : memref<32x64xi32, #tpu.memory_space<vmem>> -> memref<1x64xi32, #tpu.memory_space<vmem>>
    %dma_start3A_243 = tpu.memref_squeeze %dma_start3A_242 : memref<1x64xi32, #tpu.memory_space<vmem>> -> memref<64xi32, #tpu.memory_space<vmem>>
    %dma_start3A_244 = arith.constant 0 : i32
    %dma_start3A_245 = arith.constant 0 : i32
    %dma_start3A_246 = tpu.memref_slice %arg14[%dma_start3A_244, %dma_start3A_245] : memref<10112x128xf32, #tpu.memory_space<vmem_shared>> -> memref<10112x128xf32, #tpu.memory_space<vmem_shared>>
    tpu.enqueue_indirect_dma source(%arg11 : memref<64x128xf32, #tpu.memory_space<vmem>>) target(%dma_start3A_246 : memref<10112x128xf32, #tpu.memory_space<vmem_shared>>) offsets(%dma_start3A_243 : memref<64xi32, #tpu.memory_space<vmem>>) semaphore(%arg25 : memref<!tpu.dma_semaphore, #tpu.memory_space<semaphore_mem>>) {add = true}
    %eq3A_247 = arith.constant 0 : i32
    %eq3A_248 = arith.cmpi eq, %arg0, %eq3A_247 : i32
    %eq3A_249 = arith.constant false
    %eq3A_250 = arith.xori %eq3A_248, %eq3A_249 : i1
    %eq3A_251 = arith.constant true
    %eq3A_252 = arith.xori %eq3A_250, %eq3A_251 : i1
    %convert_element_type3A_253 = arith.extui %eq3A_252 : i1 to i32
    %cond3A_254 = arith.constant 0 : i32
    %cond3A_255 = arith.cmpi ne, %convert_element_type3A_253, %cond3A_254 : i32
    scf.if %cond3A_255 {
      %dma_start3A_330 = arith.constant 0 : i32
      %dma_start3A_331 = tpu.memref_slice %arg8[%rem3A_240, %dma_start3A_330] : memref<32x64xi32, #tpu.memory_space<vmem>> -> memref<1x64xi32, #tpu.memory_space<vmem>>
      %dma_start3A_332 = tpu.memref_squeeze %dma_start3A_331 : memref<1x64xi32, #tpu.memory_space<vmem>> -> memref<64xi32, #tpu.memory_space<vmem>>
      %dma_start3A_333 = arith.constant 0 : i32
      %dma_start3A_334 = tpu.memref_slice %arg15[%dma_start3A_333] : memref<10112xf32, #tpu.memory_space<vmem_shared>> -> memref<10112xf32, #tpu.memory_space<vmem_shared>>
      tpu.enqueue_indirect_dma source(%arg12 : memref<64xf32, #tpu.memory_space<vmem>>) target(%dma_start3A_334 : memref<10112xf32, #tpu.memory_space<vmem_shared>>) offsets(%dma_start3A_332 : memref<64xi32, #tpu.memory_space<vmem>>) semaphore(%arg26 : memref<!tpu.dma_semaphore, #tpu.memory_space<semaphore_mem>>) {add = true}
    } else {
    }
    %rem3A_256 = arith.constant 157 : i32
    %rem3A_257 = arith.constant 32 : i32
    %rem3A_258 = arith.remsi %rem3A_256, %rem3A_257 : i32
    %dma_wait3A_259 = arith.constant 0 : i32
    %dma_wait3A_260 = tpu.memref_slice %arg8[%rem3A_258, %dma_wait3A_259] : memref<32x64xi32, #tpu.memory_space<vmem>> -> memref<1x64xi32, #tpu.memory_space<vmem>>
    %dma_wait3A_261 = tpu.memref_squeeze %dma_wait3A_260 : memref<1x64xi32, #tpu.memory_space<vmem>> -> memref<64xi32, #tpu.memory_space<vmem>>
    %dma_wait3A_262 = arith.constant 0 : i32
    %dma_wait3A_263 = arith.constant 0 : i32
    %dma_wait3A_264 = tpu.memref_slice %arg14[%dma_wait3A_262, %dma_wait3A_263] : memref<10112x128xf32, #tpu.memory_space<vmem_shared>> -> memref<10112x128xf32, #tpu.memory_space<vmem_shared>>
    tpu.wait_indirect_dma semaphore(%arg24 : memref<!tpu.dma_semaphore, #tpu.memory_space<semaphore_mem>>) src(%arg10 : memref<64x128xf32, #tpu.memory_space<vmem>>) dst(%dma_wait3A_264 : memref<10112x128xf32, #tpu.memory_space<vmem_shared>>)
    %rem3A_265 = arith.constant 158 : i32
    %rem3A_266 = arith.constant 32 : i32
    %rem3A_267 = arith.remsi %rem3A_265, %rem3A_266 : i32
    %dma_wait3A_268 = arith.constant 0 : i32
    %dma_wait3A_269 = tpu.memref_slice %arg8[%rem3A_267, %dma_wait3A_268] : memref<32x64xi32, #tpu.memory_space<vmem>> -> memref<1x64xi32, #tpu.memory_space<vmem>>
    %dma_wait3A_270 = tpu.memref_squeeze %dma_wait3A_269 : memref<1x64xi32, #tpu.memory_space<vmem>> -> memref<64xi32, #tpu.memory_space<vmem>>
    %dma_wait3A_271 = arith.constant 0 : i32
    %dma_wait3A_272 = arith.constant 0 : i32
    %dma_wait3A_273 = tpu.memref_slice %arg14[%dma_wait3A_271, %dma_wait3A_272] : memref<10112x128xf32, #tpu.memory_space<vmem_shared>> -> memref<10112x128xf32, #tpu.memory_space<vmem_shared>>
    tpu.wait_indirect_dma semaphore(%arg25 : memref<!tpu.dma_semaphore, #tpu.memory_space<semaphore_mem>>) src(%arg11 : memref<64x128xf32, #tpu.memory_space<vmem>>) dst(%dma_wait3A_273 : memref<10112x128xf32, #tpu.memory_space<vmem_shared>>)
    %rem3A_274 = arith.constant 159 : i32
    %rem3A_275 = arith.constant 32 : i32
    %rem3A_276 = arith.remsi %rem3A_274, %rem3A_275 : i32
    %dma_wait3A_277 = arith.constant 0 : i32
    %dma_wait3A_278 = tpu.memref_slice %arg7[%rem3A_276, %dma_wait3A_277] : memref<32x64xi32, #tpu.memory_space<vmem>> -> memref<1x64xi32, #tpu.memory_space<vmem>>
    %dma_wait3A_279 = tpu.memref_squeeze %dma_wait3A_278 : memref<1x64xi32, #tpu.memory_space<vmem>> -> memref<64xi32, #tpu.memory_space<vmem>>
    %dma_wait3A_280 = arith.constant 0 : i32
    %dma_wait3A_281 = arith.constant 0 : i32
    %dma_wait3A_282 = tpu.memref_slice %arg2[%dma_wait3A_280, %dma_wait3A_281] : memref<20000x128xf32, #tpu.memory_space<hbm>> -> memref<20000x128xf32, #tpu.memory_space<hbm>>
    tpu.wait_indirect_dma semaphore(%arg20 : memref<!tpu.dma_semaphore, #tpu.memory_space<semaphore_mem>>) src(%dma_wait3A_282 : memref<20000x128xf32, #tpu.memory_space<hbm>>) dst(%arg9 : memref<64x128xf32, #tpu.memory_space<vmem>>)
    %rem3A_283 = arith.constant 159 : i32
    %rem3A_284 = arith.constant 32 : i32
    %rem3A_285 = arith.remsi %rem3A_283, %rem3A_284 : i32
    %dma_start3A_286 = arith.constant 0 : i32
    %dma_start3A_287 = tpu.memref_slice %arg8[%rem3A_285, %dma_start3A_286] : memref<32x64xi32, #tpu.memory_space<vmem>> -> memref<1x64xi32, #tpu.memory_space<vmem>>
    %dma_start3A_288 = tpu.memref_squeeze %dma_start3A_287 : memref<1x64xi32, #tpu.memory_space<vmem>> -> memref<64xi32, #tpu.memory_space<vmem>>
    %dma_start3A_289 = arith.constant 0 : i32
    %dma_start3A_290 = arith.constant 0 : i32
    %dma_start3A_291 = tpu.memref_slice %arg14[%dma_start3A_289, %dma_start3A_290] : memref<10112x128xf32, #tpu.memory_space<vmem_shared>> -> memref<10112x128xf32, #tpu.memory_space<vmem_shared>>
    tpu.enqueue_indirect_dma source(%arg9 : memref<64x128xf32, #tpu.memory_space<vmem>>) target(%dma_start3A_291 : memref<10112x128xf32, #tpu.memory_space<vmem_shared>>) offsets(%dma_start3A_288 : memref<64xi32, #tpu.memory_space<vmem>>) semaphore(%arg23 : memref<!tpu.dma_semaphore, #tpu.memory_space<semaphore_mem>>) {add = true}
    %eq3A_292 = arith.constant 0 : i32
    %eq3A_293 = arith.cmpi eq, %arg0, %eq3A_292 : i32
    %eq3A_294 = arith.constant false
    %eq3A_295 = arith.xori %eq3A_293, %eq3A_294 : i1
    %eq3A_296 = arith.constant true
    %eq3A_297 = arith.xori %eq3A_295, %eq3A_296 : i1
    %convert_element_type3A_298 = arith.extui %eq3A_297 : i1 to i32
    %cond3A_299 = arith.constant 0 : i32
    %cond3A_300 = arith.cmpi ne, %convert_element_type3A_298, %cond3A_299 : i32
    scf.if %cond3A_300 {
      %dma_start3A_330 = arith.constant 0 : i32
      %dma_start3A_331 = tpu.memref_slice %arg8[%rem3A_285, %dma_start3A_330] : memref<32x64xi32, #tpu.memory_space<vmem>> -> memref<1x64xi32, #tpu.memory_space<vmem>>
      %dma_start3A_332 = tpu.memref_squeeze %dma_start3A_331 : memref<1x64xi32, #tpu.memory_space<vmem>> -> memref<64xi32, #tpu.memory_space<vmem>>
      %dma_start3A_333 = arith.constant 0 : i32
      %dma_start3A_334 = tpu.memref_slice %arg15[%dma_start3A_333] : memref<10112xf32, #tpu.memory_space<vmem_shared>> -> memref<10112xf32, #tpu.memory_space<vmem_shared>>
      tpu.enqueue_indirect_dma source(%arg12 : memref<64xf32, #tpu.memory_space<vmem>>) target(%dma_start3A_334 : memref<10112xf32, #tpu.memory_space<vmem_shared>>) offsets(%dma_start3A_332 : memref<64xi32, #tpu.memory_space<vmem>>) semaphore(%arg26 : memref<!tpu.dma_semaphore, #tpu.memory_space<semaphore_mem>>) {add = true}
    } else {
    }
    %rem3A_301 = arith.constant 159 : i32
    %rem3A_302 = arith.constant 32 : i32
    %rem3A_303 = arith.remsi %rem3A_301, %rem3A_302 : i32
    %dma_wait3A_304 = arith.constant 0 : i32
    %dma_wait3A_305 = tpu.memref_slice %arg8[%rem3A_303, %dma_wait3A_304] : memref<32x64xi32, #tpu.memory_space<vmem>> -> memref<1x64xi32, #tpu.memory_space<vmem>>
    %dma_wait3A_306 = tpu.memref_squeeze %dma_wait3A_305 : memref<1x64xi32, #tpu.memory_space<vmem>> -> memref<64xi32, #tpu.memory_space<vmem>>
    %dma_wait3A_307 = arith.constant 0 : i32
    %dma_wait3A_308 = arith.constant 0 : i32
    %dma_wait3A_309 = tpu.memref_slice %arg14[%dma_wait3A_307, %dma_wait3A_308] : memref<10112x128xf32, #tpu.memory_space<vmem_shared>> -> memref<10112x128xf32, #tpu.memory_space<vmem_shared>>
    tpu.wait_indirect_dma semaphore(%arg23 : memref<!tpu.dma_semaphore, #tpu.memory_space<semaphore_mem>>) src(%arg9 : memref<64x128xf32, #tpu.memory_space<vmem>>) dst(%dma_wait3A_309 : memref<10112x128xf32, #tpu.memory_space<vmem_shared>>)
    %eq3A_310 = arith.constant 1 : i32
    %eq3A_311 = arith.cmpi eq, %arg0, %eq3A_310 : i32
    %convert_element_type3A_312 = arith.extui %eq3A_311 : i1 to i32
    %cond3A_313 = arith.constant 0 : i32
    %cond3A_314 = arith.cmpi ne, %convert_element_type3A_312, %cond3A_313 : i32
    scf.if %cond3A_314 {
      %dma_wait3A_330 = arith.constant 0 : i32
      %dma_wait3A_331 = arith.constant 0 : i32
      %dma_wait3A_332 = tpu.memref_slice %arg8[%dma_wait3A_330, %dma_wait3A_331] : memref<32x64xi32, #tpu.memory_space<vmem>> -> memref<1x64xi32, #tpu.memory_space<vmem>>
      %dma_wait3A_333 = tpu.memref_squeeze %dma_wait3A_332 : memref<1x64xi32, #tpu.memory_space<vmem>> -> memref<64xi32, #tpu.memory_space<vmem>>
      %dma_wait3A_334 = arith.constant 0 : i32
      %dma_wait3A_335 = tpu.memref_slice %arg15[%dma_wait3A_334] : memref<10112xf32, #tpu.memory_space<vmem_shared>> -> memref<10112xf32, #tpu.memory_space<vmem_shared>>
      tpu.wait_indirect_dma semaphore(%arg26 : memref<!tpu.dma_semaphore, #tpu.memory_space<semaphore_mem>>) src(%arg12 : memref<64xf32, #tpu.memory_space<vmem>>) dst(%dma_wait3A_335 : memref<10112xf32, #tpu.memory_space<vmem_shared>>)
      %dma_wait3A_336 = arith.constant 0 : i32
      %dma_wait3A_337 = arith.constant 0 : i32
      %dma_wait3A_338 = tpu.memref_slice %arg8[%dma_wait3A_336, %dma_wait3A_337] : memref<32x64xi32, #tpu.memory_space<vmem>> -> memref<1x64xi32, #tpu.memory_space<vmem>>
      %dma_wait3A_339 = tpu.memref_squeeze %dma_wait3A_338 : memref<1x64xi32, #tpu.memory_space<vmem>> -> memref<64xi32, #tpu.memory_space<vmem>>
      %dma_wait3A_340 = arith.constant 0 : i32
      %dma_wait3A_341 = tpu.memref_slice %arg15[%dma_wait3A_340] : memref<10112xf32, #tpu.memory_space<vmem_shared>> -> memref<10112xf32, #tpu.memory_space<vmem_shared>>
      tpu.wait_indirect_dma semaphore(%arg26 : memref<!tpu.dma_semaphore, #tpu.memory_space<semaphore_mem>>) src(%arg12 : memref<64xf32, #tpu.memory_space<vmem>>) dst(%dma_wait3A_341 : memref<10112xf32, #tpu.memory_space<vmem_shared>>)
      %dma_wait3A_342 = arith.constant 0 : i32
      %dma_wait3A_343 = arith.constant 0 : i32
      %dma_wait3A_344 = tpu.memref_slice %arg8[%dma_wait3A_342, %dma_wait3A_343] : memref<32x64xi32, #tpu.memory_space<vmem>> -> memref<1x64xi32, #tpu.memory_space<vmem>>
      %dma_wait3A_345 = tpu.memref_squeeze %dma_wait3A_344 : memref<1x64xi32, #tpu.memory_space<vmem>> -> memref<64xi32, #tpu.memory_space<vmem>>
      %dma_wait3A_346 = arith.constant 0 : i32
      %dma_wait3A_347 = tpu.memref_slice %arg15[%dma_wait3A_346] : memref<10112xf32, #tpu.memory_space<vmem_shared>> -> memref<10112xf32, #tpu.memory_space<vmem_shared>>
      tpu.wait_indirect_dma semaphore(%arg26 : memref<!tpu.dma_semaphore, #tpu.memory_space<semaphore_mem>>) src(%arg12 : memref<64xf32, #tpu.memory_space<vmem>>) dst(%dma_wait3A_347 : memref<10112xf32, #tpu.memory_space<vmem_shared>>)
      %dma_wait3A_348 = arith.constant 0 : i32
      %dma_wait3A_349 = arith.constant 0 : i32
      %dma_wait3A_350 = tpu.memref_slice %arg8[%dma_wait3A_348, %dma_wait3A_349] : memref<32x64xi32, #tpu.memory_space<vmem>> -> memref<1x64xi32, #tpu.memory_space<vmem>>
      %dma_wait3A_351 = tpu.memref_squeeze %dma_wait3A_350 : memref<1x64xi32, #tpu.memory_space<vmem>> -> memref<64xi32, #tpu.memory_space<vmem>>
      %dma_wait3A_352 = arith.constant 0 : i32
      %dma_wait3A_353 = tpu.memref_slice %arg15[%dma_wait3A_352] : memref<10112xf32, #tpu.memory_space<vmem_shared>> -> memref<10112xf32, #tpu.memory_space<vmem_shared>>
      tpu.wait_indirect_dma semaphore(%arg26 : memref<!tpu.dma_semaphore, #tpu.memory_space<semaphore_mem>>) src(%arg12 : memref<64xf32, #tpu.memory_space<vmem>>) dst(%dma_wait3A_353 : memref<10112xf32, #tpu.memory_space<vmem_shared>>)
      %dma_wait3A_354 = arith.constant 0 : i32
      %dma_wait3A_355 = arith.constant 0 : i32
      %dma_wait3A_356 = tpu.memref_slice %arg8[%dma_wait3A_354, %dma_wait3A_355] : memref<32x64xi32, #tpu.memory_space<vmem>> -> memref<1x64xi32, #tpu.memory_space<vmem>>
      %dma_wait3A_357 = tpu.memref_squeeze %dma_wait3A_356 : memref<1x64xi32, #tpu.memory_space<vmem>> -> memref<64xi32, #tpu.memory_space<vmem>>
      %dma_wait3A_358 = arith.constant 0 : i32
      %dma_wait3A_359 = tpu.memref_slice %arg15[%dma_wait3A_358] : memref<10112xf32, #tpu.memory_space<vmem_shared>> -> memref<10112xf32, #tpu.memory_space<vmem_shared>>
      tpu.wait_indirect_dma semaphore(%arg26 : memref<!tpu.dma_semaphore, #tpu.memory_space<semaphore_mem>>) src(%arg12 : memref<64xf32, #tpu.memory_space<vmem>>) dst(%dma_wait3A_359 : memref<10112xf32, #tpu.memory_space<vmem_shared>>)
      %dma_wait3A_360 = arith.constant 0 : i32
      %dma_wait3A_361 = arith.constant 0 : i32
      %dma_wait3A_362 = tpu.memref_slice %arg8[%dma_wait3A_360, %dma_wait3A_361] : memref<32x64xi32, #tpu.memory_space<vmem>> -> memref<1x64xi32, #tpu.memory_space<vmem>>
      %dma_wait3A_363 = tpu.memref_squeeze %dma_wait3A_362 : memref<1x64xi32, #tpu.memory_space<vmem>> -> memref<64xi32, #tpu.memory_space<vmem>>
      %dma_wait3A_364 = arith.constant 0 : i32
      %dma_wait3A_365 = tpu.memref_slice %arg15[%dma_wait3A_364] : memref<10112xf32, #tpu.memory_space<vmem_shared>> -> memref<10112xf32, #tpu.memory_space<vmem_shared>>
      tpu.wait_indirect_dma semaphore(%arg26 : memref<!tpu.dma_semaphore, #tpu.memory_space<semaphore_mem>>) src(%arg12 : memref<64xf32, #tpu.memory_space<vmem>>) dst(%dma_wait3A_365 : memref<10112xf32, #tpu.memory_space<vmem_shared>>)
      %dma_wait3A_366 = arith.constant 0 : i32
      %dma_wait3A_367 = arith.constant 0 : i32
      %dma_wait3A_368 = tpu.memref_slice %arg8[%dma_wait3A_366, %dma_wait3A_367] : memref<32x64xi32, #tpu.memory_space<vmem>> -> memref<1x64xi32, #tpu.memory_space<vmem>>
      %dma_wait3A_369 = tpu.memref_squeeze %dma_wait3A_368 : memref<1x64xi32, #tpu.memory_space<vmem>> -> memref<64xi32, #tpu.memory_space<vmem>>
      %dma_wait3A_370 = arith.constant 0 : i32
      %dma_wait3A_371 = tpu.memref_slice %arg15[%dma_wait3A_370] : memref<10112xf32, #tpu.memory_space<vmem_shared>> -> memref<10112xf32, #tpu.memory_space<vmem_shared>>
      tpu.wait_indirect_dma semaphore(%arg26 : memref<!tpu.dma_semaphore, #tpu.memory_space<semaphore_mem>>) src(%arg12 : memref<64xf32, #tpu.memory_space<vmem>>) dst(%dma_wait3A_371 : memref<10112xf32, #tpu.memory_space<vmem_shared>>)
      %dma_wait3A_372 = arith.constant 0 : i32
      %dma_wait3A_373 = arith.constant 0 : i32
      %dma_wait3A_374 = tpu.memref_slice %arg8[%dma_wait3A_372, %dma_wait3A_373] : memref<32x64xi32, #tpu.memory_space<vmem>> -> memref<1x64xi32, #tpu.memory_space<vmem>>
      %dma_wait3A_375 = tpu.memref_squeeze %dma_wait3A_374 : memref<1x64xi32, #tpu.memory_space<vmem>> -> memref<64xi32, #tpu.memory_space<vmem>>
      %dma_wait3A_376 = arith.constant 0 : i32
      %dma_wait3A_377 = tpu.memref_slice %arg15[%dma_wait3A_376] : memref<10112xf32, #tpu.memory_space<vmem_shared>> -> memref<10112xf32, #tpu.memory_space<vmem_shared>>
      tpu.wait_indirect_dma semaphore(%arg26 : memref<!tpu.dma_semaphore, #tpu.memory_space<semaphore_mem>>) src(%arg12 : memref<64xf32, #tpu.memory_space<vmem>>) dst(%dma_wait3A_377 : memref<10112xf32, #tpu.memory_space<vmem_shared>>)
      %dma_wait3A_378 = arith.constant 0 : i32
      %dma_wait3A_379 = arith.constant 0 : i32
      %dma_wait3A_380 = tpu.memref_slice %arg8[%dma_wait3A_378, %dma_wait3A_379] : memref<32x64xi32, #tpu.memory_space<vmem>> -> memref<1x64xi32, #tpu.memory_space<vmem>>
      %dma_wait3A_381 = tpu.memref_squeeze %dma_wait3A_380 : memref<1x64xi32, #tpu.memory_space<vmem>> -> memref<64xi32, #tpu.memory_space<vmem>>
      %dma_wait3A_382 = arith.constant 0 : i32
      %dma_wait3A_383 = tpu.memref_slice %arg15[%dma_wait3A_382] : memref<10112xf32, #tpu.memory_space<vmem_shared>> -> memref<10112xf32, #tpu.memory_space<vmem_shared>>
      tpu.wait_indirect_dma semaphore(%arg26 : memref<!tpu.dma_semaphore, #tpu.memory_space<semaphore_mem>>) src(%arg12 : memref<64xf32, #tpu.memory_space<vmem>>) dst(%dma_wait3A_383 : memref<10112xf32, #tpu.memory_space<vmem_shared>>)
      %dma_wait3A_384 = arith.constant 0 : i32
      %dma_wait3A_385 = arith.constant 0 : i32
      %dma_wait3A_386 = tpu.memref_slice %arg8[%dma_wait3A_384, %dma_wait3A_385] : memref<32x64xi32, #tpu.memory_space<vmem>> -> memref<1x64xi32, #tpu.memory_space<vmem>>
      %dma_wait3A_387 = tpu.memref_squeeze %dma_wait3A_386 : memref<1x64xi32, #tpu.memory_space<vmem>> -> memref<64xi32, #tpu.memory_space<vmem>>
      %dma_wait3A_388 = arith.constant 0 : i32
      %dma_wait3A_389 = tpu.memref_slice %arg15[%dma_wait3A_388] : memref<10112xf32, #tpu.memory_space<vmem_shared>> -> memref<10112xf32, #tpu.memory_space<vmem_shared>>
      tpu.wait_indirect_dma semaphore(%arg26 : memref<!tpu.dma_semaphore, #tpu.memory_space<semaphore_mem>>) src(%arg12 : memref<64xf32, #tpu.memory_space<vmem>>) dst(%dma_wait3A_389 : memref<10112xf32, #tpu.memory_space<vmem_shared>>)
      %dma_wait3A_390 = arith.constant 0 : i32
      %dma_wait3A_391 = arith.constant 0 : i32
      %dma_wait3A_392 = tpu.memref_slice %arg8[%dma_wait3A_390, %dma_wait3A_391] : memref<32x64xi32, #tpu.memory_space<vmem>> -> memref<1x64xi32, #tpu.memory_space<vmem>>
      %dma_wait3A_393 = tpu.memref_squeeze %dma_wait3A_392 : memref<1x64xi32, #tpu.memory_space<vmem>> -> memref<64xi32, #tpu.memory_space<vmem>>
      %dma_wait3A_394 = arith.constant 0 : i32
      %dma_wait3A_395 = tpu.memref_slice %arg15[%dma_wait3A_394] : memref<10112xf32, #tpu.memory_space<vmem_shared>> -> memref<10112xf32, #tpu.memory_space<vmem_shared>>
      tpu.wait_indirect_dma semaphore(%arg26 : memref<!tpu.dma_semaphore, #tpu.memory_space<semaphore_mem>>) src(%arg12 : memref<64xf32, #tpu.memory_space<vmem>>) dst(%dma_wait3A_395 : memref<10112xf32, #tpu.memory_space<vmem_shared>>)
      %dma_wait3A_396 = arith.constant 0 : i32
      %dma_wait3A_397 = arith.constant 0 : i32
      %dma_wait3A_398 = tpu.memref_slice %arg8[%dma_wait3A_396, %dma_wait3A_397] : memref<32x64xi32, #tpu.memory_space<vmem>> -> memref<1x64xi32, #tpu.memory_space<vmem>>
      %dma_wait3A_399 = tpu.memref_squeeze %dma_wait3A_398 : memref<1x64xi32, #tpu.memory_space<vmem>> -> memref<64xi32, #tpu.memory_space<vmem>>
      %dma_wait3A_400 = arith.constant 0 : i32
      %dma_wait3A_401 = tpu.memref_slice %arg15[%dma_wait3A_400] : memref<10112xf32, #tpu.memory_space<vmem_shared>> -> memref<10112xf32, #tpu.memory_space<vmem_shared>>
      tpu.wait_indirect_dma semaphore(%arg26 : memref<!tpu.dma_semaphore, #tpu.memory_space<semaphore_mem>>) src(%arg12 : memref<64xf32, #tpu.memory_space<vmem>>) dst(%dma_wait3A_401 : memref<10112xf32, #tpu.memory_space<vmem_shared>>)
      %dma_wait3A_402 = arith.constant 0 : i32
      %dma_wait3A_403 = arith.constant 0 : i32
      %dma_wait3A_404 = tpu.memref_slice %arg8[%dma_wait3A_402, %dma_wait3A_403] : memref<32x64xi32, #tpu.memory_space<vmem>> -> memref<1x64xi32, #tpu.memory_space<vmem>>
      %dma_wait3A_405 = tpu.memref_squeeze %dma_wait3A_404 : memref<1x64xi32, #tpu.memory_space<vmem>> -> memref<64xi32, #tpu.memory_space<vmem>>
      %dma_wait3A_406 = arith.constant 0 : i32
      %dma_wait3A_407 = tpu.memref_slice %arg15[%dma_wait3A_406] : memref<10112xf32, #tpu.memory_space<vmem_shared>> -> memref<10112xf32, #tpu.memory_space<vmem_shared>>
      tpu.wait_indirect_dma semaphore(%arg26 : memref<!tpu.dma_semaphore, #tpu.memory_space<semaphore_mem>>) src(%arg12 : memref<64xf32, #tpu.memory_space<vmem>>) dst(%dma_wait3A_407 : memref<10112xf32, #tpu.memory_space<vmem_shared>>)
      %dma_wait3A_408 = arith.constant 0 : i32
      %dma_wait3A_409 = arith.constant 0 : i32
      %dma_wait3A_410 = tpu.memref_slice %arg8[%dma_wait3A_408, %dma_wait3A_409] : memref<32x64xi32, #tpu.memory_space<vmem>> -> memref<1x64xi32, #tpu.memory_space<vmem>>
      %dma_wait3A_411 = tpu.memref_squeeze %dma_wait3A_410 : memref<1x64xi32, #tpu.memory_space<vmem>> -> memref<64xi32, #tpu.memory_space<vmem>>
      %dma_wait3A_412 = arith.constant 0 : i32
      %dma_wait3A_413 = tpu.memref_slice %arg15[%dma_wait3A_412] : memref<10112xf32, #tpu.memory_space<vmem_shared>> -> memref<10112xf32, #tpu.memory_space<vmem_shared>>
      tpu.wait_indirect_dma semaphore(%arg26 : memref<!tpu.dma_semaphore, #tpu.memory_space<semaphore_mem>>) src(%arg12 : memref<64xf32, #tpu.memory_space<vmem>>) dst(%dma_wait3A_413 : memref<10112xf32, #tpu.memory_space<vmem_shared>>)
      %dma_wait3A_414 = arith.constant 0 : i32
      %dma_wait3A_415 = arith.constant 0 : i32
      %dma_wait3A_416 = tpu.memref_slice %arg8[%dma_wait3A_414, %dma_wait3A_415] : memref<32x64xi32, #tpu.memory_space<vmem>> -> memref<1x64xi32, #tpu.memory_space<vmem>>
      %dma_wait3A_417 = tpu.memref_squeeze %dma_wait3A_416 : memref<1x64xi32, #tpu.memory_space<vmem>> -> memref<64xi32, #tpu.memory_space<vmem>>
      %dma_wait3A_418 = arith.constant 0 : i32
      %dma_wait3A_419 = tpu.memref_slice %arg15[%dma_wait3A_418] : memref<10112xf32, #tpu.memory_space<vmem_shared>> -> memref<10112xf32, #tpu.memory_space<vmem_shared>>
      tpu.wait_indirect_dma semaphore(%arg26 : memref<!tpu.dma_semaphore, #tpu.memory_space<semaphore_mem>>) src(%arg12 : memref<64xf32, #tpu.memory_space<vmem>>) dst(%dma_wait3A_419 : memref<10112xf32, #tpu.memory_space<vmem_shared>>)
      %dma_wait3A_420 = arith.constant 0 : i32
      %dma_wait3A_421 = arith.constant 0 : i32
      %dma_wait3A_422 = tpu.memref_slice %arg8[%dma_wait3A_420, %dma_wait3A_421] : memref<32x64xi32, #tpu.memory_space<vmem>> -> memref<1x64xi32, #tpu.memory_space<vmem>>
      %dma_wait3A_423 = tpu.memref_squeeze %dma_wait3A_422 : memref<1x64xi32, #tpu.memory_space<vmem>> -> memref<64xi32, #tpu.memory_space<vmem>>
      %dma_wait3A_424 = arith.constant 0 : i32
      %dma_wait3A_425 = tpu.memref_slice %arg15[%dma_wait3A_424] : memref<10112xf32, #tpu.memory_space<vmem_shared>> -> memref<10112xf32, #tpu.memory_space<vmem_shared>>
      tpu.wait_indirect_dma semaphore(%arg26 : memref<!tpu.dma_semaphore, #tpu.memory_space<semaphore_mem>>) src(%arg12 : memref<64xf32, #tpu.memory_space<vmem>>) dst(%dma_wait3A_425 : memref<10112xf32, #tpu.memory_space<vmem_shared>>)
      %dma_wait3A_426 = arith.constant 0 : i32
      %dma_wait3A_427 = arith.constant 0 : i32
      %dma_wait3A_428 = tpu.memref_slice %arg8[%dma_wait3A_426, %dma_wait3A_427] : memref<32x64xi32, #tpu.memory_space<vmem>> -> memref<1x64xi32, #tpu.memory_space<vmem>>
      %dma_wait3A_429 = tpu.memref_squeeze %dma_wait3A_428 : memref<1x64xi32, #tpu.memory_space<vmem>> -> memref<64xi32, #tpu.memory_space<vmem>>
      %dma_wait3A_430 = arith.constant 0 : i32
      %dma_wait3A_431 = tpu.memref_slice %arg15[%dma_wait3A_430] : memref<10112xf32, #tpu.memory_space<vmem_shared>> -> memref<10112xf32, #tpu.memory_space<vmem_shared>>
      tpu.wait_indirect_dma semaphore(%arg26 : memref<!tpu.dma_semaphore, #tpu.memory_space<semaphore_mem>>) src(%arg12 : memref<64xf32, #tpu.memory_space<vmem>>) dst(%dma_wait3A_431 : memref<10112xf32, #tpu.memory_space<vmem_shared>>)
      %dma_wait3A_432 = arith.constant 0 : i32
      %dma_wait3A_433 = arith.constant 0 : i32
      %dma_wait3A_434 = tpu.memref_slice %arg8[%dma_wait3A_432, %dma_wait3A_433] : memref<32x64xi32, #tpu.memory_space<vmem>> -> memref<1x64xi32, #tpu.memory_space<vmem>>
      %dma_wait3A_435 = tpu.memref_squeeze %dma_wait3A_434 : memref<1x64xi32, #tpu.memory_space<vmem>> -> memref<64xi32, #tpu.memory_space<vmem>>
      %dma_wait3A_436 = arith.constant 0 : i32
      %dma_wait3A_437 = tpu.memref_slice %arg15[%dma_wait3A_436] : memref<10112xf32, #tpu.memory_space<vmem_shared>> -> memref<10112xf32, #tpu.memory_space<vmem_shared>>
      tpu.wait_indirect_dma semaphore(%arg26 : memref<!tpu.dma_semaphore, #tpu.memory_space<semaphore_mem>>) src(%arg12 : memref<64xf32, #tpu.memory_space<vmem>>) dst(%dma_wait3A_437 : memref<10112xf32, #tpu.memory_space<vmem_shared>>)
      %dma_wait3A_438 = arith.constant 0 : i32
      %dma_wait3A_439 = arith.constant 0 : i32
      %dma_wait3A_440 = tpu.memref_slice %arg8[%dma_wait3A_438, %dma_wait3A_439] : memref<32x64xi32, #tpu.memory_space<vmem>> -> memref<1x64xi32, #tpu.memory_space<vmem>>
      %dma_wait3A_441 = tpu.memref_squeeze %dma_wait3A_440 : memref<1x64xi32, #tpu.memory_space<vmem>> -> memref<64xi32, #tpu.memory_space<vmem>>
      %dma_wait3A_442 = arith.constant 0 : i32
      %dma_wait3A_443 = tpu.memref_slice %arg15[%dma_wait3A_442] : memref<10112xf32, #tpu.memory_space<vmem_shared>> -> memref<10112xf32, #tpu.memory_space<vmem_shared>>
      tpu.wait_indirect_dma semaphore(%arg26 : memref<!tpu.dma_semaphore, #tpu.memory_space<semaphore_mem>>) src(%arg12 : memref<64xf32, #tpu.memory_space<vmem>>) dst(%dma_wait3A_443 : memref<10112xf32, #tpu.memory_space<vmem_shared>>)
      %dma_wait3A_444 = arith.constant 0 : i32
      %dma_wait3A_445 = arith.constant 0 : i32
      %dma_wait3A_446 = tpu.memref_slice %arg8[%dma_wait3A_444, %dma_wait3A_445] : memref<32x64xi32, #tpu.memory_space<vmem>> -> memref<1x64xi32, #tpu.memory_space<vmem>>
      %dma_wait3A_447 = tpu.memref_squeeze %dma_wait3A_446 : memref<1x64xi32, #tpu.memory_space<vmem>> -> memref<64xi32, #tpu.memory_space<vmem>>
      %dma_wait3A_448 = arith.constant 0 : i32
      %dma_wait3A_449 = tpu.memref_slice %arg15[%dma_wait3A_448] : memref<10112xf32, #tpu.memory_space<vmem_shared>> -> memref<10112xf32, #tpu.memory_space<vmem_shared>>
      tpu.wait_indirect_dma semaphore(%arg26 : memref<!tpu.dma_semaphore, #tpu.memory_space<semaphore_mem>>) src(%arg12 : memref<64xf32, #tpu.memory_space<vmem>>) dst(%dma_wait3A_449 : memref<10112xf32, #tpu.memory_space<vmem_shared>>)
      %dma_wait3A_450 = arith.constant 0 : i32
      %dma_wait3A_451 = arith.constant 0 : i32
      %dma_wait3A_452 = tpu.memref_slice %arg8[%dma_wait3A_450, %dma_wait3A_451] : memref<32x64xi32, #tpu.memory_space<vmem>> -> memref<1x64xi32, #tpu.memory_space<vmem>>
      %dma_wait3A_453 = tpu.memref_squeeze %dma_wait3A_452 : memref<1x64xi32, #tpu.memory_space<vmem>> -> memref<64xi32, #tpu.memory_space<vmem>>
      %dma_wait3A_454 = arith.constant 0 : i32
      %dma_wait3A_455 = tpu.memref_slice %arg15[%dma_wait3A_454] : memref<10112xf32, #tpu.memory_space<vmem_shared>> -> memref<10112xf32, #tpu.memory_space<vmem_shared>>
      tpu.wait_indirect_dma semaphore(%arg26 : memref<!tpu.dma_semaphore, #tpu.memory_space<semaphore_mem>>) src(%arg12 : memref<64xf32, #tpu.memory_space<vmem>>) dst(%dma_wait3A_455 : memref<10112xf32, #tpu.memory_space<vmem_shared>>)
      %dma_wait3A_456 = arith.constant 0 : i32
      %dma_wait3A_457 = arith.constant 0 : i32
      %dma_wait3A_458 = tpu.memref_slice %arg8[%dma_wait3A_456, %dma_wait3A_457] : memref<32x64xi32, #tpu.memory_space<vmem>> -> memref<1x64xi32, #tpu.memory_space<vmem>>
      %dma_wait3A_459 = tpu.memref_squeeze %dma_wait3A_458 : memref<1x64xi32, #tpu.memory_space<vmem>> -> memref<64xi32, #tpu.memory_space<vmem>>
      %dma_wait3A_460 = arith.constant 0 : i32
      %dma_wait3A_461 = tpu.memref_slice %arg15[%dma_wait3A_460] : memref<10112xf32, #tpu.memory_space<vmem_shared>> -> memref<10112xf32, #tpu.memory_space<vmem_shared>>
      tpu.wait_indirect_dma semaphore(%arg26 : memref<!tpu.dma_semaphore, #tpu.memory_space<semaphore_mem>>) src(%arg12 : memref<64xf32, #tpu.memory_space<vmem>>) dst(%dma_wait3A_461 : memref<10112xf32, #tpu.memory_space<vmem_shared>>)
      %dma_wait3A_462 = arith.constant 0 : i32
      %dma_wait3A_463 = arith.constant 0 : i32
      %dma_wait3A_464 = tpu.memref_slice %arg8[%dma_wait3A_462, %dma_wait3A_463] : memref<32x64xi32, #tpu.memory_space<vmem>> -> memref<1x64xi32, #tpu.memory_space<vmem>>
      %dma_wait3A_465 = tpu.memref_squeeze %dma_wait3A_464 : memref<1x64xi32, #tpu.memory_space<vmem>> -> memref<64xi32, #tpu.memory_space<vmem>>
      %dma_wait3A_466 = arith.constant 0 : i32
      %dma_wait3A_467 = tpu.memref_slice %arg15[%dma_wait3A_466] : memref<10112xf32, #tpu.memory_space<vmem_shared>> -> memref<10112xf32, #tpu.memory_space<vmem_shared>>
      tpu.wait_indirect_dma semaphore(%arg26 : memref<!tpu.dma_semaphore, #tpu.memory_space<semaphore_mem>>) src(%arg12 : memref<64xf32, #tpu.memory_space<vmem>>) dst(%dma_wait3A_467 : memref<10112xf32, #tpu.memory_space<vmem_shared>>)
      %dma_wait3A_468 = arith.constant 0 : i32
      %dma_wait3A_469 = arith.constant 0 : i32
      %dma_wait3A_470 = tpu.memref_slice %arg8[%dma_wait3A_468, %dma_wait3A_469] : memref<32x64xi32, #tpu.memory_space<vmem>> -> memref<1x64xi32, #tpu.memory_space<vmem>>
      %dma_wait3A_471 = tpu.memref_squeeze %dma_wait3A_470 : memref<1x64xi32, #tpu.memory_space<vmem>> -> memref<64xi32, #tpu.memory_space<vmem>>
      %dma_wait3A_472 = arith.constant 0 : i32
      %dma_wait3A_473 = tpu.memref_slice %arg15[%dma_wait3A_472] : memref<10112xf32, #tpu.memory_space<vmem_shared>> -> memref<10112xf32, #tpu.memory_space<vmem_shared>>
      tpu.wait_indirect_dma semaphore(%arg26 : memref<!tpu.dma_semaphore, #tpu.memory_space<semaphore_mem>>) src(%arg12 : memref<64xf32, #tpu.memory_space<vmem>>) dst(%dma_wait3A_473 : memref<10112xf32, #tpu.memory_space<vmem_shared>>)
      %dma_wait3A_474 = arith.constant 0 : i32
      %dma_wait3A_475 = arith.constant 0 : i32
      %dma_wait3A_476 = tpu.memref_slice %arg8[%dma_wait3A_474, %dma_wait3A_475] : memref<32x64xi32, #tpu.memory_space<vmem>> -> memref<1x64xi32, #tpu.memory_space<vmem>>
      %dma_wait3A_477 = tpu.memref_squeeze %dma_wait3A_476 : memref<1x64xi32, #tpu.memory_space<vmem>> -> memref<64xi32, #tpu.memory_space<vmem>>
      %dma_wait3A_478 = arith.constant 0 : i32
      %dma_wait3A_479 = tpu.memref_slice %arg15[%dma_wait3A_478] : memref<10112xf32, #tpu.memory_space<vmem_shared>> -> memref<10112xf32, #tpu.memory_space<vmem_shared>>
      tpu.wait_indirect_dma semaphore(%arg26 : memref<!tpu.dma_semaphore, #tpu.memory_space<semaphore_mem>>) src(%arg12 : memref<64xf32, #tpu.memory_space<vmem>>) dst(%dma_wait3A_479 : memref<10112xf32, #tpu.memory_space<vmem_shared>>)
      %dma_wait3A_480 = arith.constant 0 : i32
      %dma_wait3A_481 = arith.constant 0 : i32
      %dma_wait3A_482 = tpu.memref_slice %arg8[%dma_wait3A_480, %dma_wait3A_481] : memref<32x64xi32, #tpu.memory_space<vmem>> -> memref<1x64xi32, #tpu.memory_space<vmem>>
      %dma_wait3A_483 = tpu.memref_squeeze %dma_wait3A_482 : memref<1x64xi32, #tpu.memory_space<vmem>> -> memref<64xi32, #tpu.memory_space<vmem>>
      %dma_wait3A_484 = arith.constant 0 : i32
      %dma_wait3A_485 = tpu.memref_slice %arg15[%dma_wait3A_484] : memref<10112xf32, #tpu.memory_space<vmem_shared>> -> memref<10112xf32, #tpu.memory_space<vmem_shared>>
      tpu.wait_indirect_dma semaphore(%arg26 : memref<!tpu.dma_semaphore, #tpu.memory_space<semaphore_mem>>) src(%arg12 : memref<64xf32, #tpu.memory_space<vmem>>) dst(%dma_wait3A_485 : memref<10112xf32, #tpu.memory_space<vmem_shared>>)
      %dma_wait3A_486 = arith.constant 0 : i32
      %dma_wait3A_487 = arith.constant 0 : i32
      %dma_wait3A_488 = tpu.memref_slice %arg8[%dma_wait3A_486, %dma_wait3A_487] : memref<32x64xi32, #tpu.memory_space<vmem>> -> memref<1x64xi32, #tpu.memory_space<vmem>>
      %dma_wait3A_489 = tpu.memref_squeeze %dma_wait3A_488 : memref<1x64xi32, #tpu.memory_space<vmem>> -> memref<64xi32, #tpu.memory_space<vmem>>
      %dma_wait3A_490 = arith.constant 0 : i32
      %dma_wait3A_491 = tpu.memref_slice %arg15[%dma_wait3A_490] : memref<10112xf32, #tpu.memory_space<vmem_shared>> -> memref<10112xf32, #tpu.memory_space<vmem_shared>>
      tpu.wait_indirect_dma semaphore(%arg26 : memref<!tpu.dma_semaphore, #tpu.memory_space<semaphore_mem>>) src(%arg12 : memref<64xf32, #tpu.memory_space<vmem>>) dst(%dma_wait3A_491 : memref<10112xf32, #tpu.memory_space<vmem_shared>>)
      %dma_wait3A_492 = arith.constant 0 : i32
      %dma_wait3A_493 = arith.constant 0 : i32
      %dma_wait3A_494 = tpu.memref_slice %arg8[%dma_wait3A_492, %dma_wait3A_493] : memref<32x64xi32, #tpu.memory_space<vmem>> -> memref<1x64xi32, #tpu.memory_space<vmem>>
      %dma_wait3A_495 = tpu.memref_squeeze %dma_wait3A_494 : memref<1x64xi32, #tpu.memory_space<vmem>> -> memref<64xi32, #tpu.memory_space<vmem>>
      %dma_wait3A_496 = arith.constant 0 : i32
      %dma_wait3A_497 = tpu.memref_slice %arg15[%dma_wait3A_496] : memref<10112xf32, #tpu.memory_space<vmem_shared>> -> memref<10112xf32, #tpu.memory_space<vmem_shared>>
      tpu.wait_indirect_dma semaphore(%arg26 : memref<!tpu.dma_semaphore, #tpu.memory_space<semaphore_mem>>) src(%arg12 : memref<64xf32, #tpu.memory_space<vmem>>) dst(%dma_wait3A_497 : memref<10112xf32, #tpu.memory_space<vmem_shared>>)
      %dma_wait3A_498 = arith.constant 0 : i32
      %dma_wait3A_499 = arith.constant 0 : i32
      %dma_wait3A_500 = tpu.memref_slice %arg8[%dma_wait3A_498, %dma_wait3A_499] : memref<32x64xi32, #tpu.memory_space<vmem>> -> memref<1x64xi32, #tpu.memory_space<vmem>>
      %dma_wait3A_501 = tpu.memref_squeeze %dma_wait3A_500 : memref<1x64xi32, #tpu.memory_space<vmem>> -> memref<64xi32, #tpu.memory_space<vmem>>
      %dma_wait3A_502 = arith.constant 0 : i32
      %dma_wait3A_503 = tpu.memref_slice %arg15[%dma_wait3A_502] : memref<10112xf32, #tpu.memory_space<vmem_shared>> -> memref<10112xf32, #tpu.memory_space<vmem_shared>>
      tpu.wait_indirect_dma semaphore(%arg26 : memref<!tpu.dma_semaphore, #tpu.memory_space<semaphore_mem>>) src(%arg12 : memref<64xf32, #tpu.memory_space<vmem>>) dst(%dma_wait3A_503 : memref<10112xf32, #tpu.memory_space<vmem_shared>>)
      %dma_wait3A_504 = arith.constant 0 : i32
      %dma_wait3A_505 = arith.constant 0 : i32
      %dma_wait3A_506 = tpu.memref_slice %arg8[%dma_wait3A_504, %dma_wait3A_505] : memref<32x64xi32, #tpu.memory_space<vmem>> -> memref<1x64xi32, #tpu.memory_space<vmem>>
      %dma_wait3A_507 = tpu.memref_squeeze %dma_wait3A_506 : memref<1x64xi32, #tpu.memory_space<vmem>> -> memref<64xi32, #tpu.memory_space<vmem>>
      %dma_wait3A_508 = arith.constant 0 : i32
      %dma_wait3A_509 = tpu.memref_slice %arg15[%dma_wait3A_508] : memref<10112xf32, #tpu.memory_space<vmem_shared>> -> memref<10112xf32, #tpu.memory_space<vmem_shared>>
      tpu.wait_indirect_dma semaphore(%arg26 : memref<!tpu.dma_semaphore, #tpu.memory_space<semaphore_mem>>) src(%arg12 : memref<64xf32, #tpu.memory_space<vmem>>) dst(%dma_wait3A_509 : memref<10112xf32, #tpu.memory_space<vmem_shared>>)
      %dma_wait3A_510 = arith.constant 0 : i32
      %dma_wait3A_511 = arith.constant 0 : i32
      %dma_wait3A_512 = tpu.memref_slice %arg8[%dma_wait3A_510, %dma_wait3A_511] : memref<32x64xi32, #tpu.memory_space<vmem>> -> memref<1x64xi32, #tpu.memory_space<vmem>>
      %dma_wait3A_513 = tpu.memref_squeeze %dma_wait3A_512 : memref<1x64xi32, #tpu.memory_space<vmem>> -> memref<64xi32, #tpu.memory_space<vmem>>
      %dma_wait3A_514 = arith.constant 0 : i32
      %dma_wait3A_515 = tpu.memref_slice %arg15[%dma_wait3A_514] : memref<10112xf32, #tpu.memory_space<vmem_shared>> -> memref<10112xf32, #tpu.memory_space<vmem_shared>>
      tpu.wait_indirect_dma semaphore(%arg26 : memref<!tpu.dma_semaphore, #tpu.memory_space<semaphore_mem>>) src(%arg12 : memref<64xf32, #tpu.memory_space<vmem>>) dst(%dma_wait3A_515 : memref<10112xf32, #tpu.memory_space<vmem_shared>>)
      %dma_wait3A_516 = arith.constant 0 : i32
      %dma_wait3A_517 = arith.constant 0 : i32
      %dma_wait3A_518 = tpu.memref_slice %arg8[%dma_wait3A_516, %dma_wait3A_517] : memref<32x64xi32, #tpu.memory_space<vmem>> -> memref<1x64xi32, #tpu.memory_space<vmem>>
      %dma_wait3A_519 = tpu.memref_squeeze %dma_wait3A_518 : memref<1x64xi32, #tpu.memory_space<vmem>> -> memref<64xi32, #tpu.memory_space<vmem>>
      %dma_wait3A_520 = arith.constant 0 : i32
      %dma_wait3A_521 = tpu.memref_slice %arg15[%dma_wait3A_520] : memref<10112xf32, #tpu.memory_space<vmem_shared>> -> memref<10112xf32, #tpu.memory_space<vmem_shared>>
      tpu.wait_indirect_dma semaphore(%arg26 : memref<!tpu.dma_semaphore, #tpu.memory_space<semaphore_mem>>) src(%arg12 : memref<64xf32, #tpu.memory_space<vmem>>) dst(%dma_wait3A_521 : memref<10112xf32, #tpu.memory_space<vmem_shared>>)
    } else {
    }
    %barrier3A_315 = arith.constant 0 : index
    tpu.barrier barrier_id(%barrier3A_315)
    %mul3A_316 = arith.constant 632 : i32
    %mul3A_317 = arith.muli %arg1, %mul3A_316 : i32
    %mul3A_318 = arith.constant 632 : i32
    %mul3A_319 = arith.muli %arg1, %mul3A_318 : i32
    "tpu.region"() ({
      %run_scoped3A = tpu.sem_alloc : memref<!tpu.dma_semaphore, #tpu.memory_space<semaphore_mem>>
      %dma_start3A_330 = arith.constant 0 : i32
      %dma_start3A_331 = tpu.memref_slice %arg5[%arg0, %mul3A_319, %dma_start3A_330] : memref<2x10112x128xf32, #tpu.memory_space<hbm>> -> memref<1x632x128xf32, #tpu.memory_space<hbm>>
      %dma_start3A_332 = tpu.memref_squeeze %dma_start3A_331 : memref<1x632x128xf32, #tpu.memory_space<hbm>> -> memref<632x128xf32, #tpu.memory_space<hbm>>
      %dma_start3A_333 = arith.constant 0 : i32
      %dma_start3A_334 = tpu.memref_slice %arg14[%mul3A_317, %dma_start3A_333] : memref<10112x128xf32, #tpu.memory_space<vmem_shared>> -> memref<632x128xf32, #tpu.memory_space<vmem_shared>>
      tpu.enqueue_dma source(%dma_start3A_334 : memref<632x128xf32, #tpu.memory_space<vmem_shared>>) target(%dma_start3A_332 : memref<632x128xf32, #tpu.memory_space<hbm>>) target_semaphore(%run_scoped3A : memref<!tpu.dma_semaphore, #tpu.memory_space<semaphore_mem>>)
      %dma_wait3A_335 = arith.constant 0 : i32
      %dma_wait3A_336 = tpu.memref_slice %arg5[%arg0, %mul3A_319, %dma_wait3A_335] : memref<2x10112x128xf32, #tpu.memory_space<hbm>> -> memref<1x632x128xf32, #tpu.memory_space<hbm>>
      %dma_wait3A_337 = tpu.memref_squeeze %dma_wait3A_336 : memref<1x632x128xf32, #tpu.memory_space<hbm>> -> memref<632x128xf32, #tpu.memory_space<hbm>>
      %dma_wait3A_338 = arith.constant 0 : i32
      %dma_wait3A_339 = tpu.memref_slice %arg14[%mul3A_317, %dma_wait3A_338] : memref<10112x128xf32, #tpu.memory_space<vmem_shared>> -> memref<632x128xf32, #tpu.memory_space<vmem_shared>>
      tpu.wait_dma2 semaphore(%run_scoped3A : memref<!tpu.dma_semaphore, #tpu.memory_space<semaphore_mem>>) src(%dma_wait3A_339 : memref<632x128xf32, #tpu.memory_space<vmem_shared>>) dst(%dma_wait3A_337 : memref<632x128xf32, #tpu.memory_space<hbm>>)
      tpu.yield
    }) : () -> ()
    %lt3A_320 = arith.constant 15 : i32
    %lt3A_321 = arith.cmpi slt, %arg1, %lt3A_320 : i32
    %convert_element_type3A_322 = arith.extui %lt3A_321 : i1 to i32
    %cond3A_323 = arith.constant 0 : i32
    %cond3A_324 = arith.cmpi ne, %convert_element_type3A_322, %cond3A_323 : i32
    scf.if %cond3A_324 {
      %mul3A_330 = arith.constant 640 : i32
      %mul3A_331 = arith.muli %arg1, %mul3A_330 : i32
      %mul3A_332 = arith.constant 640 : i32
      %mul3A_333 = arith.muli %arg1, %mul3A_332 : i32
      "tpu.region"() ({
        %run_scoped3A = tpu.sem_alloc : memref<!tpu.dma_semaphore, #tpu.memory_space<semaphore_mem>>
        %dma_start3A_334 = tpu.memref_slice %arg6[%arg0, %mul3A_333] : memref<2x10112xf32, #tpu.memory_space<hbm>> -> memref<1x640xf32, #tpu.memory_space<hbm>>
        %dma_start3A_335 = tpu.memref_squeeze %dma_start3A_334 : memref<1x640xf32, #tpu.memory_space<hbm>> -> memref<640xf32, #tpu.memory_space<hbm>>
        %dma_start3A_336 = tpu.memref_slice %arg15[%mul3A_331] : memref<10112xf32, #tpu.memory_space<vmem_shared>> -> memref<640xf32, #tpu.memory_space<vmem_shared>>
        tpu.enqueue_dma source(%dma_start3A_336 : memref<640xf32, #tpu.memory_space<vmem_shared>>) target(%dma_start3A_335 : memref<640xf32, #tpu.memory_space<hbm>>) target_semaphore(%run_scoped3A : memref<!tpu.dma_semaphore, #tpu.memory_space<semaphore_mem>>)
        %dma_wait3A_337 = tpu.memref_slice %arg6[%arg0, %mul3A_333] : memref<2x10112xf32, #tpu.memory_space<hbm>> -> memref<1x640xf32, #tpu.memory_space<hbm>>
        %dma_wait3A_338 = tpu.memref_squeeze %dma_wait3A_337 : memref<1x640xf32, #tpu.memory_space<hbm>> -> memref<640xf32, #tpu.memory_space<hbm>>
        %dma_wait3A_339 = tpu.memref_slice %arg15[%mul3A_331] : memref<10112xf32, #tpu.memory_space<vmem_shared>> -> memref<640xf32, #tpu.memory_space<vmem_shared>>
        tpu.wait_dma2 semaphore(%run_scoped3A : memref<!tpu.dma_semaphore, #tpu.memory_space<semaphore_mem>>) src(%dma_wait3A_339 : memref<640xf32, #tpu.memory_space<vmem_shared>>) dst(%dma_wait3A_338 : memref<640xf32, #tpu.memory_space<hbm>>)
        tpu.yield
      }) : () -> ()
    } else {
    }
    %eq3A_325 = arith.constant 15 : i32
    %eq3A_326 = arith.cmpi eq, %arg1, %eq3A_325 : i32
    %convert_element_type3A_327 = arith.extui %eq3A_326 : i1 to i32
    %cond3A_328 = arith.constant 0 : i32
    %cond3A_329 = arith.cmpi ne, %convert_element_type3A_327, %cond3A_328 : i32
    scf.if %cond3A_329 {
      "tpu.region"() ({
        %run_scoped3A = tpu.sem_alloc : memref<!tpu.dma_semaphore, #tpu.memory_space<semaphore_mem>>
        %dma_start3A_330 = arith.constant 9600 : i32
        %dma_start3A_331 = tpu.memref_slice %arg6[%arg0, %dma_start3A_330] : memref<2x10112xf32, #tpu.memory_space<hbm>> -> memref<1x512xf32, #tpu.memory_space<hbm>>
        %dma_start3A_332 = tpu.memref_squeeze %dma_start3A_331 : memref<1x512xf32, #tpu.memory_space<hbm>> -> memref<512xf32, #tpu.memory_space<hbm>>
        %dma_start3A_333 = arith.constant 9600 : i32
        %dma_start3A_334 = tpu.memref_slice %arg15[%dma_start3A_333] : memref<10112xf32, #tpu.memory_space<vmem_shared>> -> memref<512xf32, #tpu.memory_space<vmem_shared>>
        tpu.enqueue_dma source(%dma_start3A_334 : memref<512xf32, #tpu.memory_space<vmem_shared>>) target(%dma_start3A_332 : memref<512xf32, #tpu.memory_space<hbm>>) target_semaphore(%run_scoped3A : memref<!tpu.dma_semaphore, #tpu.memory_space<semaphore_mem>>)
        %dma_wait3A_335 = arith.constant 9600 : i32
        %dma_wait3A_336 = tpu.memref_slice %arg6[%arg0, %dma_wait3A_335] : memref<2x10112xf32, #tpu.memory_space<hbm>> -> memref<1x512xf32, #tpu.memory_space<hbm>>
        %dma_wait3A_337 = tpu.memref_squeeze %dma_wait3A_336 : memref<1x512xf32, #tpu.memory_space<hbm>> -> memref<512xf32, #tpu.memory_space<hbm>>
        %dma_wait3A_338 = arith.constant 9600 : i32
        %dma_wait3A_339 = tpu.memref_slice %arg15[%dma_wait3A_338] : memref<10112xf32, #tpu.memory_space<vmem_shared>> -> memref<512xf32, #tpu.memory_space<vmem_shared>>
        tpu.wait_dma2 semaphore(%run_scoped3A : memref<!tpu.dma_semaphore, #tpu.memory_space<semaphore_mem>>) src(%dma_wait3A_339 : memref<512xf32, #tpu.memory_space<vmem_shared>>) dst(%dma_wait3A_337 : memref<512xf32, #tpu.memory_space<hbm>>)
        tpu.yield
      }) : () -> ()
    } else {
    }
    return
  }
}

module attributes {stable_mosaic.version = 14 : i64} {
  func.func @_tc_body(%arg0: i32, %arg1: memref<1000x256xf32, #tpu.memory_space<vmem>>, %arg2: memref<1x1000x128xf32, #tpu.memory_space<vmem>>, %arg3: memref<1x1000x128xf32, #tpu.memory_space<vmem>>, %arg4: memref<1000x1xf32, #tpu.memory_space<vmem>>, %arg5: memref<512x256xf32, #tpu.memory_space<vmem>>, %arg6: memref<1x256xf32, #tpu.memory_space<vmem>>, %arg7: memref<1000x256xf32, #tpu.memory_space<vmem>>) attributes {dimension_semantics = [#tpu.dimension_semantics<arbitrary>], iteration_bounds = array<i64: 10>, scalar_prefetch = 0 : i64, scratch_operands = 0 : i64, tpu.core_type = #tpu.core_type<tc>, window_params = [{transform_indices = @transform_0, window_bounds = array<i64: 1000, 256>}, {transform_indices = @transform_1, window_bounds = array<i64: 1, 1000, 128>}, {transform_indices = @transform_2, window_bounds = array<i64: 1, 1000, 128>}, {transform_indices = @transform_3, window_bounds = array<i64: 1000, 1>}, {pipeline_mode = #tpu.pipeline_mode<synchronous>, transform_indices = @transform_4, window_bounds = array<i64: 512, 256>}, {pipeline_mode = #tpu.pipeline_mode<synchronous>, transform_indices = @transform_5, window_bounds = array<i64: 1, 256>}, {transform_indices = @transform_6, window_bounds = array<i64: 1000, 256>}]} {
    %get3A = arith.constant 0 : index
    %get3A_0 = arith.constant 0 : index
    %get3A_1 = vector.load %arg1[%get3A, %get3A_0] : memref<1000x256xf32, #tpu.memory_space<vmem>>, vector<1000x256xf32>
    %get3A_2 = arith.constant 0 : index
    %get3A_3 = arith.constant 0 : index
    %get3A_4 = arith.constant 0 : index
    %get3A_5 = vector.load %arg2[%get3A_2, %get3A_3, %get3A_4] : memref<1x1000x128xf32, #tpu.memory_space<vmem>>, vector<1x1000x128xf32>
    %get3A_6 = vector.shape_cast %get3A_5 : vector<1x1000x128xf32> to vector<1000x128xf32>
    %get3A_7 = arith.constant 0 : index
    %get3A_8 = arith.constant 0 : index
    %get3A_9 = arith.constant 0 : index
    %get3A_10 = vector.load %arg3[%get3A_7, %get3A_8, %get3A_9] : memref<1x1000x128xf32, #tpu.memory_space<vmem>>, vector<1x1000x128xf32>
    %get3A_11 = vector.shape_cast %get3A_10 : vector<1x1000x128xf32> to vector<1000x128xf32>
    %get3A_12 = arith.constant 0 : index
    %get3A_13 = arith.constant 0 : index
    %get3A_14 = vector.load %arg4[%get3A_12, %get3A_13] : memref<1000x1xf32, #tpu.memory_space<vmem>>, vector<1000x1xf32>
    %gt3A = arith.constant 0.000000e+00 : f32
    %gt3A_15 = vector.broadcast %gt3A : f32 to vector<1000x1xf32>
    %gt3A_16 = arith.cmpf ogt, %get3A_14, %gt3A_15 : vector<1000x1xf32>
    %div3A = arith.constant 1.000000e+00 : f32
    %div3A_17 = vector.broadcast %div3A : f32 to vector<1000x1xf32>
    %div3A_18 = arith.divf %div3A_17, %get3A_14 : vector<1000x1xf32>
    %jit3A = arith.constant 0.000000e+00 : f32
    %broadcast_in_dim3A = vector.broadcast %jit3A : f32 to vector<1000x1xf32>
    %select_n3A = arith.select %gt3A_16, %div3A_18, %broadcast_in_dim3A : vector<1000x1xi1>, vector<1000x1xf32>
    %get3A_19 = arith.constant 0 : index
    %get3A_20 = arith.constant 0 : index
    %get3A_21 = vector.load %arg5[%get3A_19, %get3A_20] : memref<512x256xf32, #tpu.memory_space<vmem>>, vector<512x256xf32>
    %slice3A = vector.extract_strided_slice %get3A_21 {offsets = [0, 0], sizes = [256, 256], strides = [1, 1]} : vector<512x256xf32> to vector<256x256xf32>
    %dot_general3A = arith.constant dense<0.000000e+00> : vector<1000x256xf32>
    %dot_general3A_22 = tpu.matmul %get3A_1, %slice3A, %dot_general3A {dimension_numbers = #tpu.dot_dimension_numbers<[1], [0], [0], [1], [0, 0, 1, 1], [], []>, transpose_lhs_hint = false} : vector<1000x256xf32>, vector<256x256xf32>, vector<1000x256xf32> -> vector<1000x256xf32>
    %mul3A = vector.broadcast %select_n3A : vector<1000x1xf32> to vector<1000x128xf32>
    %mul3A_23 = arith.mulf %get3A_6, %mul3A : vector<1000x128xf32>
    %slice3A_24 = vector.extract_strided_slice %get3A_21 {offsets = [256, 0], sizes = [128, 256], strides = [1, 1]} : vector<512x256xf32> to vector<128x256xf32>
    %dot_general3A_25 = arith.constant dense<0.000000e+00> : vector<1000x256xf32>
    %dot_general3A_26 = tpu.matmul %mul3A_23, %slice3A_24, %dot_general3A_25 {dimension_numbers = #tpu.dot_dimension_numbers<[1], [0], [0], [1], [0, 0, 1, 1], [], []>, transpose_lhs_hint = false} : vector<1000x128xf32>, vector<128x256xf32>, vector<1000x256xf32> -> vector<1000x256xf32>
    %add3A = arith.addf %dot_general3A_22, %dot_general3A_26 : vector<1000x256xf32>
    %mul3A_27 = vector.broadcast %select_n3A : vector<1000x1xf32> to vector<1000x128xf32>
    %mul3A_28 = arith.mulf %get3A_11, %mul3A_27 : vector<1000x128xf32>
    %slice3A_29 = vector.extract_strided_slice %get3A_21 {offsets = [384, 0], sizes = [128, 256], strides = [1, 1]} : vector<512x256xf32> to vector<128x256xf32>
    %dot_general3A_30 = arith.constant dense<0.000000e+00> : vector<1000x256xf32>
    %dot_general3A_31 = tpu.matmul %mul3A_28, %slice3A_29, %dot_general3A_30 {dimension_numbers = #tpu.dot_dimension_numbers<[1], [0], [0], [1], [0, 0, 1, 1], [], []>, transpose_lhs_hint = false} : vector<1000x128xf32>, vector<128x256xf32>, vector<1000x256xf32> -> vector<1000x256xf32>
    %add3A_32 = arith.addf %add3A, %dot_general3A_31 : vector<1000x256xf32>
    %get3A_33 = arith.constant 0 : index
    %get3A_34 = arith.constant 0 : index
    %get3A_35 = vector.load %arg6[%get3A_33, %get3A_34] : memref<1x256xf32, #tpu.memory_space<vmem>>, vector<1x256xf32>
    %add3A_36 = vector.broadcast %get3A_35 : vector<1x256xf32> to vector<1000x256xf32>
    %add3A_37 = arith.addf %add3A_32, %add3A_36 : vector<1000x256xf32>
    %reduce_sum3A = arith.constant dense<0.000000e+00> : vector<1000xf32>
    %reduce_sum3A_38 = vector.multi_reduction <add>, %add3A_37, %reduce_sum3A [1] : vector<1000x256xf32> to vector<1000xf32>
    %broadcast_in_dim3A_39 = vector.shape_cast %reduce_sum3A_38 : vector<1000xf32> to vector<1000x1xf32>
    %div3A_40 = arith.constant 2.560000e+02 : f32
    %div3A_41 = vector.broadcast %div3A_40 : f32 to vector<1000x1xf32>
    %div3A_42 = arith.divf %broadcast_in_dim3A_39, %div3A_41 : vector<1000x1xf32>
    %sub3A = vector.broadcast %div3A_42 : vector<1000x1xf32> to vector<1000x256xf32>
    %sub3A_43 = arith.subf %add3A_37, %sub3A : vector<1000x256xf32>
    %mul3A_44 = arith.mulf %sub3A_43, %sub3A_43 : vector<1000x256xf32>
    %reduce_sum3A_45 = arith.constant dense<0.000000e+00> : vector<1000xf32>
    %reduce_sum3A_46 = vector.multi_reduction <add>, %mul3A_44, %reduce_sum3A_45 [1] : vector<1000x256xf32> to vector<1000xf32>
    %broadcast_in_dim3A_47 = vector.shape_cast %reduce_sum3A_46 : vector<1000xf32> to vector<1000x1xf32>
    %div3A_48 = arith.constant 2.560000e+02 : f32
    %div3A_49 = vector.broadcast %div3A_48 : f32 to vector<1000x1xf32>
    %div3A_50 = arith.divf %broadcast_in_dim3A_47, %div3A_49 : vector<1000x1xf32>
    %add3A_51 = arith.constant 9.99999974E-6 : f32
    %add3A_52 = vector.broadcast %add3A_51 : f32 to vector<1000x1xf32>
    %add3A_53 = arith.addf %div3A_50, %add3A_52 : vector<1000x1xf32>
    %rsqrt3A = math.rsqrt %add3A_53 : vector<1000x1xf32>
    %mul3A_54 = vector.broadcast %rsqrt3A : vector<1000x1xf32> to vector<1000x256xf32>
    %mul3A_55 = arith.mulf %sub3A_43, %mul3A_54 : vector<1000x256xf32>
    %swap3A = arith.constant 0 : index
    %swap3A_56 = arith.constant 0 : index
    %swap3A_57 = vector.load %arg7[%swap3A, %swap3A_56] : memref<1000x256xf32, #tpu.memory_space<vmem>>, vector<1000x256xf32>
    tpu.vector_store %arg7[%swap3A, %swap3A_56], %mul3A_55 {strides = array<i32>} : memref<1000x256xf32, #tpu.memory_space<vmem>>, vector<1000x256xf32>,
    return
  }
  func.func @transform_0(%arg0: i32) -> (i32, i32) {
    %c0_i32 = arith.constant 0 : i32
    %c0_i32_0 = arith.constant 0 : i32
    return %arg0, %c0_i32 : i32, i32
  }
  func.func @transform_1(%arg0: i32) -> (i32, i32, i32) {
    %c0_i32 = arith.constant 0 : i32
    %c0_i32_0 = arith.constant 0 : i32
    %c0_i32_1 = arith.constant 0 : i32
    return %c0_i32, %arg0, %c0_i32_0 : i32, i32, i32
  }
  func.func @transform_2(%arg0: i32) -> (i32, i32, i32) {
    %c1_i32 = arith.constant 1 : i32
    %c0_i32 = arith.constant 0 : i32
    %c0_i32_0 = arith.constant 0 : i32
    return %c1_i32, %arg0, %c0_i32 : i32, i32, i32
  }
  func.func @transform_3(%arg0: i32) -> (i32, i32) {
    %c0_i32 = arith.constant 0 : i32
    %c0_i32_0 = arith.constant 0 : i32
    return %arg0, %c0_i32 : i32, i32
  }
  func.func @transform_4(%arg0: i32) -> (i32, i32) {
    %c0_i32 = arith.constant 0 : i32
    %c0_i32_0 = arith.constant 0 : i32
    %c0_i32_1 = arith.constant 0 : i32
    return %c0_i32, %c0_i32_0 : i32, i32
  }
  func.func @transform_5(%arg0: i32) -> (i32, i32) {
    %c0_i32 = arith.constant 0 : i32
    %c0_i32_0 = arith.constant 0 : i32
    %c0_i32_1 = arith.constant 0 : i32
    return %c0_i32, %c0_i32_0 : i32, i32
  }
  func.func @transform_6(%arg0: i32) -> (i32, i32) {
    %c0_i32 = arith.constant 0 : i32
    %c0_i32_0 = arith.constant 0 : i32
    return %arg0, %c0_i32 : i32, i32
  }
}

</mosaic_0001>

<sc_bundles>
// kernel: kernel.4.cloned.1.call-start
scs
__scs_entry_jumppad:
0x0: {  	(pc) =	sbr.rel $0x88, $3  }
0x1: {  	(tag) =	ssettag $0x0;
	lr =	simm.s32 $0x1  }
0x2: {  	[smem:$0x3F9D] =	sst lr;
	_ =	strace $0xD0000000  }
0x3: {  	_ = 	snop  }
0x4: {  	_ = 	snop  }
0x5: {  	_ = 	snop  }
0x6: {  	_ = 	snop  }
0x7: {  	_ = 	snop  }
__scs_overlays_trampoline_lowered:
0x8: {  	[smem:$0x3FAC] =	sst s0  }
0x9: {  	[smem:$0x3FAD] =	sst s1  }
0xa: {  	[smem:$0x3FAE] =	sst s2  }
0xb: {  	[smem:$0x3FAF] =	sst s3  }
0xc: {  	[smem:$0x3FB0] =	sst s4  }
0xd: {  	[smem:$0x3FB1] =	sst s5  }
0xe: {  	[smem:$0x3FB2] =	sst s6  }
0xf: {  	[smem:$0x3FB3] =	sst s7  }
0x10: {  	[smem:$0x3FB4] =	sst s8  }
0x11: {  	[smem:$0x3FB5] =	sst s9;
	s0 =	simm.s32 @!p0 $0x0  }
0x12: {  	s1 =	sld [smem:$0x3F9B];
	s0 =	simm.s32 @p0 $0x1  }
0x13: {  	[smem:$0x3FB6] =	sst s0;
	s0 =	simm.s32 @!p1 $0x0  }
0x14: {  	s2 =	sld [smem:$0x3F9A];
	s0 =	simm.s32 @p1 $0x1  }
0x15: {  	[smem:$0x3FB7] =	sst s0;
	s0 =	simm.s32 @!p2 $0x0  }
0x16: {  	s3 =	sld [smem:$0x3FDB];
	s0 =	simm.s32 @p2 $0x1  }
0x17: {  	s4 =	simm.s32 $0x1BF5;
	[smem:$0x3FB9] =	sst s0  }
0x18: {  	s0 =	sld [smem:$0x3F9C];
	_ =	swait.ge [sflag:s4], $0x0  }
0x19: {  	s7 =	sld [smem:$0x3F9D]  }
0x1a: {  	s8 =	sadd.s32 $0xFFFFE003, lr  }
0x1b: {  	s9 =	sadd.s32 $0xFFFFFEF7, lr;
	s5 =	simm.s32 $0xFFFFFFFF;
	p2 =	slt.u32 s8, $0xFFFFF086  }
0x1c: {  	p1 =	slt.u32 s9, $0xF7A;
	s5 =	simm.s32 @!p2 $0x0  }
0x1d: {  	s5 =	simm.s32 @p1 $0x1;
	p0 =	seq.s32 s7, s2  }
0x1e: {  	s7 =	smul.u32 @!p0 $0xF7A, s2;
	p2 =	seq.s32 @!p0 s5, $0x0  }
0x1f: {  	s9 =	smul.u32 $0xF7A, s1;
	s8 =	simm.s32 @!p0 $0x1BF5;
	p2 =	por !p2, p0  }
0x20: {  	[sflag:s8] =	ssyncset.s32 @!p0 $0xFFFFF086;
	s6 =	sadd.s32 @!p0 s3, s7;
	s7 =	simm.s32 @!p0 $0x108  }
0x21: {  	s3 =	sadd.s32 s3, s9;
	s6 =	sadd.s32 @!p0 $0x88, s6;
	s7 =	simm.s32 @p2 $0x1082  }
0x22: {  	[simem:s7], [sflag:s8] =	dma.local @!p0 [hbm:s6], $0xF7A  }
0x23: {  	s9 =	sor.u32 $0xD0000000, s2;
	s6 =	simm.s32 $0x108;
	_ =	swait.ge @!p0 [sflag:s8], $0x0  }
0x24: {  	s3 =	sadd.s32 $0x88, s3;
	s6 =	simm.s32 @!p1 $0x1082;
	[sflag:s4] =	ssyncset.s32 $0xFFFFF086  }
0x25: {  	[simem:s6], [sflag:s4] =	dma.local [hbm:s3], $0xF7A  }
0x26: {  	[smem:$0x3F9D] =	sst s1;
	(tag) =	ssettag s2;
	_ =	strace s9  }
0x27: {  	s1 =	sld [smem:$0x3FAD]  }
0x28: {  	s2 =	sld [smem:$0x3FAE]  }
0x29: {  	s4 =	sld [smem:$0x3FB0]  }
0x2a: {  	p0 =	seq.s32 s5, $0x0;
	s5 =	sld [smem:$0x3FB1]  }
0x2b: {  	s6 =	sld [smem:$0x3FB2]  }
0x2c: {  	s7 =	sld [smem:$0x3FB3]  }
0x2d: {  	s3 =	simm.s32 $0x108;
	s8 =	sld [smem:$0x3FB4]  }
0x2e: {  	s3 =	simm.s32 @!p0 $0x1082;
	s9 =	sld [smem:$0x3FB5]  }
0x2f: {  	lr =	sadd.s32 s0, s3;
	s0 =	sld [smem:$0x3FAC]  }
0x30: {  	s3 =	sld [smem:$0x3FAF]  }
0x31: {  	[smem:$0x3FB8] =	sst s10  }
0x32: {  	s10 =	sld [smem:$0x3FB6];
	_ =	sdelay $0x3  }
0x33: {  	p0 =	seq.s32 s10, $0x1;
	s10 =	sld [smem:$0x3FB8];
	_ =	sdelay $0x3  }
0x34: {  	[smem:$0x3FB8] =	sst s10  }
0x35: {  	s10 =	sld [smem:$0x3FB7];
	_ =	sdelay $0x3  }
0x36: {  	p1 =	seq.s32 s10, $0x1;
	s10 =	sld [smem:$0x3FB8];
	_ =	sdelay $0x3  }
0x37: {  	[smem:$0x3FB8] =	sst s10  }
0x38: {  	s10 =	sld [smem:$0x3FB9]  }
0x39: {  	_ = 	snop;
	(pc) =	sbr.ind lr, $3  }
0x3a: {  	_ = 	snop  }
0x3b: {  	_ = 	snop  }
0x3c: {  	p2 =	seq.s32 s10, $0x1;
	s10 =	sld [smem:$0x3FB8]  }
0x3d: {  	_ =	shalt  }
0x3e: {  	_ =	shalt  }
0x3f: {  	_ =	shalt  }
0x40: {  	_ =	shalt  }
0x41: {  	_ =	shalt  }
0x42: {  	_ =	shalt  }
0x43: {  	_ =	shalt  }
0x44: {  	_ =	shalt  }
0x45: {  	_ =	shalt  }
0x46: {  	_ =	shalt  }
0x47: {  	_ =	shalt  }
0x48: {  	_ =	shalt  }
0x49: {  	_ =	shalt  }
0x4a: {  	_ =	shalt  }
0x4b: {  	_ =	shalt  }
0x4c: {  	_ =	shalt  }
0x4d: {  	_ =	shalt  }
0x4e: {  	_ =	shalt  }
0x4f: {  	_ =	shalt  }
0x50: {  	_ =	shalt  }
0x51: {  	_ =	shalt  }
0x52: {  	_ =	shalt  }
0x53: {  	_ =	shalt  }
0x54: {  	_ =	shalt  }
0x55: {  	_ =	shalt  }
0x56: {  	_ =	shalt  }
0x57: {  	_ =	shalt  }
0x58: {  	_ =	shalt  }
0x59: {  	_ =	shalt  }
0x5a: {  	_ =	shalt  }
0x5b: {  	_ =	shalt  }
0x5c: {  	_ =	shalt  }
0x5d: {  	_ =	shalt  }
0x5e: {  	_ =	shalt  }
0x5f: {  	_ =	shalt  }
0x60: {  	_ =	shalt  }
0x61: {  	_ =	shalt  }
0x62: {  	_ =	shalt  }
0x63: {  	_ =	shalt  }
0x64: {  	_ =	shalt  }
0x65: {  	_ =	shalt  }
0x66: {  	_ =	shalt  }
0x67: {  	_ =	shalt  }
0x68: {  	_ =	shalt  }
0x69: {  	_ =	shalt  }
0x6a: {  	_ =	shalt  }
0x6b: {  	_ =	shalt  }
0x6c: {  	_ =	shalt  }
0x6d: {  	_ =	shalt  }
0x6e: {  	_ =	shalt  }
0x6f: {  	_ =	shalt  }
0x70: {  	_ =	shalt  }
0x71: {  	_ =	shalt  }
0x72: {  	_ =	shalt  }
0x73: {  	_ =	shalt  }
0x74: {  	_ =	shalt  }
0x75: {  	_ =	shalt  }
0x76: {  	_ =	shalt  }
0x77: {  	_ =	shalt  }
0x78: {  	_ =	shalt  }
0x79: {  	_ =	shalt  }
0x7a: {  	_ =	shalt  }
0x7b: {  	_ =	shalt  }
0x7c: {  	_ =	shalt  }
0x7d: {  	_ =	shalt  }
0x7e: {  	_ =	shalt  }
0x7f: {  	_ =	shalt  }
0x80: {  	_ =	shalt  }
0x81: {  	_ =	shalt  }
0x82: {  	_ =	shalt  }
0x83: {  	_ =	shalt  }
0x84: {  	_ =	shalt  }
0x85: {  	_ =	shalt  }
0x86: {  	_ =	shalt  }
0x87: {  	_ =	shalt  }
.Lfunc_end0:
.L_simem_size_0:
called_computation_lowered:
.L_overlay_start_0:
0x88: {  	s2 =	sld [smem:$0x3FD9]  }
0x89: {  	s3 =	sld [smem:$0x3FFE];
	_ =	sdelay $0x1  }
0x8a: {  	s1 =	srdreg.scid  }
0x8b: {  	s0 =	sand.u32 $0x1, s1  }
0x8c: {  	s17 =	sshll.u32 s0, $0xA;
	s2 =	sadd.s32 s3, s2  }
0x8d: {  	s2 =	sadd.s32 s2, s17  }
0x8e: {  	[smem:$0x3FC4] =	sst s2  }
0x8f: {  	_ = 	snop  }
0x90: {  	s2 =	sld [smem:$0x3FD0];
	(tm) =	ssettm $0x1  }
0x91: {  	s18 =	sld [smem:$0x3FFB];
	_ =	sdelay $0x3  }
0x92: {  	_ =	strace s18  }
0x93: {  	s3 =	sld [smem:$0x3FFC];
	_ =	sdelay $0x3  }
0x94: {  	_ =	strace s3  }
0x95: {  	s3 =	sld [smem:$0x3FFD];
	_ =	sdelay $0x3  }
0x96: {  	_ =	strace s3  }
0x97: {  	_ =	strace $0x8FFFFFFF  }
0x98: {  	s19 =	sld [smem:$0x3FDB];
	_ =	sdelay $0x1  }
0x99: {  	s4 =	simm.s32 $_scs_section_size  }
0x9a: {  	s5 =	simm.s32 $_size__tile_overlayer_lowered;
	s6 =	simm.s32 $_tile_overlayer_lowered  }
0x9b: {  	s22 =	simm.s32 $0x1BFF;
	s21 =	sshll.u32 s6, $0x1;
	s3 =	sadd.s32 s4, s19  }
0x9c: {  	s7 =	simm.s32 $0x0;
	s20 =	sshll.u32 s5, $0x1;
	s5 =	sadd.s32 s21, s3  }
0x9d: {  	[timem:s7], [sflag:s22] =	dma.local [hbm:s5], s20  }
0x9e: {  	_ =	swait.ge [sflag:s22], s20  }
0x9f: {  	s4 =	ssub.s32 $0x0, s20;
	[sflag:s22] =	ssyncset.done $0x0  }
0xa0: {  	[sflag:s22] =	ssyncadd.s32 s4;
	_ =	sdelay $0x1  }
0xa1: {  	s23 =	simm.s32 $0x1B8B  }
0xa2: {  	_ =	swait.ge [sflag:s23], $0x1  }
0xa3: {  	[sflag:s23] =	ssyncset.done $0x0  }
0xa4: {  	s25 =	simm.s32 $0x1B8E;
	s24 =	sld [smem:$0x3FFE];
	[sflag:s23] =	ssyncadd.s32 $0xFFFFFFFF  }
0xa5: {  	s26 =	simm.s32 $execute0_lowered;
	[smem:$0x3FD2] =	sst s25  }
0xa6: {  	s5 =	sshll.u32 s26, $0x1;
	_ =	strace $0x80000046;
	[dreg:$0x1] =	wrdreg $0xFFFFFFFF  }
0xa7: {  	s28 =	simm.s32 $_size_execute0_lowered;
	s3 =	sadd.s32 s3, s5;
	[dreg:$0x0] =	wrdreg $0x0  }
0xa8: {  	s5 =	sshll.u32 s28, $0x1;
	[dreg:$0x2] =	wrdreg s3  }
0xa9: {  	[dreg:$0x3] =	wrdreg s5  }
0xaa: {  	[dreg:$0x4] =	wrdreg $0xC0  }
0xab: {  	_ =	task [dreg:s7], $0x5FFFF  }
0xac: {  	[dreg:$0x1] =	wrdreg $0xFFFFFFFF  }
0xad: {  	[dreg:$0x0] =	wrdreg $0x60  }
0xae: {  	[dreg:$0x2] =	wrdreg s2  }
0xaf: {  	[dreg:$0x3] =	wrdreg s24  }
0xb0: {  	[dreg:$0x4] =	wrdreg $0x83000  }
0xb1: {  	[dreg:$0x5] =	wrdreg $0x1BF000  }
0xb2: {  	[dreg:$0x6] =	wrdreg $0x9  }
0xb3: {  	_ =	task.clear_ibuf [dreg:s7], $0x7FFFF;
	_ =	strace $0x90000046  }
0xb4: {  	s29 =	simm.s32 $0x9;
	_ =	strace $0x80000048  }
0xb5: {  	_ =	swait.ge [sflag:s29], $0x1  }
0xb6: {  	[sflag:s29] =	ssyncadd.s32 $0xFFFFFFFF  }
0xb7: {  	_ =	strace $0x90000048  }
0xb8: {  	_ =	sfence  }
0xb9: {  	s30 =	sld [smem:$0x0];
	_ =	sdelay $0x2  }
0xba: {  	s31 =	sshll.u32 s1, $0xD;
	s1 =	sshrl.u32 s1, $0x2  }
0xbb: {  	s3 =	sand.u32 $0x4000, s31;
	s1 =	sadd.s32 s1, s30  }
0xbc: {  	s0 =	sor.u32 s3, s0;
	s1 =	sshll.u32 s1, $0x11  }
0xbd: {  	s0 =	sor.u32 s1, s0  }
0xbe: {  	s0 =	sadd.s32 $0x8F2B, s0  }
0xbf: {  	[sflag:s0] =	ssyncadd.remote.s32 $0x1  }
0xc0: {  	_ =	sfence.sel $0xFFFF  }
0xc1: {  	[dreg:$0x0] =	wrdreg $0xFFFFFFFF;
	(pc) =	sbr.abs _section_cstart, $3  }
0xc2: {  	[dreg:$0x1] =	wrdreg $0xFFFFFFFF  }
0xc3: {  	_ =	task.clear_ibuf [dreg:s7], $0x2FFFF;
	_ =	strace $0x9FFFFFFF  }
0xc4: {  	(tm) =	ssettm $0x7FFFFFFF  }
0xc5: {  	_ =	shalt  }
tec
execute0_lowered:
.L_overlay_start_1:
0x0: {  	(tag) =	ssettag $0x1  }
0x1: {  	s1 =	rddreg [dreg:$0x0]  }
0x2: {  	s0 =	rddreg [dreg:$0x1]  }
0x3: {  	s2 =	rddreg [dreg:$0x2]  }
0x4: {  	s3 =	rddreg [dreg:$0x3];
	s17 =	stileid.u32  }
0x5: {  	s4 =	srdreg.scid;
	s7 =	smul.u32 $0x13C00, s17  }
0x6: {  	s6 =	simm.s32 $0x0;
	s31 =	simm.s32 $0x2000;
	s11 =	smul.u32 $0x5000, s17  }
0x7: {  	s28 =	simm.s32 $0x6000;
	s5 =	sand.u32 $0x1, s4;
	s14 =	smul.u32 $0x4F000, s17  }
0x8: {  	[smem:$0x7FF] =	sst s6;
	s8 =	sadd.s32 $0x1200, s0;
	s22 =	smul.u32 $0x500, s17  }
0x9: {  	s9 =	sadd.s32 $0xB200, s0;
	p0 =	seq.s32 s17, $0xF;
	s4 =	smul.u32 $0x13C000, s5  }
0xa: {  	_ =	strace $0x80000047;
	s10 =	ssub.s32 $0x2, s5;
	s16 =	sshll.u32 s5, $0x7  }
0xb: {  	p1 =	seq.s32 s5, $0x0;
	s12 =	sshrl.u32 s10, $0x1;
	s11 =	sshrl.u32 s11, $0x3  }
0xc: {  	s25 =	sor.u32 s16, s22;
	s4 =	sadd.s32 s7, s4;
	s19 =	sadd.s32 $0x900, s11  }
0xd: {  	s7 =	smul.u32 $0xA00, s17;
	s10 =	ssub.s32 s10, s12;
	s20 =	sadd.s32 s8, s19  }
0xe: {  	s21 =	sadd.s32 $0x800, s11;
	s12 =	sadd.s32 s9, s19;
	[dreg:$0x7] =	wrdreg s20  }
0xf: {  	s23 =	sadd.s32 $0x700, s11;
	s15 =	sadd.s32 s8, s21;
	[dreg:$0x8] =	wrdreg s12  }
0x10: {  	s16 =	sadd.s32 $0x600, s11;
	s24 =	sadd.s32 s8, s23;
	[dreg:$0x9] =	wrdreg s15  }
0x11: {  	s22 =	sadd.s32 $0x400, s11;
	s26 =	sadd.s32 s9, s23;
	[dreg:$0xb] =	wrdreg s24  }
0x12: {  	s17 =	simm.s32 $0xB;
	s19 =	sadd.s32 s9, s16;
	[dreg:$0xc] =	wrdreg s26  }
0x13: {  	s4 =	sshrl.u32 s4, $0x3;
	s23 =	sadd.s32 s8, s22;
	[dreg:$0xf] =	wrdreg s19  }
0x14: {  	s4 =	sadd.s32 s4, s0;
	s12 =	sadd.s32 s9, s21;
	[dreg:$0x12] =	wrdreg s23  }
0x15: {  	s13 =	sor.u32 $0x100, s7;
	s26 =	sadd.s32 s8, s7;
	[dreg:$0xa] =	wrdreg s12  }
0x16: {  	s0 =	sadd.s32 $0x15200, s0;
	s18 =	sadd.s32 s8, s13;
	[dreg:$0x16] =	wrdreg s26  }
0x17: {  	s20 =	sadd.s32 $0x500, s11;
	s13 =	sadd.s32 s9, s13;
	[dreg:$0x5] =	wrdreg s18  }
0x18: {  	s24 =	sadd.s32 $0x300, s11;
	s21 =	sadd.s32 s8, s20;
	[dreg:$0x6] =	wrdreg s13  }
0x19: {  	s12 =	sshrl.u32 s25, $0x3;
	s25 =	sadd.s32 s8, s24;
	[dreg:$0x10] =	wrdreg s21  }
0x1a: {  	s15 =	sshll.u32 s5, $0x4;
	s4 =	sadd.s32 $0x15C00, s4;
	[dreg:$0x14] =	wrdreg s25  }
0x1b: {  	s11 =	sadd.s32 $0x200, s11;
	s12 =	sadd.s32 s0, s12;
	[dreg:$0x1a] =	wrdreg s4  }
0x1c: {  	s13 =	sshrl.u32 s14, $0x2;
	s18 =	sadd.s32 s8, s16;
	[dreg:$0xd] =	wrdreg s12  }
0x1d: {  	s0 =	sadd.s32 s15, s0;
	s8 =	sadd.s32 s8, s11;
	[dreg:$0xe] =	wrdreg s18  }
0x1e: {  	s14 =	sadd.s32 s9, s11;
	s15 =	sadd.s32 s9, s7;
	[dreg:$0x17] =	wrdreg s8  }
0x1f: {  	s7 =	sshrl.u32 s7, $0x2;
	s16 =	smax.u32 s10, $0x1;
	[dreg:$0x18] =	wrdreg s14  }
0x20: {  	s4 =	simm.s32 $0x1;
	s10 =	simm.s32 $0x4;
	[dreg:$0x19] =	wrdreg s15  }
0x21: {  	s11 =	simm.s32 $0x5;
	s12 =	sadd.s32 s9, s20;
	[dreg:$0x1c] =	wrdreg s16  }
0x22: {  	s29 =	sadd.s32 s13, s2;
	s0 =	sadd.s32 $0x960, s0;
	[dreg:$0x11] =	wrdreg s12  }
0x23: {  	s30 =	sadd.s32 s7, s3;
	s12 =	sadd.s32 s9, s22;
	[dreg:$0x1b] =	wrdreg s0  }
0x24: {  	s8 =	sadd.s32 $0x2580, s3;
	s18 =	sadd.s32 $0x12000, s29;
	[dreg:$0x13] =	wrdreg s12  }
0x25: {  	s7 =	simm.s32 $0x3;
	s19 =	sadd.s32 $0x2000, s29;
	[dreg:$0x1d] =	wrdreg s18  }
0x26: {  	s15 =	simm.s32 $0x40;
	s20 =	sadd.s32 $0x4000, s29;
	[dreg:$0x1e] =	wrdreg s19  }
0x27: {  	s13 =	simm.s32 $0x7;
	s21 =	sadd.s32 $0x6000, s29;
	[dreg:$0x1f] =	wrdreg s20  }
0x28: {  	s14 =	simm.s32 $0x9;
	s22 =	sadd.s32 $0x8000, s29;
	[smem:$0x7F8] =	sst s21  }
0x29: {  	s16 =	simm.s32 $0xA;
	s23 =	sadd.s32 $0xA000, s29;
	[smem:$0x7F9] =	sst s22  }
.Ltmp0:
0x2a: {  	s25 =	sadd.s32 $0xE000, s29;
	[smem:$0x7FA] =	sst s23;
	(pc) =	sbr.rel .LBB2_1-.Ltmp0, $4  }
0x2b: {  	s26 =	sadd.s32 $0x10000, s29;
	s0 =	simm.s32 $0xC;
	[smem:$0x7FC] =	sst s25  }
0x2c: {  	s12 =	sadd.s32 s9, s24;
	s24 =	sadd.s32 $0xC000, s29;
	[smem:$0x7FD] =	sst s26  }
0x2d: {  	s9 =	simm.s32 $0x2;
	s18 =	simm.s32 $0x0;
	[dreg:$0x15] =	wrdreg s12  }
0x2e: {  	v1 =	vimm.f32 $0.0e+00;
	v2 =	vimm.f32 $1.000000000e+00;
	v0 =	vmov s5;
	[smem:$0x7FB] =	sst s24;
	s24 =	simm.s32 $0x4000;
	s12 =	simm.s32 $0x8  }
.LBB2_61:
0x2f: {  	_ =	swait.ge [sflag:s14], $0x2000  }
0x30: {  	[sflag:s14] =	ssyncset.done $0x0  }
0x31: {  	[sflag:s14] =	ssyncadd.s32 $0xFFFFE000  }
0x32: {  	_ =	swait.ge [sflag:s16], $0x2000  }
0x33: {  	[sflag:s16] =	ssyncset.done $0x0  }
0x34: {  	[sflag:s16] =	ssyncadd.s32 $0xFFFFE000  }
0x35: {  	_ =	swait.ge [sflag:s11], $0x2000  }
0x36: {  	[sflag:s11] =	ssyncset.done $0x0  }
0x37: {  	s19 =	simm.s32 $0x1F80;
	[sflag:s11] =	ssyncadd.s32 $0xFFFFE000  }
0x38: {  	[spmem:s2] =	stream.indirect.scatter.add.f32 [tilespmem:s31], [sflag:$0x8], $0x80, s19, s15, $0xb8;
	[tilespmem:$0x1C178] =	vst v63  }
0x39: {  	_ =	swait.ge [sflag:s12], $0x2000  }
0x3a: {  	[sflag:s12] =	ssyncset.done $0x0  }
0x3b: {  	[sflag:s12] =	ssyncadd.s32 $0xFFFFE000  }
.LBB2_62:
0x3c: {  	s19 =	stileid.u32  }
0x3d: {  	[bflag:$0x0] =	sbarrier.arrive $0xFFFF;
	s19 =	sshll.u32 s19, $0x6  }
0x3e: {  	s20 =	sshrl.u32 s29, $0x3;
	s21 =	rddreg [dreg:$0x1a];
	s19 =	sor.u32 $0x1C0C, s19  }
0x3f: {  	[hbm:s21], [sflag:s19] =	dma.local [spmem:s20], $0x2780  }
0x40: {  	s22 =	simm.s32 @p0 $0x20;
	_ =	swait.ge [sflag:s0], $0x2780  }
0x41: {  	s23 =	simm.s32 @p0 $0x10;
	s20 =	sshrl.u32 @p0 s8, $0x3;
	[sflag:s0] =	ssyncset.done $0x0  }
0x42: {  	s21 =	simm.s32 @p0 $0x1;
	s25 =	rddreg [dreg:$0x1b];
	[sflag:s0] =	ssyncadd.s32 $0xFFFFD880  }
0x43: {  	[hbm:s25@s22], [sflag:s19] =	dma.strided @p0 [spmem:s20@s23], $0x40, s21, $0x10   }
0x44: {  	s20 =	simm.s32 @p0 $0xC  }
0x45: {  	s21 =	simm.s32 @!p0 $0x1;
	_ =	swait.ge @p0 [sflag:s20], $0x40  }
0x46: {  	s22 =	simm.s32 @!p0 $0x20;
	s23 =	simm.s32 @!p0 $0x10;
	[sflag:s20] =	ssyncset.done @p0 $0x0  }
0x47: {  	s25 =	rddreg [dreg:$0xd];
	[sflag:s20] =	ssyncadd.s32 @p0 $0xFFFFFFC0;
	s20 =	sshrl.u32 @!p0 s30, $0x3  }
0x48: {  	[hbm:s25@s22], [sflag:s19] =	dma.strided @!p0 [spmem:s20@s23], $0x50, s21, $0x10   }
0x49: {  	s19 =	simm.s32 @!p0 $0xC  }
0x4a: {  	_ =	swait.ge @!p0 [sflag:s19], $0x50  }
0x4b: {  	s18 =	sadd.s32 $0x1, s18;
	s26 =	rddreg [dreg:$0x1c]  }
0x4c: {  	p2 =	sne.s32 s18, s26  }
.Ltmp1:
0x4d: {  	_ = 	snop;
	(pc) =	sbr.rel @!p2 .LBB2_63-.Ltmp1, $3  }
0x4e: {  	_ =	sdelay $0x1  }
0x4f: {  	[sflag:s19] =	ssyncset.done @!p0 $0x0  }
0x50: {  	[sflag:s19] =	ssyncadd.s32 @!p0 $0xFFFFFFB0  }
.LBB2_1:
0x51: {  	s19 =	simm.s32 $0x0;
	s20 =	simm.s32 $0x200  }
.LBB2_2:
0x52: {  	p2 =	sne.s32 s20, $0x7E00;
	[tilespmem:s19+$0x2070] =	vst v1  }
0x53: {  	[tilespmem:s19+$0x2000] =	vst v1  }
0x54: {  	[tilespmem:s19+$0x2010] =	vst v1  }
.Ltmp2:
0x55: {  	[tilespmem:s19+$0x2020] =	vst v1;
	(pc) =	sbr.rel @p2 .LBB2_2-.Ltmp2, $4  }
0x56: {  	[tilespmem:s19+$0x2030] =	vst v1  }
0x57: {  	[tilespmem:s19+$0x2040] =	vst v1  }
0x58: {  	[tilespmem:s19+$0x2050] =	vst v1  }
0x59: {  	[tilespmem:s19+$0x2060] =	vst v1;
	s19 =	sshra.s32 s20, $0x2;
	s20 =	sadd.s32 $0x200, s20  }
0x5a: {  	[tilespmem:s19+$0x2070] =	vst v1  }
0x5b: {  	[tilespmem:s19+$0x2000] =	vst v1  }
0x5c: {  	[tilespmem:s19+$0x2010] =	vst v1  }
0x5d: {  	[tilespmem:s19+$0x2020] =	vst v1  }
0x5e: {  	[tilespmem:s19+$0x2030] =	vst v1  }
0x5f: {  	[tilespmem:s19+$0x2040] =	vst v1  }
0x60: {  	[tilespmem:s19+$0x2050] =	vst v1  }
0x61: {  	[tilespmem:s19+$0x2060] =	vst v1  }
0x62: {  	[tilespmem:$0x8080] =	vst v1  }
0x63: {  	[tilespmem:$0x8090] =	vst v1  }
0x64: {  	[tilespmem:$0x80A0] =	vst v1  }
0x65: {  	[tilespmem:$0x80B0] =	vst v1  }
0x66: {  	[tilespmem:$0x80C0] =	vst v1  }
0x67: {  	[tilespmem:$0x80D0] =	vst v1  }
0x68: {  	[tilespmem:$0x80E0] =	vst v1  }
0x69: {  	[tilespmem:$0x80F0] =	vst v1  }
0x6a: {  	[tilespmem:$0x8100] =	vst v1  }
0x6b: {  	[tilespmem:$0x8110] =	vst v1  }
0x6c: {  	[tilespmem:$0x8120] =	vst v1  }
0x6d: {  	[tilespmem:$0x8130] =	vst v1  }
0x6e: {  	[tilespmem:$0x8140] =	vst v1  }
0x6f: {  	[tilespmem:$0x8150] =	vst v1  }
0x70: {  	[tilespmem:$0x8160] =	vst v1  }
0x71: {  	[tilespmem:$0x8170] =	vst v1  }
0x72: {  	[tilespmem:$0x8180] =	vst v1  }
0x73: {  	[tilespmem:$0x8190] =	vst v1  }
0x74: {  	[tilespmem:$0x81A0] =	vst v1  }
0x75: {  	[tilespmem:$0x81B0] =	vst v1  }
0x76: {  	[tilespmem:$0x81C0] =	vst v1  }
0x77: {  	[tilespmem:$0x81D0] =	vst v1  }
0x78: {  	[tilespmem:$0x81E0] =	vst v1  }
0x79: {  	[tilespmem:$0x81F0] =	vst v1  }
0x7a: {  	[tilespmem:$0x8200] =	vst v1  }
0x7b: {  	[tilespmem:$0x8210] =	vst v1  }
0x7c: {  	[tilespmem:$0x8220] =	vst v1  }
0x7d: {  	[tilespmem:$0x8230] =	vst v1  }
0x7e: {  	[tilespmem:$0x8240] =	vst v1  }
0x7f: {  	[tilespmem:$0x8250] =	vst v1  }
0x80: {  	[tilespmem:$0x8260] =	vst v1  }
0x81: {  	[tilespmem:$0x8270] =	vst v1  }
0x82: {  	[tilespmem:$0x8280] =	vst v1  }
0x83: {  	[tilespmem:$0x8290] =	vst v1  }
0x84: {  	[tilespmem:$0x82A0] =	vst v1  }
0x85: {  	[tilespmem:$0x82B0] =	vst v1  }
0x86: {  	[tilespmem:$0x82C0] =	vst v1  }
0x87: {  	[tilespmem:$0x82D0] =	vst v1  }
0x88: {  	[tilespmem:$0x82E0] =	vst v1  }
0x89: {  	[tilespmem:$0x82F0] =	vst v1  }
0x8a: {  	[tilespmem:$0x8000] =	vst v2  }
0x8b: {  	[tilespmem:$0x8010] =	vst v2  }
0x8c: {  	[tilespmem:$0x8020] =	vst v2  }
0x8d: {  	s22 =	rddreg [dreg:$0x16];
	[tilespmem:$0x8030] =	vst v2  }
0x8e: {  	[tilespmem:s6], [sflag:$0x1] =	stream.linear.gather [hbm4b:s22+s6], $0x800, $0x38;
	[tilespmem:$0x1C178] =	vst v63  }
0x8f: {  	s23 =	rddreg [dreg:$0x19];
	s20 =	simm.s32 $0x1000  }
0x90: {  	[tilespmem:s20], [sflag:$0x3] =	stream.linear.gather [hbm4b:s23+s6], $0x800, $0x38;
	[tilespmem:$0x1C178] =	vst v63  }
0x91: {  	s25 =	rddreg [dreg:$0x5];
	s26 =	simm.s32 $0x800  }
0x92: {  	[tilespmem:s26], [sflag:$0x2] =	stream.linear.gather [hbm4b:s25+s6], $0x800, $0x38;
	[tilespmem:$0x1C178] =	vst v63  }
0x93: {  	s21 =	rddreg [dreg:$0x6];
	s22 =	simm.s32 $0x1800  }
0x94: {  	[tilespmem:s22], [sflag:$0x4] =	stream.linear.gather [hbm4b:s21+s6], $0x800, $0x38;
	[tilespmem:$0x1C178] =	vst v63  }
0x95: {  	_ = 	snop  }
0x96: {  	[spmem:s29] =	stream.linear.scatter [tilespmem:s31], [sflag:$0xC], $0x2000, $0x38;
	[tilespmem:$0x1C178] =	vst v63  }
0x97: {  	_ =	swait.ge [sflag:s0], $0x2000  }
0x98: {  	[sflag:s0] =	ssyncset.done $0x0  }
0x99: {  	s23 =	rddreg [dreg:$0x1e];
	[sflag:s0] =	ssyncadd.s32 $0xFFFFE000  }
0x9a: {  	[spmem:s23] =	stream.linear.scatter [tilespmem:s31], [sflag:$0xC], $0x2000, $0x38;
	[tilespmem:$0x1C178] =	vst v63  }
0x9b: {  	_ =	swait.ge [sflag:s0], $0x2000  }
0x9c: {  	[sflag:s0] =	ssyncset.done $0x0  }
0x9d: {  	s25 =	rddreg [dreg:$0x1f];
	[sflag:s0] =	ssyncadd.s32 $0xFFFFE000  }
0x9e: {  	[spmem:s25] =	stream.linear.scatter [tilespmem:s31], [sflag:$0xC], $0x2000, $0x38;
	[tilespmem:$0x1C178] =	vst v63  }
0x9f: {  	_ =	swait.ge [sflag:s0], $0x2000  }
0xa0: {  	s26 =	sld [smem:$0x7F8]  }
0xa1: {  	[sflag:s0] =	ssyncset.done $0x0  }
0xa2: {  	[sflag:s0] =	ssyncadd.s32 $0xFFFFE000  }
0xa3: {  	[spmem:s26] =	stream.linear.scatter [tilespmem:s31], [sflag:$0xC], $0x2000, $0x38;
	[tilespmem:$0x1C178] =	vst v63  }
0xa4: {  	_ =	swait.ge [sflag:s0], $0x2000  }
0xa5: {  	s20 =	sld [smem:$0x7F9]  }
0xa6: {  	[sflag:s0] =	ssyncset.done $0x0  }
0xa7: {  	[sflag:s0] =	ssyncadd.s32 $0xFFFFE000  }
0xa8: {  	[spmem:s20] =	stream.linear.scatter [tilespmem:s31], [sflag:$0xC], $0x2000, $0x38;
	[tilespmem:$0x1C178] =	vst v63  }
0xa9: {  	_ =	swait.ge [sflag:s0], $0x2000  }
0xaa: {  	s21 =	sld [smem:$0x7FA]  }
0xab: {  	[sflag:s0] =	ssyncset.done $0x0  }
0xac: {  	[sflag:s0] =	ssyncadd.s32 $0xFFFFE000  }
0xad: {  	[spmem:s21] =	stream.linear.scatter [tilespmem:s31], [sflag:$0xC], $0x2000, $0x38;
	[tilespmem:$0x1C178] =	vst v63  }
0xae: {  	_ =	swait.ge [sflag:s0], $0x2000  }
0xaf: {  	s22 =	sld [smem:$0x7FB]  }
0xb0: {  	[sflag:s0] =	ssyncset.done $0x0  }
0xb1: {  	[sflag:s0] =	ssyncadd.s32 $0xFFFFE000  }
0xb2: {  	[spmem:s22] =	stream.linear.scatter [tilespmem:s31], [sflag:$0xC], $0x2000, $0x38;
	[tilespmem:$0x1C178] =	vst v63  }
0xb3: {  	_ =	swait.ge [sflag:s0], $0x2000  }
0xb4: {  	s23 =	sld [smem:$0x7FC]  }
0xb5: {  	[sflag:s0] =	ssyncset.done $0x0  }
0xb6: {  	[sflag:s0] =	ssyncadd.s32 $0xFFFFE000  }
0xb7: {  	[spmem:s23] =	stream.linear.scatter [tilespmem:s31], [sflag:$0xC], $0x2000, $0x38;
	[tilespmem:$0x1C178] =	vst v63  }
0xb8: {  	_ =	swait.ge [sflag:s0], $0x2000  }
0xb9: {  	s25 =	sld [smem:$0x7FD]  }
0xba: {  	[sflag:s0] =	ssyncset.done $0x0  }
0xbb: {  	[sflag:s0] =	ssyncadd.s32 $0xFFFFE000  }
0xbc: {  	[spmem:s25] =	stream.linear.scatter [tilespmem:s31], [sflag:$0xC], $0x2000, $0x38;
	[tilespmem:$0x1C178] =	vst v63  }
0xbd: {  	_ =	swait.ge [sflag:s0], $0x2000  }
0xbe: {  	[sflag:s0] =	ssyncset.done $0x0  }
0xbf: {  	s26 =	rddreg [dreg:$0x1d];
	[sflag:s0] =	ssyncadd.s32 $0xFFFFE000  }
0xc0: {  	[spmem:s26] =	stream.linear.scatter [tilespmem:s31], [sflag:$0xC], $0x1C00, $0x38;
	[tilespmem:$0x1C178] =	vst v63  }
0xc1: {  	_ =	swait.ge [sflag:s0], $0x1C00  }
0xc2: {  	[sflag:s0] =	ssyncset.done $0x0  }
0xc3: {  	s19 =	simm.s32 @p0 $0x8080;
	[sflag:s0] =	ssyncadd.s32 $0xFFFFE400  }
0xc4: {  	[spmem:s8] =	stream.linear.scatter @p0 [tilespmem:s19], [sflag:$0xC], $0x200, $0x38;
	[tilespmem:$0x1C178] =	vst v63  }
0xc5: {  	s19 =	simm.s32 @p0 $0xC  }
0xc6: {  	_ =	swait.ge @p0 [sflag:s19], $0x200  }
0xc7: {  	[sflag:s19] =	ssyncset.done @p0 $0x0  }
0xc8: {  	[sflag:s19] =	ssyncadd.s32 @p0 $0xFFFFFE00;
	s19 =	simm.s32 @!p0 $0x8080  }
0xc9: {  	[spmem:s30] =	stream.linear.scatter @!p0 [tilespmem:s19], [sflag:$0xC], $0x280, $0x38;
	[tilespmem:$0x1C178] =	vst v63  }
0xca: {  	s19 =	simm.s32 @!p0 $0xC  }
0xcb: {  	_ =	swait.ge @!p0 [sflag:s19], $0x280  }
0xcc: {  	[sflag:s19] =	ssyncset.done @!p0 $0x0  }
0xcd: {  	[sflag:s19] =	ssyncadd.s32 @!p0 $0xFFFFFD80  }
0xce: {  	_ =	swait.ge [sflag:s4], $0x800  }
0xcf: {  	[sflag:s4] =	ssyncset.done $0x0  }
0xd0: {  	[sflag:s4] =	ssyncadd.s32 $0xFFFFF800  }
0xd1: {  	_ =	swait.ge [sflag:s7], $0x800  }
0xd2: {  	[sflag:s7] =	ssyncset.done $0x0  }
0xd3: {  	s19 =	simm.s32 $0x0;
	[sflag:s7] =	ssyncadd.s32 $0xFFFFF800  }
0xd4: {  	v5 =	vld [tilespmem:s19+$0x0]  }
0xd5: {  	v4 =	vld [tilespmem:s19+$0x10]  }
0xd6: {  	s20 =	simm.s32 $0x200;
	v3 =	vld [tilespmem:s19+$0x20]  }
.LBB2_4:
0xd7: {  	p2 =	sne.s32 s20, $0x1E00;
	v6 =	vld [tilespmem:s19+$0x30];
	_ =	sdelay $0x1  }
.Ltmp3:
0xd8: {  	v5 =	vadd.s32 v0, v5;
	(pc) =	sbr.rel @p2 .LBB2_4-.Ltmp3, $4  }
0xd9: {  	s21 =	sshra.s32 s20, $0x2;
	[tilespmem:s19+$0x0] =	vst v5;
	v4 =	vadd.s32 v0, v4  }
0xda: {  	v5 =	vld [tilespmem:s21+$0x0];
	[tilespmem:s19+$0x10] =	vst v4;
	v3 =	vadd.s32 v0, v3  }
0xdb: {  	v4 =	vld [tilespmem:s21+$0x10];
	[tilespmem:s19+$0x20] =	vst v3;
	v6 =	vadd.s32 v0, v6  }
0xdc: {  	s20 =	sadd.s32 $0x200, s20;
	v3 =	vld [tilespmem:s21+$0x20];
	[tilespmem:s19+$0x30] =	vst v6;
	s19 =	smov.u32 s21  }
0xdd: {  	v6 =	vld [tilespmem:s19+$0x30];
	_ =	sdelay $0x1  }
0xde: {  	v5 =	vadd.s32 v0, v5  }
0xdf: {  	[tilespmem:s19+$0x0] =	vst v5;
	v4 =	vadd.s32 v0, v4  }
0xe0: {  	[tilespmem:s19+$0x10] =	vst v4;
	v3 =	vadd.s32 v0, v3  }
0xe1: {  	[tilespmem:s19+$0x20] =	vst v3;
	v3 =	vadd.s32 v0, v6  }
0xe2: {  	[tilespmem:s19+$0x30] =	vst v3;
	s19 =	simm.s32 $0x0  }
0xe3: {  	[tilespmem:s31], [sflag:$0x5] =	stream.indirect.gather [hbm4b:s1+s15], $0x80, s19, s15, $0xb8;
	[tilespmem:$0x1C178] =	vst v63  }
0xe4: {  	s20 =	simm.s32 $0x80  }
0xe5: {  	[tilespmem:s24], [sflag:$0x6] =	stream.indirect.gather [hbm4b:s1+s15], $0x80, s20, s15, $0xb8;
	[tilespmem:$0x1C178] =	vst v63  }
.Ltmp4:
0xe6: {  	_ = 	snop;
	(pc) =	sbr.rel .LBB2_6-.Ltmp4, $3  }
0xe7: {  	s26 =	simm.s32 $0x100  }
0xe8: {  	[tilespmem:s28], [sflag:$0x7] =	stream.indirect.gather [hbm4b:s1+s15], $0x80, s26, s15, $0xb8;
	[tilespmem:$0x1C178] =	vst v63  }
0xe9: {  	[bflag:$0x0] =	sbarrier.arrive $0xFFFF;
	_ =	sdelay $0x1  }
.LBB2_20:
0xea: {  	p2 =	seq.s32 s19, $0x19  }
.Ltmp5:
0xeb: {  	_ = 	snop;
	(pc) =	sbr.rel @p2 .LBB2_45-.Ltmp5, $1  }
0xec: {  	_ =	sdelay $0x3  }
0xed: {  	p2 =	seq.s32 s19, $0x1B  }
0xee: {  	p3 =	sne.s32 @p2 s5, $0x0  }
0xef: {  	p3 =	por p3, !p2  }
0xf0: {  	s20 =	simm.s32 @!p3 $0xB  }
0xf1: {  	_ =	swait.ge @!p3 [sflag:s20], $0x40  }
0xf2: {  	[sflag:s20] =	ssyncset.done @!p3 $0x0  }
0xf3: {  	[sflag:s20] =	ssyncadd.s32 @!p3 $0xFFFFFFC0  }
0xf4: {  	_ =	swait.ge @!p3 [sflag:s20], $0x40  }
0xf5: {  	[sflag:s20] =	ssyncset.done @!p3 $0x0  }
0xf6: {  	[sflag:s20] =	ssyncadd.s32 @!p3 $0xFFFFFFC0  }
0xf7: {  	_ =	swait.ge @!p3 [sflag:s20], $0x40  }
0xf8: {  	[sflag:s20] =	ssyncset.done @!p3 $0x0  }
0xf9: {  	[sflag:s20] =	ssyncadd.s32 @!p3 $0xFFFFFFC0  }
0xfa: {  	_ =	swait.ge @!p3 [sflag:s20], $0x40  }
0xfb: {  	[sflag:s20] =	ssyncset.done @!p3 $0x0  }
0xfc: {  	[sflag:s20] =	ssyncadd.s32 @!p3 $0xFFFFFFC0  }
0xfd: {  	_ =	swait.ge @!p3 [sflag:s20], $0x40  }
0xfe: {  	[sflag:s20] =	ssyncset.done @!p3 $0x0  }
0xff: {  	[sflag:s20] =	ssyncadd.s32 @!p3 $0xFFFFFFC0  }
0x100: {  	_ =	swait.ge @!p3 [sflag:s20], $0x40  }
0x101: {  	[sflag:s20] =	ssyncset.done @!p3 $0x0  }
0x102: {  	[sflag:s20] =	ssyncadd.s32 @!p3 $0xFFFFFFC0  }
0x103: {  	_ =	swait.ge @!p3 [sflag:s20], $0x40  }
0x104: {  	[sflag:s20] =	ssyncset.done @!p3 $0x0  }
0x105: {  	[sflag:s20] =	ssyncadd.s32 @!p3 $0xFFFFFFC0  }
0x106: {  	_ =	swait.ge @!p3 [sflag:s20], $0x40  }
0x107: {  	[sflag:s20] =	ssyncset.done @!p3 $0x0  }
0x108: {  	[sflag:s20] =	ssyncadd.s32 @!p3 $0xFFFFFFC0  }
0x109: {  	_ =	swait.ge @!p3 [sflag:s20], $0x40  }
0x10a: {  	[sflag:s20] =	ssyncset.done @!p3 $0x0  }
0x10b: {  	[sflag:s20] =	ssyncadd.s32 @!p3 $0xFFFFFFC0  }
0x10c: {  	_ =	swait.ge @!p3 [sflag:s20], $0x40  }
0x10d: {  	[sflag:s20] =	ssyncset.done @!p3 $0x0  }
0x10e: {  	[sflag:s20] =	ssyncadd.s32 @!p3 $0xFFFFFFC0  }
0x10f: {  	_ =	swait.ge @!p3 [sflag:s20], $0x40  }
0x110: {  	[sflag:s20] =	ssyncset.done @!p3 $0x0  }
0x111: {  	[sflag:s20] =	ssyncadd.s32 @!p3 $0xFFFFFFC0  }
0x112: {  	_ =	swait.ge @!p3 [sflag:s20], $0x40  }
0x113: {  	[sflag:s20] =	ssyncset.done @!p3 $0x0  }
0x114: {  	[sflag:s20] =	ssyncadd.s32 @!p3 $0xFFFFFFC0  }
0x115: {  	_ =	swait.ge @!p3 [sflag:s20], $0x40  }
0x116: {  	[sflag:s20] =	ssyncset.done @!p3 $0x0  }
0x117: {  	[sflag:s20] =	ssyncadd.s32 @!p3 $0xFFFFFFC0  }
0x118: {  	_ =	swait.ge @!p3 [sflag:s20], $0x40  }
0x119: {  	[sflag:s20] =	ssyncset.done @!p3 $0x0  }
0x11a: {  	[sflag:s20] =	ssyncadd.s32 @!p3 $0xFFFFFFC0  }
0x11b: {  	_ =	swait.ge @!p3 [sflag:s20], $0x40  }
0x11c: {  	[sflag:s20] =	ssyncset.done @!p3 $0x0  }
0x11d: {  	[sflag:s20] =	ssyncadd.s32 @!p3 $0xFFFFFFC0  }
0x11e: {  	_ =	swait.ge @!p3 [sflag:s20], $0x40  }
0x11f: {  	[sflag:s20] =	ssyncset.done @!p3 $0x0  }
0x120: {  	s21 =	rddreg [dreg:$0xe];
	[sflag:s20] =	ssyncadd.s32 @!p3 $0xFFFFFFC0;
	s20 =	simm.s32 @p2 $0x0  }
0x121: {  	[tilespmem:s20], [sflag:$0x1] =	stream.linear.gather @p2 [hbm4b:s21+s20], $0x800, $0x38;
	[tilespmem:$0x1C178] =	vst v63  }
0x122: {  	s22 =	rddreg [dreg:$0xf];
	s21 =	simm.s32 @p2 $0x1000  }
0x123: {  	[tilespmem:s21], [sflag:$0x3] =	stream.linear.gather @p2 [hbm4b:s22+s20], $0x800, $0x38;
	[tilespmem:$0x1C178] =	vst v63  }
.LBB2_58:
0x124: {  	s20 =	smul.u32 $0x600, s19;
	_ =	swait.ge [sflag:s11], $0x2000  }
0x125: {  	p2 =	sgt.u32 s19, $0x1A;
	s22 =	simm.s32 $0x1;
	s23 =	simm.s32 $0x1  }
0x126: {  	s22 =	simm.s32 @!p2 $0x0;
	s23 =	simm.s32 @!p1 $0x0;
	s21 =	sand.u32 $0x3E00, s20  }
0x127: {  	[sflag:s11] =	ssyncset.done $0x0;
	p2 =	seq.s32 s23, s22;
	s21 =	sshrl.u32 s21, $0x2  }
0x128: {  	[sflag:s11] =	ssyncadd.s32 $0xFFFFE000;
	s22 =	simm.s32 @p2 $0x6;
	s21 =	sor.u32 $0x1000, s21  }
0x129: {  	[spmem:s2] =	stream.indirect.scatter.add.f32 [tilespmem:s31], [sflag:$0x8], $0x80, s21, s15, $0xb8;
	[tilespmem:$0x1C178] =	vst v63  }
0x12a: {  	s25 =	sadd.s32 @p2 $0x200, s20;
	_ =	swait.ge @p2 [sflag:s22], $0x2000  }
0x12b: {  	s25 =	sand.u32 @p2 $0x3E00, s25;
	[sflag:s22] =	ssyncset.done @p2 $0x0  }
0x12c: {  	[sflag:s22] =	ssyncadd.s32 @p2 $0xFFFFE000;
	s22 =	sshrl.u32 @p2 s25, $0x2  }
0x12d: {  	s26 =	simm.s32 @p2 $0x4000;
	s25 =	simm.s32 @p2 $0x40;
	s22 =	sor.u32 @p2 $0x1000, s22  }
0x12e: {  	[spmem:s2] =	stream.indirect.scatter.add.f32 @p2 [tilespmem:s26], [sflag:$0x9], $0x80, s22, s25, $0xb8;
	[tilespmem:$0x1C178] =	vst v63  }
0x12f: {  	s22 =	simm.s32 @!p2 $0x40;
	s25 =	simm.s32 @!p2 $0x8000  }
0x130: {  	[spmem:s3] =	stream.indirect.scatter.add.f32 @!p2 [tilespmem:s25], [sflag:$0xB], $0x1, s21, s22, $0xb8;
	[tilespmem:$0x1C178] =	vst v63  }
0x131: {  	s26 =	sadd.s32 @!p2 $0x200, s20;
	s21 =	simm.s32 @!p2 $0x6  }
0x132: {  	s26 =	sand.u32 @!p2 $0x3E00, s26;
	_ =	swait.ge @!p2 [sflag:s21], $0x2000  }
0x133: {  	s26 =	sshrl.u32 @!p2 s26, $0x2;
	[sflag:s21] =	ssyncset.done @!p2 $0x0  }
0x134: {  	[sflag:s21] =	ssyncadd.s32 @!p2 $0xFFFFE000;
	s21 =	sor.u32 @!p2 $0x1000, s26;
	s26 =	simm.s32 @!p2 $0x4000  }
0x135: {  	[spmem:s2] =	stream.indirect.scatter.add.f32 @!p2 [tilespmem:s26], [sflag:$0x9], $0x80, s21, s22, $0xb8;
	[tilespmem:$0x1C178] =	vst v63  }
0x136: {  	_ = 	snop  }
0x137: {  	[spmem:s3] =	stream.indirect.scatter.add.f32 @!p2 [tilespmem:s25], [sflag:$0xB], $0x1, s21, s22, $0xb8;
	[tilespmem:$0x1C178] =	vst v63  }
0x138: {  	s22 =	sadd.s32 $0x600, s20;
	_ =	swait.ge [sflag:s12], $0x2000  }
0x139: {  	s25 =	sadd.s32 $0x400, s20;
	s21 =	sand.u32 $0x3E00, s22;
	[sflag:s12] =	ssyncset.done $0x0  }
0x13a: {  	p2 =	sgt.u32 s19, $0x19;
	s21 =	sshrl.u32 s21, $0x2;
	[sflag:s12] =	ssyncadd.s32 $0xFFFFE000  }
0x13b: {  	[tilespmem:s31], [sflag:$0x5] =	stream.indirect.gather [hbm4b:s1+s15], $0x80, s21, s15, $0xb8;
	[tilespmem:$0x1C178] =	vst v63  }
0x13c: {  	s22 =	simm.s32 $0x1;
	s21 =	sand.u32 $0x3E00, s25;
	_ =	swait.ge [sflag:s13], $0x2000  }
0x13d: {  	s22 =	simm.s32 @!p2 $0x0;
	s21 =	sshrl.u32 s21, $0x2;
	[sflag:s13] =	ssyncset.done $0x0  }
0x13e: {  	p2 =	seq.s32 s23, s22;
	s21 =	sor.u32 $0x1000, s21;
	[sflag:s13] =	ssyncadd.s32 $0xFFFFE000  }
0x13f: {  	[spmem:s2] =	stream.indirect.scatter.add.f32 [tilespmem:s28], [sflag:$0xA], $0x80, s21, s15, $0xb8;
	[tilespmem:$0x1C178] =	vst v63  }
0x140: {  	s22 =	simm.s32 @!p2 $0x40;
	s23 =	simm.s32 @!p2 $0x8000  }
0x141: {  	[spmem:s3] =	stream.indirect.scatter.add.f32 @!p2 [tilespmem:s23], [sflag:$0xB], $0x1, s21, s22, $0xb8;
	[tilespmem:$0x1C178] =	vst v63  }
0x142: {  	s26 =	sadd.s32 $0x800, s20;
	_ =	swait.ge [sflag:s14], $0x2000  }
0x143: {  	s19 =	sadd.s32 $0x1, s19;
	s21 =	sand.u32 $0x3E00, s26;
	[sflag:s14] =	ssyncset.done $0x0  }
0x144: {  	p2 =	sne.s32 s19, $0x34;
	s21 =	sshrl.u32 s21, $0x2;
	[sflag:s14] =	ssyncadd.s32 $0xFFFFE000  }
0x145: {  	[tilespmem:s24], [sflag:$0x6] =	stream.indirect.gather [hbm4b:s1+s15], $0x80, s21, s15, $0xb8;
	[tilespmem:$0x1C178] =	vst v63  }
.Ltmp6:
0x146: {  	_ = 	snop;
	(pc) =	sbr.rel @!p2 .LBB2_59-.Ltmp6, $4  }
0x147: {  	s20 =	sadd.s32 $0xA00, s20;
	_ =	swait.ge [sflag:s16], $0x2000  }
0x148: {  	s20 =	sand.u32 $0x3E00, s20;
	[sflag:s16] =	ssyncset.done $0x0  }
0x149: {  	s20 =	sshrl.u32 s20, $0x2;
	[sflag:s16] =	ssyncadd.s32 $0xFFFFE000  }
0x14a: {  	[tilespmem:s28], [sflag:$0x7] =	stream.indirect.gather [hbm4b:s1+s15], $0x80, s20, s15, $0xb8;
	[tilespmem:$0x1C178] =	vst v63  }
.LBB2_6:
0x14b: {  	p2 =	sgt.s32 s19, $0x18  }
.Ltmp7:
0x14c: {  	_ = 	snop;
	(pc) =	sbr.rel @!p2 .LBB2_7-.Ltmp7, $1  }
0x14d: {  	_ =	sdelay $0x3  }
0x14e: {  	p2 =	sgt.s32 s19, $0x23  }
.Ltmp8:
0x14f: {  	_ = 	snop;
	(pc) =	sbr.rel @!p2 .LBB2_19-.Ltmp8, $1  }
0x150: {  	_ =	sdelay $0x3  }
0x151: {  	p2 =	sgt.s32 s19, $0x28  }
.Ltmp9:
0x152: {  	_ = 	snop;
	(pc) =	sbr.rel @!p2 .LBB2_25-.Ltmp9, $1  }
0x153: {  	_ =	sdelay $0x3  }
0x154: {  	p2 =	seq.s32 s19, $0x29  }
.Ltmp10:
0x155: {  	_ = 	snop;
	(pc) =	sbr.rel @p2 .LBB2_54-.Ltmp10, $1  }
0x156: {  	_ =	sdelay $0x3  }
0x157: {  	p2 =	seq.s32 s19, $0x2B  }
.Ltmp11:
0x158: {  	_ = 	snop;
	(pc) =	sbr.rel @p2 .LBB2_57-.Ltmp11, $1  }
0x159: {  	_ =	sdelay $0x3  }
0x15a: {  	p2 =	seq.s32 s19, $0x2F  }
.Ltmp12:
0x15b: {  	_ = 	snop;
	(pc) =	sbr.rel @!p2 .LBB2_58-.Ltmp12, $1  }
0x15c: {  	_ =	sdelay $0x3  }
0x15d: {  	_ =	swait.ge [sflag:s9], $0x800  }
0x15e: {  	[sflag:s9] =	ssyncset.done $0x0  }
0x15f: {  	[sflag:s9] =	ssyncadd.s32 $0xFFFFF800  }
0x160: {  	_ =	swait.ge [sflag:s10], $0x800  }
0x161: {  	[sflag:s10] =	ssyncset.done $0x0  }
0x162: {  	s20 =	simm.s32 $0x0;
	[sflag:s10] =	ssyncadd.s32 $0xFFFFF800  }
0x163: {  	v5 =	vld [tilespmem:s20+$0x800]  }
0x164: {  	v4 =	vld [tilespmem:s20+$0x810]  }
0x165: {  	s21 =	simm.s32 $0x200;
	v3 =	vld [tilespmem:s20+$0x820]  }
.LBB2_31:
0x166: {  	p2 =	sne.s32 s21, $0x1E00;
	v6 =	vld [tilespmem:s20+$0x830];
	_ =	sdelay $0x1  }
.Ltmp13:
0x167: {  	v5 =	vadd.s32 v0, v5;
	(pc) =	sbr.rel @p2 .LBB2_31-.Ltmp13, $4  }
0x168: {  	s22 =	sshra.s32 s21, $0x2;
	[tilespmem:s20+$0x800] =	vst v5;
	v4 =	vadd.s32 v0, v4  }
0x169: {  	v5 =	vld [tilespmem:s22+$0x800];
	[tilespmem:s20+$0x810] =	vst v4;
	v3 =	vadd.s32 v0, v3  }
0x16a: {  	v4 =	vld [tilespmem:s22+$0x810];
	[tilespmem:s20+$0x820] =	vst v3;
	v6 =	vadd.s32 v0, v6  }
0x16b: {  	s21 =	sadd.s32 $0x200, s21;
	v3 =	vld [tilespmem:s22+$0x820];
	[tilespmem:s20+$0x830] =	vst v6;
	s20 =	smov.u32 s22  }
0x16c: {  	v6 =	vld [tilespmem:s20+$0x830];
	_ =	sdelay $0x1  }
.Ltmp14:
0x16d: {  	v5 =	vadd.s32 v0, v5;
	(pc) =	sbr.rel .LBB2_58-.Ltmp14, $4  }
0x16e: {  	[tilespmem:s20+$0x800] =	vst v5;
	v4 =	vadd.s32 v0, v4  }
0x16f: {  	[tilespmem:s20+$0x810] =	vst v4;
	v3 =	vadd.s32 v0, v3  }
0x170: {  	[tilespmem:s20+$0x820] =	vst v3;
	v3 =	vadd.s32 v0, v6  }
0x171: {  	[tilespmem:s20+$0x830] =	vst v3  }
.LBB2_7:
0x172: {  	p2 =	sgt.s32 s19, $0xE  }
.Ltmp15:
0x173: {  	_ = 	snop;
	(pc) =	sbr.rel @p2 .LBB2_13-.Ltmp15, $1  }
0x174: {  	_ =	sdelay $0x3  }
0x175: {  	p2 =	sgt.s32 s19, $0x8  }
.Ltmp16:
0x176: {  	_ = 	snop;
	(pc) =	sbr.rel @p2 .LBB2_11-.Ltmp16, $1  }
0x177: {  	_ =	sdelay $0x3  }
0x178: {  	p2 =	seq.s32 s19, $0x4  }
.Ltmp17:
0x179: {  	_ = 	snop;
	(pc) =	sbr.rel @p2 .LBB2_33-.Ltmp17, $1  }
0x17a: {  	_ =	sdelay $0x3  }
0x17b: {  	p2 =	seq.s32 s19, $0x6  }
0x17c: {  	p3 =	sne.s32 @p2 s5, $0x0  }
0x17d: {  	p3 =	por p3, !p2  }
0x17e: {  	s20 =	simm.s32 @!p3 $0xB  }
0x17f: {  	_ =	swait.ge @!p3 [sflag:s20], $0x40  }
0x180: {  	[sflag:s20] =	ssyncset.done @!p3 $0x0  }
0x181: {  	[sflag:s20] =	ssyncadd.s32 @!p3 $0xFFFFFFC0  }
0x182: {  	_ =	swait.ge @!p3 [sflag:s20], $0x40  }
0x183: {  	[sflag:s20] =	ssyncset.done @!p3 $0x0  }
0x184: {  	[sflag:s20] =	ssyncadd.s32 @!p3 $0xFFFFFFC0  }
0x185: {  	_ =	swait.ge @!p3 [sflag:s20], $0x40  }
0x186: {  	[sflag:s20] =	ssyncset.done @!p3 $0x0  }
0x187: {  	[sflag:s20] =	ssyncadd.s32 @!p3 $0xFFFFFFC0  }
0x188: {  	_ =	swait.ge @!p3 [sflag:s20], $0x40  }
0x189: {  	[sflag:s20] =	ssyncset.done @!p3 $0x0  }
0x18a: {  	[sflag:s20] =	ssyncadd.s32 @!p3 $0xFFFFFFC0  }
0x18b: {  	_ =	swait.ge @!p3 [sflag:s20], $0x40  }
0x18c: {  	[sflag:s20] =	ssyncset.done @!p3 $0x0  }
0x18d: {  	[sflag:s20] =	ssyncadd.s32 @!p3 $0xFFFFFFC0  }
0x18e: {  	_ =	swait.ge @!p3 [sflag:s20], $0x40  }
0x18f: {  	[sflag:s20] =	ssyncset.done @!p3 $0x0  }
0x190: {  	[sflag:s20] =	ssyncadd.s32 @!p3 $0xFFFFFFC0  }
0x191: {  	_ =	swait.ge @!p3 [sflag:s20], $0x40  }
0x192: {  	[sflag:s20] =	ssyncset.done @!p3 $0x0  }
0x193: {  	[sflag:s20] =	ssyncadd.s32 @!p3 $0xFFFFFFC0  }
0x194: {  	_ =	swait.ge @!p3 [sflag:s20], $0x40  }
0x195: {  	[sflag:s20] =	ssyncset.done @!p3 $0x0  }
0x196: {  	[sflag:s20] =	ssyncadd.s32 @!p3 $0xFFFFFFC0  }
0x197: {  	_ =	swait.ge @!p3 [sflag:s20], $0x40  }
0x198: {  	[sflag:s20] =	ssyncset.done @!p3 $0x0  }
0x199: {  	[sflag:s20] =	ssyncadd.s32 @!p3 $0xFFFFFFC0  }
0x19a: {  	_ =	swait.ge @!p3 [sflag:s20], $0x40  }
0x19b: {  	[sflag:s20] =	ssyncset.done @!p3 $0x0  }
0x19c: {  	[sflag:s20] =	ssyncadd.s32 @!p3 $0xFFFFFFC0  }
0x19d: {  	_ =	swait.ge @!p3 [sflag:s20], $0x40  }
0x19e: {  	[sflag:s20] =	ssyncset.done @!p3 $0x0  }
0x19f: {  	[sflag:s20] =	ssyncadd.s32 @!p3 $0xFFFFFFC0  }
0x1a0: {  	_ =	swait.ge @!p3 [sflag:s20], $0x40  }
0x1a1: {  	[sflag:s20] =	ssyncset.done @!p3 $0x0  }
0x1a2: {  	[sflag:s20] =	ssyncadd.s32 @!p3 $0xFFFFFFC0  }
0x1a3: {  	_ =	swait.ge @!p3 [sflag:s20], $0x40  }
0x1a4: {  	[sflag:s20] =	ssyncset.done @!p3 $0x0  }
0x1a5: {  	[sflag:s20] =	ssyncadd.s32 @!p3 $0xFFFFFFC0  }
0x1a6: {  	_ =	swait.ge @!p3 [sflag:s20], $0x40  }
0x1a7: {  	[sflag:s20] =	ssyncset.done @!p3 $0x0  }
0x1a8: {  	[sflag:s20] =	ssyncadd.s32 @!p3 $0xFFFFFFC0  }
0x1a9: {  	_ =	swait.ge @!p3 [sflag:s20], $0x40  }
0x1aa: {  	[sflag:s20] =	ssyncset.done @!p3 $0x0  }
0x1ab: {  	[sflag:s20] =	ssyncadd.s32 @!p3 $0xFFFFFFC0  }
0x1ac: {  	_ =	swait.ge @!p3 [sflag:s20], $0x40  }
.Ltmp18:
0x1ad: {  	[sflag:s20] =	ssyncset.done @!p3 $0x0;
	(pc) =	sbr.rel .LBB2_58-.Ltmp18, $4  }
0x1ae: {  	s21 =	rddreg [dreg:$0x17];
	[sflag:s20] =	ssyncadd.s32 @!p3 $0xFFFFFFC0;
	s20 =	simm.s32 @p2 $0x0  }
0x1af: {  	[tilespmem:s20], [sflag:$0x1] =	stream.linear.gather @p2 [hbm4b:s21+s20], $0x800, $0x38;
	[tilespmem:$0x1C178] =	vst v63  }
0x1b0: {  	s22 =	rddreg [dreg:$0x18];
	s21 =	simm.s32 @p2 $0x1000  }
0x1b1: {  	[tilespmem:s21], [sflag:$0x3] =	stream.linear.gather @p2 [hbm4b:s22+s20], $0x800, $0x38;
	[tilespmem:$0x1C178] =	vst v63  }
.LBB2_19:
0x1b2: {  	p2 =	sgt.s32 s19, $0x1E  }
.Ltmp19:
0x1b3: {  	_ = 	snop;
	(pc) =	sbr.rel @!p2 .LBB2_20-.Ltmp19, $1  }
0x1b4: {  	_ =	sdelay $0x3  }
0x1b5: {  	p2 =	seq.s32 s19, $0x1F  }
.Ltmp20:
0x1b6: {  	_ = 	snop;
	(pc) =	sbr.rel @p2 .LBB2_48-.Ltmp20, $1  }
0x1b7: {  	_ =	sdelay $0x3  }
0x1b8: {  	p2 =	seq.s32 s19, $0x20  }
0x1b9: {  	p3 =	seq.s32 @p2 s5, $0x0  }
0x1ba: {  	p3 =	por p3, !p2  }
0x1bb: {  	s20 =	simm.s32 @!p3 $0xB  }
0x1bc: {  	_ =	swait.ge @!p3 [sflag:s20], $0x40  }
0x1bd: {  	[sflag:s20] =	ssyncset.done @!p3 $0x0  }
0x1be: {  	[sflag:s20] =	ssyncadd.s32 @!p3 $0xFFFFFFC0  }
0x1bf: {  	_ =	swait.ge @!p3 [sflag:s20], $0x40  }
0x1c0: {  	[sflag:s20] =	ssyncset.done @!p3 $0x0  }
0x1c1: {  	[sflag:s20] =	ssyncadd.s32 @!p3 $0xFFFFFFC0  }
0x1c2: {  	_ =	swait.ge @!p3 [sflag:s20], $0x40  }
0x1c3: {  	[sflag:s20] =	ssyncset.done @!p3 $0x0  }
0x1c4: {  	[sflag:s20] =	ssyncadd.s32 @!p3 $0xFFFFFFC0  }
0x1c5: {  	_ =	swait.ge @!p3 [sflag:s20], $0x40  }
0x1c6: {  	[sflag:s20] =	ssyncset.done @!p3 $0x0  }
0x1c7: {  	[sflag:s20] =	ssyncadd.s32 @!p3 $0xFFFFFFC0  }
0x1c8: {  	_ =	swait.ge @!p3 [sflag:s20], $0x40  }
0x1c9: {  	[sflag:s20] =	ssyncset.done @!p3 $0x0  }
0x1ca: {  	[sflag:s20] =	ssyncadd.s32 @!p3 $0xFFFFFFC0  }
0x1cb: {  	_ =	swait.ge @!p3 [sflag:s20], $0x40  }
0x1cc: {  	[sflag:s20] =	ssyncset.done @!p3 $0x0  }
0x1cd: {  	[sflag:s20] =	ssyncadd.s32 @!p3 $0xFFFFFFC0  }
0x1ce: {  	_ =	swait.ge @!p3 [sflag:s20], $0x40  }
0x1cf: {  	[sflag:s20] =	ssyncset.done @!p3 $0x0  }
0x1d0: {  	[sflag:s20] =	ssyncadd.s32 @!p3 $0xFFFFFFC0  }
0x1d1: {  	_ =	swait.ge @!p3 [sflag:s20], $0x40  }
0x1d2: {  	[sflag:s20] =	ssyncset.done @!p3 $0x0  }
0x1d3: {  	[sflag:s20] =	ssyncadd.s32 @!p3 $0xFFFFFFC0  }
0x1d4: {  	_ =	swait.ge @!p3 [sflag:s20], $0x40  }
0x1d5: {  	[sflag:s20] =	ssyncset.done @!p3 $0x0  }
0x1d6: {  	[sflag:s20] =	ssyncadd.s32 @!p3 $0xFFFFFFC0  }
0x1d7: {  	_ =	swait.ge @!p3 [sflag:s20], $0x40  }
0x1d8: {  	[sflag:s20] =	ssyncset.done @!p3 $0x0  }
0x1d9: {  	[sflag:s20] =	ssyncadd.s32 @!p3 $0xFFFFFFC0  }
0x1da: {  	_ =	swait.ge @!p3 [sflag:s20], $0x40  }
0x1db: {  	[sflag:s20] =	ssyncset.done @!p3 $0x0  }
0x1dc: {  	[sflag:s20] =	ssyncadd.s32 @!p3 $0xFFFFFFC0  }
0x1dd: {  	_ =	swait.ge @!p3 [sflag:s20], $0x40  }
0x1de: {  	[sflag:s20] =	ssyncset.done @!p3 $0x0  }
0x1df: {  	[sflag:s20] =	ssyncadd.s32 @!p3 $0xFFFFFFC0  }
0x1e0: {  	_ =	swait.ge @!p3 [sflag:s20], $0x40  }
0x1e1: {  	[sflag:s20] =	ssyncset.done @!p3 $0x0  }
0x1e2: {  	[sflag:s20] =	ssyncadd.s32 @!p3 $0xFFFFFFC0  }
0x1e3: {  	_ =	swait.ge @!p3 [sflag:s20], $0x40  }
0x1e4: {  	[sflag:s20] =	ssyncset.done @!p3 $0x0  }
0x1e5: {  	[sflag:s20] =	ssyncadd.s32 @!p3 $0xFFFFFFC0  }
0x1e6: {  	_ =	swait.ge @!p3 [sflag:s20], $0x40  }
0x1e7: {  	[sflag:s20] =	ssyncset.done @!p3 $0x0  }
0x1e8: {  	[sflag:s20] =	ssyncadd.s32 @!p3 $0xFFFFFFC0  }
0x1e9: {  	_ =	swait.ge @!p3 [sflag:s20], $0x40  }
.Ltmp21:
0x1ea: {  	s21 =	simm.s32 @p2 $0x800;
	[sflag:s20] =	ssyncset.done @!p3 $0x0;
	(pc) =	sbr.rel .LBB2_58-.Ltmp21, $4  }
0x1eb: {  	s22 =	rddreg [dreg:$0xb];
	[sflag:s20] =	ssyncadd.s32 @!p3 $0xFFFFFFC0;
	s20 =	simm.s32 @p2 $0x0  }
0x1ec: {  	[tilespmem:s21], [sflag:$0x2] =	stream.linear.gather @p2 [hbm4b:s22+s20], $0x800, $0x38;
	[tilespmem:$0x1C178] =	vst v63  }
0x1ed: {  	s21 =	simm.s32 @p2 $0x1800;
	s22 =	rddreg [dreg:$0xc]  }
0x1ee: {  	[tilespmem:s21], [sflag:$0x4] =	stream.linear.gather @p2 [hbm4b:s22+s20], $0x800, $0x38;
	[tilespmem:$0x1C178] =	vst v63  }
.LBB2_13:
0x1ef: {  	p2 =	sgt.s32 s19, $0x13  }
.Ltmp22:
0x1f0: {  	_ = 	snop;
	(pc) =	sbr.rel @p2 .LBB2_16-.Ltmp22, $1  }
0x1f1: {  	_ =	sdelay $0x3  }
0x1f2: {  	p2 =	seq.s32 s19, $0xF  }
.Ltmp23:
0x1f3: {  	_ = 	snop;
	(pc) =	sbr.rel @p2 .LBB2_39-.Ltmp23, $1  }
0x1f4: {  	_ =	sdelay $0x3  }
0x1f5: {  	p2 =	seq.s32 s19, $0x10  }
0x1f6: {  	p3 =	sne.s32 @p2 s5, $0x0  }
0x1f7: {  	p3 =	por p3, !p2  }
0x1f8: {  	s20 =	simm.s32 @!p3 $0xB  }
0x1f9: {  	_ =	swait.ge @!p3 [sflag:s20], $0x40  }
0x1fa: {  	[sflag:s20] =	ssyncset.done @!p3 $0x0  }
0x1fb: {  	[sflag:s20] =	ssyncadd.s32 @!p3 $0xFFFFFFC0  }
0x1fc: {  	_ =	swait.ge @!p3 [sflag:s20], $0x40  }
0x1fd: {  	[sflag:s20] =	ssyncset.done @!p3 $0x0  }
0x1fe: {  	[sflag:s20] =	ssyncadd.s32 @!p3 $0xFFFFFFC0  }
0x1ff: {  	_ =	swait.ge @!p3 [sflag:s20], $0x40  }
0x200: {  	[sflag:s20] =	ssyncset.done @!p3 $0x0  }
0x201: {  	[sflag:s20] =	ssyncadd.s32 @!p3 $0xFFFFFFC0  }
0x202: {  	_ =	swait.ge @!p3 [sflag:s20], $0x40  }
0x203: {  	[sflag:s20] =	ssyncset.done @!p3 $0x0  }
0x204: {  	[sflag:s20] =	ssyncadd.s32 @!p3 $0xFFFFFFC0  }
0x205: {  	_ =	swait.ge @!p3 [sflag:s20], $0x40  }
0x206: {  	[sflag:s20] =	ssyncset.done @!p3 $0x0  }
0x207: {  	[sflag:s20] =	ssyncadd.s32 @!p3 $0xFFFFFFC0  }
0x208: {  	_ =	swait.ge @!p3 [sflag:s20], $0x40  }
0x209: {  	[sflag:s20] =	ssyncset.done @!p3 $0x0  }
0x20a: {  	[sflag:s20] =	ssyncadd.s32 @!p3 $0xFFFFFFC0  }
0x20b: {  	_ =	swait.ge @!p3 [sflag:s20], $0x40  }
0x20c: {  	[sflag:s20] =	ssyncset.done @!p3 $0x0  }
0x20d: {  	[sflag:s20] =	ssyncadd.s32 @!p3 $0xFFFFFFC0  }
0x20e: {  	_ =	swait.ge @!p3 [sflag:s20], $0x40  }
0x20f: {  	[sflag:s20] =	ssyncset.done @!p3 $0x0  }
0x210: {  	[sflag:s20] =	ssyncadd.s32 @!p3 $0xFFFFFFC0  }
0x211: {  	_ =	swait.ge @!p3 [sflag:s20], $0x40  }
0x212: {  	[sflag:s20] =	ssyncset.done @!p3 $0x0  }
0x213: {  	[sflag:s20] =	ssyncadd.s32 @!p3 $0xFFFFFFC0  }
0x214: {  	_ =	swait.ge @!p3 [sflag:s20], $0x40  }
0x215: {  	[sflag:s20] =	ssyncset.done @!p3 $0x0  }
0x216: {  	[sflag:s20] =	ssyncadd.s32 @!p3 $0xFFFFFFC0  }
0x217: {  	_ =	swait.ge @!p3 [sflag:s20], $0x40  }
0x218: {  	[sflag:s20] =	ssyncset.done @!p3 $0x0  }
0x219: {  	[sflag:s20] =	ssyncadd.s32 @!p3 $0xFFFFFFC0  }
0x21a: {  	_ =	swait.ge @!p3 [sflag:s20], $0x40  }
0x21b: {  	[sflag:s20] =	ssyncset.done @!p3 $0x0  }
0x21c: {  	[sflag:s20] =	ssyncadd.s32 @!p3 $0xFFFFFFC0  }
0x21d: {  	_ =	swait.ge @!p3 [sflag:s20], $0x40  }
0x21e: {  	[sflag:s20] =	ssyncset.done @!p3 $0x0  }
0x21f: {  	[sflag:s20] =	ssyncadd.s32 @!p3 $0xFFFFFFC0  }
0x220: {  	_ =	swait.ge @!p3 [sflag:s20], $0x40  }
0x221: {  	[sflag:s20] =	ssyncset.done @!p3 $0x0  }
0x222: {  	[sflag:s20] =	ssyncadd.s32 @!p3 $0xFFFFFFC0  }
0x223: {  	_ =	swait.ge @!p3 [sflag:s20], $0x40  }
0x224: {  	[sflag:s20] =	ssyncset.done @!p3 $0x0  }
0x225: {  	[sflag:s20] =	ssyncadd.s32 @!p3 $0xFFFFFFC0  }
0x226: {  	_ =	swait.ge @!p3 [sflag:s20], $0x40  }
.Ltmp24:
0x227: {  	[sflag:s20] =	ssyncset.done @!p3 $0x0;
	(pc) =	sbr.rel .LBB2_58-.Ltmp24, $4  }
0x228: {  	s21 =	rddreg [dreg:$0x12];
	[sflag:s20] =	ssyncadd.s32 @!p3 $0xFFFFFFC0;
	s20 =	simm.s32 @p2 $0x0  }
0x229: {  	[tilespmem:s20], [sflag:$0x1] =	stream.linear.gather @p2 [hbm4b:s21+s20], $0x800, $0x38;
	[tilespmem:$0x1C178] =	vst v63  }
0x22a: {  	s22 =	rddreg [dreg:$0x13];
	s21 =	simm.s32 @p2 $0x1000  }
0x22b: {  	[tilespmem:s21], [sflag:$0x3] =	stream.linear.gather @p2 [hbm4b:s22+s20], $0x800, $0x38;
	[tilespmem:$0x1C178] =	vst v63  }
.LBB2_11:
0x22c: {  	p2 =	seq.s32 s19, $0x9  }
.Ltmp25:
0x22d: {  	_ = 	snop;
	(pc) =	sbr.rel @p2 .LBB2_36-.Ltmp25, $1  }
0x22e: {  	_ =	sdelay $0x3  }
0x22f: {  	p2 =	seq.s32 s19, $0xB  }
0x230: {  	p3 =	sne.s32 @p2 s5, $0x0  }
0x231: {  	p3 =	por p3, !p2  }
0x232: {  	s20 =	simm.s32 @!p3 $0xB  }
0x233: {  	_ =	swait.ge @!p3 [sflag:s20], $0x40  }
0x234: {  	[sflag:s20] =	ssyncset.done @!p3 $0x0  }
0x235: {  	[sflag:s20] =	ssyncadd.s32 @!p3 $0xFFFFFFC0  }
0x236: {  	_ =	swait.ge @!p3 [sflag:s20], $0x40  }
0x237: {  	[sflag:s20] =	ssyncset.done @!p3 $0x0  }
0x238: {  	[sflag:s20] =	ssyncadd.s32 @!p3 $0xFFFFFFC0  }
0x239: {  	_ =	swait.ge @!p3 [sflag:s20], $0x40  }
0x23a: {  	[sflag:s20] =	ssyncset.done @!p3 $0x0  }
0x23b: {  	[sflag:s20] =	ssyncadd.s32 @!p3 $0xFFFFFFC0  }
0x23c: {  	_ =	swait.ge @!p3 [sflag:s20], $0x40  }
0x23d: {  	[sflag:s20] =	ssyncset.done @!p3 $0x0  }
0x23e: {  	[sflag:s20] =	ssyncadd.s32 @!p3 $0xFFFFFFC0  }
0x23f: {  	_ =	swait.ge @!p3 [sflag:s20], $0x40  }
0x240: {  	[sflag:s20] =	ssyncset.done @!p3 $0x0  }
0x241: {  	[sflag:s20] =	ssyncadd.s32 @!p3 $0xFFFFFFC0  }
0x242: {  	_ =	swait.ge @!p3 [sflag:s20], $0x40  }
0x243: {  	[sflag:s20] =	ssyncset.done @!p3 $0x0  }
0x244: {  	[sflag:s20] =	ssyncadd.s32 @!p3 $0xFFFFFFC0  }
0x245: {  	_ =	swait.ge @!p3 [sflag:s20], $0x40  }
0x246: {  	[sflag:s20] =	ssyncset.done @!p3 $0x0  }
0x247: {  	[sflag:s20] =	ssyncadd.s32 @!p3 $0xFFFFFFC0  }
0x248: {  	_ =	swait.ge @!p3 [sflag:s20], $0x40  }
0x249: {  	[sflag:s20] =	ssyncset.done @!p3 $0x0  }
0x24a: {  	[sflag:s20] =	ssyncadd.s32 @!p3 $0xFFFFFFC0  }
0x24b: {  	_ =	swait.ge @!p3 [sflag:s20], $0x40  }
0x24c: {  	[sflag:s20] =	ssyncset.done @!p3 $0x0  }
0x24d: {  	[sflag:s20] =	ssyncadd.s32 @!p3 $0xFFFFFFC0  }
0x24e: {  	_ =	swait.ge @!p3 [sflag:s20], $0x40  }
0x24f: {  	[sflag:s20] =	ssyncset.done @!p3 $0x0  }
0x250: {  	[sflag:s20] =	ssyncadd.s32 @!p3 $0xFFFFFFC0  }
0x251: {  	_ =	swait.ge @!p3 [sflag:s20], $0x40  }
0x252: {  	[sflag:s20] =	ssyncset.done @!p3 $0x0  }
0x253: {  	[sflag:s20] =	ssyncadd.s32 @!p3 $0xFFFFFFC0  }
0x254: {  	_ =	swait.ge @!p3 [sflag:s20], $0x40  }
0x255: {  	[sflag:s20] =	ssyncset.done @!p3 $0x0  }
0x256: {  	[sflag:s20] =	ssyncadd.s32 @!p3 $0xFFFFFFC0  }
0x257: {  	_ =	swait.ge @!p3 [sflag:s20], $0x40  }
0x258: {  	[sflag:s20] =	ssyncset.done @!p3 $0x0  }
0x259: {  	[sflag:s20] =	ssyncadd.s32 @!p3 $0xFFFFFFC0  }
0x25a: {  	_ =	swait.ge @!p3 [sflag:s20], $0x40  }
0x25b: {  	[sflag:s20] =	ssyncset.done @!p3 $0x0  }
0x25c: {  	[sflag:s20] =	ssyncadd.s32 @!p3 $0xFFFFFFC0  }
0x25d: {  	_ =	swait.ge @!p3 [sflag:s20], $0x40  }
0x25e: {  	[sflag:s20] =	ssyncset.done @!p3 $0x0  }
0x25f: {  	[sflag:s20] =	ssyncadd.s32 @!p3 $0xFFFFFFC0  }
0x260: {  	_ =	swait.ge @!p3 [sflag:s20], $0x40  }
.Ltmp26:
0x261: {  	s21 =	simm.s32 @p2 $0x800;
	[sflag:s20] =	ssyncset.done @!p3 $0x0;
	(pc) =	sbr.rel .LBB2_58-.Ltmp26, $4  }
0x262: {  	s22 =	rddreg [dreg:$0x14];
	[sflag:s20] =	ssyncadd.s32 @!p3 $0xFFFFFFC0;
	s20 =	simm.s32 @p2 $0x0  }
0x263: {  	[tilespmem:s21], [sflag:$0x2] =	stream.linear.gather @p2 [hbm4b:s22+s20], $0x800, $0x38;
	[tilespmem:$0x1C178] =	vst v63  }
0x264: {  	s21 =	simm.s32 @p2 $0x1800;
	s22 =	rddreg [dreg:$0x15]  }
0x265: {  	[tilespmem:s21], [sflag:$0x4] =	stream.linear.gather @p2 [hbm4b:s22+s20], $0x800, $0x38;
	[tilespmem:$0x1C178] =	vst v63  }
.LBB2_16:
0x266: {  	p2 =	seq.s32 s19, $0x14  }
.Ltmp27:
0x267: {  	_ = 	snop;
	(pc) =	sbr.rel @p2 .LBB2_42-.Ltmp27, $1  }
0x268: {  	_ =	sdelay $0x3  }
0x269: {  	p2 =	seq.s32 s19, $0x16  }
0x26a: {  	p3 =	sne.s32 @p2 s5, $0x0  }
0x26b: {  	p3 =	por p3, !p2  }
0x26c: {  	s20 =	simm.s32 @!p3 $0xB  }
0x26d: {  	_ =	swait.ge @!p3 [sflag:s20], $0x40  }
0x26e: {  	[sflag:s20] =	ssyncset.done @!p3 $0x0  }
0x26f: {  	[sflag:s20] =	ssyncadd.s32 @!p3 $0xFFFFFFC0  }
0x270: {  	_ =	swait.ge @!p3 [sflag:s20], $0x40  }
0x271: {  	[sflag:s20] =	ssyncset.done @!p3 $0x0  }
0x272: {  	[sflag:s20] =	ssyncadd.s32 @!p3 $0xFFFFFFC0  }
0x273: {  	_ =	swait.ge @!p3 [sflag:s20], $0x40  }
0x274: {  	[sflag:s20] =	ssyncset.done @!p3 $0x0  }
0x275: {  	[sflag:s20] =	ssyncadd.s32 @!p3 $0xFFFFFFC0  }
0x276: {  	_ =	swait.ge @!p3 [sflag:s20], $0x40  }
0x277: {  	[sflag:s20] =	ssyncset.done @!p3 $0x0  }
0x278: {  	[sflag:s20] =	ssyncadd.s32 @!p3 $0xFFFFFFC0  }
0x279: {  	_ =	swait.ge @!p3 [sflag:s20], $0x40  }
0x27a: {  	[sflag:s20] =	ssyncset.done @!p3 $0x0  }
0x27b: {  	[sflag:s20] =	ssyncadd.s32 @!p3 $0xFFFFFFC0  }
0x27c: {  	_ =	swait.ge @!p3 [sflag:s20], $0x40  }
0x27d: {  	[sflag:s20] =	ssyncset.done @!p3 $0x0  }
0x27e: {  	[sflag:s20] =	ssyncadd.s32 @!p3 $0xFFFFFFC0  }
0x27f: {  	_ =	swait.ge @!p3 [sflag:s20], $0x40  }
0x280: {  	[sflag:s20] =	ssyncset.done @!p3 $0x0  }
0x281: {  	[sflag:s20] =	ssyncadd.s32 @!p3 $0xFFFFFFC0  }
0x282: {  	_ =	swait.ge @!p3 [sflag:s20], $0x40  }
0x283: {  	[sflag:s20] =	ssyncset.done @!p3 $0x0  }
0x284: {  	[sflag:s20] =	ssyncadd.s32 @!p3 $0xFFFFFFC0  }
0x285: {  	_ =	swait.ge @!p3 [sflag:s20], $0x40  }
0x286: {  	[sflag:s20] =	ssyncset.done @!p3 $0x0  }
0x287: {  	[sflag:s20] =	ssyncadd.s32 @!p3 $0xFFFFFFC0  }
0x288: {  	_ =	swait.ge @!p3 [sflag:s20], $0x40  }
0x289: {  	[sflag:s20] =	ssyncset.done @!p3 $0x0  }
0x28a: {  	[sflag:s20] =	ssyncadd.s32 @!p3 $0xFFFFFFC0  }
0x28b: {  	_ =	swait.ge @!p3 [sflag:s20], $0x40  }
0x28c: {  	[sflag:s20] =	ssyncset.done @!p3 $0x0  }
0x28d: {  	[sflag:s20] =	ssyncadd.s32 @!p3 $0xFFFFFFC0  }
0x28e: {  	_ =	swait.ge @!p3 [sflag:s20], $0x40  }
0x28f: {  	[sflag:s20] =	ssyncset.done @!p3 $0x0  }
0x290: {  	[sflag:s20] =	ssyncadd.s32 @!p3 $0xFFFFFFC0  }
0x291: {  	_ =	swait.ge @!p3 [sflag:s20], $0x40  }
0x292: {  	[sflag:s20] =	ssyncset.done @!p3 $0x0  }
0x293: {  	[sflag:s20] =	ssyncadd.s32 @!p3 $0xFFFFFFC0  }
0x294: {  	_ =	swait.ge @!p3 [sflag:s20], $0x40  }
0x295: {  	[sflag:s20] =	ssyncset.done @!p3 $0x0  }
0x296: {  	[sflag:s20] =	ssyncadd.s32 @!p3 $0xFFFFFFC0  }
0x297: {  	_ =	swait.ge @!p3 [sflag:s20], $0x40  }
0x298: {  	[sflag:s20] =	ssyncset.done @!p3 $0x0  }
0x299: {  	[sflag:s20] =	ssyncadd.s32 @!p3 $0xFFFFFFC0  }
0x29a: {  	_ =	swait.ge @!p3 [sflag:s20], $0x40  }
.Ltmp28:
0x29b: {  	s21 =	simm.s32 @p2 $0x800;
	[sflag:s20] =	ssyncset.done @!p3 $0x0;
	(pc) =	sbr.rel .LBB2_58-.Ltmp28, $4  }
0x29c: {  	s22 =	rddreg [dreg:$0x10];
	[sflag:s20] =	ssyncadd.s32 @!p3 $0xFFFFFFC0;
	s20 =	simm.s32 @p2 $0x0  }
0x29d: {  	[tilespmem:s21], [sflag:$0x2] =	stream.linear.gather @p2 [hbm4b:s22+s20], $0x800, $0x38;
	[tilespmem:$0x1C178] =	vst v63  }
0x29e: {  	s21 =	simm.s32 @p2 $0x1800;
	s22 =	rddreg [dreg:$0x11]  }
0x29f: {  	[tilespmem:s21], [sflag:$0x4] =	stream.linear.gather @p2 [hbm4b:s22+s20], $0x800, $0x38;
	[tilespmem:$0x1C178] =	vst v63  }
.LBB2_25:
0x2a0: {  	p2 =	seq.s32 s19, $0x24  }
.Ltmp29:
0x2a1: {  	_ = 	snop;
	(pc) =	sbr.rel @p2 .LBB2_51-.Ltmp29, $1  }
0x2a2: {  	_ =	sdelay $0x3  }
0x2a3: {  	p2 =	seq.s32 s19, $0x26  }
0x2a4: {  	p3 =	seq.s32 @p2 s5, $0x0  }
0x2a5: {  	p3 =	por p3, !p2  }
0x2a6: {  	s20 =	simm.s32 @!p3 $0xB  }
0x2a7: {  	_ =	swait.ge @!p3 [sflag:s20], $0x40  }
0x2a8: {  	[sflag:s20] =	ssyncset.done @!p3 $0x0  }
0x2a9: {  	[sflag:s20] =	ssyncadd.s32 @!p3 $0xFFFFFFC0  }
0x2aa: {  	_ =	swait.ge @!p3 [sflag:s20], $0x40  }
0x2ab: {  	[sflag:s20] =	ssyncset.done @!p3 $0x0  }
0x2ac: {  	[sflag:s20] =	ssyncadd.s32 @!p3 $0xFFFFFFC0  }
0x2ad: {  	_ =	swait.ge @!p3 [sflag:s20], $0x40  }
0x2ae: {  	[sflag:s20] =	ssyncset.done @!p3 $0x0  }
0x2af: {  	[sflag:s20] =	ssyncadd.s32 @!p3 $0xFFFFFFC0  }
0x2b0: {  	_ =	swait.ge @!p3 [sflag:s20], $0x40  }
0x2b1: {  	[sflag:s20] =	ssyncset.done @!p3 $0x0  }
0x2b2: {  	[sflag:s20] =	ssyncadd.s32 @!p3 $0xFFFFFFC0  }
0x2b3: {  	_ =	swait.ge @!p3 [sflag:s20], $0x40  }
0x2b4: {  	[sflag:s20] =	ssyncset.done @!p3 $0x0  }
0x2b5: {  	[sflag:s20] =	ssyncadd.s32 @!p3 $0xFFFFFFC0  }
0x2b6: {  	_ =	swait.ge @!p3 [sflag:s20], $0x40  }
0x2b7: {  	[sflag:s20] =	ssyncset.done @!p3 $0x0  }
0x2b8: {  	[sflag:s20] =	ssyncadd.s32 @!p3 $0xFFFFFFC0  }
0x2b9: {  	_ =	swait.ge @!p3 [sflag:s20], $0x40  }
0x2ba: {  	[sflag:s20] =	ssyncset.done @!p3 $0x0  }
0x2bb: {  	[sflag:s20] =	ssyncadd.s32 @!p3 $0xFFFFFFC0  }
0x2bc: {  	_ =	swait.ge @!p3 [sflag:s20], $0x40  }
0x2bd: {  	[sflag:s20] =	ssyncset.done @!p3 $0x0  }
0x2be: {  	[sflag:s20] =	ssyncadd.s32 @!p3 $0xFFFFFFC0  }
0x2bf: {  	_ =	swait.ge @!p3 [sflag:s20], $0x40  }
0x2c0: {  	[sflag:s20] =	ssyncset.done @!p3 $0x0  }
0x2c1: {  	[sflag:s20] =	ssyncadd.s32 @!p3 $0xFFFFFFC0  }
0x2c2: {  	_ =	swait.ge @!p3 [sflag:s20], $0x40  }
0x2c3: {  	[sflag:s20] =	ssyncset.done @!p3 $0x0  }
0x2c4: {  	[sflag:s20] =	ssyncadd.s32 @!p3 $0xFFFFFFC0  }
0x2c5: {  	_ =	swait.ge @!p3 [sflag:s20], $0x40  }
0x2c6: {  	[sflag:s20] =	ssyncset.done @!p3 $0x0  }
0x2c7: {  	[sflag:s20] =	ssyncadd.s32 @!p3 $0xFFFFFFC0  }
0x2c8: {  	_ =	swait.ge @!p3 [sflag:s20], $0x40  }
0x2c9: {  	[sflag:s20] =	ssyncset.done @!p3 $0x0  }
0x2ca: {  	[sflag:s20] =	ssyncadd.s32 @!p3 $0xFFFFFFC0  }
0x2cb: {  	_ =	swait.ge @!p3 [sflag:s20], $0x40  }
0x2cc: {  	[sflag:s20] =	ssyncset.done @!p3 $0x0  }
0x2cd: {  	[sflag:s20] =	ssyncadd.s32 @!p3 $0xFFFFFFC0  }
0x2ce: {  	_ =	swait.ge @!p3 [sflag:s20], $0x40  }
0x2cf: {  	[sflag:s20] =	ssyncset.done @!p3 $0x0  }
0x2d0: {  	[sflag:s20] =	ssyncadd.s32 @!p3 $0xFFFFFFC0  }
0x2d1: {  	_ =	swait.ge @!p3 [sflag:s20], $0x40  }
0x2d2: {  	[sflag:s20] =	ssyncset.done @!p3 $0x0  }
0x2d3: {  	[sflag:s20] =	ssyncadd.s32 @!p3 $0xFFFFFFC0  }
0x2d4: {  	_ =	swait.ge @!p3 [sflag:s20], $0x40  }
.Ltmp30:
0x2d5: {  	[sflag:s20] =	ssyncset.done @!p3 $0x0;
	(pc) =	sbr.rel .LBB2_58-.Ltmp30, $4  }
0x2d6: {  	s21 =	rddreg [dreg:$0x9];
	[sflag:s20] =	ssyncadd.s32 @!p3 $0xFFFFFFC0;
	s20 =	simm.s32 @p2 $0x0  }
0x2d7: {  	[tilespmem:s20], [sflag:$0x1] =	stream.linear.gather @p2 [hbm4b:s21+s20], $0x800, $0x38;
	[tilespmem:$0x1C178] =	vst v63  }
0x2d8: {  	s22 =	rddreg [dreg:$0xa];
	s21 =	simm.s32 @p2 $0x1000  }
0x2d9: {  	[tilespmem:s21], [sflag:$0x3] =	stream.linear.gather @p2 [hbm4b:s22+s20], $0x800, $0x38;
	[tilespmem:$0x1C178] =	vst v63  }
.LBB2_45:
0x2da: {  	_ =	swait.ge [sflag:s9], $0x800  }
0x2db: {  	[sflag:s9] =	ssyncset.done $0x0  }
0x2dc: {  	[sflag:s9] =	ssyncadd.s32 $0xFFFFF800  }
0x2dd: {  	_ =	swait.ge [sflag:s10], $0x800  }
0x2de: {  	[sflag:s10] =	ssyncset.done $0x0  }
0x2df: {  	s20 =	simm.s32 $0x0;
	[sflag:s10] =	ssyncadd.s32 $0xFFFFF800  }
0x2e0: {  	v5 =	vld [tilespmem:s20+$0x800]  }
0x2e1: {  	v4 =	vld [tilespmem:s20+$0x810]  }
0x2e2: {  	s21 =	simm.s32 $0x200;
	v3 =	vld [tilespmem:s20+$0x820]  }
.LBB2_46:
0x2e3: {  	p2 =	seq.s32 s21, $0x1E00;
	v6 =	vld [tilespmem:s20+$0x830];
	_ =	sdelay $0x1  }
.Ltmp31:
0x2e4: {  	v5 =	vadd.s32 v0, v5;
	(pc) =	sbr.rel @!p2 .LBB2_46-.Ltmp31, $4  }
0x2e5: {  	s22 =	sshra.s32 s21, $0x2;
	[tilespmem:s20+$0x800] =	vst v5;
	v4 =	vadd.s32 v0, v4  }
0x2e6: {  	v5 =	vld [tilespmem:s22+$0x800];
	[tilespmem:s20+$0x810] =	vst v4;
	v3 =	vadd.s32 v0, v3  }
0x2e7: {  	v4 =	vld [tilespmem:s22+$0x810];
	[tilespmem:s20+$0x820] =	vst v3;
	v6 =	vadd.s32 v0, v6  }
0x2e8: {  	s21 =	sadd.s32 $0x200, s21;
	v3 =	vld [tilespmem:s22+$0x820];
	[tilespmem:s20+$0x830] =	vst v6;
	s20 =	smov.u32 s22  }
0x2e9: {  	v6 =	vld [tilespmem:s20+$0x830];
	_ =	sdelay $0x1  }
.Ltmp32:
0x2ea: {  	v5 =	vadd.s32 v0, v5;
	(pc) =	sbr.rel .LBB2_58-.Ltmp32, $4  }
0x2eb: {  	[tilespmem:s20+$0x800] =	vst v5;
	v4 =	vadd.s32 v0, v4  }
0x2ec: {  	[tilespmem:s20+$0x810] =	vst v4;
	v3 =	vadd.s32 v0, v3  }
0x2ed: {  	[tilespmem:s20+$0x820] =	vst v3;
	v3 =	vadd.s32 v0, v6  }
0x2ee: {  	[tilespmem:s20+$0x830] =	vst v3  }
.LBB2_48:
0x2ef: {  	_ =	swait.ge [sflag:s4], $0x800  }
0x2f0: {  	[sflag:s4] =	ssyncset.done $0x0  }
0x2f1: {  	[sflag:s4] =	ssyncadd.s32 $0xFFFFF800  }
0x2f2: {  	_ =	swait.ge [sflag:s7], $0x800  }
0x2f3: {  	[sflag:s7] =	ssyncset.done $0x0  }
0x2f4: {  	s20 =	simm.s32 $0x0;
	[sflag:s7] =	ssyncadd.s32 $0xFFFFF800  }
0x2f5: {  	v5 =	vld [tilespmem:s20+$0x0]  }
0x2f6: {  	v4 =	vld [tilespmem:s20+$0x10]  }
0x2f7: {  	s21 =	simm.s32 $0x200;
	v3 =	vld [tilespmem:s20+$0x20]  }
.LBB2_49:
0x2f8: {  	p2 =	seq.s32 s21, $0x1E00;
	v6 =	vld [tilespmem:s20+$0x30];
	_ =	sdelay $0x1  }
.Ltmp33:
0x2f9: {  	v5 =	vadd.s32 v0, v5;
	(pc) =	sbr.rel @!p2 .LBB2_49-.Ltmp33, $4  }
0x2fa: {  	s22 =	sshra.s32 s21, $0x2;
	[tilespmem:s20+$0x0] =	vst v5;
	v4 =	vadd.s32 v0, v4  }
0x2fb: {  	v5 =	vld [tilespmem:s22+$0x0];
	[tilespmem:s20+$0x10] =	vst v4;
	v3 =	vadd.s32 v0, v3  }
0x2fc: {  	v4 =	vld [tilespmem:s22+$0x10];
	[tilespmem:s20+$0x20] =	vst v3;
	v6 =	vadd.s32 v0, v6  }
0x2fd: {  	s21 =	sadd.s32 $0x200, s21;
	v3 =	vld [tilespmem:s22+$0x20];
	[tilespmem:s20+$0x30] =	vst v6;
	s20 =	smov.u32 s22  }
0x2fe: {  	v6 =	vld [tilespmem:s20+$0x30];
	_ =	sdelay $0x1  }
.Ltmp34:
0x2ff: {  	v5 =	vadd.s32 v0, v5;
	(pc) =	sbr.rel .LBB2_58-.Ltmp34, $4  }
0x300: {  	[tilespmem:s20+$0x0] =	vst v5;
	v4 =	vadd.s32 v0, v4  }
0x301: {  	[tilespmem:s20+$0x10] =	vst v4;
	v3 =	vadd.s32 v0, v3  }
0x302: {  	[tilespmem:s20+$0x20] =	vst v3;
	v3 =	vadd.s32 v0, v6  }
0x303: {  	[tilespmem:s20+$0x30] =	vst v3  }
.LBB2_57:
0x304: {  	s20 =	simm.s32 @!p1 $0xB  }
0x305: {  	_ =	swait.ge @!p1 [sflag:s20], $0x40  }
0x306: {  	[sflag:s20] =	ssyncset.done @!p1 $0x0  }
0x307: {  	[sflag:s20] =	ssyncadd.s32 @!p1 $0xFFFFFFC0  }
0x308: {  	_ =	swait.ge @!p1 [sflag:s20], $0x40  }
0x309: {  	[sflag:s20] =	ssyncset.done @!p1 $0x0  }
0x30a: {  	[sflag:s20] =	ssyncadd.s32 @!p1 $0xFFFFFFC0  }
0x30b: {  	_ =	swait.ge @!p1 [sflag:s20], $0x40  }
0x30c: {  	[sflag:s20] =	ssyncset.done @!p1 $0x0  }
0x30d: {  	[sflag:s20] =	ssyncadd.s32 @!p1 $0xFFFFFFC0  }
0x30e: {  	_ =	swait.ge @!p1 [sflag:s20], $0x40  }
0x30f: {  	[sflag:s20] =	ssyncset.done @!p1 $0x0  }
0x310: {  	[sflag:s20] =	ssyncadd.s32 @!p1 $0xFFFFFFC0  }
0x311: {  	_ =	swait.ge @!p1 [sflag:s20], $0x40  }
0x312: {  	[sflag:s20] =	ssyncset.done @!p1 $0x0  }
0x313: {  	[sflag:s20] =	ssyncadd.s32 @!p1 $0xFFFFFFC0  }
0x314: {  	_ =	swait.ge @!p1 [sflag:s20], $0x40  }
0x315: {  	[sflag:s20] =	ssyncset.done @!p1 $0x0  }
0x316: {  	[sflag:s20] =	ssyncadd.s32 @!p1 $0xFFFFFFC0  }
0x317: {  	_ =	swait.ge @!p1 [sflag:s20], $0x40  }
0x318: {  	[sflag:s20] =	ssyncset.done @!p1 $0x0  }
0x319: {  	[sflag:s20] =	ssyncadd.s32 @!p1 $0xFFFFFFC0  }
0x31a: {  	_ =	swait.ge @!p1 [sflag:s20], $0x40  }
0x31b: {  	[sflag:s20] =	ssyncset.done @!p1 $0x0  }
0x31c: {  	[sflag:s20] =	ssyncadd.s32 @!p1 $0xFFFFFFC0  }
0x31d: {  	_ =	swait.ge @!p1 [sflag:s20], $0x40  }
0x31e: {  	[sflag:s20] =	ssyncset.done @!p1 $0x0  }
0x31f: {  	[sflag:s20] =	ssyncadd.s32 @!p1 $0xFFFFFFC0  }
0x320: {  	_ =	swait.ge @!p1 [sflag:s20], $0x40  }
0x321: {  	[sflag:s20] =	ssyncset.done @!p1 $0x0  }
0x322: {  	[sflag:s20] =	ssyncadd.s32 @!p1 $0xFFFFFFC0  }
0x323: {  	_ =	swait.ge @!p1 [sflag:s20], $0x40  }
0x324: {  	[sflag:s20] =	ssyncset.done @!p1 $0x0  }
0x325: {  	[sflag:s20] =	ssyncadd.s32 @!p1 $0xFFFFFFC0  }
0x326: {  	_ =	swait.ge @!p1 [sflag:s20], $0x40  }
0x327: {  	[sflag:s20] =	ssyncset.done @!p1 $0x0  }
0x328: {  	[sflag:s20] =	ssyncadd.s32 @!p1 $0xFFFFFFC0  }
0x329: {  	_ =	swait.ge @!p1 [sflag:s20], $0x40  }
0x32a: {  	[sflag:s20] =	ssyncset.done @!p1 $0x0  }
0x32b: {  	[sflag:s20] =	ssyncadd.s32 @!p1 $0xFFFFFFC0  }
0x32c: {  	_ =	swait.ge @!p1 [sflag:s20], $0x40  }
0x32d: {  	[sflag:s20] =	ssyncset.done @!p1 $0x0  }
0x32e: {  	[sflag:s20] =	ssyncadd.s32 @!p1 $0xFFFFFFC0  }
0x32f: {  	_ =	swait.ge @!p1 [sflag:s20], $0x40  }
0x330: {  	[sflag:s20] =	ssyncset.done @!p1 $0x0  }
0x331: {  	[sflag:s20] =	ssyncadd.s32 @!p1 $0xFFFFFFC0  }
0x332: {  	_ =	swait.ge @!p1 [sflag:s20], $0x40  }
.Ltmp35:
0x333: {  	[sflag:s20] =	ssyncset.done @!p1 $0x0;
	(pc) =	sbr.rel .LBB2_58-.Ltmp35, $4  }
0x334: {  	s21 =	simm.s32 $0x800;
	s23 =	rddreg [dreg:$0x7];
	[sflag:s20] =	ssyncadd.s32 @!p1 $0xFFFFFFC0  }
0x335: {  	[tilespmem:s21], [sflag:$0x2] =	stream.linear.gather [hbm4b:s23+s6], $0x800, $0x38;
	[tilespmem:$0x1C178] =	vst v63  }
0x336: {  	s26 =	simm.s32 $0x1800;
	s25 =	rddreg [dreg:$0x8]  }
0x337: {  	[tilespmem:s26], [sflag:$0x4] =	stream.linear.gather [hbm4b:s25+s6], $0x800, $0x38;
	[tilespmem:$0x1C178] =	vst v63  }
.LBB2_33:
0x338: {  	_ =	swait.ge [sflag:s9], $0x800  }
0x339: {  	[sflag:s9] =	ssyncset.done $0x0  }
0x33a: {  	[sflag:s9] =	ssyncadd.s32 $0xFFFFF800  }
0x33b: {  	_ =	swait.ge [sflag:s10], $0x800  }
0x33c: {  	[sflag:s10] =	ssyncset.done $0x0  }
0x33d: {  	s20 =	simm.s32 $0x0;
	[sflag:s10] =	ssyncadd.s32 $0xFFFFF800  }
0x33e: {  	v5 =	vld [tilespmem:s20+$0x800]  }
0x33f: {  	v4 =	vld [tilespmem:s20+$0x810]  }
0x340: {  	s21 =	simm.s32 $0x200;
	v3 =	vld [tilespmem:s20+$0x820]  }
.LBB2_34:
0x341: {  	p2 =	seq.s32 s21, $0x1E00;
	v6 =	vld [tilespmem:s20+$0x830];
	_ =	sdelay $0x1  }
.Ltmp36:
0x342: {  	v5 =	vadd.s32 v0, v5;
	(pc) =	sbr.rel @!p2 .LBB2_34-.Ltmp36, $4  }
0x343: {  	s22 =	sshra.s32 s21, $0x2;
	[tilespmem:s20+$0x800] =	vst v5;
	v4 =	vadd.s32 v0, v4  }
0x344: {  	v5 =	vld [tilespmem:s22+$0x800];
	[tilespmem:s20+$0x810] =	vst v4;
	v3 =	vadd.s32 v0, v3  }
0x345: {  	v4 =	vld [tilespmem:s22+$0x810];
	[tilespmem:s20+$0x820] =	vst v3;
	v6 =	vadd.s32 v0, v6  }
0x346: {  	s21 =	sadd.s32 $0x200, s21;
	v3 =	vld [tilespmem:s22+$0x820];
	[tilespmem:s20+$0x830] =	vst v6;
	s20 =	smov.u32 s22  }
0x347: {  	v6 =	vld [tilespmem:s20+$0x830];
	_ =	sdelay $0x1  }
.Ltmp37:
0x348: {  	v5 =	vadd.s32 v0, v5;
	(pc) =	sbr.rel .LBB2_58-.Ltmp37, $4  }
0x349: {  	[tilespmem:s20+$0x800] =	vst v5;
	v4 =	vadd.s32 v0, v4  }
0x34a: {  	[tilespmem:s20+$0x810] =	vst v4;
	v3 =	vadd.s32 v0, v3  }
0x34b: {  	[tilespmem:s20+$0x820] =	vst v3;
	v3 =	vadd.s32 v0, v6  }
0x34c: {  	[tilespmem:s20+$0x830] =	vst v3  }
.LBB2_39:
0x34d: {  	_ =	swait.ge [sflag:s9], $0x800  }
0x34e: {  	[sflag:s9] =	ssyncset.done $0x0  }
0x34f: {  	[sflag:s9] =	ssyncadd.s32 $0xFFFFF800  }
0x350: {  	_ =	swait.ge [sflag:s10], $0x800  }
0x351: {  	[sflag:s10] =	ssyncset.done $0x0  }
0x352: {  	s20 =	simm.s32 $0x0;
	[sflag:s10] =	ssyncadd.s32 $0xFFFFF800  }
0x353: {  	v5 =	vld [tilespmem:s20+$0x800]  }
0x354: {  	v4 =	vld [tilespmem:s20+$0x810]  }
0x355: {  	s21 =	simm.s32 $0x200;
	v3 =	vld [tilespmem:s20+$0x820]  }
.LBB2_40:
0x356: {  	p2 =	seq.s32 s21, $0x1E00;
	v6 =	vld [tilespmem:s20+$0x830];
	_ =	sdelay $0x1  }
.Ltmp38:
0x357: {  	v5 =	vadd.s32 v0, v5;
	(pc) =	sbr.rel @!p2 .LBB2_40-.Ltmp38, $4  }
0x358: {  	s22 =	sshra.s32 s21, $0x2;
	[tilespmem:s20+$0x800] =	vst v5;
	v4 =	vadd.s32 v0, v4  }
0x359: {  	v5 =	vld [tilespmem:s22+$0x800];
	[tilespmem:s20+$0x810] =	vst v4;
	v3 =	vadd.s32 v0, v3  }
0x35a: {  	v4 =	vld [tilespmem:s22+$0x810];
	[tilespmem:s20+$0x820] =	vst v3;
	v6 =	vadd.s32 v0, v6  }
0x35b: {  	s21 =	sadd.s32 $0x200, s21;
	v3 =	vld [tilespmem:s22+$0x820];
	[tilespmem:s20+$0x830] =	vst v6;
	s20 =	smov.u32 s22  }
0x35c: {  	v6 =	vld [tilespmem:s20+$0x830];
	_ =	sdelay $0x1  }
.Ltmp39:
0x35d: {  	v5 =	vadd.s32 v0, v5;
	(pc) =	sbr.rel .LBB2_58-.Ltmp39, $4  }
0x35e: {  	[tilespmem:s20+$0x800] =	vst v5;
	v4 =	vadd.s32 v0, v4  }
0x35f: {  	[tilespmem:s20+$0x810] =	vst v4;
	v3 =	vadd.s32 v0, v3  }
0x360: {  	[tilespmem:s20+$0x820] =	vst v3;
	v3 =	vadd.s32 v0, v6  }
0x361: {  	[tilespmem:s20+$0x830] =	vst v3  }
.LBB2_36:
0x362: {  	_ =	swait.ge [sflag:s4], $0x800  }
0x363: {  	[sflag:s4] =	ssyncset.done $0x0  }
0x364: {  	[sflag:s4] =	ssyncadd.s32 $0xFFFFF800  }
0x365: {  	_ =	swait.ge [sflag:s7], $0x800  }
0x366: {  	[sflag:s7] =	ssyncset.done $0x0  }
0x367: {  	s20 =	simm.s32 $0x0;
	[sflag:s7] =	ssyncadd.s32 $0xFFFFF800  }
0x368: {  	v5 =	vld [tilespmem:s20+$0x0]  }
0x369: {  	v4 =	vld [tilespmem:s20+$0x10]  }
0x36a: {  	s21 =	simm.s32 $0x200;
	v3 =	vld [tilespmem:s20+$0x20]  }
.LBB2_37:
0x36b: {  	p2 =	seq.s32 s21, $0x1E00;
	v6 =	vld [tilespmem:s20+$0x30];
	_ =	sdelay $0x1  }
.Ltmp40:
0x36c: {  	v5 =	vadd.s32 v0, v5;
	(pc) =	sbr.rel @!p2 .LBB2_37-.Ltmp40, $4  }
0x36d: {  	s22 =	sshra.s32 s21, $0x2;
	[tilespmem:s20+$0x0] =	vst v5;
	v4 =	vadd.s32 v0, v4  }
0x36e: {  	v5 =	vld [tilespmem:s22+$0x0];
	[tilespmem:s20+$0x10] =	vst v4;
	v3 =	vadd.s32 v0, v3  }
0x36f: {  	v4 =	vld [tilespmem:s22+$0x10];
	[tilespmem:s20+$0x20] =	vst v3;
	v6 =	vadd.s32 v0, v6  }
0x370: {  	s21 =	sadd.s32 $0x200, s21;
	v3 =	vld [tilespmem:s22+$0x20];
	[tilespmem:s20+$0x30] =	vst v6;
	s20 =	smov.u32 s22  }
0x371: {  	v6 =	vld [tilespmem:s20+$0x30];
	_ =	sdelay $0x1  }
.Ltmp41:
0x372: {  	v5 =	vadd.s32 v0, v5;
	(pc) =	sbr.rel .LBB2_58-.Ltmp41, $4  }
0x373: {  	[tilespmem:s20+$0x0] =	vst v5;
	v4 =	vadd.s32 v0, v4  }
0x374: {  	[tilespmem:s20+$0x10] =	vst v4;
	v3 =	vadd.s32 v0, v3  }
0x375: {  	[tilespmem:s20+$0x20] =	vst v3;
	v3 =	vadd.s32 v0, v6  }
0x376: {  	[tilespmem:s20+$0x30] =	vst v3  }
.LBB2_42:
0x377: {  	_ =	swait.ge [sflag:s4], $0x800  }
0x378: {  	[sflag:s4] =	ssyncset.done $0x0  }
0x379: {  	[sflag:s4] =	ssyncadd.s32 $0xFFFFF800  }
0x37a: {  	_ =	swait.ge [sflag:s7], $0x800  }
0x37b: {  	[sflag:s7] =	ssyncset.done $0x0  }
0x37c: {  	s20 =	simm.s32 $0x0;
	[sflag:s7] =	ssyncadd.s32 $0xFFFFF800  }
0x37d: {  	v5 =	vld [tilespmem:s20+$0x0]  }
0x37e: {  	v4 =	vld [tilespmem:s20+$0x10]  }
0x37f: {  	s21 =	simm.s32 $0x200;
	v3 =	vld [tilespmem:s20+$0x20]  }
.LBB2_43:
0x380: {  	p2 =	seq.s32 s21, $0x1E00;
	v6 =	vld [tilespmem:s20+$0x30];
	_ =	sdelay $0x1  }
.Ltmp42:
0x381: {  	v5 =	vadd.s32 v0, v5;
	(pc) =	sbr.rel @!p2 .LBB2_43-.Ltmp42, $4  }
0x382: {  	s22 =	sshra.s32 s21, $0x2;
	[tilespmem:s20+$0x0] =	vst v5;
	v4 =	vadd.s32 v0, v4  }
0x383: {  	v5 =	vld [tilespmem:s22+$0x0];
	[tilespmem:s20+$0x10] =	vst v4;
	v3 =	vadd.s32 v0, v3  }
0x384: {  	v4 =	vld [tilespmem:s22+$0x10];
	[tilespmem:s20+$0x20] =	vst v3;
	v6 =	vadd.s32 v0, v6  }
0x385: {  	s21 =	sadd.s32 $0x200, s21;
	v3 =	vld [tilespmem:s22+$0x20];
	[tilespmem:s20+$0x30] =	vst v6;
	s20 =	smov.u32 s22  }
0x386: {  	v6 =	vld [tilespmem:s20+$0x30];
	_ =	sdelay $0x1  }
.Ltmp43:
0x387: {  	v5 =	vadd.s32 v0, v5;
	(pc) =	sbr.rel .LBB2_58-.Ltmp43, $4  }
0x388: {  	[tilespmem:s20+$0x0] =	vst v5;
	v4 =	vadd.s32 v0, v4  }
0x389: {  	[tilespmem:s20+$0x10] =	vst v4;
	v3 =	vadd.s32 v0, v3  }
0x38a: {  	[tilespmem:s20+$0x20] =	vst v3;
	v3 =	vadd.s32 v0, v6  }
0x38b: {  	[tilespmem:s20+$0x30] =	vst v3  }
.LBB2_54:
0x38c: {  	_ =	swait.ge [sflag:s4], $0x800  }
0x38d: {  	[sflag:s4] =	ssyncset.done $0x0  }
0x38e: {  	[sflag:s4] =	ssyncadd.s32 $0xFFFFF800  }
0x38f: {  	_ =	swait.ge [sflag:s7], $0x800  }
0x390: {  	[sflag:s7] =	ssyncset.done $0x0  }
0x391: {  	s20 =	simm.s32 $0x0;
	[sflag:s7] =	ssyncadd.s32 $0xFFFFF800  }
0x392: {  	v5 =	vld [tilespmem:s20+$0x0]  }
0x393: {  	v4 =	vld [tilespmem:s20+$0x10]  }
0x394: {  	s21 =	simm.s32 $0x200;
	v3 =	vld [tilespmem:s20+$0x20]  }
.LBB2_55:
0x395: {  	p2 =	seq.s32 s21, $0x1E00;
	v6 =	vld [tilespmem:s20+$0x30];
	_ =	sdelay $0x1  }
.Ltmp44:
0x396: {  	v5 =	vadd.s32 v0, v5;
	(pc) =	sbr.rel @!p2 .LBB2_55-.Ltmp44, $4  }
0x397: {  	s22 =	sshra.s32 s21, $0x2;
	[tilespmem:s20+$0x0] =	vst v5;
	v4 =	vadd.s32 v0, v4  }
0x398: {  	v5 =	vld [tilespmem:s22+$0x0];
	[tilespmem:s20+$0x10] =	vst v4;
	v3 =	vadd.s32 v0, v3  }
0x399: {  	v4 =	vld [tilespmem:s22+$0x10];
	[tilespmem:s20+$0x20] =	vst v3;
	v6 =	vadd.s32 v0, v6  }
0x39a: {  	s21 =	sadd.s32 $0x200, s21;
	v3 =	vld [tilespmem:s22+$0x20];
	[tilespmem:s20+$0x30] =	vst v6;
	s20 =	smov.u32 s22  }
0x39b: {  	v6 =	vld [tilespmem:s20+$0x30];
	_ =	sdelay $0x1  }
.Ltmp45:
0x39c: {  	v5 =	vadd.s32 v0, v5;
	(pc) =	sbr.rel .LBB2_58-.Ltmp45, $4  }
0x39d: {  	[tilespmem:s20+$0x0] =	vst v5;
	v4 =	vadd.s32 v0, v4  }
0x39e: {  	[tilespmem:s20+$0x10] =	vst v4;
	v3 =	vadd.s32 v0, v3  }
0x39f: {  	[tilespmem:s20+$0x20] =	vst v3;
	v3 =	vadd.s32 v0, v6  }
0x3a0: {  	[tilespmem:s20+$0x30] =	vst v3  }
.LBB2_51:
0x3a1: {  	_ =	swait.ge [sflag:s9], $0x800  }
0x3a2: {  	[sflag:s9] =	ssyncset.done $0x0  }
0x3a3: {  	[sflag:s9] =	ssyncadd.s32 $0xFFFFF800  }
0x3a4: {  	_ =	swait.ge [sflag:s10], $0x800  }
0x3a5: {  	[sflag:s10] =	ssyncset.done $0x0  }
0x3a6: {  	s20 =	simm.s32 $0x0;
	[sflag:s10] =	ssyncadd.s32 $0xFFFFF800  }
0x3a7: {  	v5 =	vld [tilespmem:s20+$0x800]  }
0x3a8: {  	v4 =	vld [tilespmem:s20+$0x810]  }
0x3a9: {  	s21 =	simm.s32 $0x200;
	v3 =	vld [tilespmem:s20+$0x820]  }
.LBB2_52:
0x3aa: {  	p2 =	seq.s32 s21, $0x1E00;
	v6 =	vld [tilespmem:s20+$0x830];
	_ =	sdelay $0x1  }
.Ltmp46:
0x3ab: {  	v5 =	vadd.s32 v0, v5;
	(pc) =	sbr.rel @!p2 .LBB2_52-.Ltmp46, $4  }
0x3ac: {  	s22 =	sshra.s32 s21, $0x2;
	[tilespmem:s20+$0x800] =	vst v5;
	v4 =	vadd.s32 v0, v4  }
0x3ad: {  	v5 =	vld [tilespmem:s22+$0x800];
	[tilespmem:s20+$0x810] =	vst v4;
	v3 =	vadd.s32 v0, v3  }
0x3ae: {  	v4 =	vld [tilespmem:s22+$0x810];
	[tilespmem:s20+$0x820] =	vst v3;
	v6 =	vadd.s32 v0, v6  }
0x3af: {  	s21 =	sadd.s32 $0x200, s21;
	v3 =	vld [tilespmem:s22+$0x820];
	[tilespmem:s20+$0x830] =	vst v6;
	s20 =	smov.u32 s22  }
0x3b0: {  	v6 =	vld [tilespmem:s20+$0x830];
	_ =	sdelay $0x1  }
.Ltmp47:
0x3b1: {  	v5 =	vadd.s32 v0, v5;
	(pc) =	sbr.rel .LBB2_58-.Ltmp47, $4  }
0x3b2: {  	[tilespmem:s20+$0x800] =	vst v5;
	v4 =	vadd.s32 v0, v4  }
0x3b3: {  	[tilespmem:s20+$0x810] =	vst v4;
	v3 =	vadd.s32 v0, v3  }
0x3b4: {  	[tilespmem:s20+$0x820] =	vst v3;
	v3 =	vadd.s32 v0, v6  }
0x3b5: {  	[tilespmem:s20+$0x830] =	vst v3  }
.LBB2_59:
0x3b6: {  	_ =	swait.ge [sflag:s11], $0x2000  }
0x3b7: {  	[sflag:s11] =	ssyncset.done $0x0  }
0x3b8: {  	s19 =	simm.s32 $0x1E00;
	[sflag:s11] =	ssyncadd.s32 $0xFFFFE000  }
0x3b9: {  	[spmem:s2] =	stream.indirect.scatter.add.f32 [tilespmem:s31], [sflag:$0x8], $0x80, s19, s15, $0xb8;
	[tilespmem:$0x1C178] =	vst v63  }
0x3ba: {  	s19 =	simm.s32 @p1 $0x6  }
0x3bb: {  	_ =	swait.ge @p1 [sflag:s19], $0x2000  }
0x3bc: {  	s20 =	simm.s32 @p1 $0x1E80;
	[sflag:s19] =	ssyncset.done @p1 $0x0  }
0x3bd: {  	s21 =	simm.s32 @p1 $0x4000;
	[sflag:s19] =	ssyncadd.s32 @p1 $0xFFFFE000;
	s19 =	simm.s32 @p1 $0x40  }
0x3be: {  	[spmem:s2] =	stream.indirect.scatter.add.f32 @p1 [tilespmem:s21], [sflag:$0x9], $0x80, s20, s19, $0xb8;
	[tilespmem:$0x1C178] =	vst v63  }
0x3bf: {  	s19 =	simm.s32 @!p1 $0x40;
	s20 =	simm.s32 @!p1 $0x1E00;
	s21 =	simm.s32 @!p1 $0x8000  }
0x3c0: {  	[spmem:s3] =	stream.indirect.scatter.add.f32 @!p1 [tilespmem:s21], [sflag:$0xB], $0x1, s20, s19, $0xb8;
	[tilespmem:$0x1C178] =	vst v63  }
0x3c1: {  	s20 =	simm.s32 @!p1 $0x6  }
0x3c2: {  	_ =	swait.ge @!p1 [sflag:s20], $0x2000  }
0x3c3: {  	[sflag:s20] =	ssyncset.done @!p1 $0x0  }
0x3c4: {  	s22 =	simm.s32 @!p1 $0x4000;
	[sflag:s20] =	ssyncadd.s32 @!p1 $0xFFFFE000;
	s20 =	simm.s32 @!p1 $0x1E80  }
0x3c5: {  	[spmem:s2] =	stream.indirect.scatter.add.f32 @!p1 [tilespmem:s22], [sflag:$0x9], $0x80, s20, s19, $0xb8;
	[tilespmem:$0x1C178] =	vst v63  }
0x3c6: {  	_ = 	snop  }
0x3c7: {  	[spmem:s3] =	stream.indirect.scatter.add.f32 @!p1 [tilespmem:s21], [sflag:$0xB], $0x1, s20, s19, $0xb8;
	[tilespmem:$0x1C178] =	vst v63  }
0x3c8: {  	_ =	swait.ge [sflag:s12], $0x2000  }
0x3c9: {  	[sflag:s12] =	ssyncset.done $0x0  }
0x3ca: {  	s26 =	simm.s32 $0xF80;
	[sflag:s12] =	ssyncadd.s32 $0xFFFFE000  }
0x3cb: {  	[tilespmem:s31], [sflag:$0x5] =	stream.indirect.gather [hbm4b:s1+s15], $0x80, s26, s15, $0xb8;
	[tilespmem:$0x1C178] =	vst v63  }
.Ltmp48:
0x3cc: {  	_ = 	snop;
	(pc) =	sbr.rel @p1 .LBB2_61-.Ltmp48, $4  }
0x3cd: {  	_ =	swait.ge [sflag:s13], $0x2000  }
0x3ce: {  	[sflag:s13] =	ssyncset.done $0x0  }
0x3cf: {  	s19 =	simm.s32 $0x1F00;
	[sflag:s13] =	ssyncadd.s32 $0xFFFFE000  }
0x3d0: {  	[spmem:s2] =	stream.indirect.scatter.add.f32 [tilespmem:s28], [sflag:$0xA], $0x80, s19, s15, $0xb8;
	[tilespmem:$0x1C178] =	vst v63  }
0x3d1: {  	s20 =	simm.s32 $0x8000  }
0x3d2: {  	[spmem:s3] =	stream.indirect.scatter.add.f32 [tilespmem:s20], [sflag:$0xB], $0x1, s19, s15, $0xb8;
	[tilespmem:$0x1C178] =	vst v63  }
0x3d3: {  	_ =	swait.ge [sflag:s14], $0x2000  }
0x3d4: {  	[sflag:s14] =	ssyncset.done $0x0  }
0x3d5: {  	[sflag:s14] =	ssyncadd.s32 $0xFFFFE000  }
0x3d6: {  	_ =	swait.ge [sflag:s16], $0x2000  }
0x3d7: {  	[sflag:s16] =	ssyncset.done $0x0  }
0x3d8: {  	[sflag:s16] =	ssyncadd.s32 $0xFFFFE000  }
0x3d9: {  	_ =	swait.ge [sflag:s11], $0x2000  }
0x3da: {  	[sflag:s11] =	ssyncset.done $0x0  }
0x3db: {  	s26 =	simm.s32 $0x1F80;
	[sflag:s11] =	ssyncadd.s32 $0xFFFFE000  }
0x3dc: {  	[spmem:s2] =	stream.indirect.scatter.add.f32 [tilespmem:s31], [sflag:$0x8], $0x80, s26, s15, $0xb8;
	[tilespmem:$0x1C178] =	vst v63  }
0x3dd: {  	_ = 	snop  }
0x3de: {  	[spmem:s3] =	stream.indirect.scatter.add.f32 [tilespmem:s20], [sflag:$0xB], $0x1, s26, s15, $0xb8;
	[tilespmem:$0x1C178] =	vst v63  }
0x3df: {  	_ =	swait.ge [sflag:s12], $0x2000  }
0x3e0: {  	[sflag:s12] =	ssyncset.done $0x0  }
0x3e1: {  	[sflag:s12] =	ssyncadd.s32 $0xFFFFE000  }
0x3e2: {  	_ =	swait.ge [sflag:s17], $0x40  }
0x3e3: {  	[sflag:s17] =	ssyncset.done $0x0  }
0x3e4: {  	[sflag:s17] =	ssyncadd.s32 $0xFFFFFFC0  }
0x3e5: {  	_ =	swait.ge [sflag:s17], $0x40  }
0x3e6: {  	[sflag:s17] =	ssyncset.done $0x0  }
0x3e7: {  	[sflag:s17] =	ssyncadd.s32 $0xFFFFFFC0  }
0x3e8: {  	_ =	swait.ge [sflag:s17], $0x40  }
0x3e9: {  	[sflag:s17] =	ssyncset.done $0x0  }
0x3ea: {  	[sflag:s17] =	ssyncadd.s32 $0xFFFFFFC0  }
0x3eb: {  	_ =	swait.ge [sflag:s17], $0x40  }
0x3ec: {  	[sflag:s17] =	ssyncset.done $0x0  }
0x3ed: {  	[sflag:s17] =	ssyncadd.s32 $0xFFFFFFC0  }
0x3ee: {  	_ =	swait.ge [sflag:s17], $0x40  }
0x3ef: {  	[sflag:s17] =	ssyncset.done $0x0  }
0x3f0: {  	[sflag:s17] =	ssyncadd.s32 $0xFFFFFFC0  }
0x3f1: {  	_ =	swait.ge [sflag:s17], $0x40  }
0x3f2: {  	[sflag:s17] =	ssyncset.done $0x0  }
0x3f3: {  	[sflag:s17] =	ssyncadd.s32 $0xFFFFFFC0  }
0x3f4: {  	_ =	swait.ge [sflag:s17], $0x40  }
0x3f5: {  	[sflag:s17] =	ssyncset.done $0x0  }
0x3f6: {  	[sflag:s17] =	ssyncadd.s32 $0xFFFFFFC0  }
0x3f7: {  	_ =	swait.ge [sflag:s17], $0x40  }
0x3f8: {  	[sflag:s17] =	ssyncset.done $0x0  }
0x3f9: {  	[sflag:s17] =	ssyncadd.s32 $0xFFFFFFC0  }
0x3fa: {  	_ =	swait.ge [sflag:s17], $0x40  }
0x3fb: {  	[sflag:s17] =	ssyncset.done $0x0  }
0x3fc: {  	[sflag:s17] =	ssyncadd.s32 $0xFFFFFFC0  }
0x3fd: {  	_ =	swait.ge [sflag:s17], $0x40  }
0x3fe: {  	[sflag:s17] =	ssyncset.done $0x0  }
0x3ff: {  	[sflag:s17] =	ssyncadd.s32 $0xFFFFFFC0  }
0x400: {  	_ =	swait.ge [sflag:s17], $0x40  }
0x401: {  	[sflag:s17] =	ssyncset.done $0x0  }
0x402: {  	[sflag:s17] =	ssyncadd.s32 $0xFFFFFFC0  }
0x403: {  	_ =	swait.ge [sflag:s17], $0x40  }
0x404: {  	[sflag:s17] =	ssyncset.done $0x0  }
0x405: {  	[sflag:s17] =	ssyncadd.s32 $0xFFFFFFC0  }
0x406: {  	_ =	swait.ge [sflag:s17], $0x40  }
0x407: {  	[sflag:s17] =	ssyncset.done $0x0  }
0x408: {  	[sflag:s17] =	ssyncadd.s32 $0xFFFFFFC0  }
0x409: {  	_ =	swait.ge [sflag:s17], $0x40  }
0x40a: {  	[sflag:s17] =	ssyncset.done $0x0  }
0x40b: {  	[sflag:s17] =	ssyncadd.s32 $0xFFFFFFC0  }
0x40c: {  	_ =	swait.ge [sflag:s17], $0x40  }
0x40d: {  	[sflag:s17] =	ssyncset.done $0x0  }
0x40e: {  	[sflag:s17] =	ssyncadd.s32 $0xFFFFFFC0  }
0x40f: {  	_ =	swait.ge [sflag:s17], $0x40  }
0x410: {  	[sflag:s17] =	ssyncset.done $0x0  }
0x411: {  	[sflag:s17] =	ssyncadd.s32 $0xFFFFFFC0  }
0x412: {  	_ =	swait.ge [sflag:s17], $0x40  }
0x413: {  	[sflag:s17] =	ssyncset.done $0x0  }
0x414: {  	[sflag:s17] =	ssyncadd.s32 $0xFFFFFFC0  }
0x415: {  	_ =	swait.ge [sflag:s17], $0x40  }
0x416: {  	[sflag:s17] =	ssyncset.done $0x0  }
0x417: {  	[sflag:s17] =	ssyncadd.s32 $0xFFFFFFC0  }
0x418: {  	_ =	swait.ge [sflag:s17], $0x40  }
0x419: {  	[sflag:s17] =	ssyncset.done $0x0  }
0x41a: {  	[sflag:s17] =	ssyncadd.s32 $0xFFFFFFC0  }
0x41b: {  	_ =	swait.ge [sflag:s17], $0x40  }
0x41c: {  	[sflag:s17] =	ssyncset.done $0x0  }
0x41d: {  	[sflag:s17] =	ssyncadd.s32 $0xFFFFFFC0  }
0x41e: {  	_ =	swait.ge [sflag:s17], $0x40  }
0x41f: {  	[sflag:s17] =	ssyncset.done $0x0  }
0x420: {  	[sflag:s17] =	ssyncadd.s32 $0xFFFFFFC0  }
0x421: {  	_ =	swait.ge [sflag:s17], $0x40  }
0x422: {  	[sflag:s17] =	ssyncset.done $0x0  }
0x423: {  	[sflag:s17] =	ssyncadd.s32 $0xFFFFFFC0  }
0x424: {  	_ =	swait.ge [sflag:s17], $0x40  }
0x425: {  	[sflag:s17] =	ssyncset.done $0x0  }
0x426: {  	[sflag:s17] =	ssyncadd.s32 $0xFFFFFFC0  }
0x427: {  	_ =	swait.ge [sflag:s17], $0x40  }
0x428: {  	[sflag:s17] =	ssyncset.done $0x0  }
0x429: {  	[sflag:s17] =	ssyncadd.s32 $0xFFFFFFC0  }
0x42a: {  	_ =	swait.ge [sflag:s17], $0x40  }
0x42b: {  	[sflag:s17] =	ssyncset.done $0x0  }
0x42c: {  	[sflag:s17] =	ssyncadd.s32 $0xFFFFFFC0  }
0x42d: {  	_ =	swait.ge [sflag:s17], $0x40  }
0x42e: {  	[sflag:s17] =	ssyncset.done $0x0  }
0x42f: {  	[sflag:s17] =	ssyncadd.s32 $0xFFFFFFC0  }
0x430: {  	_ =	swait.ge [sflag:s17], $0x40  }
0x431: {  	[sflag:s17] =	ssyncset.done $0x0  }
0x432: {  	[sflag:s17] =	ssyncadd.s32 $0xFFFFFFC0  }
0x433: {  	_ =	swait.ge [sflag:s17], $0x40  }
0x434: {  	[sflag:s17] =	ssyncset.done $0x0  }
0x435: {  	[sflag:s17] =	ssyncadd.s32 $0xFFFFFFC0  }
0x436: {  	_ =	swait.ge [sflag:s17], $0x40  }
0x437: {  	[sflag:s17] =	ssyncset.done $0x0  }
0x438: {  	[sflag:s17] =	ssyncadd.s32 $0xFFFFFFC0  }
0x439: {  	_ =	swait.ge [sflag:s17], $0x40  }
0x43a: {  	[sflag:s17] =	ssyncset.done $0x0  }
0x43b: {  	[sflag:s17] =	ssyncadd.s32 $0xFFFFFFC0  }
0x43c: {  	_ =	swait.ge [sflag:s17], $0x40  }
.Ltmp49:
0x43d: {  	[sflag:s17] =	ssyncset.done $0x0;
	(pc) =	sbr.rel .LBB2_62-.Ltmp49, $4  }
0x43e: {  	[sflag:s17] =	ssyncadd.s32 $0xFFFFFFC0  }
0x43f: {  	_ =	swait.ge [sflag:s17], $0x40  }
0x440: {  	[sflag:s17] =	ssyncset.done $0x0  }
0x441: {  	[sflag:s17] =	ssyncadd.s32 $0xFFFFFFC0  }
.LBB2_63:
0x442: {  	_ =	sfence.sel $0x180000  }
0x443: {  	[bflag:$0x0] =	sbarrier.arrive $0xFFFF  }
0x444: {  	_ =	strace $0x90000047  }
0x445: {  	s0 =	stileid.u32;
	[bflag:$0x2] =	sbarrier.arrive $0xFFFF  }
0x446: {  	p0 =	sne.s32 s0, $0x0;
	s0 =	rddreg [dreg:$0x4]  }
0x447: {  	s0 =	sadd.s32 @!p0 $0x100000, s0  }
0x448: {  	[sflag:s0] =	ssyncadd.tile.s32 @!p0 $0x1;
	_ =	shalt  }
.Lfunc_end2:
_tile_overlayer_lowered:
.L_overlay_start_2:
0x449: {  	(tag) =	ssettag $0x2  }
0x44a: {  	s0 =	rddreg [dreg:$0x0];
	s2 =	stileid.u32  }
0x44b: {  	s1 =	rddreg [dreg:$0x1];
	p0 =	sne.s32 s2, $0x0  }
0x44c: {  	s3 =	rddreg [dreg:$0x2];
	[bflag:$0x3] =	sbarrier.arrive $0xFFFF;
	s2 =	simm.s32 @!p0 $0x1C0C  }
0x44d: {  	[timem:s3], [sflag:s2] =	dma.local @!p0 [hbm:s0], s1  }
0x44e: {  	s0 =	simm.s32 @!p0 $0xC  }
0x44f: {  	_ =	swait.ge @!p0 [sflag:s0], s1  }
0x450: {  	s1 =	ssub.s32 @!p0 $0x0, s1;
	[sflag:s0] =	ssyncset.done @!p0 $0x0  }
0x451: {  	[sflag:s0] =	ssyncadd.s32 @!p0 s1  }
0x452: {  	[bflag:$0x3] =	sbarrier.arrive $0xFFFF  }
0x453: {  	_ =	shalt  }

</sc_bundles>
